<compile_context>
chip_gen: v7x
topology: tpu7x:2x2x1
jax: 0.10.2.dev20260603
libtpu: 0.0.44.dev20260713+nightly
codegen_flags: <defaults>
</compile_context>

<pallas_src>
import jax
import jax.numpy as jnp
from jax import lax
from jax.experimental import pallas as pl
from jax.experimental.pallas import tpu as pltpu
from jax.experimental.pallas import tpu_sc as plsc

ALPHA = 4
NUM_FRAMES = 32
BATCH = 4
SLOW_FRAMES = NUM_FRAMES // ALPHA

NC = 2
NS = 16
NW = NC * NS

FRAME_ROWS = 3 * 224
LANES = 224
ROWS = 168
CPF = FRAME_ROWS // ROWS
FRAMES_PER_W = (BATCH * NUM_FRAMES) // NW
NJOBS = FRAMES_PER_W * CPF
NBUF = 3


LA = 128
LB = LANES - LA


def _body(in_hbm, fast_hbm, slow_hbm, *scratch):
    bufs_a = scratch[:NBUF]
    bufs_b = scratch[NBUF : 2 * NBUF]
    in_sems = scratch[2 * NBUF : 3 * NBUF]
    out_sems = scratch[3 * NBUF : 4 * NBUF]
    slow_sems = scratch[4 * NBUF :]
    wid = lax.axis_index("c") * NS + lax.axis_index("s")
    b = wid // SLOW_FRAMES
    k = wid % SLOW_FRAMES
    t_slow = (31 * k) // 7
    base_f = wid * FRAMES_PER_W
    qstar = t_slow - FRAMES_PER_W * k

    class _Pair:
        def __init__(self, a, b):
            self.a, self.b = a, b

        def start(self):
            self.a.start()
            self.b.start()

        def wait(self):
            self.a.wait()
            self.b.wait()

    def in_cp(j):
        f, r = base_f + j // CPF, (j % CPF) * ROWS
        s = j % NBUF
        return _Pair(
            pltpu.make_async_copy(
                in_hbm.at[f, pl.ds(r, ROWS), pl.ds(0, LA)], bufs_a[s], in_sems[s]
            ),
            pltpu.make_async_copy(
                in_hbm.at[f, pl.ds(r, ROWS), pl.ds(LA, LB)], bufs_b[s], in_sems[s]
            ),
        )

    def out_cp(j):
        f, r = base_f + j // CPF, (j % CPF) * ROWS
        s = j % NBUF
        return _Pair(
            pltpu.make_async_copy(
                bufs_a[s], fast_hbm.at[f, pl.ds(r, ROWS), pl.ds(0, LA)], out_sems[s]
            ),
            pltpu.make_async_copy(
                bufs_b[s], fast_hbm.at[f, pl.ds(r, ROWS), pl.ds(LA, LB)], out_sems[s]
            ),
        )

    def slow_cp(j):
        r = (j % CPF) * ROWS
        s = j % NBUF
        return _Pair(
            pltpu.make_async_copy(
                bufs_a[s], slow_hbm.at[wid, pl.ds(r, ROWS), pl.ds(0, LA)], slow_sems[s]
            ),
            pltpu.make_async_copy(
                bufs_b[s], slow_hbm.at[wid, pl.ds(r, ROWS), pl.ds(LA, LB)], slow_sems[s]
            ),
        )

    def is_slow_job(j):
        return (j // CPF) == qstar

    for j in range(NBUF - 1):
        in_cp(j).start()
    for j in range(NJOBS):
        nxt = j + NBUF - 1
        if nxt < NJOBS:
            if j >= 1:
                out_cp(j - 1).wait()

                @pl.when(is_slow_job(j - 1))
                def _():
                    slow_cp(j - 1).wait()

            in_cp(nxt).start()
        in_cp(j).wait()
        out_cp(j).start()

        @pl.when(is_slow_job(j))
        def _():
            slow_cp(j).start()

    for j in range(NJOBS - NBUF, NJOBS):
        out_cp(j).wait()

        @pl.when(is_slow_job(j))
        def _():
            slow_cp(j).wait()


def kernel(frames):
    b, n, c, h, w = frames.shape
    flat = frames.reshape(b * n, FRAME_ROWS, LANES)
    mesh = plsc.VectorSubcoreMesh(
        core_axis_name="c", subcore_axis_name="s", num_cores=NC, num_subcores=NS
    )
    run = pl.kernel(
        _body,
        out_type=[
            jax.ShapeDtypeStruct((b * n, FRAME_ROWS, LANES), frames.dtype),
            jax.ShapeDtypeStruct((b * SLOW_FRAMES, FRAME_ROWS, LANES), frames.dtype),
        ],
        mesh=mesh,
        scratch_types=[pltpu.VMEM((ROWS, LA), jnp.float32)] * NBUF
        + [pltpu.VMEM((ROWS, LB), jnp.float32)] * NBUF
        + [pltpu.SemaphoreType.DMA] * (3 * NBUF),
        compiler_params=pltpu.CompilerParams(use_tc_tiling_on_sc=True),
    )
    fast_flat, slow_flat = run(flat)
    fast = fast_flat.reshape(b, n, c, h, w)
    slow = slow_flat.reshape(b, SLOW_FRAMES, c, h, w)
    return (slow, fast)

# --- scband reference (transcript-rebuilt; emitter-appended) ---
"""Pipeline reference for scband-pack-pathway-36258113913271 (READ-ONLY COPY).

The authoritative reference and input builder live on the scoring server;
editing this copy changes nothing except your own understanding.
"""

import jax, jax.numpy as jnp
import numpy as np

ALPHA = 4

def setup_inputs(seed: int = 0) -> dict:
    key = jax.random.key(seed)
    frames = jax.random.normal(key, (4, 32, 3, 224, 224), dtype=jnp.float32)
    return {"frames": frames}

def reference(frames):
    # Faithful translation of PackPathway.forward
    fast_pathway = frames
    num_frames = frames.shape[1]
    slow_frames = max(1, num_frames // ALPHA)
    # torch.linspace(...).long() truncates toward zero; astype(int32) matches for non-negative values
    indices = jnp.linspace(0.0, num_frames - 1, slow_frames).astype(jnp.int32)
    slow_pathway = jnp.take(frames, indices, axis=1)
    return (slow_pathway, fast_pathway)

if __name__ == "__main__":
    import jax
    _d = setup_inputs()
    print(jax.jit(kernel)(*tuple(_d.values())))

</pallas_src>

<mosaic_0001>
#map = affine_map<(d0, d1) -> (0, 0, 0)>
module attributes {stable_mosaic.version = 14 : i64} {
  func.func @_body(%arg0: i32, %arg1: i32, %arg2: memref<128x672x224xf32, #tpu.memory_space<hbm>>, %arg3: memref<128x672x224xf32, #tpu.memory_space<hbm>>, %arg4: memref<32x672x224xf32, #tpu.memory_space<hbm>>, %arg5: memref<168x128xf32, #tpu.memory_space<vmem>>, %arg6: memref<168x128xf32, #tpu.memory_space<vmem>>, %arg7: memref<168x128xf32, #tpu.memory_space<vmem>>, %arg8: memref<168x96xf32, #tpu.memory_space<vmem>>, %arg9: memref<168x96xf32, #tpu.memory_space<vmem>>, %arg10: memref<168x96xf32, #tpu.memory_space<vmem>>, %arg11: memref<!tpu.dma_semaphore, #tpu.memory_space<semaphore_mem>>, %arg12: memref<!tpu.dma_semaphore, #tpu.memory_space<semaphore_mem>>, %arg13: memref<!tpu.dma_semaphore, #tpu.memory_space<semaphore_mem>>, %arg14: memref<!tpu.dma_semaphore, #tpu.memory_space<semaphore_mem>>, %arg15: memref<!tpu.dma_semaphore, #tpu.memory_space<semaphore_mem>>, %arg16: memref<!tpu.dma_semaphore, #tpu.memory_space<semaphore_mem>>, %arg17: memref<!tpu.dma_semaphore, #tpu.memory_space<semaphore_mem>>, %arg18: memref<!tpu.dma_semaphore, #tpu.memory_space<semaphore_mem>>, %arg19: memref<!tpu.dma_semaphore, #tpu.memory_space<semaphore_mem>>) attributes {dimension_semantics = [#tpu.dimension_semantics<core_parallel>, #tpu.dimension_semantics<subcore_parallel>], iteration_bounds = array<i64: 2, 16>, scalar_prefetch = 0 : i64, scratch_operands = 15 : i64, tpu.core_type = #tpu.core_type<sc_vector_subcore>, window_params = [{transform_indices = #map}, {transform_indices = #map}, {transform_indices = #map}]} {
    %mul3A = arith.constant 16 : i32
    %mul3A_0 = arith.muli %arg0, %mul3A : i32
    %add3A = arith.addi %mul3A_0, %arg1 : i32
    %jit3A = arith.constant 8 : i32
    %div3A = arith.divsi %add3A, %jit3A : i32
    %sign3A = arith.constant 0 : i32
    %sign3A_1 = arith.cmpi sgt, %add3A, %sign3A : i32
    %sign3A_2 = arith.extui %sign3A_1 : i1 to i32
    %sign3A_3 = arith.constant 0 : i32
    %sign3A_4 = arith.cmpi slt, %add3A, %sign3A_3 : i32
    %sign3A_5 = arith.extui %sign3A_4 : i1 to i32
    %sign3A_6 = arith.subi %sign3A_2, %sign3A_5 : i32
    %sign3A_7 = arith.constant 0 : i32
    %sign3A_8 = arith.cmpi sgt, %jit3A, %sign3A_7 : i32
    %sign3A_9 = arith.extui %sign3A_8 : i1 to i32
    %sign3A_10 = arith.constant 0 : i32
    %sign3A_11 = arith.cmpi slt, %jit3A, %sign3A_10 : i32
    %sign3A_12 = arith.extui %sign3A_11 : i1 to i32
    %sign3A_13 = arith.subi %sign3A_9, %sign3A_12 : i32
    %ne3A = arith.cmpi ne, %sign3A_6, %sign3A_13 : i32
    %rem3A = arith.remsi %add3A, %jit3A : i32
    %ne3A_14 = arith.constant 0 : i32
    %ne3A_15 = arith.cmpi ne, %rem3A, %ne3A_14 : i32
    %and3A = arith.andi %ne3A, %ne3A_15 : i1
    %sub3A = arith.constant 1 : i32
    %sub3A_16 = arith.subi %div3A, %sub3A : i32
    %select_n3A = arith.select %and3A, %sub3A_16, %div3A : i32
    %jit3A_17 = arith.constant 8 : i32
    %eq3A = arith.constant 0 : i32
    %eq3A_18 = arith.cmpi eq, %jit3A_17, %eq3A : i32
    %jit3A_19 = arith.constant 1 : i32
    %select_n3A_20 = arith.select %eq3A_18, %jit3A_19, %jit3A_17 : i32
    %rem3A_21 = arith.remsi %add3A, %select_n3A_20 : i32
    %ne3A_22 = arith.constant 0 : i32
    %ne3A_23 = arith.cmpi ne, %rem3A_21, %ne3A_22 : i32
    %lt3A = arith.constant 0 : i32
    %lt3A_24 = arith.cmpi slt, %rem3A_21, %lt3A : i32
    %lt3A_25 = arith.constant 0 : i32
    %lt3A_26 = arith.cmpi slt, %select_n3A_20, %lt3A_25 : i32
    %ne3A_27 = arith.xori %lt3A_24, %lt3A_26 : i1
    %and3A_28 = arith.andi %ne3A_27, %ne3A_23 : i1
    %add3A_29 = arith.addi %rem3A_21, %select_n3A_20 : i32
    %select_n3A_30 = arith.select %and3A_28, %add3A_29, %rem3A_21 : i32
    %mul3A_31 = arith.constant 31 : i32
    %mul3A_32 = arith.muli %mul3A_31, %select_n3A_30 : i32
    %jit3A_33 = arith.constant 7 : i32
    %div3A_34 = arith.divsi %mul3A_32, %jit3A_33 : i32
    %sign3A_35 = arith.constant 0 : i32
    %sign3A_36 = arith.cmpi sgt, %mul3A_32, %sign3A_35 : i32
    %sign3A_37 = arith.extui %sign3A_36 : i1 to i32
    %sign3A_38 = arith.constant 0 : i32
    %sign3A_39 = arith.cmpi slt, %mul3A_32, %sign3A_38 : i32
    %sign3A_40 = arith.extui %sign3A_39 : i1 to i32
    %sign3A_41 = arith.subi %sign3A_37, %sign3A_40 : i32
    %sign3A_42 = arith.constant 0 : i32
    %sign3A_43 = arith.cmpi sgt, %jit3A_33, %sign3A_42 : i32
    %sign3A_44 = arith.extui %sign3A_43 : i1 to i32
    %sign3A_45 = arith.constant 0 : i32
    %sign3A_46 = arith.cmpi slt, %jit3A_33, %sign3A_45 : i32
    %sign3A_47 = arith.extui %sign3A_46 : i1 to i32
    %sign3A_48 = arith.subi %sign3A_44, %sign3A_47 : i32
    %ne3A_49 = arith.cmpi ne, %sign3A_41, %sign3A_48 : i32
    %rem3A_50 = arith.remsi %mul3A_32, %jit3A_33 : i32
    %ne3A_51 = arith.constant 0 : i32
    %ne3A_52 = arith.cmpi ne, %rem3A_50, %ne3A_51 : i32
    %and3A_53 = arith.andi %ne3A_49, %ne3A_52 : i1
    %sub3A_54 = arith.constant 1 : i32
    %sub3A_55 = arith.subi %div3A_34, %sub3A_54 : i32
    %select_n3A_56 = arith.select %and3A_53, %sub3A_55, %div3A_34 : i32
    %mul3A_57 = arith.constant 4 : i32
    %mul3A_58 = arith.muli %add3A, %mul3A_57 : i32
    %mul3A_59 = arith.constant 4 : i32
    %mul3A_60 = arith.muli %mul3A_59, %select_n3A_30 : i32
    %sub3A_61 = arith.subi %select_n3A_56, %mul3A_60 : i32
    %add3A_62 = arith.constant 0 : i32
    %add3A_63 = arith.addi %mul3A_58, %add3A_62 : i32
    %dma_start3A = arith.constant 0 : i32
    %dma_start3A_64 = arith.constant 0 : i32
    %dma_start3A_65 = tpu.memref_slice %arg2[%add3A_63, %dma_start3A, %dma_start3A_64] : memref<128x672x224xf32, #tpu.memory_space<hbm>> -> memref<1x168x128xf32, #tpu.memory_space<hbm>>
    %dma_start3A_66 = tpu.memref_squeeze %dma_start3A_65 : memref<1x168x128xf32, #tpu.memory_space<hbm>> -> memref<168x128xf32, #tpu.memory_space<hbm>>
    %dma_start3A_67 = arith.constant 0 : i32
    %dma_start3A_68 = arith.constant 0 : i32
    %dma_start3A_69 = tpu.memref_slice %arg2[%add3A_63, %dma_start3A_67, %dma_start3A_68] : memref<128x672x224xf32, #tpu.memory_space<hbm>> -> memref<1x168x128xf32, #tpu.memory_space<hbm>>
    %dma_start3A_70 = tpu.memref_squeeze %dma_start3A_69 : memref<1x168x128xf32, #tpu.memory_space<hbm>> -> memref<168x128xf32, #tpu.memory_space<hbm>>
    tpu.enqueue_dma source(%dma_start3A_70 : memref<168x128xf32, #tpu.memory_space<hbm>>) target(%arg5 : memref<168x128xf32, #tpu.memory_space<vmem>>) target_semaphore(%arg11 : memref<!tpu.dma_semaphore, #tpu.memory_space<semaphore_mem>>)
    %dma_start3A_71 = arith.constant 0 : i32
    %dma_start3A_72 = arith.constant 128 : i32
    %dma_start3A_73 = tpu.memref_slice %arg2[%add3A_63, %dma_start3A_71, %dma_start3A_72] : memref<128x672x224xf32, #tpu.memory_space<hbm>> -> memref<1x168x96xf32, #tpu.memory_space<hbm>>
    %dma_start3A_74 = tpu.memref_squeeze %dma_start3A_73 : memref<1x168x96xf32, #tpu.memory_space<hbm>> -> memref<168x96xf32, #tpu.memory_space<hbm>>
    %dma_start3A_75 = arith.constant 0 : i32
    %dma_start3A_76 = arith.constant 128 : i32
    %dma_start3A_77 = tpu.memref_slice %arg2[%add3A_63, %dma_start3A_75, %dma_start3A_76] : memref<128x672x224xf32, #tpu.memory_space<hbm>> -> memref<1x168x96xf32, #tpu.memory_space<hbm>>
    %dma_start3A_78 = tpu.memref_squeeze %dma_start3A_77 : memref<1x168x96xf32, #tpu.memory_space<hbm>> -> memref<168x96xf32, #tpu.memory_space<hbm>>
    tpu.enqueue_dma source(%dma_start3A_78 : memref<168x96xf32, #tpu.memory_space<hbm>>) target(%arg8 : memref<168x96xf32, #tpu.memory_space<vmem>>) target_semaphore(%arg11 : memref<!tpu.dma_semaphore, #tpu.memory_space<semaphore_mem>>)
    %add3A_79 = arith.constant 0 : i32
    %add3A_80 = arith.addi %mul3A_58, %add3A_79 : i32
    %dma_start3A_81 = arith.constant 168 : i32
    %dma_start3A_82 = arith.constant 0 : i32
    %dma_start3A_83 = tpu.memref_slice %arg2[%add3A_80, %dma_start3A_81, %dma_start3A_82] : memref<128x672x224xf32, #tpu.memory_space<hbm>> -> memref<1x168x128xf32, #tpu.memory_space<hbm>>
    %dma_start3A_84 = tpu.memref_squeeze %dma_start3A_83 : memref<1x168x128xf32, #tpu.memory_space<hbm>> -> memref<168x128xf32, #tpu.memory_space<hbm>>
    %dma_start3A_85 = arith.constant 168 : i32
    %dma_start3A_86 = arith.constant 0 : i32
    %dma_start3A_87 = tpu.memref_slice %arg2[%add3A_80, %dma_start3A_85, %dma_start3A_86] : memref<128x672x224xf32, #tpu.memory_space<hbm>> -> memref<1x168x128xf32, #tpu.memory_space<hbm>>
    %dma_start3A_88 = tpu.memref_squeeze %dma_start3A_87 : memref<1x168x128xf32, #tpu.memory_space<hbm>> -> memref<168x128xf32, #tpu.memory_space<hbm>>
    tpu.enqueue_dma source(%dma_start3A_88 : memref<168x128xf32, #tpu.memory_space<hbm>>) target(%arg6 : memref<168x128xf32, #tpu.memory_space<vmem>>) target_semaphore(%arg12 : memref<!tpu.dma_semaphore, #tpu.memory_space<semaphore_mem>>)
    %dma_start3A_89 = arith.constant 168 : i32
    %dma_start3A_90 = arith.constant 128 : i32
    %dma_start3A_91 = tpu.memref_slice %arg2[%add3A_80, %dma_start3A_89, %dma_start3A_90] : memref<128x672x224xf32, #tpu.memory_space<hbm>> -> memref<1x168x96xf32, #tpu.memory_space<hbm>>
    %dma_start3A_92 = tpu.memref_squeeze %dma_start3A_91 : memref<1x168x96xf32, #tpu.memory_space<hbm>> -> memref<168x96xf32, #tpu.memory_space<hbm>>
    %dma_start3A_93 = arith.constant 168 : i32
    %dma_start3A_94 = arith.constant 128 : i32
    %dma_start3A_95 = tpu.memref_slice %arg2[%add3A_80, %dma_start3A_93, %dma_start3A_94] : memref<128x672x224xf32, #tpu.memory_space<hbm>> -> memref<1x168x96xf32, #tpu.memory_space<hbm>>
    %dma_start3A_96 = tpu.memref_squeeze %dma_start3A_95 : memref<1x168x96xf32, #tpu.memory_space<hbm>> -> memref<168x96xf32, #tpu.memory_space<hbm>>
    tpu.enqueue_dma source(%dma_start3A_96 : memref<168x96xf32, #tpu.memory_space<hbm>>) target(%arg9 : memref<168x96xf32, #tpu.memory_space<vmem>>) target_semaphore(%arg12 : memref<!tpu.dma_semaphore, #tpu.memory_space<semaphore_mem>>)
    %add3A_97 = arith.constant 0 : i32
    %add3A_98 = arith.addi %mul3A_58, %add3A_97 : i32
    %dma_start3A_99 = arith.constant 336 : i32
    %dma_start3A_100 = arith.constant 0 : i32
    %dma_start3A_101 = tpu.memref_slice %arg2[%add3A_98, %dma_start3A_99, %dma_start3A_100] : memref<128x672x224xf32, #tpu.memory_space<hbm>> -> memref<1x168x128xf32, #tpu.memory_space<hbm>>
    %dma_start3A_102 = tpu.memref_squeeze %dma_start3A_101 : memref<1x168x128xf32, #tpu.memory_space<hbm>> -> memref<168x128xf32, #tpu.memory_space<hbm>>
    %dma_start3A_103 = arith.constant 336 : i32
    %dma_start3A_104 = arith.constant 0 : i32
    %dma_start3A_105 = tpu.memref_slice %arg2[%add3A_98, %dma_start3A_103, %dma_start3A_104] : memref<128x672x224xf32, #tpu.memory_space<hbm>> -> memref<1x168x128xf32, #tpu.memory_space<hbm>>
    %dma_start3A_106 = tpu.memref_squeeze %dma_start3A_105 : memref<1x168x128xf32, #tpu.memory_space<hbm>> -> memref<168x128xf32, #tpu.memory_space<hbm>>
    tpu.enqueue_dma source(%dma_start3A_106 : memref<168x128xf32, #tpu.memory_space<hbm>>) target(%arg7 : memref<168x128xf32, #tpu.memory_space<vmem>>) target_semaphore(%arg13 : memref<!tpu.dma_semaphore, #tpu.memory_space<semaphore_mem>>)
    %dma_start3A_107 = arith.constant 336 : i32
    %dma_start3A_108 = arith.constant 128 : i32
    %dma_start3A_109 = tpu.memref_slice %arg2[%add3A_98, %dma_start3A_107, %dma_start3A_108] : memref<128x672x224xf32, #tpu.memory_space<hbm>> -> memref<1x168x96xf32, #tpu.memory_space<hbm>>
    %dma_start3A_110 = tpu.memref_squeeze %dma_start3A_109 : memref<1x168x96xf32, #tpu.memory_space<hbm>> -> memref<168x96xf32, #tpu.memory_space<hbm>>
    %dma_start3A_111 = arith.constant 336 : i32
    %dma_start3A_112 = arith.constant 128 : i32
    %dma_start3A_113 = tpu.memref_slice %arg2[%add3A_98, %dma_start3A_111, %dma_start3A_112] : memref<128x672x224xf32, #tpu.memory_space<hbm>> -> memref<1x168x96xf32, #tpu.memory_space<hbm>>
    %dma_start3A_114 = tpu.memref_squeeze %dma_start3A_113 : memref<1x168x96xf32, #tpu.memory_space<hbm>> -> memref<168x96xf32, #tpu.memory_space<hbm>>
    tpu.enqueue_dma source(%dma_start3A_114 : memref<168x96xf32, #tpu.memory_space<hbm>>) target(%arg10 : memref<168x96xf32, #tpu.memory_space<vmem>>) target_semaphore(%arg13 : memref<!tpu.dma_semaphore, #tpu.memory_space<semaphore_mem>>)
    %add3A_115 = arith.constant 0 : i32
    %add3A_116 = arith.addi %mul3A_58, %add3A_115 : i32
    %dma_wait3A = arith.constant 0 : i32
    %dma_wait3A_117 = arith.constant 0 : i32
    %dma_wait3A_118 = tpu.memref_slice %arg2[%add3A_116, %dma_wait3A, %dma_wait3A_117] : memref<128x672x224xf32, #tpu.memory_space<hbm>> -> memref<1x168x128xf32, #tpu.memory_space<hbm>>
    %dma_wait3A_119 = tpu.memref_squeeze %dma_wait3A_118 : memref<1x168x128xf32, #tpu.memory_space<hbm>> -> memref<168x128xf32, #tpu.memory_space<hbm>>
    %dma_wait3A_120 = arith.constant 0 : i32
    %dma_wait3A_121 = arith.constant 0 : i32
    %dma_wait3A_122 = tpu.memref_slice %arg2[%add3A_116, %dma_wait3A_120, %dma_wait3A_121] : memref<128x672x224xf32, #tpu.memory_space<hbm>> -> memref<1x168x128xf32, #tpu.memory_space<hbm>>
    %dma_wait3A_123 = tpu.memref_squeeze %dma_wait3A_122 : memref<1x168x128xf32, #tpu.memory_space<hbm>> -> memref<168x128xf32, #tpu.memory_space<hbm>>
    tpu.wait_dma2 semaphore(%arg11 : memref<!tpu.dma_semaphore, #tpu.memory_space<semaphore_mem>>) src(%dma_wait3A_123 : memref<168x128xf32, #tpu.memory_space<hbm>>) dst(%arg5 : memref<168x128xf32, #tpu.memory_space<vmem>>)
    %dma_wait3A_124 = arith.constant 0 : i32
    %dma_wait3A_125 = arith.constant 128 : i32
    %dma_wait3A_126 = tpu.memref_slice %arg2[%add3A_116, %dma_wait3A_124, %dma_wait3A_125] : memref<128x672x224xf32, #tpu.memory_space<hbm>> -> memref<1x168x96xf32, #tpu.memory_space<hbm>>
    %dma_wait3A_127 = tpu.memref_squeeze %dma_wait3A_126 : memref<1x168x96xf32, #tpu.memory_space<hbm>> -> memref<168x96xf32, #tpu.memory_space<hbm>>
    %dma_wait3A_128 = arith.constant 0 : i32
    %dma_wait3A_129 = arith.constant 128 : i32
    %dma_wait3A_130 = tpu.memref_slice %arg2[%add3A_116, %dma_wait3A_128, %dma_wait3A_129] : memref<128x672x224xf32, #tpu.memory_space<hbm>> -> memref<1x168x96xf32, #tpu.memory_space<hbm>>
    %dma_wait3A_131 = tpu.memref_squeeze %dma_wait3A_130 : memref<1x168x96xf32, #tpu.memory_space<hbm>> -> memref<168x96xf32, #tpu.memory_space<hbm>>
    tpu.wait_dma2 semaphore(%arg11 : memref<!tpu.dma_semaphore, #tpu.memory_space<semaphore_mem>>) src(%dma_wait3A_131 : memref<168x96xf32, #tpu.memory_space<hbm>>) dst(%arg8 : memref<168x96xf32, #tpu.memory_space<vmem>>)
    %add3A_132 = arith.constant 0 : i32
    %add3A_133 = arith.addi %mul3A_58, %add3A_132 : i32
    %dma_start3A_134 = arith.constant 0 : i32
    %dma_start3A_135 = arith.constant 0 : i32
    %dma_start3A_136 = tpu.memref_slice %arg3[%add3A_133, %dma_start3A_134, %dma_start3A_135] : memref<128x672x224xf32, #tpu.memory_space<hbm>> -> memref<1x168x128xf32, #tpu.memory_space<hbm>>
    %dma_start3A_137 = tpu.memref_squeeze %dma_start3A_136 : memref<1x168x128xf32, #tpu.memory_space<hbm>> -> memref<168x128xf32, #tpu.memory_space<hbm>>
    %dma_start3A_138 = arith.constant 0 : i32
    %dma_start3A_139 = arith.constant 0 : i32
    %dma_start3A_140 = tpu.memref_slice %arg3[%add3A_133, %dma_start3A_138, %dma_start3A_139] : memref<128x672x224xf32, #tpu.memory_space<hbm>> -> memref<1x168x128xf32, #tpu.memory_space<hbm>>
    %dma_start3A_141 = tpu.memref_squeeze %dma_start3A_140 : memref<1x168x128xf32, #tpu.memory_space<hbm>> -> memref<168x128xf32, #tpu.memory_space<hbm>>
    tpu.enqueue_dma source(%arg5 : memref<168x128xf32, #tpu.memory_space<vmem>>) target(%dma_start3A_141 : memref<168x128xf32, #tpu.memory_space<hbm>>) target_semaphore(%arg14 : memref<!tpu.dma_semaphore, #tpu.memory_space<semaphore_mem>>)
    %dma_start3A_142 = arith.constant 0 : i32
    %dma_start3A_143 = arith.constant 128 : i32
    %dma_start3A_144 = tpu.memref_slice %arg3[%add3A_133, %dma_start3A_142, %dma_start3A_143] : memref<128x672x224xf32, #tpu.memory_space<hbm>> -> memref<1x168x96xf32, #tpu.memory_space<hbm>>
    %dma_start3A_145 = tpu.memref_squeeze %dma_start3A_144 : memref<1x168x96xf32, #tpu.memory_space<hbm>> -> memref<168x96xf32, #tpu.memory_space<hbm>>
    %dma_start3A_146 = arith.constant 0 : i32
    %dma_start3A_147 = arith.constant 128 : i32
    %dma_start3A_148 = tpu.memref_slice %arg3[%add3A_133, %dma_start3A_146, %dma_start3A_147] : memref<128x672x224xf32, #tpu.memory_space<hbm>> -> memref<1x168x96xf32, #tpu.memory_space<hbm>>
    %dma_start3A_149 = tpu.memref_squeeze %dma_start3A_148 : memref<1x168x96xf32, #tpu.memory_space<hbm>> -> memref<168x96xf32, #tpu.memory_space<hbm>>
    tpu.enqueue_dma source(%arg8 : memref<168x96xf32, #tpu.memory_space<vmem>>) target(%dma_start3A_149 : memref<168x96xf32, #tpu.memory_space<hbm>>) target_semaphore(%arg14 : memref<!tpu.dma_semaphore, #tpu.memory_space<semaphore_mem>>)
    %eq3A_150 = arith.constant 0 : i32
    %eq3A_151 = arith.cmpi eq, %sub3A_61, %eq3A_150 : i32
    %convert_element_type3A = arith.extui %eq3A_151 : i1 to i32
    %cond3A = arith.constant 0 : i32
    %cond3A_152 = arith.cmpi ne, %convert_element_type3A, %cond3A : i32
    scf.if %cond3A_152 {
      %dma_start3A_1370 = arith.constant 0 : i32
      %dma_start3A_1371 = arith.constant 0 : i32
      %dma_start3A_1372 = tpu.memref_slice %arg4[%add3A, %dma_start3A_1370, %dma_start3A_1371] : memref<32x672x224xf32, #tpu.memory_space<hbm>> -> memref<1x168x128xf32, #tpu.memory_space<hbm>>
      %dma_start3A_1373 = tpu.memref_squeeze %dma_start3A_1372 : memref<1x168x128xf32, #tpu.memory_space<hbm>> -> memref<168x128xf32, #tpu.memory_space<hbm>>
      %dma_start3A_1374 = arith.constant 0 : i32
      %dma_start3A_1375 = arith.constant 0 : i32
      %dma_start3A_1376 = tpu.memref_slice %arg4[%add3A, %dma_start3A_1374, %dma_start3A_1375] : memref<32x672x224xf32, #tpu.memory_space<hbm>> -> memref<1x168x128xf32, #tpu.memory_space<hbm>>
      %dma_start3A_1377 = tpu.memref_squeeze %dma_start3A_1376 : memref<1x168x128xf32, #tpu.memory_space<hbm>> -> memref<168x128xf32, #tpu.memory_space<hbm>>
      tpu.enqueue_dma source(%arg5 : memref<168x128xf32, #tpu.memory_space<vmem>>) target(%dma_start3A_1377 : memref<168x128xf32, #tpu.memory_space<hbm>>) target_semaphore(%arg17 : memref<!tpu.dma_semaphore, #tpu.memory_space<semaphore_mem>>)
      %dma_start3A_1378 = arith.constant 0 : i32
      %dma_start3A_1379 = arith.constant 128 : i32
      %dma_start3A_1380 = tpu.memref_slice %arg4[%add3A, %dma_start3A_1378, %dma_start3A_1379] : memref<32x672x224xf32, #tpu.memory_space<hbm>> -> memref<1x168x96xf32, #tpu.memory_space<hbm>>
      %dma_start3A_1381 = tpu.memref_squeeze %dma_start3A_1380 : memref<1x168x96xf32, #tpu.memory_space<hbm>> -> memref<168x96xf32, #tpu.memory_space<hbm>>
      %dma_start3A_1382 = arith.constant 0 : i32
      %dma_start3A_1383 = arith.constant 128 : i32
      %dma_start3A_1384 = tpu.memref_slice %arg4[%add3A, %dma_start3A_1382, %dma_start3A_1383] : memref<32x672x224xf32, #tpu.memory_space<hbm>> -> memref<1x168x96xf32, #tpu.memory_space<hbm>>
      %dma_start3A_1385 = tpu.memref_squeeze %dma_start3A_1384 : memref<1x168x96xf32, #tpu.memory_space<hbm>> -> memref<168x96xf32, #tpu.memory_space<hbm>>
      tpu.enqueue_dma source(%arg8 : memref<168x96xf32, #tpu.memory_space<vmem>>) target(%dma_start3A_1385 : memref<168x96xf32, #tpu.memory_space<hbm>>) target_semaphore(%arg17 : memref<!tpu.dma_semaphore, #tpu.memory_space<semaphore_mem>>)
    } else {
    }
    %add3A_153 = arith.constant 0 : i32
    %add3A_154 = arith.addi %mul3A_58, %add3A_153 : i32
    %dma_wait3A_155 = arith.constant 0 : i32
    %dma_wait3A_156 = arith.constant 0 : i32
    %dma_wait3A_157 = tpu.memref_slice %arg3[%add3A_154, %dma_wait3A_155, %dma_wait3A_156] : memref<128x672x224xf32, #tpu.memory_space<hbm>> -> memref<1x168x128xf32, #tpu.memory_space<hbm>>
    %dma_wait3A_158 = tpu.memref_squeeze %dma_wait3A_157 : memref<1x168x128xf32, #tpu.memory_space<hbm>> -> memref<168x128xf32, #tpu.memory_space<hbm>>
    %dma_wait3A_159 = arith.constant 0 : i32
    %dma_wait3A_160 = arith.constant 0 : i32
    %dma_wait3A_161 = tpu.memref_slice %arg3[%add3A_154, %dma_wait3A_159, %dma_wait3A_160] : memref<128x672x224xf32, #tpu.memory_space<hbm>> -> memref<1x168x128xf32, #tpu.memory_space<hbm>>
    %dma_wait3A_162 = tpu.memref_squeeze %dma_wait3A_161 : memref<1x168x128xf32, #tpu.memory_space<hbm>> -> memref<168x128xf32, #tpu.memory_space<hbm>>
    tpu.wait_dma2 semaphore(%arg14 : memref<!tpu.dma_semaphore, #tpu.memory_space<semaphore_mem>>) src(%arg5 : memref<168x128xf32, #tpu.memory_space<vmem>>) dst(%dma_wait3A_162 : memref<168x128xf32, #tpu.memory_space<hbm>>)
    %dma_wait3A_163 = arith.constant 0 : i32
    %dma_wait3A_164 = arith.constant 128 : i32
    %dma_wait3A_165 = tpu.memref_slice %arg3[%add3A_154, %dma_wait3A_163, %dma_wait3A_164] : memref<128x672x224xf32, #tpu.memory_space<hbm>> -> memref<1x168x96xf32, #tpu.memory_space<hbm>>
    %dma_wait3A_166 = tpu.memref_squeeze %dma_wait3A_165 : memref<1x168x96xf32, #tpu.memory_space<hbm>> -> memref<168x96xf32, #tpu.memory_space<hbm>>
    %dma_wait3A_167 = arith.constant 0 : i32
    %dma_wait3A_168 = arith.constant 128 : i32
    %dma_wait3A_169 = tpu.memref_slice %arg3[%add3A_154, %dma_wait3A_167, %dma_wait3A_168] : memref<128x672x224xf32, #tpu.memory_space<hbm>> -> memref<1x168x96xf32, #tpu.memory_space<hbm>>
    %dma_wait3A_170 = tpu.memref_squeeze %dma_wait3A_169 : memref<1x168x96xf32, #tpu.memory_space<hbm>> -> memref<168x96xf32, #tpu.memory_space<hbm>>
    tpu.wait_dma2 semaphore(%arg14 : memref<!tpu.dma_semaphore, #tpu.memory_space<semaphore_mem>>) src(%arg8 : memref<168x96xf32, #tpu.memory_space<vmem>>) dst(%dma_wait3A_170 : memref<168x96xf32, #tpu.memory_space<hbm>>)
    %eq3A_171 = arith.constant 0 : i32
    %eq3A_172 = arith.cmpi eq, %sub3A_61, %eq3A_171 : i32
    %convert_element_type3A_173 = arith.extui %eq3A_172 : i1 to i32
    %cond3A_174 = arith.constant 0 : i32
    %cond3A_175 = arith.cmpi ne, %convert_element_type3A_173, %cond3A_174 : i32
    scf.if %cond3A_175 {
      %dma_wait3A_1370 = arith.constant 0 : i32
      %dma_wait3A_1371 = arith.constant 0 : i32
      %dma_wait3A_1372 = tpu.memref_slice %arg4[%add3A, %dma_wait3A_1370, %dma_wait3A_1371] : memref<32x672x224xf32, #tpu.memory_space<hbm>> -> memref<1x168x128xf32, #tpu.memory_space<hbm>>
      %dma_wait3A_1373 = tpu.memref_squeeze %dma_wait3A_1372 : memref<1x168x128xf32, #tpu.memory_space<hbm>> -> memref<168x128xf32, #tpu.memory_space<hbm>>
      %dma_wait3A_1374 = arith.constant 0 : i32
      %dma_wait3A_1375 = arith.constant 0 : i32
      %dma_wait3A_1376 = tpu.memref_slice %arg4[%add3A, %dma_wait3A_1374, %dma_wait3A_1375] : memref<32x672x224xf32, #tpu.memory_space<hbm>> -> memref<1x168x128xf32, #tpu.memory_space<hbm>>
      %dma_wait3A_1377 = tpu.memref_squeeze %dma_wait3A_1376 : memref<1x168x128xf32, #tpu.memory_space<hbm>> -> memref<168x128xf32, #tpu.memory_space<hbm>>
      tpu.wait_dma2 semaphore(%arg17 : memref<!tpu.dma_semaphore, #tpu.memory_space<semaphore_mem>>) src(%arg5 : memref<168x128xf32, #tpu.memory_space<vmem>>) dst(%dma_wait3A_1377 : memref<168x128xf32, #tpu.memory_space<hbm>>)
      %dma_wait3A_1378 = arith.constant 0 : i32
      %dma_wait3A_1379 = arith.constant 128 : i32
      %dma_wait3A_1380 = tpu.memref_slice %arg4[%add3A, %dma_wait3A_1378, %dma_wait3A_1379] : memref<32x672x224xf32, #tpu.memory_space<hbm>> -> memref<1x168x96xf32, #tpu.memory_space<hbm>>
      %dma_wait3A_1381 = tpu.memref_squeeze %dma_wait3A_1380 : memref<1x168x96xf32, #tpu.memory_space<hbm>> -> memref<168x96xf32, #tpu.memory_space<hbm>>
      %dma_wait3A_1382 = arith.constant 0 : i32
      %dma_wait3A_1383 = arith.constant 128 : i32
      %dma_wait3A_1384 = tpu.memref_slice %arg4[%add3A, %dma_wait3A_1382, %dma_wait3A_1383] : memref<32x672x224xf32, #tpu.memory_space<hbm>> -> memref<1x168x96xf32, #tpu.memory_space<hbm>>
      %dma_wait3A_1385 = tpu.memref_squeeze %dma_wait3A_1384 : memref<1x168x96xf32, #tpu.memory_space<hbm>> -> memref<168x96xf32, #tpu.memory_space<hbm>>
      tpu.wait_dma2 semaphore(%arg17 : memref<!tpu.dma_semaphore, #tpu.memory_space<semaphore_mem>>) src(%arg8 : memref<168x96xf32, #tpu.memory_space<vmem>>) dst(%dma_wait3A_1385 : memref<168x96xf32, #tpu.memory_space<hbm>>)
    } else {
    }
    %add3A_176 = arith.constant 0 : i32
    %add3A_177 = arith.addi %mul3A_58, %add3A_176 : i32
    %dma_start3A_178 = arith.constant 504 : i32
    %dma_start3A_179 = arith.constant 0 : i32
    %dma_start3A_180 = tpu.memref_slice %arg2[%add3A_177, %dma_start3A_178, %dma_start3A_179] : memref<128x672x224xf32, #tpu.memory_space<hbm>> -> memref<1x168x128xf32, #tpu.memory_space<hbm>>
    %dma_start3A_181 = tpu.memref_squeeze %dma_start3A_180 : memref<1x168x128xf32, #tpu.memory_space<hbm>> -> memref<168x128xf32, #tpu.memory_space<hbm>>
    %dma_start3A_182 = arith.constant 504 : i32
    %dma_start3A_183 = arith.constant 0 : i32
    %dma_start3A_184 = tpu.memref_slice %arg2[%add3A_177, %dma_start3A_182, %dma_start3A_183] : memref<128x672x224xf32, #tpu.memory_space<hbm>> -> memref<1x168x128xf32, #tpu.memory_space<hbm>>
    %dma_start3A_185 = tpu.memref_squeeze %dma_start3A_184 : memref<1x168x128xf32, #tpu.memory_space<hbm>> -> memref<168x128xf32, #tpu.memory_space<hbm>>
    tpu.enqueue_dma source(%dma_start3A_185 : memref<168x128xf32, #tpu.memory_space<hbm>>) target(%arg5 : memref<168x128xf32, #tpu.memory_space<vmem>>) target_semaphore(%arg11 : memref<!tpu.dma_semaphore, #tpu.memory_space<semaphore_mem>>)
    %dma_start3A_186 = arith.constant 504 : i32
    %dma_start3A_187 = arith.constant 128 : i32
    %dma_start3A_188 = tpu.memref_slice %arg2[%add3A_177, %dma_start3A_186, %dma_start3A_187] : memref<128x672x224xf32, #tpu.memory_space<hbm>> -> memref<1x168x96xf32, #tpu.memory_space<hbm>>
    %dma_start3A_189 = tpu.memref_squeeze %dma_start3A_188 : memref<1x168x96xf32, #tpu.memory_space<hbm>> -> memref<168x96xf32, #tpu.memory_space<hbm>>
    %dma_start3A_190 = arith.constant 504 : i32
    %dma_start3A_191 = arith.constant 128 : i32
    %dma_start3A_192 = tpu.memref_slice %arg2[%add3A_177, %dma_start3A_190, %dma_start3A_191] : memref<128x672x224xf32, #tpu.memory_space<hbm>> -> memref<1x168x96xf32, #tpu.memory_space<hbm>>
    %dma_start3A_193 = tpu.memref_squeeze %dma_start3A_192 : memref<1x168x96xf32, #tpu.memory_space<hbm>> -> memref<168x96xf32, #tpu.memory_space<hbm>>
    tpu.enqueue_dma source(%dma_start3A_193 : memref<168x96xf32, #tpu.memory_space<hbm>>) target(%arg8 : memref<168x96xf32, #tpu.memory_space<vmem>>) target_semaphore(%arg11 : memref<!tpu.dma_semaphore, #tpu.memory_space<semaphore_mem>>)
    %add3A_194 = arith.constant 0 : i32
    %add3A_195 = arith.addi %mul3A_58, %add3A_194 : i32
    %dma_wait3A_196 = arith.constant 168 : i32
    %dma_wait3A_197 = arith.constant 0 : i32
    %dma_wait3A_198 = tpu.memref_slice %arg2[%add3A_195, %dma_wait3A_196, %dma_wait3A_197] : memref<128x672x224xf32, #tpu.memory_space<hbm>> -> memref<1x168x128xf32, #tpu.memory_space<hbm>>
    %dma_wait3A_199 = tpu.memref_squeeze %dma_wait3A_198 : memref<1x168x128xf32, #tpu.memory_space<hbm>> -> memref<168x128xf32, #tpu.memory_space<hbm>>
    %dma_wait3A_200 = arith.constant 168 : i32
    %dma_wait3A_201 = arith.constant 0 : i32
    %dma_wait3A_202 = tpu.memref_slice %arg2[%add3A_195, %dma_wait3A_200, %dma_wait3A_201] : memref<128x672x224xf32, #tpu.memory_space<hbm>> -> memref<1x168x128xf32, #tpu.memory_space<hbm>>
    %dma_wait3A_203 = tpu.memref_squeeze %dma_wait3A_202 : memref<1x168x128xf32, #tpu.memory_space<hbm>> -> memref<168x128xf32, #tpu.memory_space<hbm>>
    tpu.wait_dma2 semaphore(%arg12 : memref<!tpu.dma_semaphore, #tpu.memory_space<semaphore_mem>>) src(%dma_wait3A_203 : memref<168x128xf32, #tpu.memory_space<hbm>>) dst(%arg6 : memref<168x128xf32, #tpu.memory_space<vmem>>)
    %dma_wait3A_204 = arith.constant 168 : i32
    %dma_wait3A_205 = arith.constant 128 : i32
    %dma_wait3A_206 = tpu.memref_slice %arg2[%add3A_195, %dma_wait3A_204, %dma_wait3A_205] : memref<128x672x224xf32, #tpu.memory_space<hbm>> -> memref<1x168x96xf32, #tpu.memory_space<hbm>>
    %dma_wait3A_207 = tpu.memref_squeeze %dma_wait3A_206 : memref<1x168x96xf32, #tpu.memory_space<hbm>> -> memref<168x96xf32, #tpu.memory_space<hbm>>
    %dma_wait3A_208 = arith.constant 168 : i32
    %dma_wait3A_209 = arith.constant 128 : i32
    %dma_wait3A_210 = tpu.memref_slice %arg2[%add3A_195, %dma_wait3A_208, %dma_wait3A_209] : memref<128x672x224xf32, #tpu.memory_space<hbm>> -> memref<1x168x96xf32, #tpu.memory_space<hbm>>
    %dma_wait3A_211 = tpu.memref_squeeze %dma_wait3A_210 : memref<1x168x96xf32, #tpu.memory_space<hbm>> -> memref<168x96xf32, #tpu.memory_space<hbm>>
    tpu.wait_dma2 semaphore(%arg12 : memref<!tpu.dma_semaphore, #tpu.memory_space<semaphore_mem>>) src(%dma_wait3A_211 : memref<168x96xf32, #tpu.memory_space<hbm>>) dst(%arg9 : memref<168x96xf32, #tpu.memory_space<vmem>>)
    %add3A_212 = arith.constant 0 : i32
    %add3A_213 = arith.addi %mul3A_58, %add3A_212 : i32
    %dma_start3A_214 = arith.constant 168 : i32
    %dma_start3A_215 = arith.constant 0 : i32
    %dma_start3A_216 = tpu.memref_slice %arg3[%add3A_213, %dma_start3A_214, %dma_start3A_215] : memref<128x672x224xf32, #tpu.memory_space<hbm>> -> memref<1x168x128xf32, #tpu.memory_space<hbm>>
    %dma_start3A_217 = tpu.memref_squeeze %dma_start3A_216 : memref<1x168x128xf32, #tpu.memory_space<hbm>> -> memref<168x128xf32, #tpu.memory_space<hbm>>
    %dma_start3A_218 = arith.constant 168 : i32
    %dma_start3A_219 = arith.constant 0 : i32
    %dma_start3A_220 = tpu.memref_slice %arg3[%add3A_213, %dma_start3A_218, %dma_start3A_219] : memref<128x672x224xf32, #tpu.memory_space<hbm>> -> memref<1x168x128xf32, #tpu.memory_space<hbm>>
    %dma_start3A_221 = tpu.memref_squeeze %dma_start3A_220 : memref<1x168x128xf32, #tpu.memory_space<hbm>> -> memref<168x128xf32, #tpu.memory_space<hbm>>
    tpu.enqueue_dma source(%arg6 : memref<168x128xf32, #tpu.memory_space<vmem>>) target(%dma_start3A_221 : memref<168x128xf32, #tpu.memory_space<hbm>>) target_semaphore(%arg15 : memref<!tpu.dma_semaphore, #tpu.memory_space<semaphore_mem>>)
    %dma_start3A_222 = arith.constant 168 : i32
    %dma_start3A_223 = arith.constant 128 : i32
    %dma_start3A_224 = tpu.memref_slice %arg3[%add3A_213, %dma_start3A_222, %dma_start3A_223] : memref<128x672x224xf32, #tpu.memory_space<hbm>> -> memref<1x168x96xf32, #tpu.memory_space<hbm>>
    %dma_start3A_225 = tpu.memref_squeeze %dma_start3A_224 : memref<1x168x96xf32, #tpu.memory_space<hbm>> -> memref<168x96xf32, #tpu.memory_space<hbm>>
    %dma_start3A_226 = arith.constant 168 : i32
    %dma_start3A_227 = arith.constant 128 : i32
    %dma_start3A_228 = tpu.memref_slice %arg3[%add3A_213, %dma_start3A_226, %dma_start3A_227] : memref<128x672x224xf32, #tpu.memory_space<hbm>> -> memref<1x168x96xf32, #tpu.memory_space<hbm>>
    %dma_start3A_229 = tpu.memref_squeeze %dma_start3A_228 : memref<1x168x96xf32, #tpu.memory_space<hbm>> -> memref<168x96xf32, #tpu.memory_space<hbm>>
    tpu.enqueue_dma source(%arg9 : memref<168x96xf32, #tpu.memory_space<vmem>>) target(%dma_start3A_229 : memref<168x96xf32, #tpu.memory_space<hbm>>) target_semaphore(%arg15 : memref<!tpu.dma_semaphore, #tpu.memory_space<semaphore_mem>>)
    %eq3A_230 = arith.constant 0 : i32
    %eq3A_231 = arith.cmpi eq, %sub3A_61, %eq3A_230 : i32
    %convert_element_type3A_232 = arith.extui %eq3A_231 : i1 to i32
    %cond3A_233 = arith.constant 0 : i32
    %cond3A_234 = arith.cmpi ne, %convert_element_type3A_232, %cond3A_233 : i32
    scf.if %cond3A_234 {
      %dma_start3A_1370 = arith.constant 168 : i32
      %dma_start3A_1371 = arith.constant 0 : i32
      %dma_start3A_1372 = tpu.memref_slice %arg4[%add3A, %dma_start3A_1370, %dma_start3A_1371] : memref<32x672x224xf32, #tpu.memory_space<hbm>> -> memref<1x168x128xf32, #tpu.memory_space<hbm>>
      %dma_start3A_1373 = tpu.memref_squeeze %dma_start3A_1372 : memref<1x168x128xf32, #tpu.memory_space<hbm>> -> memref<168x128xf32, #tpu.memory_space<hbm>>
      %dma_start3A_1374 = arith.constant 168 : i32
      %dma_start3A_1375 = arith.constant 0 : i32
      %dma_start3A_1376 = tpu.memref_slice %arg4[%add3A, %dma_start3A_1374, %dma_start3A_1375] : memref<32x672x224xf32, #tpu.memory_space<hbm>> -> memref<1x168x128xf32, #tpu.memory_space<hbm>>
      %dma_start3A_1377 = tpu.memref_squeeze %dma_start3A_1376 : memref<1x168x128xf32, #tpu.memory_space<hbm>> -> memref<168x128xf32, #tpu.memory_space<hbm>>
      tpu.enqueue_dma source(%arg6 : memref<168x128xf32, #tpu.memory_space<vmem>>) target(%dma_start3A_1377 : memref<168x128xf32, #tpu.memory_space<hbm>>) target_semaphore(%arg18 : memref<!tpu.dma_semaphore, #tpu.memory_space<semaphore_mem>>)
      %dma_start3A_1378 = arith.constant 168 : i32
      %dma_start3A_1379 = arith.constant 128 : i32
      %dma_start3A_1380 = tpu.memref_slice %arg4[%add3A, %dma_start3A_1378, %dma_start3A_1379] : memref<32x672x224xf32, #tpu.memory_space<hbm>> -> memref<1x168x96xf32, #tpu.memory_space<hbm>>
      %dma_start3A_1381 = tpu.memref_squeeze %dma_start3A_1380 : memref<1x168x96xf32, #tpu.memory_space<hbm>> -> memref<168x96xf32, #tpu.memory_space<hbm>>
      %dma_start3A_1382 = arith.constant 168 : i32
      %dma_start3A_1383 = arith.constant 128 : i32
      %dma_start3A_1384 = tpu.memref_slice %arg4[%add3A, %dma_start3A_1382, %dma_start3A_1383] : memref<32x672x224xf32, #tpu.memory_space<hbm>> -> memref<1x168x96xf32, #tpu.memory_space<hbm>>
      %dma_start3A_1385 = tpu.memref_squeeze %dma_start3A_1384 : memref<1x168x96xf32, #tpu.memory_space<hbm>> -> memref<168x96xf32, #tpu.memory_space<hbm>>
      tpu.enqueue_dma source(%arg9 : memref<168x96xf32, #tpu.memory_space<vmem>>) target(%dma_start3A_1385 : memref<168x96xf32, #tpu.memory_space<hbm>>) target_semaphore(%arg18 : memref<!tpu.dma_semaphore, #tpu.memory_space<semaphore_mem>>)
    } else {
    }
    %add3A_235 = arith.constant 0 : i32
    %add3A_236 = arith.addi %mul3A_58, %add3A_235 : i32
    %dma_wait3A_237 = arith.constant 168 : i32
    %dma_wait3A_238 = arith.constant 0 : i32
    %dma_wait3A_239 = tpu.memref_slice %arg3[%add3A_236, %dma_wait3A_237, %dma_wait3A_238] : memref<128x672x224xf32, #tpu.memory_space<hbm>> -> memref<1x168x128xf32, #tpu.memory_space<hbm>>
    %dma_wait3A_240 = tpu.memref_squeeze %dma_wait3A_239 : memref<1x168x128xf32, #tpu.memory_space<hbm>> -> memref<168x128xf32, #tpu.memory_space<hbm>>
    %dma_wait3A_241 = arith.constant 168 : i32
    %dma_wait3A_242 = arith.constant 0 : i32
    %dma_wait3A_243 = tpu.memref_slice %arg3[%add3A_236, %dma_wait3A_241, %dma_wait3A_242] : memref<128x672x224xf32, #tpu.memory_space<hbm>> -> memref<1x168x128xf32, #tpu.memory_space<hbm>>
    %dma_wait3A_244 = tpu.memref_squeeze %dma_wait3A_243 : memref<1x168x128xf32, #tpu.memory_space<hbm>> -> memref<168x128xf32, #tpu.memory_space<hbm>>
    tpu.wait_dma2 semaphore(%arg15 : memref<!tpu.dma_semaphore, #tpu.memory_space<semaphore_mem>>) src(%arg6 : memref<168x128xf32, #tpu.memory_space<vmem>>) dst(%dma_wait3A_244 : memref<168x128xf32, #tpu.memory_space<hbm>>)
    %dma_wait3A_245 = arith.constant 168 : i32
    %dma_wait3A_246 = arith.constant 128 : i32
    %dma_wait3A_247 = tpu.memref_slice %arg3[%add3A_236, %dma_wait3A_245, %dma_wait3A_246] : memref<128x672x224xf32, #tpu.memory_space<hbm>> -> memref<1x168x96xf32, #tpu.memory_space<hbm>>
    %dma_wait3A_248 = tpu.memref_squeeze %dma_wait3A_247 : memref<1x168x96xf32, #tpu.memory_space<hbm>> -> memref<168x96xf32, #tpu.memory_space<hbm>>
    %dma_wait3A_249 = arith.constant 168 : i32
    %dma_wait3A_250 = arith.constant 128 : i32
    %dma_wait3A_251 = tpu.memref_slice %arg3[%add3A_236, %dma_wait3A_249, %dma_wait3A_250] : memref<128x672x224xf32, #tpu.memory_space<hbm>> -> memref<1x168x96xf32, #tpu.memory_space<hbm>>
    %dma_wait3A_252 = tpu.memref_squeeze %dma_wait3A_251 : memref<1x168x96xf32, #tpu.memory_space<hbm>> -> memref<168x96xf32, #tpu.memory_space<hbm>>
    tpu.wait_dma2 semaphore(%arg15 : memref<!tpu.dma_semaphore, #tpu.memory_space<semaphore_mem>>) src(%arg9 : memref<168x96xf32, #tpu.memory_space<vmem>>) dst(%dma_wait3A_252 : memref<168x96xf32, #tpu.memory_space<hbm>>)
    %eq3A_253 = arith.constant 0 : i32
    %eq3A_254 = arith.cmpi eq, %sub3A_61, %eq3A_253 : i32
    %convert_element_type3A_255 = arith.extui %eq3A_254 : i1 to i32
    %cond3A_256 = arith.constant 0 : i32
    %cond3A_257 = arith.cmpi ne, %convert_element_type3A_255, %cond3A_256 : i32
    scf.if %cond3A_257 {
      %dma_wait3A_1370 = arith.constant 168 : i32
      %dma_wait3A_1371 = arith.constant 0 : i32
      %dma_wait3A_1372 = tpu.memref_slice %arg4[%add3A, %dma_wait3A_1370, %dma_wait3A_1371] : memref<32x672x224xf32, #tpu.memory_space<hbm>> -> memref<1x168x128xf32, #tpu.memory_space<hbm>>
      %dma_wait3A_1373 = tpu.memref_squeeze %dma_wait3A_1372 : memref<1x168x128xf32, #tpu.memory_space<hbm>> -> memref<168x128xf32, #tpu.memory_space<hbm>>
      %dma_wait3A_1374 = arith.constant 168 : i32
      %dma_wait3A_1375 = arith.constant 0 : i32
      %dma_wait3A_1376 = tpu.memref_slice %arg4[%add3A, %dma_wait3A_1374, %dma_wait3A_1375] : memref<32x672x224xf32, #tpu.memory_space<hbm>> -> memref<1x168x128xf32, #tpu.memory_space<hbm>>
      %dma_wait3A_1377 = tpu.memref_squeeze %dma_wait3A_1376 : memref<1x168x128xf32, #tpu.memory_space<hbm>> -> memref<168x128xf32, #tpu.memory_space<hbm>>
      tpu.wait_dma2 semaphore(%arg18 : memref<!tpu.dma_semaphore, #tpu.memory_space<semaphore_mem>>) src(%arg6 : memref<168x128xf32, #tpu.memory_space<vmem>>) dst(%dma_wait3A_1377 : memref<168x128xf32, #tpu.memory_space<hbm>>)
      %dma_wait3A_1378 = arith.constant 168 : i32
      %dma_wait3A_1379 = arith.constant 128 : i32
      %dma_wait3A_1380 = tpu.memref_slice %arg4[%add3A, %dma_wait3A_1378, %dma_wait3A_1379] : memref<32x672x224xf32, #tpu.memory_space<hbm>> -> memref<1x168x96xf32, #tpu.memory_space<hbm>>
      %dma_wait3A_1381 = tpu.memref_squeeze %dma_wait3A_1380 : memref<1x168x96xf32, #tpu.memory_space<hbm>> -> memref<168x96xf32, #tpu.memory_space<hbm>>
      %dma_wait3A_1382 = arith.constant 168 : i32
      %dma_wait3A_1383 = arith.constant 128 : i32
      %dma_wait3A_1384 = tpu.memref_slice %arg4[%add3A, %dma_wait3A_1382, %dma_wait3A_1383] : memref<32x672x224xf32, #tpu.memory_space<hbm>> -> memref<1x168x96xf32, #tpu.memory_space<hbm>>
      %dma_wait3A_1385 = tpu.memref_squeeze %dma_wait3A_1384 : memref<1x168x96xf32, #tpu.memory_space<hbm>> -> memref<168x96xf32, #tpu.memory_space<hbm>>
      tpu.wait_dma2 semaphore(%arg18 : memref<!tpu.dma_semaphore, #tpu.memory_space<semaphore_mem>>) src(%arg9 : memref<168x96xf32, #tpu.memory_space<vmem>>) dst(%dma_wait3A_1385 : memref<168x96xf32, #tpu.memory_space<hbm>>)
    } else {
    }
    %add3A_258 = arith.constant 1 : i32
    %add3A_259 = arith.addi %mul3A_58, %add3A_258 : i32
    %dma_start3A_260 = arith.constant 0 : i32
    %dma_start3A_261 = arith.constant 0 : i32
    %dma_start3A_262 = tpu.memref_slice %arg2[%add3A_259, %dma_start3A_260, %dma_start3A_261] : memref<128x672x224xf32, #tpu.memory_space<hbm>> -> memref<1x168x128xf32, #tpu.memory_space<hbm>>
    %dma_start3A_263 = tpu.memref_squeeze %dma_start3A_262 : memref<1x168x128xf32, #tpu.memory_space<hbm>> -> memref<168x128xf32, #tpu.memory_space<hbm>>
    %dma_start3A_264 = arith.constant 0 : i32
    %dma_start3A_265 = arith.constant 0 : i32
    %dma_start3A_266 = tpu.memref_slice %arg2[%add3A_259, %dma_start3A_264, %dma_start3A_265] : memref<128x672x224xf32, #tpu.memory_space<hbm>> -> memref<1x168x128xf32, #tpu.memory_space<hbm>>
    %dma_start3A_267 = tpu.memref_squeeze %dma_start3A_266 : memref<1x168x128xf32, #tpu.memory_space<hbm>> -> memref<168x128xf32, #tpu.memory_space<hbm>>
    tpu.enqueue_dma source(%dma_start3A_267 : memref<168x128xf32, #tpu.memory_space<hbm>>) target(%arg6 : memref<168x128xf32, #tpu.memory_space<vmem>>) target_semaphore(%arg12 : memref<!tpu.dma_semaphore, #tpu.memory_space<semaphore_mem>>)
    %dma_start3A_268 = arith.constant 0 : i32
    %dma_start3A_269 = arith.constant 128 : i32
    %dma_start3A_270 = tpu.memref_slice %arg2[%add3A_259, %dma_start3A_268, %dma_start3A_269] : memref<128x672x224xf32, #tpu.memory_space<hbm>> -> memref<1x168x96xf32, #tpu.memory_space<hbm>>
    %dma_start3A_271 = tpu.memref_squeeze %dma_start3A_270 : memref<1x168x96xf32, #tpu.memory_space<hbm>> -> memref<168x96xf32, #tpu.memory_space<hbm>>
    %dma_start3A_272 = arith.constant 0 : i32
    %dma_start3A_273 = arith.constant 128 : i32
    %dma_start3A_274 = tpu.memref_slice %arg2[%add3A_259, %dma_start3A_272, %dma_start3A_273] : memref<128x672x224xf32, #tpu.memory_space<hbm>> -> memref<1x168x96xf32, #tpu.memory_space<hbm>>
    %dma_start3A_275 = tpu.memref_squeeze %dma_start3A_274 : memref<1x168x96xf32, #tpu.memory_space<hbm>> -> memref<168x96xf32, #tpu.memory_space<hbm>>
    tpu.enqueue_dma source(%dma_start3A_275 : memref<168x96xf32, #tpu.memory_space<hbm>>) target(%arg9 : memref<168x96xf32, #tpu.memory_space<vmem>>) target_semaphore(%arg12 : memref<!tpu.dma_semaphore, #tpu.memory_space<semaphore_mem>>)
    %add3A_276 = arith.constant 0 : i32
    %add3A_277 = arith.addi %mul3A_58, %add3A_276 : i32
    %dma_wait3A_278 = arith.constant 336 : i32
    %dma_wait3A_279 = arith.constant 0 : i32
    %dma_wait3A_280 = tpu.memref_slice %arg2[%add3A_277, %dma_wait3A_278, %dma_wait3A_279] : memref<128x672x224xf32, #tpu.memory_space<hbm>> -> memref<1x168x128xf32, #tpu.memory_space<hbm>>
    %dma_wait3A_281 = tpu.memref_squeeze %dma_wait3A_280 : memref<1x168x128xf32, #tpu.memory_space<hbm>> -> memref<168x128xf32, #tpu.memory_space<hbm>>
    %dma_wait3A_282 = arith.constant 336 : i32
    %dma_wait3A_283 = arith.constant 0 : i32
    %dma_wait3A_284 = tpu.memref_slice %arg2[%add3A_277, %dma_wait3A_282, %dma_wait3A_283] : memref<128x672x224xf32, #tpu.memory_space<hbm>> -> memref<1x168x128xf32, #tpu.memory_space<hbm>>
    %dma_wait3A_285 = tpu.memref_squeeze %dma_wait3A_284 : memref<1x168x128xf32, #tpu.memory_space<hbm>> -> memref<168x128xf32, #tpu.memory_space<hbm>>
    tpu.wait_dma2 semaphore(%arg13 : memref<!tpu.dma_semaphore, #tpu.memory_space<semaphore_mem>>) src(%dma_wait3A_285 : memref<168x128xf32, #tpu.memory_space<hbm>>) dst(%arg7 : memref<168x128xf32, #tpu.memory_space<vmem>>)
    %dma_wait3A_286 = arith.constant 336 : i32
    %dma_wait3A_287 = arith.constant 128 : i32
    %dma_wait3A_288 = tpu.memref_slice %arg2[%add3A_277, %dma_wait3A_286, %dma_wait3A_287] : memref<128x672x224xf32, #tpu.memory_space<hbm>> -> memref<1x168x96xf32, #tpu.memory_space<hbm>>
    %dma_wait3A_289 = tpu.memref_squeeze %dma_wait3A_288 : memref<1x168x96xf32, #tpu.memory_space<hbm>> -> memref<168x96xf32, #tpu.memory_space<hbm>>
    %dma_wait3A_290 = arith.constant 336 : i32
    %dma_wait3A_291 = arith.constant 128 : i32
    %dma_wait3A_292 = tpu.memref_slice %arg2[%add3A_277, %dma_wait3A_290, %dma_wait3A_291] : memref<128x672x224xf32, #tpu.memory_space<hbm>> -> memref<1x168x96xf32, #tpu.memory_space<hbm>>
    %dma_wait3A_293 = tpu.memref_squeeze %dma_wait3A_292 : memref<1x168x96xf32, #tpu.memory_space<hbm>> -> memref<168x96xf32, #tpu.memory_space<hbm>>
    tpu.wait_dma2 semaphore(%arg13 : memref<!tpu.dma_semaphore, #tpu.memory_space<semaphore_mem>>) src(%dma_wait3A_293 : memref<168x96xf32, #tpu.memory_space<hbm>>) dst(%arg10 : memref<168x96xf32, #tpu.memory_space<vmem>>)
    %add3A_294 = arith.constant 0 : i32
    %add3A_295 = arith.addi %mul3A_58, %add3A_294 : i32
    %dma_start3A_296 = arith.constant 336 : i32
    %dma_start3A_297 = arith.constant 0 : i32
    %dma_start3A_298 = tpu.memref_slice %arg3[%add3A_295, %dma_start3A_296, %dma_start3A_297] : memref<128x672x224xf32, #tpu.memory_space<hbm>> -> memref<1x168x128xf32, #tpu.memory_space<hbm>>
    %dma_start3A_299 = tpu.memref_squeeze %dma_start3A_298 : memref<1x168x128xf32, #tpu.memory_space<hbm>> -> memref<168x128xf32, #tpu.memory_space<hbm>>
    %dma_start3A_300 = arith.constant 336 : i32
    %dma_start3A_301 = arith.constant 0 : i32
    %dma_start3A_302 = tpu.memref_slice %arg3[%add3A_295, %dma_start3A_300, %dma_start3A_301] : memref<128x672x224xf32, #tpu.memory_space<hbm>> -> memref<1x168x128xf32, #tpu.memory_space<hbm>>
    %dma_start3A_303 = tpu.memref_squeeze %dma_start3A_302 : memref<1x168x128xf32, #tpu.memory_space<hbm>> -> memref<168x128xf32, #tpu.memory_space<hbm>>
    tpu.enqueue_dma source(%arg7 : memref<168x128xf32, #tpu.memory_space<vmem>>) target(%dma_start3A_303 : memref<168x128xf32, #tpu.memory_space<hbm>>) target_semaphore(%arg16 : memref<!tpu.dma_semaphore, #tpu.memory_space<semaphore_mem>>)
    %dma_start3A_304 = arith.constant 336 : i32
    %dma_start3A_305 = arith.constant 128 : i32
    %dma_start3A_306 = tpu.memref_slice %arg3[%add3A_295, %dma_start3A_304, %dma_start3A_305] : memref<128x672x224xf32, #tpu.memory_space<hbm>> -> memref<1x168x96xf32, #tpu.memory_space<hbm>>
    %dma_start3A_307 = tpu.memref_squeeze %dma_start3A_306 : memref<1x168x96xf32, #tpu.memory_space<hbm>> -> memref<168x96xf32, #tpu.memory_space<hbm>>
    %dma_start3A_308 = arith.constant 336 : i32
    %dma_start3A_309 = arith.constant 128 : i32
    %dma_start3A_310 = tpu.memref_slice %arg3[%add3A_295, %dma_start3A_308, %dma_start3A_309] : memref<128x672x224xf32, #tpu.memory_space<hbm>> -> memref<1x168x96xf32, #tpu.memory_space<hbm>>
    %dma_start3A_311 = tpu.memref_squeeze %dma_start3A_310 : memref<1x168x96xf32, #tpu.memory_space<hbm>> -> memref<168x96xf32, #tpu.memory_space<hbm>>
    tpu.enqueue_dma source(%arg10 : memref<168x96xf32, #tpu.memory_space<vmem>>) target(%dma_start3A_311 : memref<168x96xf32, #tpu.memory_space<hbm>>) target_semaphore(%arg16 : memref<!tpu.dma_semaphore, #tpu.memory_space<semaphore_mem>>)
    %eq3A_312 = arith.constant 0 : i32
    %eq3A_313 = arith.cmpi eq, %sub3A_61, %eq3A_312 : i32
    %convert_element_type3A_314 = arith.extui %eq3A_313 : i1 to i32
    %cond3A_315 = arith.constant 0 : i32
    %cond3A_316 = arith.cmpi ne, %convert_element_type3A_314, %cond3A_315 : i32
    scf.if %cond3A_316 {
      %dma_start3A_1370 = arith.constant 336 : i32
      %dma_start3A_1371 = arith.constant 0 : i32
      %dma_start3A_1372 = tpu.memref_slice %arg4[%add3A, %dma_start3A_1370, %dma_start3A_1371] : memref<32x672x224xf32, #tpu.memory_space<hbm>> -> memref<1x168x128xf32, #tpu.memory_space<hbm>>
      %dma_start3A_1373 = tpu.memref_squeeze %dma_start3A_1372 : memref<1x168x128xf32, #tpu.memory_space<hbm>> -> memref<168x128xf32, #tpu.memory_space<hbm>>
      %dma_start3A_1374 = arith.constant 336 : i32
      %dma_start3A_1375 = arith.constant 0 : i32
      %dma_start3A_1376 = tpu.memref_slice %arg4[%add3A, %dma_start3A_1374, %dma_start3A_1375] : memref<32x672x224xf32, #tpu.memory_space<hbm>> -> memref<1x168x128xf32, #tpu.memory_space<hbm>>
      %dma_start3A_1377 = tpu.memref_squeeze %dma_start3A_1376 : memref<1x168x128xf32, #tpu.memory_space<hbm>> -> memref<168x128xf32, #tpu.memory_space<hbm>>
      tpu.enqueue_dma source(%arg7 : memref<168x128xf32, #tpu.memory_space<vmem>>) target(%dma_start3A_1377 : memref<168x128xf32, #tpu.memory_space<hbm>>) target_semaphore(%arg19 : memref<!tpu.dma_semaphore, #tpu.memory_space<semaphore_mem>>)
      %dma_start3A_1378 = arith.constant 336 : i32
      %dma_start3A_1379 = arith.constant 128 : i32
      %dma_start3A_1380 = tpu.memref_slice %arg4[%add3A, %dma_start3A_1378, %dma_start3A_1379] : memref<32x672x224xf32, #tpu.memory_space<hbm>> -> memref<1x168x96xf32, #tpu.memory_space<hbm>>
      %dma_start3A_1381 = tpu.memref_squeeze %dma_start3A_1380 : memref<1x168x96xf32, #tpu.memory_space<hbm>> -> memref<168x96xf32, #tpu.memory_space<hbm>>
      %dma_start3A_1382 = arith.constant 336 : i32
      %dma_start3A_1383 = arith.constant 128 : i32
      %dma_start3A_1384 = tpu.memref_slice %arg4[%add3A, %dma_start3A_1382, %dma_start3A_1383] : memref<32x672x224xf32, #tpu.memory_space<hbm>> -> memref<1x168x96xf32, #tpu.memory_space<hbm>>
      %dma_start3A_1385 = tpu.memref_squeeze %dma_start3A_1384 : memref<1x168x96xf32, #tpu.memory_space<hbm>> -> memref<168x96xf32, #tpu.memory_space<hbm>>
      tpu.enqueue_dma source(%arg10 : memref<168x96xf32, #tpu.memory_space<vmem>>) target(%dma_start3A_1385 : memref<168x96xf32, #tpu.memory_space<hbm>>) target_semaphore(%arg19 : memref<!tpu.dma_semaphore, #tpu.memory_space<semaphore_mem>>)
    } else {
    }
    %add3A_317 = arith.constant 0 : i32
    %add3A_318 = arith.addi %mul3A_58, %add3A_317 : i32
    %dma_wait3A_319 = arith.constant 336 : i32
    %dma_wait3A_320 = arith.constant 0 : i32
    %dma_wait3A_321 = tpu.memref_slice %arg3[%add3A_318, %dma_wait3A_319, %dma_wait3A_320] : memref<128x672x224xf32, #tpu.memory_space<hbm>> -> memref<1x168x128xf32, #tpu.memory_space<hbm>>
    %dma_wait3A_322 = tpu.memref_squeeze %dma_wait3A_321 : memref<1x168x128xf32, #tpu.memory_space<hbm>> -> memref<168x128xf32, #tpu.memory_space<hbm>>
    %dma_wait3A_323 = arith.constant 336 : i32
    %dma_wait3A_324 = arith.constant 0 : i32
    %dma_wait3A_325 = tpu.memref_slice %arg3[%add3A_318, %dma_wait3A_323, %dma_wait3A_324] : memref<128x672x224xf32, #tpu.memory_space<hbm>> -> memref<1x168x128xf32, #tpu.memory_space<hbm>>
    %dma_wait3A_326 = tpu.memref_squeeze %dma_wait3A_325 : memref<1x168x128xf32, #tpu.memory_space<hbm>> -> memref<168x128xf32, #tpu.memory_space<hbm>>
    tpu.wait_dma2 semaphore(%arg16 : memref<!tpu.dma_semaphore, #tpu.memory_space<semaphore_mem>>) src(%arg7 : memref<168x128xf32, #tpu.memory_space<vmem>>) dst(%dma_wait3A_326 : memref<168x128xf32, #tpu.memory_space<hbm>>)
    %dma_wait3A_327 = arith.constant 336 : i32
    %dma_wait3A_328 = arith.constant 128 : i32
    %dma_wait3A_329 = tpu.memref_slice %arg3[%add3A_318, %dma_wait3A_327, %dma_wait3A_328] : memref<128x672x224xf32, #tpu.memory_space<hbm>> -> memref<1x168x96xf32, #tpu.memory_space<hbm>>
    %dma_wait3A_330 = tpu.memref_squeeze %dma_wait3A_329 : memref<1x168x96xf32, #tpu.memory_space<hbm>> -> memref<168x96xf32, #tpu.memory_space<hbm>>
    %dma_wait3A_331 = arith.constant 336 : i32
    %dma_wait3A_332 = arith.constant 128 : i32
    %dma_wait3A_333 = tpu.memref_slice %arg3[%add3A_318, %dma_wait3A_331, %dma_wait3A_332] : memref<128x672x224xf32, #tpu.memory_space<hbm>> -> memref<1x168x96xf32, #tpu.memory_space<hbm>>
    %dma_wait3A_334 = tpu.memref_squeeze %dma_wait3A_333 : memref<1x168x96xf32, #tpu.memory_space<hbm>> -> memref<168x96xf32, #tpu.memory_space<hbm>>
    tpu.wait_dma2 semaphore(%arg16 : memref<!tpu.dma_semaphore, #tpu.memory_space<semaphore_mem>>) src(%arg10 : memref<168x96xf32, #tpu.memory_space<vmem>>) dst(%dma_wait3A_334 : memref<168x96xf32, #tpu.memory_space<hbm>>)
    %eq3A_335 = arith.constant 0 : i32
    %eq3A_336 = arith.cmpi eq, %sub3A_61, %eq3A_335 : i32
    %convert_element_type3A_337 = arith.extui %eq3A_336 : i1 to i32
    %cond3A_338 = arith.constant 0 : i32
    %cond3A_339 = arith.cmpi ne, %convert_element_type3A_337, %cond3A_338 : i32
    scf.if %cond3A_339 {
      %dma_wait3A_1370 = arith.constant 336 : i32
      %dma_wait3A_1371 = arith.constant 0 : i32
      %dma_wait3A_1372 = tpu.memref_slice %arg4[%add3A, %dma_wait3A_1370, %dma_wait3A_1371] : memref<32x672x224xf32, #tpu.memory_space<hbm>> -> memref<1x168x128xf32, #tpu.memory_space<hbm>>
      %dma_wait3A_1373 = tpu.memref_squeeze %dma_wait3A_1372 : memref<1x168x128xf32, #tpu.memory_space<hbm>> -> memref<168x128xf32, #tpu.memory_space<hbm>>
      %dma_wait3A_1374 = arith.constant 336 : i32
      %dma_wait3A_1375 = arith.constant 0 : i32
      %dma_wait3A_1376 = tpu.memref_slice %arg4[%add3A, %dma_wait3A_1374, %dma_wait3A_1375] : memref<32x672x224xf32, #tpu.memory_space<hbm>> -> memref<1x168x128xf32, #tpu.memory_space<hbm>>
      %dma_wait3A_1377 = tpu.memref_squeeze %dma_wait3A_1376 : memref<1x168x128xf32, #tpu.memory_space<hbm>> -> memref<168x128xf32, #tpu.memory_space<hbm>>
      tpu.wait_dma2 semaphore(%arg19 : memref<!tpu.dma_semaphore, #tpu.memory_space<semaphore_mem>>) src(%arg7 : memref<168x128xf32, #tpu.memory_space<vmem>>) dst(%dma_wait3A_1377 : memref<168x128xf32, #tpu.memory_space<hbm>>)
      %dma_wait3A_1378 = arith.constant 336 : i32
      %dma_wait3A_1379 = arith.constant 128 : i32
      %dma_wait3A_1380 = tpu.memref_slice %arg4[%add3A, %dma_wait3A_1378, %dma_wait3A_1379] : memref<32x672x224xf32, #tpu.memory_space<hbm>> -> memref<1x168x96xf32, #tpu.memory_space<hbm>>
      %dma_wait3A_1381 = tpu.memref_squeeze %dma_wait3A_1380 : memref<1x168x96xf32, #tpu.memory_space<hbm>> -> memref<168x96xf32, #tpu.memory_space<hbm>>
      %dma_wait3A_1382 = arith.constant 336 : i32
      %dma_wait3A_1383 = arith.constant 128 : i32
      %dma_wait3A_1384 = tpu.memref_slice %arg4[%add3A, %dma_wait3A_1382, %dma_wait3A_1383] : memref<32x672x224xf32, #tpu.memory_space<hbm>> -> memref<1x168x96xf32, #tpu.memory_space<hbm>>
      %dma_wait3A_1385 = tpu.memref_squeeze %dma_wait3A_1384 : memref<1x168x96xf32, #tpu.memory_space<hbm>> -> memref<168x96xf32, #tpu.memory_space<hbm>>
      tpu.wait_dma2 semaphore(%arg19 : memref<!tpu.dma_semaphore, #tpu.memory_space<semaphore_mem>>) src(%arg10 : memref<168x96xf32, #tpu.memory_space<vmem>>) dst(%dma_wait3A_1385 : memref<168x96xf32, #tpu.memory_space<hbm>>)
    } else {
    }
    %add3A_340 = arith.constant 1 : i32
    %add3A_341 = arith.addi %mul3A_58, %add3A_340 : i32
    %dma_start3A_342 = arith.constant 168 : i32
    %dma_start3A_343 = arith.constant 0 : i32
    %dma_start3A_344 = tpu.memref_slice %arg2[%add3A_341, %dma_start3A_342, %dma_start3A_343] : memref<128x672x224xf32, #tpu.memory_space<hbm>> -> memref<1x168x128xf32, #tpu.memory_space<hbm>>
    %dma_start3A_345 = tpu.memref_squeeze %dma_start3A_344 : memref<1x168x128xf32, #tpu.memory_space<hbm>> -> memref<168x128xf32, #tpu.memory_space<hbm>>
    %dma_start3A_346 = arith.constant 168 : i32
    %dma_start3A_347 = arith.constant 0 : i32
    %dma_start3A_348 = tpu.memref_slice %arg2[%add3A_341, %dma_start3A_346, %dma_start3A_347] : memref<128x672x224xf32, #tpu.memory_space<hbm>> -> memref<1x168x128xf32, #tpu.memory_space<hbm>>
    %dma_start3A_349 = tpu.memref_squeeze %dma_start3A_348 : memref<1x168x128xf32, #tpu.memory_space<hbm>> -> memref<168x128xf32, #tpu.memory_space<hbm>>
    tpu.enqueue_dma source(%dma_start3A_349 : memref<168x128xf32, #tpu.memory_space<hbm>>) target(%arg7 : memref<168x128xf32, #tpu.memory_space<vmem>>) target_semaphore(%arg13 : memref<!tpu.dma_semaphore, #tpu.memory_space<semaphore_mem>>)
    %dma_start3A_350 = arith.constant 168 : i32
    %dma_start3A_351 = arith.constant 128 : i32
    %dma_start3A_352 = tpu.memref_slice %arg2[%add3A_341, %dma_start3A_350, %dma_start3A_351] : memref<128x672x224xf32, #tpu.memory_space<hbm>> -> memref<1x168x96xf32, #tpu.memory_space<hbm>>
    %dma_start3A_353 = tpu.memref_squeeze %dma_start3A_352 : memref<1x168x96xf32, #tpu.memory_space<hbm>> -> memref<168x96xf32, #tpu.memory_space<hbm>>
    %dma_start3A_354 = arith.constant 168 : i32
    %dma_start3A_355 = arith.constant 128 : i32
    %dma_start3A_356 = tpu.memref_slice %arg2[%add3A_341, %dma_start3A_354, %dma_start3A_355] : memref<128x672x224xf32, #tpu.memory_space<hbm>> -> memref<1x168x96xf32, #tpu.memory_space<hbm>>
    %dma_start3A_357 = tpu.memref_squeeze %dma_start3A_356 : memref<1x168x96xf32, #tpu.memory_space<hbm>> -> memref<168x96xf32, #tpu.memory_space<hbm>>
    tpu.enqueue_dma source(%dma_start3A_357 : memref<168x96xf32, #tpu.memory_space<hbm>>) target(%arg10 : memref<168x96xf32, #tpu.memory_space<vmem>>) target_semaphore(%arg13 : memref<!tpu.dma_semaphore, #tpu.memory_space<semaphore_mem>>)
    %add3A_358 = arith.constant 0 : i32
    %add3A_359 = arith.addi %mul3A_58, %add3A_358 : i32
    %dma_wait3A_360 = arith.constant 504 : i32
    %dma_wait3A_361 = arith.constant 0 : i32
    %dma_wait3A_362 = tpu.memref_slice %arg2[%add3A_359, %dma_wait3A_360, %dma_wait3A_361] : memref<128x672x224xf32, #tpu.memory_space<hbm>> -> memref<1x168x128xf32, #tpu.memory_space<hbm>>
    %dma_wait3A_363 = tpu.memref_squeeze %dma_wait3A_362 : memref<1x168x128xf32, #tpu.memory_space<hbm>> -> memref<168x128xf32, #tpu.memory_space<hbm>>
    %dma_wait3A_364 = arith.constant 504 : i32
    %dma_wait3A_365 = arith.constant 0 : i32
    %dma_wait3A_366 = tpu.memref_slice %arg2[%add3A_359, %dma_wait3A_364, %dma_wait3A_365] : memref<128x672x224xf32, #tpu.memory_space<hbm>> -> memref<1x168x128xf32, #tpu.memory_space<hbm>>
    %dma_wait3A_367 = tpu.memref_squeeze %dma_wait3A_366 : memref<1x168x128xf32, #tpu.memory_space<hbm>> -> memref<168x128xf32, #tpu.memory_space<hbm>>
    tpu.wait_dma2 semaphore(%arg11 : memref<!tpu.dma_semaphore, #tpu.memory_space<semaphore_mem>>) src(%dma_wait3A_367 : memref<168x128xf32, #tpu.memory_space<hbm>>) dst(%arg5 : memref<168x128xf32, #tpu.memory_space<vmem>>)
    %dma_wait3A_368 = arith.constant 504 : i32
    %dma_wait3A_369 = arith.constant 128 : i32
    %dma_wait3A_370 = tpu.memref_slice %arg2[%add3A_359, %dma_wait3A_368, %dma_wait3A_369] : memref<128x672x224xf32, #tpu.memory_space<hbm>> -> memref<1x168x96xf32, #tpu.memory_space<hbm>>
    %dma_wait3A_371 = tpu.memref_squeeze %dma_wait3A_370 : memref<1x168x96xf32, #tpu.memory_space<hbm>> -> memref<168x96xf32, #tpu.memory_space<hbm>>
    %dma_wait3A_372 = arith.constant 504 : i32
    %dma_wait3A_373 = arith.constant 128 : i32
    %dma_wait3A_374 = tpu.memref_slice %arg2[%add3A_359, %dma_wait3A_372, %dma_wait3A_373] : memref<128x672x224xf32, #tpu.memory_space<hbm>> -> memref<1x168x96xf32, #tpu.memory_space<hbm>>
    %dma_wait3A_375 = tpu.memref_squeeze %dma_wait3A_374 : memref<1x168x96xf32, #tpu.memory_space<hbm>> -> memref<168x96xf32, #tpu.memory_space<hbm>>
    tpu.wait_dma2 semaphore(%arg11 : memref<!tpu.dma_semaphore, #tpu.memory_space<semaphore_mem>>) src(%dma_wait3A_375 : memref<168x96xf32, #tpu.memory_space<hbm>>) dst(%arg8 : memref<168x96xf32, #tpu.memory_space<vmem>>)
    %add3A_376 = arith.constant 0 : i32
    %add3A_377 = arith.addi %mul3A_58, %add3A_376 : i32
    %dma_start3A_378 = arith.constant 504 : i32
    %dma_start3A_379 = arith.constant 0 : i32
    %dma_start3A_380 = tpu.memref_slice %arg3[%add3A_377, %dma_start3A_378, %dma_start3A_379] : memref<128x672x224xf32, #tpu.memory_space<hbm>> -> memref<1x168x128xf32, #tpu.memory_space<hbm>>
    %dma_start3A_381 = tpu.memref_squeeze %dma_start3A_380 : memref<1x168x128xf32, #tpu.memory_space<hbm>> -> memref<168x128xf32, #tpu.memory_space<hbm>>
    %dma_start3A_382 = arith.constant 504 : i32
    %dma_start3A_383 = arith.constant 0 : i32
    %dma_start3A_384 = tpu.memref_slice %arg3[%add3A_377, %dma_start3A_382, %dma_start3A_383] : memref<128x672x224xf32, #tpu.memory_space<hbm>> -> memref<1x168x128xf32, #tpu.memory_space<hbm>>
    %dma_start3A_385 = tpu.memref_squeeze %dma_start3A_384 : memref<1x168x128xf32, #tpu.memory_space<hbm>> -> memref<168x128xf32, #tpu.memory_space<hbm>>
    tpu.enqueue_dma source(%arg5 : memref<168x128xf32, #tpu.memory_space<vmem>>) target(%dma_start3A_385 : memref<168x128xf32, #tpu.memory_space<hbm>>) target_semaphore(%arg14 : memref<!tpu.dma_semaphore, #tpu.memory_space<semaphore_mem>>)
    %dma_start3A_386 = arith.constant 504 : i32
    %dma_start3A_387 = arith.constant 128 : i32
    %dma_start3A_388 = tpu.memref_slice %arg3[%add3A_377, %dma_start3A_386, %dma_start3A_387] : memref<128x672x224xf32, #tpu.memory_space<hbm>> -> memref<1x168x96xf32, #tpu.memory_space<hbm>>
    %dma_start3A_389 = tpu.memref_squeeze %dma_start3A_388 : memref<1x168x96xf32, #tpu.memory_space<hbm>> -> memref<168x96xf32, #tpu.memory_space<hbm>>
    %dma_start3A_390 = arith.constant 504 : i32
    %dma_start3A_391 = arith.constant 128 : i32
    %dma_start3A_392 = tpu.memref_slice %arg3[%add3A_377, %dma_start3A_390, %dma_start3A_391] : memref<128x672x224xf32, #tpu.memory_space<hbm>> -> memref<1x168x96xf32, #tpu.memory_space<hbm>>
    %dma_start3A_393 = tpu.memref_squeeze %dma_start3A_392 : memref<1x168x96xf32, #tpu.memory_space<hbm>> -> memref<168x96xf32, #tpu.memory_space<hbm>>
    tpu.enqueue_dma source(%arg8 : memref<168x96xf32, #tpu.memory_space<vmem>>) target(%dma_start3A_393 : memref<168x96xf32, #tpu.memory_space<hbm>>) target_semaphore(%arg14 : memref<!tpu.dma_semaphore, #tpu.memory_space<semaphore_mem>>)
    %eq3A_394 = arith.constant 0 : i32
    %eq3A_395 = arith.cmpi eq, %sub3A_61, %eq3A_394 : i32
    %convert_element_type3A_396 = arith.extui %eq3A_395 : i1 to i32
    %cond3A_397 = arith.constant 0 : i32
    %cond3A_398 = arith.cmpi ne, %convert_element_type3A_396, %cond3A_397 : i32
    scf.if %cond3A_398 {
      %dma_start3A_1370 = arith.constant 504 : i32
      %dma_start3A_1371 = arith.constant 0 : i32
      %dma_start3A_1372 = tpu.memref_slice %arg4[%add3A, %dma_start3A_1370, %dma_start3A_1371] : memref<32x672x224xf32, #tpu.memory_space<hbm>> -> memref<1x168x128xf32, #tpu.memory_space<hbm>>
      %dma_start3A_1373 = tpu.memref_squeeze %dma_start3A_1372 : memref<1x168x128xf32, #tpu.memory_space<hbm>> -> memref<168x128xf32, #tpu.memory_space<hbm>>
      %dma_start3A_1374 = arith.constant 504 : i32
      %dma_start3A_1375 = arith.constant 0 : i32
      %dma_start3A_1376 = tpu.memref_slice %arg4[%add3A, %dma_start3A_1374, %dma_start3A_1375] : memref<32x672x224xf32, #tpu.memory_space<hbm>> -> memref<1x168x128xf32, #tpu.memory_space<hbm>>
      %dma_start3A_1377 = tpu.memref_squeeze %dma_start3A_1376 : memref<1x168x128xf32, #tpu.memory_space<hbm>> -> memref<168x128xf32, #tpu.memory_space<hbm>>
      tpu.enqueue_dma source(%arg5 : memref<168x128xf32, #tpu.memory_space<vmem>>) target(%dma_start3A_1377 : memref<168x128xf32, #tpu.memory_space<hbm>>) target_semaphore(%arg17 : memref<!tpu.dma_semaphore, #tpu.memory_space<semaphore_mem>>)
      %dma_start3A_1378 = arith.constant 504 : i32
      %dma_start3A_1379 = arith.constant 128 : i32
      %dma_start3A_1380 = tpu.memref_slice %arg4[%add3A, %dma_start3A_1378, %dma_start3A_1379] : memref<32x672x224xf32, #tpu.memory_space<hbm>> -> memref<1x168x96xf32, #tpu.memory_space<hbm>>
      %dma_start3A_1381 = tpu.memref_squeeze %dma_start3A_1380 : memref<1x168x96xf32, #tpu.memory_space<hbm>> -> memref<168x96xf32, #tpu.memory_space<hbm>>
      %dma_start3A_1382 = arith.constant 504 : i32
      %dma_start3A_1383 = arith.constant 128 : i32
      %dma_start3A_1384 = tpu.memref_slice %arg4[%add3A, %dma_start3A_1382, %dma_start3A_1383] : memref<32x672x224xf32, #tpu.memory_space<hbm>> -> memref<1x168x96xf32, #tpu.memory_space<hbm>>
      %dma_start3A_1385 = tpu.memref_squeeze %dma_start3A_1384 : memref<1x168x96xf32, #tpu.memory_space<hbm>> -> memref<168x96xf32, #tpu.memory_space<hbm>>
      tpu.enqueue_dma source(%arg8 : memref<168x96xf32, #tpu.memory_space<vmem>>) target(%dma_start3A_1385 : memref<168x96xf32, #tpu.memory_space<hbm>>) target_semaphore(%arg17 : memref<!tpu.dma_semaphore, #tpu.memory_space<semaphore_mem>>)
    } else {
    }
    %add3A_399 = arith.constant 0 : i32
    %add3A_400 = arith.addi %mul3A_58, %add3A_399 : i32
    %dma_wait3A_401 = arith.constant 504 : i32
    %dma_wait3A_402 = arith.constant 0 : i32
    %dma_wait3A_403 = tpu.memref_slice %arg3[%add3A_400, %dma_wait3A_401, %dma_wait3A_402] : memref<128x672x224xf32, #tpu.memory_space<hbm>> -> memref<1x168x128xf32, #tpu.memory_space<hbm>>
    %dma_wait3A_404 = tpu.memref_squeeze %dma_wait3A_403 : memref<1x168x128xf32, #tpu.memory_space<hbm>> -> memref<168x128xf32, #tpu.memory_space<hbm>>
    %dma_wait3A_405 = arith.constant 504 : i32
    %dma_wait3A_406 = arith.constant 0 : i32
    %dma_wait3A_407 = tpu.memref_slice %arg3[%add3A_400, %dma_wait3A_405, %dma_wait3A_406] : memref<128x672x224xf32, #tpu.memory_space<hbm>> -> memref<1x168x128xf32, #tpu.memory_space<hbm>>
    %dma_wait3A_408 = tpu.memref_squeeze %dma_wait3A_407 : memref<1x168x128xf32, #tpu.memory_space<hbm>> -> memref<168x128xf32, #tpu.memory_space<hbm>>
    tpu.wait_dma2 semaphore(%arg14 : memref<!tpu.dma_semaphore, #tpu.memory_space<semaphore_mem>>) src(%arg5 : memref<168x128xf32, #tpu.memory_space<vmem>>) dst(%dma_wait3A_408 : memref<168x128xf32, #tpu.memory_space<hbm>>)
    %dma_wait3A_409 = arith.constant 504 : i32
    %dma_wait3A_410 = arith.constant 128 : i32
    %dma_wait3A_411 = tpu.memref_slice %arg3[%add3A_400, %dma_wait3A_409, %dma_wait3A_410] : memref<128x672x224xf32, #tpu.memory_space<hbm>> -> memref<1x168x96xf32, #tpu.memory_space<hbm>>
    %dma_wait3A_412 = tpu.memref_squeeze %dma_wait3A_411 : memref<1x168x96xf32, #tpu.memory_space<hbm>> -> memref<168x96xf32, #tpu.memory_space<hbm>>
    %dma_wait3A_413 = arith.constant 504 : i32
    %dma_wait3A_414 = arith.constant 128 : i32
    %dma_wait3A_415 = tpu.memref_slice %arg3[%add3A_400, %dma_wait3A_413, %dma_wait3A_414] : memref<128x672x224xf32, #tpu.memory_space<hbm>> -> memref<1x168x96xf32, #tpu.memory_space<hbm>>
    %dma_wait3A_416 = tpu.memref_squeeze %dma_wait3A_415 : memref<1x168x96xf32, #tpu.memory_space<hbm>> -> memref<168x96xf32, #tpu.memory_space<hbm>>
    tpu.wait_dma2 semaphore(%arg14 : memref<!tpu.dma_semaphore, #tpu.memory_space<semaphore_mem>>) src(%arg8 : memref<168x96xf32, #tpu.memory_space<vmem>>) dst(%dma_wait3A_416 : memref<168x96xf32, #tpu.memory_space<hbm>>)
    %eq3A_417 = arith.constant 0 : i32
    %eq3A_418 = arith.cmpi eq, %sub3A_61, %eq3A_417 : i32
    %convert_element_type3A_419 = arith.extui %eq3A_418 : i1 to i32
    %cond3A_420 = arith.constant 0 : i32
    %cond3A_421 = arith.cmpi ne, %convert_element_type3A_419, %cond3A_420 : i32
    scf.if %cond3A_421 {
      %dma_wait3A_1370 = arith.constant 504 : i32
      %dma_wait3A_1371 = arith.constant 0 : i32
      %dma_wait3A_1372 = tpu.memref_slice %arg4[%add3A, %dma_wait3A_1370, %dma_wait3A_1371] : memref<32x672x224xf32, #tpu.memory_space<hbm>> -> memref<1x168x128xf32, #tpu.memory_space<hbm>>
      %dma_wait3A_1373 = tpu.memref_squeeze %dma_wait3A_1372 : memref<1x168x128xf32, #tpu.memory_space<hbm>> -> memref<168x128xf32, #tpu.memory_space<hbm>>
      %dma_wait3A_1374 = arith.constant 504 : i32
      %dma_wait3A_1375 = arith.constant 0 : i32
      %dma_wait3A_1376 = tpu.memref_slice %arg4[%add3A, %dma_wait3A_1374, %dma_wait3A_1375] : memref<32x672x224xf32, #tpu.memory_space<hbm>> -> memref<1x168x128xf32, #tpu.memory_space<hbm>>
      %dma_wait3A_1377 = tpu.memref_squeeze %dma_wait3A_1376 : memref<1x168x128xf32, #tpu.memory_space<hbm>> -> memref<168x128xf32, #tpu.memory_space<hbm>>
      tpu.wait_dma2 semaphore(%arg17 : memref<!tpu.dma_semaphore, #tpu.memory_space<semaphore_mem>>) src(%arg5 : memref<168x128xf32, #tpu.memory_space<vmem>>) dst(%dma_wait3A_1377 : memref<168x128xf32, #tpu.memory_space<hbm>>)
      %dma_wait3A_1378 = arith.constant 504 : i32
      %dma_wait3A_1379 = arith.constant 128 : i32
      %dma_wait3A_1380 = tpu.memref_slice %arg4[%add3A, %dma_wait3A_1378, %dma_wait3A_1379] : memref<32x672x224xf32, #tpu.memory_space<hbm>> -> memref<1x168x96xf32, #tpu.memory_space<hbm>>
      %dma_wait3A_1381 = tpu.memref_squeeze %dma_wait3A_1380 : memref<1x168x96xf32, #tpu.memory_space<hbm>> -> memref<168x96xf32, #tpu.memory_space<hbm>>
      %dma_wait3A_1382 = arith.constant 504 : i32
      %dma_wait3A_1383 = arith.constant 128 : i32
      %dma_wait3A_1384 = tpu.memref_slice %arg4[%add3A, %dma_wait3A_1382, %dma_wait3A_1383] : memref<32x672x224xf32, #tpu.memory_space<hbm>> -> memref<1x168x96xf32, #tpu.memory_space<hbm>>
      %dma_wait3A_1385 = tpu.memref_squeeze %dma_wait3A_1384 : memref<1x168x96xf32, #tpu.memory_space<hbm>> -> memref<168x96xf32, #tpu.memory_space<hbm>>
      tpu.wait_dma2 semaphore(%arg17 : memref<!tpu.dma_semaphore, #tpu.memory_space<semaphore_mem>>) src(%arg8 : memref<168x96xf32, #tpu.memory_space<vmem>>) dst(%dma_wait3A_1385 : memref<168x96xf32, #tpu.memory_space<hbm>>)
    } else {
    }
    %add3A_422 = arith.constant 1 : i32
    %add3A_423 = arith.addi %mul3A_58, %add3A_422 : i32
    %dma_start3A_424 = arith.constant 336 : i32
    %dma_start3A_425 = arith.constant 0 : i32
    %dma_start3A_426 = tpu.memref_slice %arg2[%add3A_423, %dma_start3A_424, %dma_start3A_425] : memref<128x672x224xf32, #tpu.memory_space<hbm>> -> memref<1x168x128xf32, #tpu.memory_space<hbm>>
    %dma_start3A_427 = tpu.memref_squeeze %dma_start3A_426 : memref<1x168x128xf32, #tpu.memory_space<hbm>> -> memref<168x128xf32, #tpu.memory_space<hbm>>
    %dma_start3A_428 = arith.constant 336 : i32
    %dma_start3A_429 = arith.constant 0 : i32
    %dma_start3A_430 = tpu.memref_slice %arg2[%add3A_423, %dma_start3A_428, %dma_start3A_429] : memref<128x672x224xf32, #tpu.memory_space<hbm>> -> memref<1x168x128xf32, #tpu.memory_space<hbm>>
    %dma_start3A_431 = tpu.memref_squeeze %dma_start3A_430 : memref<1x168x128xf32, #tpu.memory_space<hbm>> -> memref<168x128xf32, #tpu.memory_space<hbm>>
    tpu.enqueue_dma source(%dma_start3A_431 : memref<168x128xf32, #tpu.memory_space<hbm>>) target(%arg5 : memref<168x128xf32, #tpu.memory_space<vmem>>) target_semaphore(%arg11 : memref<!tpu.dma_semaphore, #tpu.memory_space<semaphore_mem>>)
    %dma_start3A_432 = arith.constant 336 : i32
    %dma_start3A_433 = arith.constant 128 : i32
    %dma_start3A_434 = tpu.memref_slice %arg2[%add3A_423, %dma_start3A_432, %dma_start3A_433] : memref<128x672x224xf32, #tpu.memory_space<hbm>> -> memref<1x168x96xf32, #tpu.memory_space<hbm>>
    %dma_start3A_435 = tpu.memref_squeeze %dma_start3A_434 : memref<1x168x96xf32, #tpu.memory_space<hbm>> -> memref<168x96xf32, #tpu.memory_space<hbm>>
    %dma_start3A_436 = arith.constant 336 : i32
    %dma_start3A_437 = arith.constant 128 : i32
    %dma_start3A_438 = tpu.memref_slice %arg2[%add3A_423, %dma_start3A_436, %dma_start3A_437] : memref<128x672x224xf32, #tpu.memory_space<hbm>> -> memref<1x168x96xf32, #tpu.memory_space<hbm>>
    %dma_start3A_439 = tpu.memref_squeeze %dma_start3A_438 : memref<1x168x96xf32, #tpu.memory_space<hbm>> -> memref<168x96xf32, #tpu.memory_space<hbm>>
    tpu.enqueue_dma source(%dma_start3A_439 : memref<168x96xf32, #tpu.memory_space<hbm>>) target(%arg8 : memref<168x96xf32, #tpu.memory_space<vmem>>) target_semaphore(%arg11 : memref<!tpu.dma_semaphore, #tpu.memory_space<semaphore_mem>>)
    %add3A_440 = arith.constant 1 : i32
    %add3A_441 = arith.addi %mul3A_58, %add3A_440 : i32
    %dma_wait3A_442 = arith.constant 0 : i32
    %dma_wait3A_443 = arith.constant 0 : i32
    %dma_wait3A_444 = tpu.memref_slice %arg2[%add3A_441, %dma_wait3A_442, %dma_wait3A_443] : memref<128x672x224xf32, #tpu.memory_space<hbm>> -> memref<1x168x128xf32, #tpu.memory_space<hbm>>
    %dma_wait3A_445 = tpu.memref_squeeze %dma_wait3A_444 : memref<1x168x128xf32, #tpu.memory_space<hbm>> -> memref<168x128xf32, #tpu.memory_space<hbm>>
    %dma_wait3A_446 = arith.constant 0 : i32
    %dma_wait3A_447 = arith.constant 0 : i32
    %dma_wait3A_448 = tpu.memref_slice %arg2[%add3A_441, %dma_wait3A_446, %dma_wait3A_447] : memref<128x672x224xf32, #tpu.memory_space<hbm>> -> memref<1x168x128xf32, #tpu.memory_space<hbm>>
    %dma_wait3A_449 = tpu.memref_squeeze %dma_wait3A_448 : memref<1x168x128xf32, #tpu.memory_space<hbm>> -> memref<168x128xf32, #tpu.memory_space<hbm>>
    tpu.wait_dma2 semaphore(%arg12 : memref<!tpu.dma_semaphore, #tpu.memory_space<semaphore_mem>>) src(%dma_wait3A_449 : memref<168x128xf32, #tpu.memory_space<hbm>>) dst(%arg6 : memref<168x128xf32, #tpu.memory_space<vmem>>)
    %dma_wait3A_450 = arith.constant 0 : i32
    %dma_wait3A_451 = arith.constant 128 : i32
    %dma_wait3A_452 = tpu.memref_slice %arg2[%add3A_441, %dma_wait3A_450, %dma_wait3A_451] : memref<128x672x224xf32, #tpu.memory_space<hbm>> -> memref<1x168x96xf32, #tpu.memory_space<hbm>>
    %dma_wait3A_453 = tpu.memref_squeeze %dma_wait3A_452 : memref<1x168x96xf32, #tpu.memory_space<hbm>> -> memref<168x96xf32, #tpu.memory_space<hbm>>
    %dma_wait3A_454 = arith.constant 0 : i32
    %dma_wait3A_455 = arith.constant 128 : i32
    %dma_wait3A_456 = tpu.memref_slice %arg2[%add3A_441, %dma_wait3A_454, %dma_wait3A_455] : memref<128x672x224xf32, #tpu.memory_space<hbm>> -> memref<1x168x96xf32, #tpu.memory_space<hbm>>
    %dma_wait3A_457 = tpu.memref_squeeze %dma_wait3A_456 : memref<1x168x96xf32, #tpu.memory_space<hbm>> -> memref<168x96xf32, #tpu.memory_space<hbm>>
    tpu.wait_dma2 semaphore(%arg12 : memref<!tpu.dma_semaphore, #tpu.memory_space<semaphore_mem>>) src(%dma_wait3A_457 : memref<168x96xf32, #tpu.memory_space<hbm>>) dst(%arg9 : memref<168x96xf32, #tpu.memory_space<vmem>>)
    %add3A_458 = arith.constant 1 : i32
    %add3A_459 = arith.addi %mul3A_58, %add3A_458 : i32
    %dma_start3A_460 = arith.constant 0 : i32
    %dma_start3A_461 = arith.constant 0 : i32
    %dma_start3A_462 = tpu.memref_slice %arg3[%add3A_459, %dma_start3A_460, %dma_start3A_461] : memref<128x672x224xf32, #tpu.memory_space<hbm>> -> memref<1x168x128xf32, #tpu.memory_space<hbm>>
    %dma_start3A_463 = tpu.memref_squeeze %dma_start3A_462 : memref<1x168x128xf32, #tpu.memory_space<hbm>> -> memref<168x128xf32, #tpu.memory_space<hbm>>
    %dma_start3A_464 = arith.constant 0 : i32
    %dma_start3A_465 = arith.constant 0 : i32
    %dma_start3A_466 = tpu.memref_slice %arg3[%add3A_459, %dma_start3A_464, %dma_start3A_465] : memref<128x672x224xf32, #tpu.memory_space<hbm>> -> memref<1x168x128xf32, #tpu.memory_space<hbm>>
    %dma_start3A_467 = tpu.memref_squeeze %dma_start3A_466 : memref<1x168x128xf32, #tpu.memory_space<hbm>> -> memref<168x128xf32, #tpu.memory_space<hbm>>
    tpu.enqueue_dma source(%arg6 : memref<168x128xf32, #tpu.memory_space<vmem>>) target(%dma_start3A_467 : memref<168x128xf32, #tpu.memory_space<hbm>>) target_semaphore(%arg15 : memref<!tpu.dma_semaphore, #tpu.memory_space<semaphore_mem>>)
    %dma_start3A_468 = arith.constant 0 : i32
    %dma_start3A_469 = arith.constant 128 : i32
    %dma_start3A_470 = tpu.memref_slice %arg3[%add3A_459, %dma_start3A_468, %dma_start3A_469] : memref<128x672x224xf32, #tpu.memory_space<hbm>> -> memref<1x168x96xf32, #tpu.memory_space<hbm>>
    %dma_start3A_471 = tpu.memref_squeeze %dma_start3A_470 : memref<1x168x96xf32, #tpu.memory_space<hbm>> -> memref<168x96xf32, #tpu.memory_space<hbm>>
    %dma_start3A_472 = arith.constant 0 : i32
    %dma_start3A_473 = arith.constant 128 : i32
    %dma_start3A_474 = tpu.memref_slice %arg3[%add3A_459, %dma_start3A_472, %dma_start3A_473] : memref<128x672x224xf32, #tpu.memory_space<hbm>> -> memref<1x168x96xf32, #tpu.memory_space<hbm>>
    %dma_start3A_475 = tpu.memref_squeeze %dma_start3A_474 : memref<1x168x96xf32, #tpu.memory_space<hbm>> -> memref<168x96xf32, #tpu.memory_space<hbm>>
    tpu.enqueue_dma source(%arg9 : memref<168x96xf32, #tpu.memory_space<vmem>>) target(%dma_start3A_475 : memref<168x96xf32, #tpu.memory_space<hbm>>) target_semaphore(%arg15 : memref<!tpu.dma_semaphore, #tpu.memory_space<semaphore_mem>>)
    %eq3A_476 = arith.constant 1 : i32
    %eq3A_477 = arith.cmpi eq, %sub3A_61, %eq3A_476 : i32
    %convert_element_type3A_478 = arith.extui %eq3A_477 : i1 to i32
    %cond3A_479 = arith.constant 0 : i32
    %cond3A_480 = arith.cmpi ne, %convert_element_type3A_478, %cond3A_479 : i32
    scf.if %cond3A_480 {
      %dma_start3A_1370 = arith.constant 0 : i32
      %dma_start3A_1371 = arith.constant 0 : i32
      %dma_start3A_1372 = tpu.memref_slice %arg4[%add3A, %dma_start3A_1370, %dma_start3A_1371] : memref<32x672x224xf32, #tpu.memory_space<hbm>> -> memref<1x168x128xf32, #tpu.memory_space<hbm>>
      %dma_start3A_1373 = tpu.memref_squeeze %dma_start3A_1372 : memref<1x168x128xf32, #tpu.memory_space<hbm>> -> memref<168x128xf32, #tpu.memory_space<hbm>>
      %dma_start3A_1374 = arith.constant 0 : i32
      %dma_start3A_1375 = arith.constant 0 : i32
      %dma_start3A_1376 = tpu.memref_slice %arg4[%add3A, %dma_start3A_1374, %dma_start3A_1375] : memref<32x672x224xf32, #tpu.memory_space<hbm>> -> memref<1x168x128xf32, #tpu.memory_space<hbm>>
      %dma_start3A_1377 = tpu.memref_squeeze %dma_start3A_1376 : memref<1x168x128xf32, #tpu.memory_space<hbm>> -> memref<168x128xf32, #tpu.memory_space<hbm>>
      tpu.enqueue_dma source(%arg6 : memref<168x128xf32, #tpu.memory_space<vmem>>) target(%dma_start3A_1377 : memref<168x128xf32, #tpu.memory_space<hbm>>) target_semaphore(%arg18 : memref<!tpu.dma_semaphore, #tpu.memory_space<semaphore_mem>>)
      %dma_start3A_1378 = arith.constant 0 : i32
      %dma_start3A_1379 = arith.constant 128 : i32
      %dma_start3A_1380 = tpu.memref_slice %arg4[%add3A, %dma_start3A_1378, %dma_start3A_1379] : memref<32x672x224xf32, #tpu.memory_space<hbm>> -> memref<1x168x96xf32, #tpu.memory_space<hbm>>
      %dma_start3A_1381 = tpu.memref_squeeze %dma_start3A_1380 : memref<1x168x96xf32, #tpu.memory_space<hbm>> -> memref<168x96xf32, #tpu.memory_space<hbm>>
      %dma_start3A_1382 = arith.constant 0 : i32
      %dma_start3A_1383 = arith.constant 128 : i32
      %dma_start3A_1384 = tpu.memref_slice %arg4[%add3A, %dma_start3A_1382, %dma_start3A_1383] : memref<32x672x224xf32, #tpu.memory_space<hbm>> -> memref<1x168x96xf32, #tpu.memory_space<hbm>>
      %dma_start3A_1385 = tpu.memref_squeeze %dma_start3A_1384 : memref<1x168x96xf32, #tpu.memory_space<hbm>> -> memref<168x96xf32, #tpu.memory_space<hbm>>
      tpu.enqueue_dma source(%arg9 : memref<168x96xf32, #tpu.memory_space<vmem>>) target(%dma_start3A_1385 : memref<168x96xf32, #tpu.memory_space<hbm>>) target_semaphore(%arg18 : memref<!tpu.dma_semaphore, #tpu.memory_space<semaphore_mem>>)
    } else {
    }
    %add3A_481 = arith.constant 1 : i32
    %add3A_482 = arith.addi %mul3A_58, %add3A_481 : i32
    %dma_wait3A_483 = arith.constant 0 : i32
    %dma_wait3A_484 = arith.constant 0 : i32
    %dma_wait3A_485 = tpu.memref_slice %arg3[%add3A_482, %dma_wait3A_483, %dma_wait3A_484] : memref<128x672x224xf32, #tpu.memory_space<hbm>> -> memref<1x168x128xf32, #tpu.memory_space<hbm>>
    %dma_wait3A_486 = tpu.memref_squeeze %dma_wait3A_485 : memref<1x168x128xf32, #tpu.memory_space<hbm>> -> memref<168x128xf32, #tpu.memory_space<hbm>>
    %dma_wait3A_487 = arith.constant 0 : i32
    %dma_wait3A_488 = arith.constant 0 : i32
    %dma_wait3A_489 = tpu.memref_slice %arg3[%add3A_482, %dma_wait3A_487, %dma_wait3A_488] : memref<128x672x224xf32, #tpu.memory_space<hbm>> -> memref<1x168x128xf32, #tpu.memory_space<hbm>>
    %dma_wait3A_490 = tpu.memref_squeeze %dma_wait3A_489 : memref<1x168x128xf32, #tpu.memory_space<hbm>> -> memref<168x128xf32, #tpu.memory_space<hbm>>
    tpu.wait_dma2 semaphore(%arg15 : memref<!tpu.dma_semaphore, #tpu.memory_space<semaphore_mem>>) src(%arg6 : memref<168x128xf32, #tpu.memory_space<vmem>>) dst(%dma_wait3A_490 : memref<168x128xf32, #tpu.memory_space<hbm>>)
    %dma_wait3A_491 = arith.constant 0 : i32
    %dma_wait3A_492 = arith.constant 128 : i32
    %dma_wait3A_493 = tpu.memref_slice %arg3[%add3A_482, %dma_wait3A_491, %dma_wait3A_492] : memref<128x672x224xf32, #tpu.memory_space<hbm>> -> memref<1x168x96xf32, #tpu.memory_space<hbm>>
    %dma_wait3A_494 = tpu.memref_squeeze %dma_wait3A_493 : memref<1x168x96xf32, #tpu.memory_space<hbm>> -> memref<168x96xf32, #tpu.memory_space<hbm>>
    %dma_wait3A_495 = arith.constant 0 : i32
    %dma_wait3A_496 = arith.constant 128 : i32
    %dma_wait3A_497 = tpu.memref_slice %arg3[%add3A_482, %dma_wait3A_495, %dma_wait3A_496] : memref<128x672x224xf32, #tpu.memory_space<hbm>> -> memref<1x168x96xf32, #tpu.memory_space<hbm>>
    %dma_wait3A_498 = tpu.memref_squeeze %dma_wait3A_497 : memref<1x168x96xf32, #tpu.memory_space<hbm>> -> memref<168x96xf32, #tpu.memory_space<hbm>>
    tpu.wait_dma2 semaphore(%arg15 : memref<!tpu.dma_semaphore, #tpu.memory_space<semaphore_mem>>) src(%arg9 : memref<168x96xf32, #tpu.memory_space<vmem>>) dst(%dma_wait3A_498 : memref<168x96xf32, #tpu.memory_space<hbm>>)
    %eq3A_499 = arith.constant 1 : i32
    %eq3A_500 = arith.cmpi eq, %sub3A_61, %eq3A_499 : i32
    %convert_element_type3A_501 = arith.extui %eq3A_500 : i1 to i32
    %cond3A_502 = arith.constant 0 : i32
    %cond3A_503 = arith.cmpi ne, %convert_element_type3A_501, %cond3A_502 : i32
    scf.if %cond3A_503 {
      %dma_wait3A_1370 = arith.constant 0 : i32
      %dma_wait3A_1371 = arith.constant 0 : i32
      %dma_wait3A_1372 = tpu.memref_slice %arg4[%add3A, %dma_wait3A_1370, %dma_wait3A_1371] : memref<32x672x224xf32, #tpu.memory_space<hbm>> -> memref<1x168x128xf32, #tpu.memory_space<hbm>>
      %dma_wait3A_1373 = tpu.memref_squeeze %dma_wait3A_1372 : memref<1x168x128xf32, #tpu.memory_space<hbm>> -> memref<168x128xf32, #tpu.memory_space<hbm>>
      %dma_wait3A_1374 = arith.constant 0 : i32
      %dma_wait3A_1375 = arith.constant 0 : i32
      %dma_wait3A_1376 = tpu.memref_slice %arg4[%add3A, %dma_wait3A_1374, %dma_wait3A_1375] : memref<32x672x224xf32, #tpu.memory_space<hbm>> -> memref<1x168x128xf32, #tpu.memory_space<hbm>>
      %dma_wait3A_1377 = tpu.memref_squeeze %dma_wait3A_1376 : memref<1x168x128xf32, #tpu.memory_space<hbm>> -> memref<168x128xf32, #tpu.memory_space<hbm>>
      tpu.wait_dma2 semaphore(%arg18 : memref<!tpu.dma_semaphore, #tpu.memory_space<semaphore_mem>>) src(%arg6 : memref<168x128xf32, #tpu.memory_space<vmem>>) dst(%dma_wait3A_1377 : memref<168x128xf32, #tpu.memory_space<hbm>>)
      %dma_wait3A_1378 = arith.constant 0 : i32
      %dma_wait3A_1379 = arith.constant 128 : i32
      %dma_wait3A_1380 = tpu.memref_slice %arg4[%add3A, %dma_wait3A_1378, %dma_wait3A_1379] : memref<32x672x224xf32, #tpu.memory_space<hbm>> -> memref<1x168x96xf32, #tpu.memory_space<hbm>>
      %dma_wait3A_1381 = tpu.memref_squeeze %dma_wait3A_1380 : memref<1x168x96xf32, #tpu.memory_space<hbm>> -> memref<168x96xf32, #tpu.memory_space<hbm>>
      %dma_wait3A_1382 = arith.constant 0 : i32
      %dma_wait3A_1383 = arith.constant 128 : i32
      %dma_wait3A_1384 = tpu.memref_slice %arg4[%add3A, %dma_wait3A_1382, %dma_wait3A_1383] : memref<32x672x224xf32, #tpu.memory_space<hbm>> -> memref<1x168x96xf32, #tpu.memory_space<hbm>>
      %dma_wait3A_1385 = tpu.memref_squeeze %dma_wait3A_1384 : memref<1x168x96xf32, #tpu.memory_space<hbm>> -> memref<168x96xf32, #tpu.memory_space<hbm>>
      tpu.wait_dma2 semaphore(%arg18 : memref<!tpu.dma_semaphore, #tpu.memory_space<semaphore_mem>>) src(%arg9 : memref<168x96xf32, #tpu.memory_space<vmem>>) dst(%dma_wait3A_1385 : memref<168x96xf32, #tpu.memory_space<hbm>>)
    } else {
    }
    %add3A_504 = arith.constant 1 : i32
    %add3A_505 = arith.addi %mul3A_58, %add3A_504 : i32
    %dma_start3A_506 = arith.constant 504 : i32
    %dma_start3A_507 = arith.constant 0 : i32
    %dma_start3A_508 = tpu.memref_slice %arg2[%add3A_505, %dma_start3A_506, %dma_start3A_507] : memref<128x672x224xf32, #tpu.memory_space<hbm>> -> memref<1x168x128xf32, #tpu.memory_space<hbm>>
    %dma_start3A_509 = tpu.memref_squeeze %dma_start3A_508 : memref<1x168x128xf32, #tpu.memory_space<hbm>> -> memref<168x128xf32, #tpu.memory_space<hbm>>
    %dma_start3A_510 = arith.constant 504 : i32
    %dma_start3A_511 = arith.constant 0 : i32
    %dma_start3A_512 = tpu.memref_slice %arg2[%add3A_505, %dma_start3A_510, %dma_start3A_511] : memref<128x672x224xf32, #tpu.memory_space<hbm>> -> memref<1x168x128xf32, #tpu.memory_space<hbm>>
    %dma_start3A_513 = tpu.memref_squeeze %dma_start3A_512 : memref<1x168x128xf32, #tpu.memory_space<hbm>> -> memref<168x128xf32, #tpu.memory_space<hbm>>
    tpu.enqueue_dma source(%dma_start3A_513 : memref<168x128xf32, #tpu.memory_space<hbm>>) target(%arg6 : memref<168x128xf32, #tpu.memory_space<vmem>>) target_semaphore(%arg12 : memref<!tpu.dma_semaphore, #tpu.memory_space<semaphore_mem>>)
    %dma_start3A_514 = arith.constant 504 : i32
    %dma_start3A_515 = arith.constant 128 : i32
    %dma_start3A_516 = tpu.memref_slice %arg2[%add3A_505, %dma_start3A_514, %dma_start3A_515] : memref<128x672x224xf32, #tpu.memory_space<hbm>> -> memref<1x168x96xf32, #tpu.memory_space<hbm>>
    %dma_start3A_517 = tpu.memref_squeeze %dma_start3A_516 : memref<1x168x96xf32, #tpu.memory_space<hbm>> -> memref<168x96xf32, #tpu.memory_space<hbm>>
    %dma_start3A_518 = arith.constant 504 : i32
    %dma_start3A_519 = arith.constant 128 : i32
    %dma_start3A_520 = tpu.memref_slice %arg2[%add3A_505, %dma_start3A_518, %dma_start3A_519] : memref<128x672x224xf32, #tpu.memory_space<hbm>> -> memref<1x168x96xf32, #tpu.memory_space<hbm>>
    %dma_start3A_521 = tpu.memref_squeeze %dma_start3A_520 : memref<1x168x96xf32, #tpu.memory_space<hbm>> -> memref<168x96xf32, #tpu.memory_space<hbm>>
    tpu.enqueue_dma source(%dma_start3A_521 : memref<168x96xf32, #tpu.memory_space<hbm>>) target(%arg9 : memref<168x96xf32, #tpu.memory_space<vmem>>) target_semaphore(%arg12 : memref<!tpu.dma_semaphore, #tpu.memory_space<semaphore_mem>>)
    %add3A_522 = arith.constant 1 : i32
    %add3A_523 = arith.addi %mul3A_58, %add3A_522 : i32
    %dma_wait3A_524 = arith.constant 168 : i32
    %dma_wait3A_525 = arith.constant 0 : i32
    %dma_wait3A_526 = tpu.memref_slice %arg2[%add3A_523, %dma_wait3A_524, %dma_wait3A_525] : memref<128x672x224xf32, #tpu.memory_space<hbm>> -> memref<1x168x128xf32, #tpu.memory_space<hbm>>
    %dma_wait3A_527 = tpu.memref_squeeze %dma_wait3A_526 : memref<1x168x128xf32, #tpu.memory_space<hbm>> -> memref<168x128xf32, #tpu.memory_space<hbm>>
    %dma_wait3A_528 = arith.constant 168 : i32
    %dma_wait3A_529 = arith.constant 0 : i32
    %dma_wait3A_530 = tpu.memref_slice %arg2[%add3A_523, %dma_wait3A_528, %dma_wait3A_529] : memref<128x672x224xf32, #tpu.memory_space<hbm>> -> memref<1x168x128xf32, #tpu.memory_space<hbm>>
    %dma_wait3A_531 = tpu.memref_squeeze %dma_wait3A_530 : memref<1x168x128xf32, #tpu.memory_space<hbm>> -> memref<168x128xf32, #tpu.memory_space<hbm>>
    tpu.wait_dma2 semaphore(%arg13 : memref<!tpu.dma_semaphore, #tpu.memory_space<semaphore_mem>>) src(%dma_wait3A_531 : memref<168x128xf32, #tpu.memory_space<hbm>>) dst(%arg7 : memref<168x128xf32, #tpu.memory_space<vmem>>)
    %dma_wait3A_532 = arith.constant 168 : i32
    %dma_wait3A_533 = arith.constant 128 : i32
    %dma_wait3A_534 = tpu.memref_slice %arg2[%add3A_523, %dma_wait3A_532, %dma_wait3A_533] : memref<128x672x224xf32, #tpu.memory_space<hbm>> -> memref<1x168x96xf32, #tpu.memory_space<hbm>>
    %dma_wait3A_535 = tpu.memref_squeeze %dma_wait3A_534 : memref<1x168x96xf32, #tpu.memory_space<hbm>> -> memref<168x96xf32, #tpu.memory_space<hbm>>
    %dma_wait3A_536 = arith.constant 168 : i32
    %dma_wait3A_537 = arith.constant 128 : i32
    %dma_wait3A_538 = tpu.memref_slice %arg2[%add3A_523, %dma_wait3A_536, %dma_wait3A_537] : memref<128x672x224xf32, #tpu.memory_space<hbm>> -> memref<1x168x96xf32, #tpu.memory_space<hbm>>
    %dma_wait3A_539 = tpu.memref_squeeze %dma_wait3A_538 : memref<1x168x96xf32, #tpu.memory_space<hbm>> -> memref<168x96xf32, #tpu.memory_space<hbm>>
    tpu.wait_dma2 semaphore(%arg13 : memref<!tpu.dma_semaphore, #tpu.memory_space<semaphore_mem>>) src(%dma_wait3A_539 : memref<168x96xf32, #tpu.memory_space<hbm>>) dst(%arg10 : memref<168x96xf32, #tpu.memory_space<vmem>>)
    %add3A_540 = arith.constant 1 : i32
    %add3A_541 = arith.addi %mul3A_58, %add3A_540 : i32
    %dma_start3A_542 = arith.constant 168 : i32
    %dma_start3A_543 = arith.constant 0 : i32
    %dma_start3A_544 = tpu.memref_slice %arg3[%add3A_541, %dma_start3A_542, %dma_start3A_543] : memref<128x672x224xf32, #tpu.memory_space<hbm>> -> memref<1x168x128xf32, #tpu.memory_space<hbm>>
    %dma_start3A_545 = tpu.memref_squeeze %dma_start3A_544 : memref<1x168x128xf32, #tpu.memory_space<hbm>> -> memref<168x128xf32, #tpu.memory_space<hbm>>
    %dma_start3A_546 = arith.constant 168 : i32
    %dma_start3A_547 = arith.constant 0 : i32
    %dma_start3A_548 = tpu.memref_slice %arg3[%add3A_541, %dma_start3A_546, %dma_start3A_547] : memref<128x672x224xf32, #tpu.memory_space<hbm>> -> memref<1x168x128xf32, #tpu.memory_space<hbm>>
    %dma_start3A_549 = tpu.memref_squeeze %dma_start3A_548 : memref<1x168x128xf32, #tpu.memory_space<hbm>> -> memref<168x128xf32, #tpu.memory_space<hbm>>
    tpu.enqueue_dma source(%arg7 : memref<168x128xf32, #tpu.memory_space<vmem>>) target(%dma_start3A_549 : memref<168x128xf32, #tpu.memory_space<hbm>>) target_semaphore(%arg16 : memref<!tpu.dma_semaphore, #tpu.memory_space<semaphore_mem>>)
    %dma_start3A_550 = arith.constant 168 : i32
    %dma_start3A_551 = arith.constant 128 : i32
    %dma_start3A_552 = tpu.memref_slice %arg3[%add3A_541, %dma_start3A_550, %dma_start3A_551] : memref<128x672x224xf32, #tpu.memory_space<hbm>> -> memref<1x168x96xf32, #tpu.memory_space<hbm>>
    %dma_start3A_553 = tpu.memref_squeeze %dma_start3A_552 : memref<1x168x96xf32, #tpu.memory_space<hbm>> -> memref<168x96xf32, #tpu.memory_space<hbm>>
    %dma_start3A_554 = arith.constant 168 : i32
    %dma_start3A_555 = arith.constant 128 : i32
    %dma_start3A_556 = tpu.memref_slice %arg3[%add3A_541, %dma_start3A_554, %dma_start3A_555] : memref<128x672x224xf32, #tpu.memory_space<hbm>> -> memref<1x168x96xf32, #tpu.memory_space<hbm>>
    %dma_start3A_557 = tpu.memref_squeeze %dma_start3A_556 : memref<1x168x96xf32, #tpu.memory_space<hbm>> -> memref<168x96xf32, #tpu.memory_space<hbm>>
    tpu.enqueue_dma source(%arg10 : memref<168x96xf32, #tpu.memory_space<vmem>>) target(%dma_start3A_557 : memref<168x96xf32, #tpu.memory_space<hbm>>) target_semaphore(%arg16 : memref<!tpu.dma_semaphore, #tpu.memory_space<semaphore_mem>>)
    %eq3A_558 = arith.constant 1 : i32
    %eq3A_559 = arith.cmpi eq, %sub3A_61, %eq3A_558 : i32
    %convert_element_type3A_560 = arith.extui %eq3A_559 : i1 to i32
    %cond3A_561 = arith.constant 0 : i32
    %cond3A_562 = arith.cmpi ne, %convert_element_type3A_560, %cond3A_561 : i32
    scf.if %cond3A_562 {
      %dma_start3A_1370 = arith.constant 168 : i32
      %dma_start3A_1371 = arith.constant 0 : i32
      %dma_start3A_1372 = tpu.memref_slice %arg4[%add3A, %dma_start3A_1370, %dma_start3A_1371] : memref<32x672x224xf32, #tpu.memory_space<hbm>> -> memref<1x168x128xf32, #tpu.memory_space<hbm>>
      %dma_start3A_1373 = tpu.memref_squeeze %dma_start3A_1372 : memref<1x168x128xf32, #tpu.memory_space<hbm>> -> memref<168x128xf32, #tpu.memory_space<hbm>>
      %dma_start3A_1374 = arith.constant 168 : i32
      %dma_start3A_1375 = arith.constant 0 : i32
      %dma_start3A_1376 = tpu.memref_slice %arg4[%add3A, %dma_start3A_1374, %dma_start3A_1375] : memref<32x672x224xf32, #tpu.memory_space<hbm>> -> memref<1x168x128xf32, #tpu.memory_space<hbm>>
      %dma_start3A_1377 = tpu.memref_squeeze %dma_start3A_1376 : memref<1x168x128xf32, #tpu.memory_space<hbm>> -> memref<168x128xf32, #tpu.memory_space<hbm>>
      tpu.enqueue_dma source(%arg7 : memref<168x128xf32, #tpu.memory_space<vmem>>) target(%dma_start3A_1377 : memref<168x128xf32, #tpu.memory_space<hbm>>) target_semaphore(%arg19 : memref<!tpu.dma_semaphore, #tpu.memory_space<semaphore_mem>>)
      %dma_start3A_1378 = arith.constant 168 : i32
      %dma_start3A_1379 = arith.constant 128 : i32
      %dma_start3A_1380 = tpu.memref_slice %arg4[%add3A, %dma_start3A_1378, %dma_start3A_1379] : memref<32x672x224xf32, #tpu.memory_space<hbm>> -> memref<1x168x96xf32, #tpu.memory_space<hbm>>
      %dma_start3A_1381 = tpu.memref_squeeze %dma_start3A_1380 : memref<1x168x96xf32, #tpu.memory_space<hbm>> -> memref<168x96xf32, #tpu.memory_space<hbm>>
      %dma_start3A_1382 = arith.constant 168 : i32
      %dma_start3A_1383 = arith.constant 128 : i32
      %dma_start3A_1384 = tpu.memref_slice %arg4[%add3A, %dma_start3A_1382, %dma_start3A_1383] : memref<32x672x224xf32, #tpu.memory_space<hbm>> -> memref<1x168x96xf32, #tpu.memory_space<hbm>>
      %dma_start3A_1385 = tpu.memref_squeeze %dma_start3A_1384 : memref<1x168x96xf32, #tpu.memory_space<hbm>> -> memref<168x96xf32, #tpu.memory_space<hbm>>
      tpu.enqueue_dma source(%arg10 : memref<168x96xf32, #tpu.memory_space<vmem>>) target(%dma_start3A_1385 : memref<168x96xf32, #tpu.memory_space<hbm>>) target_semaphore(%arg19 : memref<!tpu.dma_semaphore, #tpu.memory_space<semaphore_mem>>)
    } else {
    }
    %add3A_563 = arith.constant 1 : i32
    %add3A_564 = arith.addi %mul3A_58, %add3A_563 : i32
    %dma_wait3A_565 = arith.constant 168 : i32
    %dma_wait3A_566 = arith.constant 0 : i32
    %dma_wait3A_567 = tpu.memref_slice %arg3[%add3A_564, %dma_wait3A_565, %dma_wait3A_566] : memref<128x672x224xf32, #tpu.memory_space<hbm>> -> memref<1x168x128xf32, #tpu.memory_space<hbm>>
    %dma_wait3A_568 = tpu.memref_squeeze %dma_wait3A_567 : memref<1x168x128xf32, #tpu.memory_space<hbm>> -> memref<168x128xf32, #tpu.memory_space<hbm>>
    %dma_wait3A_569 = arith.constant 168 : i32
    %dma_wait3A_570 = arith.constant 0 : i32
    %dma_wait3A_571 = tpu.memref_slice %arg3[%add3A_564, %dma_wait3A_569, %dma_wait3A_570] : memref<128x672x224xf32, #tpu.memory_space<hbm>> -> memref<1x168x128xf32, #tpu.memory_space<hbm>>
    %dma_wait3A_572 = tpu.memref_squeeze %dma_wait3A_571 : memref<1x168x128xf32, #tpu.memory_space<hbm>> -> memref<168x128xf32, #tpu.memory_space<hbm>>
    tpu.wait_dma2 semaphore(%arg16 : memref<!tpu.dma_semaphore, #tpu.memory_space<semaphore_mem>>) src(%arg7 : memref<168x128xf32, #tpu.memory_space<vmem>>) dst(%dma_wait3A_572 : memref<168x128xf32, #tpu.memory_space<hbm>>)
    %dma_wait3A_573 = arith.constant 168 : i32
    %dma_wait3A_574 = arith.constant 128 : i32
    %dma_wait3A_575 = tpu.memref_slice %arg3[%add3A_564, %dma_wait3A_573, %dma_wait3A_574] : memref<128x672x224xf32, #tpu.memory_space<hbm>> -> memref<1x168x96xf32, #tpu.memory_space<hbm>>
    %dma_wait3A_576 = tpu.memref_squeeze %dma_wait3A_575 : memref<1x168x96xf32, #tpu.memory_space<hbm>> -> memref<168x96xf32, #tpu.memory_space<hbm>>
    %dma_wait3A_577 = arith.constant 168 : i32
    %dma_wait3A_578 = arith.constant 128 : i32
    %dma_wait3A_579 = tpu.memref_slice %arg3[%add3A_564, %dma_wait3A_577, %dma_wait3A_578] : memref<128x672x224xf32, #tpu.memory_space<hbm>> -> memref<1x168x96xf32, #tpu.memory_space<hbm>>
    %dma_wait3A_580 = tpu.memref_squeeze %dma_wait3A_579 : memref<1x168x96xf32, #tpu.memory_space<hbm>> -> memref<168x96xf32, #tpu.memory_space<hbm>>
    tpu.wait_dma2 semaphore(%arg16 : memref<!tpu.dma_semaphore, #tpu.memory_space<semaphore_mem>>) src(%arg10 : memref<168x96xf32, #tpu.memory_space<vmem>>) dst(%dma_wait3A_580 : memref<168x96xf32, #tpu.memory_space<hbm>>)
    %eq3A_581 = arith.constant 1 : i32
    %eq3A_582 = arith.cmpi eq, %sub3A_61, %eq3A_581 : i32
    %convert_element_type3A_583 = arith.extui %eq3A_582 : i1 to i32
    %cond3A_584 = arith.constant 0 : i32
    %cond3A_585 = arith.cmpi ne, %convert_element_type3A_583, %cond3A_584 : i32
    scf.if %cond3A_585 {
      %dma_wait3A_1370 = arith.constant 168 : i32
      %dma_wait3A_1371 = arith.constant 0 : i32
      %dma_wait3A_1372 = tpu.memref_slice %arg4[%add3A, %dma_wait3A_1370, %dma_wait3A_1371] : memref<32x672x224xf32, #tpu.memory_space<hbm>> -> memref<1x168x128xf32, #tpu.memory_space<hbm>>
      %dma_wait3A_1373 = tpu.memref_squeeze %dma_wait3A_1372 : memref<1x168x128xf32, #tpu.memory_space<hbm>> -> memref<168x128xf32, #tpu.memory_space<hbm>>
      %dma_wait3A_1374 = arith.constant 168 : i32
      %dma_wait3A_1375 = arith.constant 0 : i32
      %dma_wait3A_1376 = tpu.memref_slice %arg4[%add3A, %dma_wait3A_1374, %dma_wait3A_1375] : memref<32x672x224xf32, #tpu.memory_space<hbm>> -> memref<1x168x128xf32, #tpu.memory_space<hbm>>
      %dma_wait3A_1377 = tpu.memref_squeeze %dma_wait3A_1376 : memref<1x168x128xf32, #tpu.memory_space<hbm>> -> memref<168x128xf32, #tpu.memory_space<hbm>>
      tpu.wait_dma2 semaphore(%arg19 : memref<!tpu.dma_semaphore, #tpu.memory_space<semaphore_mem>>) src(%arg7 : memref<168x128xf32, #tpu.memory_space<vmem>>) dst(%dma_wait3A_1377 : memref<168x128xf32, #tpu.memory_space<hbm>>)
      %dma_wait3A_1378 = arith.constant 168 : i32
      %dma_wait3A_1379 = arith.constant 128 : i32
      %dma_wait3A_1380 = tpu.memref_slice %arg4[%add3A, %dma_wait3A_1378, %dma_wait3A_1379] : memref<32x672x224xf32, #tpu.memory_space<hbm>> -> memref<1x168x96xf32, #tpu.memory_space<hbm>>
      %dma_wait3A_1381 = tpu.memref_squeeze %dma_wait3A_1380 : memref<1x168x96xf32, #tpu.memory_space<hbm>> -> memref<168x96xf32, #tpu.memory_space<hbm>>
      %dma_wait3A_1382 = arith.constant 168 : i32
      %dma_wait3A_1383 = arith.constant 128 : i32
      %dma_wait3A_1384 = tpu.memref_slice %arg4[%add3A, %dma_wait3A_1382, %dma_wait3A_1383] : memref<32x672x224xf32, #tpu.memory_space<hbm>> -> memref<1x168x96xf32, #tpu.memory_space<hbm>>
      %dma_wait3A_1385 = tpu.memref_squeeze %dma_wait3A_1384 : memref<1x168x96xf32, #tpu.memory_space<hbm>> -> memref<168x96xf32, #tpu.memory_space<hbm>>
      tpu.wait_dma2 semaphore(%arg19 : memref<!tpu.dma_semaphore, #tpu.memory_space<semaphore_mem>>) src(%arg10 : memref<168x96xf32, #tpu.memory_space<vmem>>) dst(%dma_wait3A_1385 : memref<168x96xf32, #tpu.memory_space<hbm>>)
    } else {
    }
    %add3A_586 = arith.constant 2 : i32
    %add3A_587 = arith.addi %mul3A_58, %add3A_586 : i32
    %dma_start3A_588 = arith.constant 0 : i32
    %dma_start3A_589 = arith.constant 0 : i32
    %dma_start3A_590 = tpu.memref_slice %arg2[%add3A_587, %dma_start3A_588, %dma_start3A_589] : memref<128x672x224xf32, #tpu.memory_space<hbm>> -> memref<1x168x128xf32, #tpu.memory_space<hbm>>
    %dma_start3A_591 = tpu.memref_squeeze %dma_start3A_590 : memref<1x168x128xf32, #tpu.memory_space<hbm>> -> memref<168x128xf32, #tpu.memory_space<hbm>>
    %dma_start3A_592 = arith.constant 0 : i32
    %dma_start3A_593 = arith.constant 0 : i32
    %dma_start3A_594 = tpu.memref_slice %arg2[%add3A_587, %dma_start3A_592, %dma_start3A_593] : memref<128x672x224xf32, #tpu.memory_space<hbm>> -> memref<1x168x128xf32, #tpu.memory_space<hbm>>
    %dma_start3A_595 = tpu.memref_squeeze %dma_start3A_594 : memref<1x168x128xf32, #tpu.memory_space<hbm>> -> memref<168x128xf32, #tpu.memory_space<hbm>>
    tpu.enqueue_dma source(%dma_start3A_595 : memref<168x128xf32, #tpu.memory_space<hbm>>) target(%arg7 : memref<168x128xf32, #tpu.memory_space<vmem>>) target_semaphore(%arg13 : memref<!tpu.dma_semaphore, #tpu.memory_space<semaphore_mem>>)
    %dma_start3A_596 = arith.constant 0 : i32
    %dma_start3A_597 = arith.constant 128 : i32
    %dma_start3A_598 = tpu.memref_slice %arg2[%add3A_587, %dma_start3A_596, %dma_start3A_597] : memref<128x672x224xf32, #tpu.memory_space<hbm>> -> memref<1x168x96xf32, #tpu.memory_space<hbm>>
    %dma_start3A_599 = tpu.memref_squeeze %dma_start3A_598 : memref<1x168x96xf32, #tpu.memory_space<hbm>> -> memref<168x96xf32, #tpu.memory_space<hbm>>
    %dma_start3A_600 = arith.constant 0 : i32
    %dma_start3A_601 = arith.constant 128 : i32
    %dma_start3A_602 = tpu.memref_slice %arg2[%add3A_587, %dma_start3A_600, %dma_start3A_601] : memref<128x672x224xf32, #tpu.memory_space<hbm>> -> memref<1x168x96xf32, #tpu.memory_space<hbm>>
    %dma_start3A_603 = tpu.memref_squeeze %dma_start3A_602 : memref<1x168x96xf32, #tpu.memory_space<hbm>> -> memref<168x96xf32, #tpu.memory_space<hbm>>
    tpu.enqueue_dma source(%dma_start3A_603 : memref<168x96xf32, #tpu.memory_space<hbm>>) target(%arg10 : memref<168x96xf32, #tpu.memory_space<vmem>>) target_semaphore(%arg13 : memref<!tpu.dma_semaphore, #tpu.memory_space<semaphore_mem>>)
    %add3A_604 = arith.constant 1 : i32
    %add3A_605 = arith.addi %mul3A_58, %add3A_604 : i32
    %dma_wait3A_606 = arith.constant 336 : i32
    %dma_wait3A_607 = arith.constant 0 : i32
    %dma_wait3A_608 = tpu.memref_slice %arg2[%add3A_605, %dma_wait3A_606, %dma_wait3A_607] : memref<128x672x224xf32, #tpu.memory_space<hbm>> -> memref<1x168x128xf32, #tpu.memory_space<hbm>>
    %dma_wait3A_609 = tpu.memref_squeeze %dma_wait3A_608 : memref<1x168x128xf32, #tpu.memory_space<hbm>> -> memref<168x128xf32, #tpu.memory_space<hbm>>
    %dma_wait3A_610 = arith.constant 336 : i32
    %dma_wait3A_611 = arith.constant 0 : i32
    %dma_wait3A_612 = tpu.memref_slice %arg2[%add3A_605, %dma_wait3A_610, %dma_wait3A_611] : memref<128x672x224xf32, #tpu.memory_space<hbm>> -> memref<1x168x128xf32, #tpu.memory_space<hbm>>
    %dma_wait3A_613 = tpu.memref_squeeze %dma_wait3A_612 : memref<1x168x128xf32, #tpu.memory_space<hbm>> -> memref<168x128xf32, #tpu.memory_space<hbm>>
    tpu.wait_dma2 semaphore(%arg11 : memref<!tpu.dma_semaphore, #tpu.memory_space<semaphore_mem>>) src(%dma_wait3A_613 : memref<168x128xf32, #tpu.memory_space<hbm>>) dst(%arg5 : memref<168x128xf32, #tpu.memory_space<vmem>>)
    %dma_wait3A_614 = arith.constant 336 : i32
    %dma_wait3A_615 = arith.constant 128 : i32
    %dma_wait3A_616 = tpu.memref_slice %arg2[%add3A_605, %dma_wait3A_614, %dma_wait3A_615] : memref<128x672x224xf32, #tpu.memory_space<hbm>> -> memref<1x168x96xf32, #tpu.memory_space<hbm>>
    %dma_wait3A_617 = tpu.memref_squeeze %dma_wait3A_616 : memref<1x168x96xf32, #tpu.memory_space<hbm>> -> memref<168x96xf32, #tpu.memory_space<hbm>>
    %dma_wait3A_618 = arith.constant 336 : i32
    %dma_wait3A_619 = arith.constant 128 : i32
    %dma_wait3A_620 = tpu.memref_slice %arg2[%add3A_605, %dma_wait3A_618, %dma_wait3A_619] : memref<128x672x224xf32, #tpu.memory_space<hbm>> -> memref<1x168x96xf32, #tpu.memory_space<hbm>>
    %dma_wait3A_621 = tpu.memref_squeeze %dma_wait3A_620 : memref<1x168x96xf32, #tpu.memory_space<hbm>> -> memref<168x96xf32, #tpu.memory_space<hbm>>
    tpu.wait_dma2 semaphore(%arg11 : memref<!tpu.dma_semaphore, #tpu.memory_space<semaphore_mem>>) src(%dma_wait3A_621 : memref<168x96xf32, #tpu.memory_space<hbm>>) dst(%arg8 : memref<168x96xf32, #tpu.memory_space<vmem>>)
    %add3A_622 = arith.constant 1 : i32
    %add3A_623 = arith.addi %mul3A_58, %add3A_622 : i32
    %dma_start3A_624 = arith.constant 336 : i32
    %dma_start3A_625 = arith.constant 0 : i32
    %dma_start3A_626 = tpu.memref_slice %arg3[%add3A_623, %dma_start3A_624, %dma_start3A_625] : memref<128x672x224xf32, #tpu.memory_space<hbm>> -> memref<1x168x128xf32, #tpu.memory_space<hbm>>
    %dma_start3A_627 = tpu.memref_squeeze %dma_start3A_626 : memref<1x168x128xf32, #tpu.memory_space<hbm>> -> memref<168x128xf32, #tpu.memory_space<hbm>>
    %dma_start3A_628 = arith.constant 336 : i32
    %dma_start3A_629 = arith.constant 0 : i32
    %dma_start3A_630 = tpu.memref_slice %arg3[%add3A_623, %dma_start3A_628, %dma_start3A_629] : memref<128x672x224xf32, #tpu.memory_space<hbm>> -> memref<1x168x128xf32, #tpu.memory_space<hbm>>
    %dma_start3A_631 = tpu.memref_squeeze %dma_start3A_630 : memref<1x168x128xf32, #tpu.memory_space<hbm>> -> memref<168x128xf32, #tpu.memory_space<hbm>>
    tpu.enqueue_dma source(%arg5 : memref<168x128xf32, #tpu.memory_space<vmem>>) target(%dma_start3A_631 : memref<168x128xf32, #tpu.memory_space<hbm>>) target_semaphore(%arg14 : memref<!tpu.dma_semaphore, #tpu.memory_space<semaphore_mem>>)
    %dma_start3A_632 = arith.constant 336 : i32
    %dma_start3A_633 = arith.constant 128 : i32
    %dma_start3A_634 = tpu.memref_slice %arg3[%add3A_623, %dma_start3A_632, %dma_start3A_633] : memref<128x672x224xf32, #tpu.memory_space<hbm>> -> memref<1x168x96xf32, #tpu.memory_space<hbm>>
    %dma_start3A_635 = tpu.memref_squeeze %dma_start3A_634 : memref<1x168x96xf32, #tpu.memory_space<hbm>> -> memref<168x96xf32, #tpu.memory_space<hbm>>
    %dma_start3A_636 = arith.constant 336 : i32
    %dma_start3A_637 = arith.constant 128 : i32
    %dma_start3A_638 = tpu.memref_slice %arg3[%add3A_623, %dma_start3A_636, %dma_start3A_637] : memref<128x672x224xf32, #tpu.memory_space<hbm>> -> memref<1x168x96xf32, #tpu.memory_space<hbm>>
    %dma_start3A_639 = tpu.memref_squeeze %dma_start3A_638 : memref<1x168x96xf32, #tpu.memory_space<hbm>> -> memref<168x96xf32, #tpu.memory_space<hbm>>
    tpu.enqueue_dma source(%arg8 : memref<168x96xf32, #tpu.memory_space<vmem>>) target(%dma_start3A_639 : memref<168x96xf32, #tpu.memory_space<hbm>>) target_semaphore(%arg14 : memref<!tpu.dma_semaphore, #tpu.memory_space<semaphore_mem>>)
    %eq3A_640 = arith.constant 1 : i32
    %eq3A_641 = arith.cmpi eq, %sub3A_61, %eq3A_640 : i32
    %convert_element_type3A_642 = arith.extui %eq3A_641 : i1 to i32
    %cond3A_643 = arith.constant 0 : i32
    %cond3A_644 = arith.cmpi ne, %convert_element_type3A_642, %cond3A_643 : i32
    scf.if %cond3A_644 {
      %dma_start3A_1370 = arith.constant 336 : i32
      %dma_start3A_1371 = arith.constant 0 : i32
      %dma_start3A_1372 = tpu.memref_slice %arg4[%add3A, %dma_start3A_1370, %dma_start3A_1371] : memref<32x672x224xf32, #tpu.memory_space<hbm>> -> memref<1x168x128xf32, #tpu.memory_space<hbm>>
      %dma_start3A_1373 = tpu.memref_squeeze %dma_start3A_1372 : memref<1x168x128xf32, #tpu.memory_space<hbm>> -> memref<168x128xf32, #tpu.memory_space<hbm>>
      %dma_start3A_1374 = arith.constant 336 : i32
      %dma_start3A_1375 = arith.constant 0 : i32
      %dma_start3A_1376 = tpu.memref_slice %arg4[%add3A, %dma_start3A_1374, %dma_start3A_1375] : memref<32x672x224xf32, #tpu.memory_space<hbm>> -> memref<1x168x128xf32, #tpu.memory_space<hbm>>
      %dma_start3A_1377 = tpu.memref_squeeze %dma_start3A_1376 : memref<1x168x128xf32, #tpu.memory_space<hbm>> -> memref<168x128xf32, #tpu.memory_space<hbm>>
      tpu.enqueue_dma source(%arg5 : memref<168x128xf32, #tpu.memory_space<vmem>>) target(%dma_start3A_1377 : memref<168x128xf32, #tpu.memory_space<hbm>>) target_semaphore(%arg17 : memref<!tpu.dma_semaphore, #tpu.memory_space<semaphore_mem>>)
      %dma_start3A_1378 = arith.constant 336 : i32
      %dma_start3A_1379 = arith.constant 128 : i32
      %dma_start3A_1380 = tpu.memref_slice %arg4[%add3A, %dma_start3A_1378, %dma_start3A_1379] : memref<32x672x224xf32, #tpu.memory_space<hbm>> -> memref<1x168x96xf32, #tpu.memory_space<hbm>>
      %dma_start3A_1381 = tpu.memref_squeeze %dma_start3A_1380 : memref<1x168x96xf32, #tpu.memory_space<hbm>> -> memref<168x96xf32, #tpu.memory_space<hbm>>
      %dma_start3A_1382 = arith.constant 336 : i32
      %dma_start3A_1383 = arith.constant 128 : i32
      %dma_start3A_1384 = tpu.memref_slice %arg4[%add3A, %dma_start3A_1382, %dma_start3A_1383] : memref<32x672x224xf32, #tpu.memory_space<hbm>> -> memref<1x168x96xf32, #tpu.memory_space<hbm>>
      %dma_start3A_1385 = tpu.memref_squeeze %dma_start3A_1384 : memref<1x168x96xf32, #tpu.memory_space<hbm>> -> memref<168x96xf32, #tpu.memory_space<hbm>>
      tpu.enqueue_dma source(%arg8 : memref<168x96xf32, #tpu.memory_space<vmem>>) target(%dma_start3A_1385 : memref<168x96xf32, #tpu.memory_space<hbm>>) target_semaphore(%arg17 : memref<!tpu.dma_semaphore, #tpu.memory_space<semaphore_mem>>)
    } else {
    }
    %add3A_645 = arith.constant 1 : i32
    %add3A_646 = arith.addi %mul3A_58, %add3A_645 : i32
    %dma_wait3A_647 = arith.constant 336 : i32
    %dma_wait3A_648 = arith.constant 0 : i32
    %dma_wait3A_649 = tpu.memref_slice %arg3[%add3A_646, %dma_wait3A_647, %dma_wait3A_648] : memref<128x672x224xf32, #tpu.memory_space<hbm>> -> memref<1x168x128xf32, #tpu.memory_space<hbm>>
    %dma_wait3A_650 = tpu.memref_squeeze %dma_wait3A_649 : memref<1x168x128xf32, #tpu.memory_space<hbm>> -> memref<168x128xf32, #tpu.memory_space<hbm>>
    %dma_wait3A_651 = arith.constant 336 : i32
    %dma_wait3A_652 = arith.constant 0 : i32
    %dma_wait3A_653 = tpu.memref_slice %arg3[%add3A_646, %dma_wait3A_651, %dma_wait3A_652] : memref<128x672x224xf32, #tpu.memory_space<hbm>> -> memref<1x168x128xf32, #tpu.memory_space<hbm>>
    %dma_wait3A_654 = tpu.memref_squeeze %dma_wait3A_653 : memref<1x168x128xf32, #tpu.memory_space<hbm>> -> memref<168x128xf32, #tpu.memory_space<hbm>>
    tpu.wait_dma2 semaphore(%arg14 : memref<!tpu.dma_semaphore, #tpu.memory_space<semaphore_mem>>) src(%arg5 : memref<168x128xf32, #tpu.memory_space<vmem>>) dst(%dma_wait3A_654 : memref<168x128xf32, #tpu.memory_space<hbm>>)
    %dma_wait3A_655 = arith.constant 336 : i32
    %dma_wait3A_656 = arith.constant 128 : i32
    %dma_wait3A_657 = tpu.memref_slice %arg3[%add3A_646, %dma_wait3A_655, %dma_wait3A_656] : memref<128x672x224xf32, #tpu.memory_space<hbm>> -> memref<1x168x96xf32, #tpu.memory_space<hbm>>
    %dma_wait3A_658 = tpu.memref_squeeze %dma_wait3A_657 : memref<1x168x96xf32, #tpu.memory_space<hbm>> -> memref<168x96xf32, #tpu.memory_space<hbm>>
    %dma_wait3A_659 = arith.constant 336 : i32
    %dma_wait3A_660 = arith.constant 128 : i32
    %dma_wait3A_661 = tpu.memref_slice %arg3[%add3A_646, %dma_wait3A_659, %dma_wait3A_660] : memref<128x672x224xf32, #tpu.memory_space<hbm>> -> memref<1x168x96xf32, #tpu.memory_space<hbm>>
    %dma_wait3A_662 = tpu.memref_squeeze %dma_wait3A_661 : memref<1x168x96xf32, #tpu.memory_space<hbm>> -> memref<168x96xf32, #tpu.memory_space<hbm>>
    tpu.wait_dma2 semaphore(%arg14 : memref<!tpu.dma_semaphore, #tpu.memory_space<semaphore_mem>>) src(%arg8 : memref<168x96xf32, #tpu.memory_space<vmem>>) dst(%dma_wait3A_662 : memref<168x96xf32, #tpu.memory_space<hbm>>)
    %eq3A_663 = arith.constant 1 : i32
    %eq3A_664 = arith.cmpi eq, %sub3A_61, %eq3A_663 : i32
    %convert_element_type3A_665 = arith.extui %eq3A_664 : i1 to i32
    %cond3A_666 = arith.constant 0 : i32
    %cond3A_667 = arith.cmpi ne, %convert_element_type3A_665, %cond3A_666 : i32
    scf.if %cond3A_667 {
      %dma_wait3A_1370 = arith.constant 336 : i32
      %dma_wait3A_1371 = arith.constant 0 : i32
      %dma_wait3A_1372 = tpu.memref_slice %arg4[%add3A, %dma_wait3A_1370, %dma_wait3A_1371] : memref<32x672x224xf32, #tpu.memory_space<hbm>> -> memref<1x168x128xf32, #tpu.memory_space<hbm>>
      %dma_wait3A_1373 = tpu.memref_squeeze %dma_wait3A_1372 : memref<1x168x128xf32, #tpu.memory_space<hbm>> -> memref<168x128xf32, #tpu.memory_space<hbm>>
      %dma_wait3A_1374 = arith.constant 336 : i32
      %dma_wait3A_1375 = arith.constant 0 : i32
      %dma_wait3A_1376 = tpu.memref_slice %arg4[%add3A, %dma_wait3A_1374, %dma_wait3A_1375] : memref<32x672x224xf32, #tpu.memory_space<hbm>> -> memref<1x168x128xf32, #tpu.memory_space<hbm>>
      %dma_wait3A_1377 = tpu.memref_squeeze %dma_wait3A_1376 : memref<1x168x128xf32, #tpu.memory_space<hbm>> -> memref<168x128xf32, #tpu.memory_space<hbm>>
      tpu.wait_dma2 semaphore(%arg17 : memref<!tpu.dma_semaphore, #tpu.memory_space<semaphore_mem>>) src(%arg5 : memref<168x128xf32, #tpu.memory_space<vmem>>) dst(%dma_wait3A_1377 : memref<168x128xf32, #tpu.memory_space<hbm>>)
      %dma_wait3A_1378 = arith.constant 336 : i32
      %dma_wait3A_1379 = arith.constant 128 : i32
      %dma_wait3A_1380 = tpu.memref_slice %arg4[%add3A, %dma_wait3A_1378, %dma_wait3A_1379] : memref<32x672x224xf32, #tpu.memory_space<hbm>> -> memref<1x168x96xf32, #tpu.memory_space<hbm>>
      %dma_wait3A_1381 = tpu.memref_squeeze %dma_wait3A_1380 : memref<1x168x96xf32, #tpu.memory_space<hbm>> -> memref<168x96xf32, #tpu.memory_space<hbm>>
      %dma_wait3A_1382 = arith.constant 336 : i32
      %dma_wait3A_1383 = arith.constant 128 : i32
      %dma_wait3A_1384 = tpu.memref_slice %arg4[%add3A, %dma_wait3A_1382, %dma_wait3A_1383] : memref<32x672x224xf32, #tpu.memory_space<hbm>> -> memref<1x168x96xf32, #tpu.memory_space<hbm>>
      %dma_wait3A_1385 = tpu.memref_squeeze %dma_wait3A_1384 : memref<1x168x96xf32, #tpu.memory_space<hbm>> -> memref<168x96xf32, #tpu.memory_space<hbm>>
      tpu.wait_dma2 semaphore(%arg17 : memref<!tpu.dma_semaphore, #tpu.memory_space<semaphore_mem>>) src(%arg8 : memref<168x96xf32, #tpu.memory_space<vmem>>) dst(%dma_wait3A_1385 : memref<168x96xf32, #tpu.memory_space<hbm>>)
    } else {
    }
    %add3A_668 = arith.constant 2 : i32
    %add3A_669 = arith.addi %mul3A_58, %add3A_668 : i32
    %dma_start3A_670 = arith.constant 168 : i32
    %dma_start3A_671 = arith.constant 0 : i32
    %dma_start3A_672 = tpu.memref_slice %arg2[%add3A_669, %dma_start3A_670, %dma_start3A_671] : memref<128x672x224xf32, #tpu.memory_space<hbm>> -> memref<1x168x128xf32, #tpu.memory_space<hbm>>
    %dma_start3A_673 = tpu.memref_squeeze %dma_start3A_672 : memref<1x168x128xf32, #tpu.memory_space<hbm>> -> memref<168x128xf32, #tpu.memory_space<hbm>>
    %dma_start3A_674 = arith.constant 168 : i32
    %dma_start3A_675 = arith.constant 0 : i32
    %dma_start3A_676 = tpu.memref_slice %arg2[%add3A_669, %dma_start3A_674, %dma_start3A_675] : memref<128x672x224xf32, #tpu.memory_space<hbm>> -> memref<1x168x128xf32, #tpu.memory_space<hbm>>
    %dma_start3A_677 = tpu.memref_squeeze %dma_start3A_676 : memref<1x168x128xf32, #tpu.memory_space<hbm>> -> memref<168x128xf32, #tpu.memory_space<hbm>>
    tpu.enqueue_dma source(%dma_start3A_677 : memref<168x128xf32, #tpu.memory_space<hbm>>) target(%arg5 : memref<168x128xf32, #tpu.memory_space<vmem>>) target_semaphore(%arg11 : memref<!tpu.dma_semaphore, #tpu.memory_space<semaphore_mem>>)
    %dma_start3A_678 = arith.constant 168 : i32
    %dma_start3A_679 = arith.constant 128 : i32
    %dma_start3A_680 = tpu.memref_slice %arg2[%add3A_669, %dma_start3A_678, %dma_start3A_679] : memref<128x672x224xf32, #tpu.memory_space<hbm>> -> memref<1x168x96xf32, #tpu.memory_space<hbm>>
    %dma_start3A_681 = tpu.memref_squeeze %dma_start3A_680 : memref<1x168x96xf32, #tpu.memory_space<hbm>> -> memref<168x96xf32, #tpu.memory_space<hbm>>
    %dma_start3A_682 = arith.constant 168 : i32
    %dma_start3A_683 = arith.constant 128 : i32
    %dma_start3A_684 = tpu.memref_slice %arg2[%add3A_669, %dma_start3A_682, %dma_start3A_683] : memref<128x672x224xf32, #tpu.memory_space<hbm>> -> memref<1x168x96xf32, #tpu.memory_space<hbm>>
    %dma_start3A_685 = tpu.memref_squeeze %dma_start3A_684 : memref<1x168x96xf32, #tpu.memory_space<hbm>> -> memref<168x96xf32, #tpu.memory_space<hbm>>
    tpu.enqueue_dma source(%dma_start3A_685 : memref<168x96xf32, #tpu.memory_space<hbm>>) target(%arg8 : memref<168x96xf32, #tpu.memory_space<vmem>>) target_semaphore(%arg11 : memref<!tpu.dma_semaphore, #tpu.memory_space<semaphore_mem>>)
    %add3A_686 = arith.constant 1 : i32
    %add3A_687 = arith.addi %mul3A_58, %add3A_686 : i32
    %dma_wait3A_688 = arith.constant 504 : i32
    %dma_wait3A_689 = arith.constant 0 : i32
    %dma_wait3A_690 = tpu.memref_slice %arg2[%add3A_687, %dma_wait3A_688, %dma_wait3A_689] : memref<128x672x224xf32, #tpu.memory_space<hbm>> -> memref<1x168x128xf32, #tpu.memory_space<hbm>>
    %dma_wait3A_691 = tpu.memref_squeeze %dma_wait3A_690 : memref<1x168x128xf32, #tpu.memory_space<hbm>> -> memref<168x128xf32, #tpu.memory_space<hbm>>
    %dma_wait3A_692 = arith.constant 504 : i32
    %dma_wait3A_693 = arith.constant 0 : i32
    %dma_wait3A_694 = tpu.memref_slice %arg2[%add3A_687, %dma_wait3A_692, %dma_wait3A_693] : memref<128x672x224xf32, #tpu.memory_space<hbm>> -> memref<1x168x128xf32, #tpu.memory_space<hbm>>
    %dma_wait3A_695 = tpu.memref_squeeze %dma_wait3A_694 : memref<1x168x128xf32, #tpu.memory_space<hbm>> -> memref<168x128xf32, #tpu.memory_space<hbm>>
    tpu.wait_dma2 semaphore(%arg12 : memref<!tpu.dma_semaphore, #tpu.memory_space<semaphore_mem>>) src(%dma_wait3A_695 : memref<168x128xf32, #tpu.memory_space<hbm>>) dst(%arg6 : memref<168x128xf32, #tpu.memory_space<vmem>>)
    %dma_wait3A_696 = arith.constant 504 : i32
    %dma_wait3A_697 = arith.constant 128 : i32
    %dma_wait3A_698 = tpu.memref_slice %arg2[%add3A_687, %dma_wait3A_696, %dma_wait3A_697] : memref<128x672x224xf32, #tpu.memory_space<hbm>> -> memref<1x168x96xf32, #tpu.memory_space<hbm>>
    %dma_wait3A_699 = tpu.memref_squeeze %dma_wait3A_698 : memref<1x168x96xf32, #tpu.memory_space<hbm>> -> memref<168x96xf32, #tpu.memory_space<hbm>>
    %dma_wait3A_700 = arith.constant 504 : i32
    %dma_wait3A_701 = arith.constant 128 : i32
    %dma_wait3A_702 = tpu.memref_slice %arg2[%add3A_687, %dma_wait3A_700, %dma_wait3A_701] : memref<128x672x224xf32, #tpu.memory_space<hbm>> -> memref<1x168x96xf32, #tpu.memory_space<hbm>>
    %dma_wait3A_703 = tpu.memref_squeeze %dma_wait3A_702 : memref<1x168x96xf32, #tpu.memory_space<hbm>> -> memref<168x96xf32, #tpu.memory_space<hbm>>
    tpu.wait_dma2 semaphore(%arg12 : memref<!tpu.dma_semaphore, #tpu.memory_space<semaphore_mem>>) src(%dma_wait3A_703 : memref<168x96xf32, #tpu.memory_space<hbm>>) dst(%arg9 : memref<168x96xf32, #tpu.memory_space<vmem>>)
    %add3A_704 = arith.constant 1 : i32
    %add3A_705 = arith.addi %mul3A_58, %add3A_704 : i32
    %dma_start3A_706 = arith.constant 504 : i32
    %dma_start3A_707 = arith.constant 0 : i32
    %dma_start3A_708 = tpu.memref_slice %arg3[%add3A_705, %dma_start3A_706, %dma_start3A_707] : memref<128x672x224xf32, #tpu.memory_space<hbm>> -> memref<1x168x128xf32, #tpu.memory_space<hbm>>
    %dma_start3A_709 = tpu.memref_squeeze %dma_start3A_708 : memref<1x168x128xf32, #tpu.memory_space<hbm>> -> memref<168x128xf32, #tpu.memory_space<hbm>>
    %dma_start3A_710 = arith.constant 504 : i32
    %dma_start3A_711 = arith.constant 0 : i32
    %dma_start3A_712 = tpu.memref_slice %arg3[%add3A_705, %dma_start3A_710, %dma_start3A_711] : memref<128x672x224xf32, #tpu.memory_space<hbm>> -> memref<1x168x128xf32, #tpu.memory_space<hbm>>
    %dma_start3A_713 = tpu.memref_squeeze %dma_start3A_712 : memref<1x168x128xf32, #tpu.memory_space<hbm>> -> memref<168x128xf32, #tpu.memory_space<hbm>>
    tpu.enqueue_dma source(%arg6 : memref<168x128xf32, #tpu.memory_space<vmem>>) target(%dma_start3A_713 : memref<168x128xf32, #tpu.memory_space<hbm>>) target_semaphore(%arg15 : memref<!tpu.dma_semaphore, #tpu.memory_space<semaphore_mem>>)
    %dma_start3A_714 = arith.constant 504 : i32
    %dma_start3A_715 = arith.constant 128 : i32
    %dma_start3A_716 = tpu.memref_slice %arg3[%add3A_705, %dma_start3A_714, %dma_start3A_715] : memref<128x672x224xf32, #tpu.memory_space<hbm>> -> memref<1x168x96xf32, #tpu.memory_space<hbm>>
    %dma_start3A_717 = tpu.memref_squeeze %dma_start3A_716 : memref<1x168x96xf32, #tpu.memory_space<hbm>> -> memref<168x96xf32, #tpu.memory_space<hbm>>
    %dma_start3A_718 = arith.constant 504 : i32
    %dma_start3A_719 = arith.constant 128 : i32
    %dma_start3A_720 = tpu.memref_slice %arg3[%add3A_705, %dma_start3A_718, %dma_start3A_719] : memref<128x672x224xf32, #tpu.memory_space<hbm>> -> memref<1x168x96xf32, #tpu.memory_space<hbm>>
    %dma_start3A_721 = tpu.memref_squeeze %dma_start3A_720 : memref<1x168x96xf32, #tpu.memory_space<hbm>> -> memref<168x96xf32, #tpu.memory_space<hbm>>
    tpu.enqueue_dma source(%arg9 : memref<168x96xf32, #tpu.memory_space<vmem>>) target(%dma_start3A_721 : memref<168x96xf32, #tpu.memory_space<hbm>>) target_semaphore(%arg15 : memref<!tpu.dma_semaphore, #tpu.memory_space<semaphore_mem>>)
    %eq3A_722 = arith.constant 1 : i32
    %eq3A_723 = arith.cmpi eq, %sub3A_61, %eq3A_722 : i32
    %convert_element_type3A_724 = arith.extui %eq3A_723 : i1 to i32
    %cond3A_725 = arith.constant 0 : i32
    %cond3A_726 = arith.cmpi ne, %convert_element_type3A_724, %cond3A_725 : i32
    scf.if %cond3A_726 {
      %dma_start3A_1370 = arith.constant 504 : i32
      %dma_start3A_1371 = arith.constant 0 : i32
      %dma_start3A_1372 = tpu.memref_slice %arg4[%add3A, %dma_start3A_1370, %dma_start3A_1371] : memref<32x672x224xf32, #tpu.memory_space<hbm>> -> memref<1x168x128xf32, #tpu.memory_space<hbm>>
      %dma_start3A_1373 = tpu.memref_squeeze %dma_start3A_1372 : memref<1x168x128xf32, #tpu.memory_space<hbm>> -> memref<168x128xf32, #tpu.memory_space<hbm>>
      %dma_start3A_1374 = arith.constant 504 : i32
      %dma_start3A_1375 = arith.constant 0 : i32
      %dma_start3A_1376 = tpu.memref_slice %arg4[%add3A, %dma_start3A_1374, %dma_start3A_1375] : memref<32x672x224xf32, #tpu.memory_space<hbm>> -> memref<1x168x128xf32, #tpu.memory_space<hbm>>
      %dma_start3A_1377 = tpu.memref_squeeze %dma_start3A_1376 : memref<1x168x128xf32, #tpu.memory_space<hbm>> -> memref<168x128xf32, #tpu.memory_space<hbm>>
      tpu.enqueue_dma source(%arg6 : memref<168x128xf32, #tpu.memory_space<vmem>>) target(%dma_start3A_1377 : memref<168x128xf32, #tpu.memory_space<hbm>>) target_semaphore(%arg18 : memref<!tpu.dma_semaphore, #tpu.memory_space<semaphore_mem>>)
      %dma_start3A_1378 = arith.constant 504 : i32
      %dma_start3A_1379 = arith.constant 128 : i32
      %dma_start3A_1380 = tpu.memref_slice %arg4[%add3A, %dma_start3A_1378, %dma_start3A_1379] : memref<32x672x224xf32, #tpu.memory_space<hbm>> -> memref<1x168x96xf32, #tpu.memory_space<hbm>>
      %dma_start3A_1381 = tpu.memref_squeeze %dma_start3A_1380 : memref<1x168x96xf32, #tpu.memory_space<hbm>> -> memref<168x96xf32, #tpu.memory_space<hbm>>
      %dma_start3A_1382 = arith.constant 504 : i32
      %dma_start3A_1383 = arith.constant 128 : i32
      %dma_start3A_1384 = tpu.memref_slice %arg4[%add3A, %dma_start3A_1382, %dma_start3A_1383] : memref<32x672x224xf32, #tpu.memory_space<hbm>> -> memref<1x168x96xf32, #tpu.memory_space<hbm>>
      %dma_start3A_1385 = tpu.memref_squeeze %dma_start3A_1384 : memref<1x168x96xf32, #tpu.memory_space<hbm>> -> memref<168x96xf32, #tpu.memory_space<hbm>>
      tpu.enqueue_dma source(%arg9 : memref<168x96xf32, #tpu.memory_space<vmem>>) target(%dma_start3A_1385 : memref<168x96xf32, #tpu.memory_space<hbm>>) target_semaphore(%arg18 : memref<!tpu.dma_semaphore, #tpu.memory_space<semaphore_mem>>)
    } else {
    }
    %add3A_727 = arith.constant 1 : i32
    %add3A_728 = arith.addi %mul3A_58, %add3A_727 : i32
    %dma_wait3A_729 = arith.constant 504 : i32
    %dma_wait3A_730 = arith.constant 0 : i32
    %dma_wait3A_731 = tpu.memref_slice %arg3[%add3A_728, %dma_wait3A_729, %dma_wait3A_730] : memref<128x672x224xf32, #tpu.memory_space<hbm>> -> memref<1x168x128xf32, #tpu.memory_space<hbm>>
    %dma_wait3A_732 = tpu.memref_squeeze %dma_wait3A_731 : memref<1x168x128xf32, #tpu.memory_space<hbm>> -> memref<168x128xf32, #tpu.memory_space<hbm>>
    %dma_wait3A_733 = arith.constant 504 : i32
    %dma_wait3A_734 = arith.constant 0 : i32
    %dma_wait3A_735 = tpu.memref_slice %arg3[%add3A_728, %dma_wait3A_733, %dma_wait3A_734] : memref<128x672x224xf32, #tpu.memory_space<hbm>> -> memref<1x168x128xf32, #tpu.memory_space<hbm>>
    %dma_wait3A_736 = tpu.memref_squeeze %dma_wait3A_735 : memref<1x168x128xf32, #tpu.memory_space<hbm>> -> memref<168x128xf32, #tpu.memory_space<hbm>>
    tpu.wait_dma2 semaphore(%arg15 : memref<!tpu.dma_semaphore, #tpu.memory_space<semaphore_mem>>) src(%arg6 : memref<168x128xf32, #tpu.memory_space<vmem>>) dst(%dma_wait3A_736 : memref<168x128xf32, #tpu.memory_space<hbm>>)
    %dma_wait3A_737 = arith.constant 504 : i32
    %dma_wait3A_738 = arith.constant 128 : i32
    %dma_wait3A_739 = tpu.memref_slice %arg3[%add3A_728, %dma_wait3A_737, %dma_wait3A_738] : memref<128x672x224xf32, #tpu.memory_space<hbm>> -> memref<1x168x96xf32, #tpu.memory_space<hbm>>
    %dma_wait3A_740 = tpu.memref_squeeze %dma_wait3A_739 : memref<1x168x96xf32, #tpu.memory_space<hbm>> -> memref<168x96xf32, #tpu.memory_space<hbm>>
    %dma_wait3A_741 = arith.constant 504 : i32
    %dma_wait3A_742 = arith.constant 128 : i32
    %dma_wait3A_743 = tpu.memref_slice %arg3[%add3A_728, %dma_wait3A_741, %dma_wait3A_742] : memref<128x672x224xf32, #tpu.memory_space<hbm>> -> memref<1x168x96xf32, #tpu.memory_space<hbm>>
    %dma_wait3A_744 = tpu.memref_squeeze %dma_wait3A_743 : memref<1x168x96xf32, #tpu.memory_space<hbm>> -> memref<168x96xf32, #tpu.memory_space<hbm>>
    tpu.wait_dma2 semaphore(%arg15 : memref<!tpu.dma_semaphore, #tpu.memory_space<semaphore_mem>>) src(%arg9 : memref<168x96xf32, #tpu.memory_space<vmem>>) dst(%dma_wait3A_744 : memref<168x96xf32, #tpu.memory_space<hbm>>)
    %eq3A_745 = arith.constant 1 : i32
    %eq3A_746 = arith.cmpi eq, %sub3A_61, %eq3A_745 : i32
    %convert_element_type3A_747 = arith.extui %eq3A_746 : i1 to i32
    %cond3A_748 = arith.constant 0 : i32
    %cond3A_749 = arith.cmpi ne, %convert_element_type3A_747, %cond3A_748 : i32
    scf.if %cond3A_749 {
      %dma_wait3A_1370 = arith.constant 504 : i32
      %dma_wait3A_1371 = arith.constant 0 : i32
      %dma_wait3A_1372 = tpu.memref_slice %arg4[%add3A, %dma_wait3A_1370, %dma_wait3A_1371] : memref<32x672x224xf32, #tpu.memory_space<hbm>> -> memref<1x168x128xf32, #tpu.memory_space<hbm>>
      %dma_wait3A_1373 = tpu.memref_squeeze %dma_wait3A_1372 : memref<1x168x128xf32, #tpu.memory_space<hbm>> -> memref<168x128xf32, #tpu.memory_space<hbm>>
      %dma_wait3A_1374 = arith.constant 504 : i32
      %dma_wait3A_1375 = arith.constant 0 : i32
      %dma_wait3A_1376 = tpu.memref_slice %arg4[%add3A, %dma_wait3A_1374, %dma_wait3A_1375] : memref<32x672x224xf32, #tpu.memory_space<hbm>> -> memref<1x168x128xf32, #tpu.memory_space<hbm>>
      %dma_wait3A_1377 = tpu.memref_squeeze %dma_wait3A_1376 : memref<1x168x128xf32, #tpu.memory_space<hbm>> -> memref<168x128xf32, #tpu.memory_space<hbm>>
      tpu.wait_dma2 semaphore(%arg18 : memref<!tpu.dma_semaphore, #tpu.memory_space<semaphore_mem>>) src(%arg6 : memref<168x128xf32, #tpu.memory_space<vmem>>) dst(%dma_wait3A_1377 : memref<168x128xf32, #tpu.memory_space<hbm>>)
      %dma_wait3A_1378 = arith.constant 504 : i32
      %dma_wait3A_1379 = arith.constant 128 : i32
      %dma_wait3A_1380 = tpu.memref_slice %arg4[%add3A, %dma_wait3A_1378, %dma_wait3A_1379] : memref<32x672x224xf32, #tpu.memory_space<hbm>> -> memref<1x168x96xf32, #tpu.memory_space<hbm>>
      %dma_wait3A_1381 = tpu.memref_squeeze %dma_wait3A_1380 : memref<1x168x96xf32, #tpu.memory_space<hbm>> -> memref<168x96xf32, #tpu.memory_space<hbm>>
      %dma_wait3A_1382 = arith.constant 504 : i32
      %dma_wait3A_1383 = arith.constant 128 : i32
      %dma_wait3A_1384 = tpu.memref_slice %arg4[%add3A, %dma_wait3A_1382, %dma_wait3A_1383] : memref<32x672x224xf32, #tpu.memory_space<hbm>> -> memref<1x168x96xf32, #tpu.memory_space<hbm>>
      %dma_wait3A_1385 = tpu.memref_squeeze %dma_wait3A_1384 : memref<1x168x96xf32, #tpu.memory_space<hbm>> -> memref<168x96xf32, #tpu.memory_space<hbm>>
      tpu.wait_dma2 semaphore(%arg18 : memref<!tpu.dma_semaphore, #tpu.memory_space<semaphore_mem>>) src(%arg9 : memref<168x96xf32, #tpu.memory_space<vmem>>) dst(%dma_wait3A_1385 : memref<168x96xf32, #tpu.memory_space<hbm>>)
    } else {
    }
    %add3A_750 = arith.constant 2 : i32
    %add3A_751 = arith.addi %mul3A_58, %add3A_750 : i32
    %dma_start3A_752 = arith.constant 336 : i32
    %dma_start3A_753 = arith.constant 0 : i32
    %dma_start3A_754 = tpu.memref_slice %arg2[%add3A_751, %dma_start3A_752, %dma_start3A_753] : memref<128x672x224xf32, #tpu.memory_space<hbm>> -> memref<1x168x128xf32, #tpu.memory_space<hbm>>
    %dma_start3A_755 = tpu.memref_squeeze %dma_start3A_754 : memref<1x168x128xf32, #tpu.memory_space<hbm>> -> memref<168x128xf32, #tpu.memory_space<hbm>>
    %dma_start3A_756 = arith.constant 336 : i32
    %dma_start3A_757 = arith.constant 0 : i32
    %dma_start3A_758 = tpu.memref_slice %arg2[%add3A_751, %dma_start3A_756, %dma_start3A_757] : memref<128x672x224xf32, #tpu.memory_space<hbm>> -> memref<1x168x128xf32, #tpu.memory_space<hbm>>
    %dma_start3A_759 = tpu.memref_squeeze %dma_start3A_758 : memref<1x168x128xf32, #tpu.memory_space<hbm>> -> memref<168x128xf32, #tpu.memory_space<hbm>>
    tpu.enqueue_dma source(%dma_start3A_759 : memref<168x128xf32, #tpu.memory_space<hbm>>) target(%arg6 : memref<168x128xf32, #tpu.memory_space<vmem>>) target_semaphore(%arg12 : memref<!tpu.dma_semaphore, #tpu.memory_space<semaphore_mem>>)
    %dma_start3A_760 = arith.constant 336 : i32
    %dma_start3A_761 = arith.constant 128 : i32
    %dma_start3A_762 = tpu.memref_slice %arg2[%add3A_751, %dma_start3A_760, %dma_start3A_761] : memref<128x672x224xf32, #tpu.memory_space<hbm>> -> memref<1x168x96xf32, #tpu.memory_space<hbm>>
    %dma_start3A_763 = tpu.memref_squeeze %dma_start3A_762 : memref<1x168x96xf32, #tpu.memory_space<hbm>> -> memref<168x96xf32, #tpu.memory_space<hbm>>
    %dma_start3A_764 = arith.constant 336 : i32
    %dma_start3A_765 = arith.constant 128 : i32
    %dma_start3A_766 = tpu.memref_slice %arg2[%add3A_751, %dma_start3A_764, %dma_start3A_765] : memref<128x672x224xf32, #tpu.memory_space<hbm>> -> memref<1x168x96xf32, #tpu.memory_space<hbm>>
    %dma_start3A_767 = tpu.memref_squeeze %dma_start3A_766 : memref<1x168x96xf32, #tpu.memory_space<hbm>> -> memref<168x96xf32, #tpu.memory_space<hbm>>
    tpu.enqueue_dma source(%dma_start3A_767 : memref<168x96xf32, #tpu.memory_space<hbm>>) target(%arg9 : memref<168x96xf32, #tpu.memory_space<vmem>>) target_semaphore(%arg12 : memref<!tpu.dma_semaphore, #tpu.memory_space<semaphore_mem>>)
    %add3A_768 = arith.constant 2 : i32
    %add3A_769 = arith.addi %mul3A_58, %add3A_768 : i32
    %dma_wait3A_770 = arith.constant 0 : i32
    %dma_wait3A_771 = arith.constant 0 : i32
    %dma_wait3A_772 = tpu.memref_slice %arg2[%add3A_769, %dma_wait3A_770, %dma_wait3A_771] : memref<128x672x224xf32, #tpu.memory_space<hbm>> -> memref<1x168x128xf32, #tpu.memory_space<hbm>>
    %dma_wait3A_773 = tpu.memref_squeeze %dma_wait3A_772 : memref<1x168x128xf32, #tpu.memory_space<hbm>> -> memref<168x128xf32, #tpu.memory_space<hbm>>
    %dma_wait3A_774 = arith.constant 0 : i32
    %dma_wait3A_775 = arith.constant 0 : i32
    %dma_wait3A_776 = tpu.memref_slice %arg2[%add3A_769, %dma_wait3A_774, %dma_wait3A_775] : memref<128x672x224xf32, #tpu.memory_space<hbm>> -> memref<1x168x128xf32, #tpu.memory_space<hbm>>
    %dma_wait3A_777 = tpu.memref_squeeze %dma_wait3A_776 : memref<1x168x128xf32, #tpu.memory_space<hbm>> -> memref<168x128xf32, #tpu.memory_space<hbm>>
    tpu.wait_dma2 semaphore(%arg13 : memref<!tpu.dma_semaphore, #tpu.memory_space<semaphore_mem>>) src(%dma_wait3A_777 : memref<168x128xf32, #tpu.memory_space<hbm>>) dst(%arg7 : memref<168x128xf32, #tpu.memory_space<vmem>>)
    %dma_wait3A_778 = arith.constant 0 : i32
    %dma_wait3A_779 = arith.constant 128 : i32
    %dma_wait3A_780 = tpu.memref_slice %arg2[%add3A_769, %dma_wait3A_778, %dma_wait3A_779] : memref<128x672x224xf32, #tpu.memory_space<hbm>> -> memref<1x168x96xf32, #tpu.memory_space<hbm>>
    %dma_wait3A_781 = tpu.memref_squeeze %dma_wait3A_780 : memref<1x168x96xf32, #tpu.memory_space<hbm>> -> memref<168x96xf32, #tpu.memory_space<hbm>>
    %dma_wait3A_782 = arith.constant 0 : i32
    %dma_wait3A_783 = arith.constant 128 : i32
    %dma_wait3A_784 = tpu.memref_slice %arg2[%add3A_769, %dma_wait3A_782, %dma_wait3A_783] : memref<128x672x224xf32, #tpu.memory_space<hbm>> -> memref<1x168x96xf32, #tpu.memory_space<hbm>>
    %dma_wait3A_785 = tpu.memref_squeeze %dma_wait3A_784 : memref<1x168x96xf32, #tpu.memory_space<hbm>> -> memref<168x96xf32, #tpu.memory_space<hbm>>
    tpu.wait_dma2 semaphore(%arg13 : memref<!tpu.dma_semaphore, #tpu.memory_space<semaphore_mem>>) src(%dma_wait3A_785 : memref<168x96xf32, #tpu.memory_space<hbm>>) dst(%arg10 : memref<168x96xf32, #tpu.memory_space<vmem>>)
    %add3A_786 = arith.constant 2 : i32
    %add3A_787 = arith.addi %mul3A_58, %add3A_786 : i32
    %dma_start3A_788 = arith.constant 0 : i32
    %dma_start3A_789 = arith.constant 0 : i32
    %dma_start3A_790 = tpu.memref_slice %arg3[%add3A_787, %dma_start3A_788, %dma_start3A_789] : memref<128x672x224xf32, #tpu.memory_space<hbm>> -> memref<1x168x128xf32, #tpu.memory_space<hbm>>
    %dma_start3A_791 = tpu.memref_squeeze %dma_start3A_790 : memref<1x168x128xf32, #tpu.memory_space<hbm>> -> memref<168x128xf32, #tpu.memory_space<hbm>>
    %dma_start3A_792 = arith.constant 0 : i32
    %dma_start3A_793 = arith.constant 0 : i32
    %dma_start3A_794 = tpu.memref_slice %arg3[%add3A_787, %dma_start3A_792, %dma_start3A_793] : memref<128x672x224xf32, #tpu.memory_space<hbm>> -> memref<1x168x128xf32, #tpu.memory_space<hbm>>
    %dma_start3A_795 = tpu.memref_squeeze %dma_start3A_794 : memref<1x168x128xf32, #tpu.memory_space<hbm>> -> memref<168x128xf32, #tpu.memory_space<hbm>>
    tpu.enqueue_dma source(%arg7 : memref<168x128xf32, #tpu.memory_space<vmem>>) target(%dma_start3A_795 : memref<168x128xf32, #tpu.memory_space<hbm>>) target_semaphore(%arg16 : memref<!tpu.dma_semaphore, #tpu.memory_space<semaphore_mem>>)
    %dma_start3A_796 = arith.constant 0 : i32
    %dma_start3A_797 = arith.constant 128 : i32
    %dma_start3A_798 = tpu.memref_slice %arg3[%add3A_787, %dma_start3A_796, %dma_start3A_797] : memref<128x672x224xf32, #tpu.memory_space<hbm>> -> memref<1x168x96xf32, #tpu.memory_space<hbm>>
    %dma_start3A_799 = tpu.memref_squeeze %dma_start3A_798 : memref<1x168x96xf32, #tpu.memory_space<hbm>> -> memref<168x96xf32, #tpu.memory_space<hbm>>
    %dma_start3A_800 = arith.constant 0 : i32
    %dma_start3A_801 = arith.constant 128 : i32
    %dma_start3A_802 = tpu.memref_slice %arg3[%add3A_787, %dma_start3A_800, %dma_start3A_801] : memref<128x672x224xf32, #tpu.memory_space<hbm>> -> memref<1x168x96xf32, #tpu.memory_space<hbm>>
    %dma_start3A_803 = tpu.memref_squeeze %dma_start3A_802 : memref<1x168x96xf32, #tpu.memory_space<hbm>> -> memref<168x96xf32, #tpu.memory_space<hbm>>
    tpu.enqueue_dma source(%arg10 : memref<168x96xf32, #tpu.memory_space<vmem>>) target(%dma_start3A_803 : memref<168x96xf32, #tpu.memory_space<hbm>>) target_semaphore(%arg16 : memref<!tpu.dma_semaphore, #tpu.memory_space<semaphore_mem>>)
    %eq3A_804 = arith.constant 2 : i32
    %eq3A_805 = arith.cmpi eq, %sub3A_61, %eq3A_804 : i32
    %convert_element_type3A_806 = arith.extui %eq3A_805 : i1 to i32
    %cond3A_807 = arith.constant 0 : i32
    %cond3A_808 = arith.cmpi ne, %convert_element_type3A_806, %cond3A_807 : i32
    scf.if %cond3A_808 {
      %dma_start3A_1370 = arith.constant 0 : i32
      %dma_start3A_1371 = arith.constant 0 : i32
      %dma_start3A_1372 = tpu.memref_slice %arg4[%add3A, %dma_start3A_1370, %dma_start3A_1371] : memref<32x672x224xf32, #tpu.memory_space<hbm>> -> memref<1x168x128xf32, #tpu.memory_space<hbm>>
      %dma_start3A_1373 = tpu.memref_squeeze %dma_start3A_1372 : memref<1x168x128xf32, #tpu.memory_space<hbm>> -> memref<168x128xf32, #tpu.memory_space<hbm>>
      %dma_start3A_1374 = arith.constant 0 : i32
      %dma_start3A_1375 = arith.constant 0 : i32
      %dma_start3A_1376 = tpu.memref_slice %arg4[%add3A, %dma_start3A_1374, %dma_start3A_1375] : memref<32x672x224xf32, #tpu.memory_space<hbm>> -> memref<1x168x128xf32, #tpu.memory_space<hbm>>
      %dma_start3A_1377 = tpu.memref_squeeze %dma_start3A_1376 : memref<1x168x128xf32, #tpu.memory_space<hbm>> -> memref<168x128xf32, #tpu.memory_space<hbm>>
      tpu.enqueue_dma source(%arg7 : memref<168x128xf32, #tpu.memory_space<vmem>>) target(%dma_start3A_1377 : memref<168x128xf32, #tpu.memory_space<hbm>>) target_semaphore(%arg19 : memref<!tpu.dma_semaphore, #tpu.memory_space<semaphore_mem>>)
      %dma_start3A_1378 = arith.constant 0 : i32
      %dma_start3A_1379 = arith.constant 128 : i32
      %dma_start3A_1380 = tpu.memref_slice %arg4[%add3A, %dma_start3A_1378, %dma_start3A_1379] : memref<32x672x224xf32, #tpu.memory_space<hbm>> -> memref<1x168x96xf32, #tpu.memory_space<hbm>>
      %dma_start3A_1381 = tpu.memref_squeeze %dma_start3A_1380 : memref<1x168x96xf32, #tpu.memory_space<hbm>> -> memref<168x96xf32, #tpu.memory_space<hbm>>
      %dma_start3A_1382 = arith.constant 0 : i32
      %dma_start3A_1383 = arith.constant 128 : i32
      %dma_start3A_1384 = tpu.memref_slice %arg4[%add3A, %dma_start3A_1382, %dma_start3A_1383] : memref<32x672x224xf32, #tpu.memory_space<hbm>> -> memref<1x168x96xf32, #tpu.memory_space<hbm>>
      %dma_start3A_1385 = tpu.memref_squeeze %dma_start3A_1384 : memref<1x168x96xf32, #tpu.memory_space<hbm>> -> memref<168x96xf32, #tpu.memory_space<hbm>>
      tpu.enqueue_dma source(%arg10 : memref<168x96xf32, #tpu.memory_space<vmem>>) target(%dma_start3A_1385 : memref<168x96xf32, #tpu.memory_space<hbm>>) target_semaphore(%arg19 : memref<!tpu.dma_semaphore, #tpu.memory_space<semaphore_mem>>)
    } else {
    }
    %add3A_809 = arith.constant 2 : i32
    %add3A_810 = arith.addi %mul3A_58, %add3A_809 : i32
    %dma_wait3A_811 = arith.constant 0 : i32
    %dma_wait3A_812 = arith.constant 0 : i32
    %dma_wait3A_813 = tpu.memref_slice %arg3[%add3A_810, %dma_wait3A_811, %dma_wait3A_812] : memref<128x672x224xf32, #tpu.memory_space<hbm>> -> memref<1x168x128xf32, #tpu.memory_space<hbm>>
    %dma_wait3A_814 = tpu.memref_squeeze %dma_wait3A_813 : memref<1x168x128xf32, #tpu.memory_space<hbm>> -> memref<168x128xf32, #tpu.memory_space<hbm>>
    %dma_wait3A_815 = arith.constant 0 : i32
    %dma_wait3A_816 = arith.constant 0 : i32
    %dma_wait3A_817 = tpu.memref_slice %arg3[%add3A_810, %dma_wait3A_815, %dma_wait3A_816] : memref<128x672x224xf32, #tpu.memory_space<hbm>> -> memref<1x168x128xf32, #tpu.memory_space<hbm>>
    %dma_wait3A_818 = tpu.memref_squeeze %dma_wait3A_817 : memref<1x168x128xf32, #tpu.memory_space<hbm>> -> memref<168x128xf32, #tpu.memory_space<hbm>>
    tpu.wait_dma2 semaphore(%arg16 : memref<!tpu.dma_semaphore, #tpu.memory_space<semaphore_mem>>) src(%arg7 : memref<168x128xf32, #tpu.memory_space<vmem>>) dst(%dma_wait3A_818 : memref<168x128xf32, #tpu.memory_space<hbm>>)
    %dma_wait3A_819 = arith.constant 0 : i32
    %dma_wait3A_820 = arith.constant 128 : i32
    %dma_wait3A_821 = tpu.memref_slice %arg3[%add3A_810, %dma_wait3A_819, %dma_wait3A_820] : memref<128x672x224xf32, #tpu.memory_space<hbm>> -> memref<1x168x96xf32, #tpu.memory_space<hbm>>
    %dma_wait3A_822 = tpu.memref_squeeze %dma_wait3A_821 : memref<1x168x96xf32, #tpu.memory_space<hbm>> -> memref<168x96xf32, #tpu.memory_space<hbm>>
    %dma_wait3A_823 = arith.constant 0 : i32
    %dma_wait3A_824 = arith.constant 128 : i32
    %dma_wait3A_825 = tpu.memref_slice %arg3[%add3A_810, %dma_wait3A_823, %dma_wait3A_824] : memref<128x672x224xf32, #tpu.memory_space<hbm>> -> memref<1x168x96xf32, #tpu.memory_space<hbm>>
    %dma_wait3A_826 = tpu.memref_squeeze %dma_wait3A_825 : memref<1x168x96xf32, #tpu.memory_space<hbm>> -> memref<168x96xf32, #tpu.memory_space<hbm>>
    tpu.wait_dma2 semaphore(%arg16 : memref<!tpu.dma_semaphore, #tpu.memory_space<semaphore_mem>>) src(%arg10 : memref<168x96xf32, #tpu.memory_space<vmem>>) dst(%dma_wait3A_826 : memref<168x96xf32, #tpu.memory_space<hbm>>)
    %eq3A_827 = arith.constant 2 : i32
    %eq3A_828 = arith.cmpi eq, %sub3A_61, %eq3A_827 : i32
    %convert_element_type3A_829 = arith.extui %eq3A_828 : i1 to i32
    %cond3A_830 = arith.constant 0 : i32
    %cond3A_831 = arith.cmpi ne, %convert_element_type3A_829, %cond3A_830 : i32
    scf.if %cond3A_831 {
      %dma_wait3A_1370 = arith.constant 0 : i32
      %dma_wait3A_1371 = arith.constant 0 : i32
      %dma_wait3A_1372 = tpu.memref_slice %arg4[%add3A, %dma_wait3A_1370, %dma_wait3A_1371] : memref<32x672x224xf32, #tpu.memory_space<hbm>> -> memref<1x168x128xf32, #tpu.memory_space<hbm>>
      %dma_wait3A_1373 = tpu.memref_squeeze %dma_wait3A_1372 : memref<1x168x128xf32, #tpu.memory_space<hbm>> -> memref<168x128xf32, #tpu.memory_space<hbm>>
      %dma_wait3A_1374 = arith.constant 0 : i32
      %dma_wait3A_1375 = arith.constant 0 : i32
      %dma_wait3A_1376 = tpu.memref_slice %arg4[%add3A, %dma_wait3A_1374, %dma_wait3A_1375] : memref<32x672x224xf32, #tpu.memory_space<hbm>> -> memref<1x168x128xf32, #tpu.memory_space<hbm>>
      %dma_wait3A_1377 = tpu.memref_squeeze %dma_wait3A_1376 : memref<1x168x128xf32, #tpu.memory_space<hbm>> -> memref<168x128xf32, #tpu.memory_space<hbm>>
      tpu.wait_dma2 semaphore(%arg19 : memref<!tpu.dma_semaphore, #tpu.memory_space<semaphore_mem>>) src(%arg7 : memref<168x128xf32, #tpu.memory_space<vmem>>) dst(%dma_wait3A_1377 : memref<168x128xf32, #tpu.memory_space<hbm>>)
      %dma_wait3A_1378 = arith.constant 0 : i32
      %dma_wait3A_1379 = arith.constant 128 : i32
      %dma_wait3A_1380 = tpu.memref_slice %arg4[%add3A, %dma_wait3A_1378, %dma_wait3A_1379] : memref<32x672x224xf32, #tpu.memory_space<hbm>> -> memref<1x168x96xf32, #tpu.memory_space<hbm>>
      %dma_wait3A_1381 = tpu.memref_squeeze %dma_wait3A_1380 : memref<1x168x96xf32, #tpu.memory_space<hbm>> -> memref<168x96xf32, #tpu.memory_space<hbm>>
      %dma_wait3A_1382 = arith.constant 0 : i32
      %dma_wait3A_1383 = arith.constant 128 : i32
      %dma_wait3A_1384 = tpu.memref_slice %arg4[%add3A, %dma_wait3A_1382, %dma_wait3A_1383] : memref<32x672x224xf32, #tpu.memory_space<hbm>> -> memref<1x168x96xf32, #tpu.memory_space<hbm>>
      %dma_wait3A_1385 = tpu.memref_squeeze %dma_wait3A_1384 : memref<1x168x96xf32, #tpu.memory_space<hbm>> -> memref<168x96xf32, #tpu.memory_space<hbm>>
      tpu.wait_dma2 semaphore(%arg19 : memref<!tpu.dma_semaphore, #tpu.memory_space<semaphore_mem>>) src(%arg10 : memref<168x96xf32, #tpu.memory_space<vmem>>) dst(%dma_wait3A_1385 : memref<168x96xf32, #tpu.memory_space<hbm>>)
    } else {
    }
    %add3A_832 = arith.constant 2 : i32
    %add3A_833 = arith.addi %mul3A_58, %add3A_832 : i32
    %dma_start3A_834 = arith.constant 504 : i32
    %dma_start3A_835 = arith.constant 0 : i32
    %dma_start3A_836 = tpu.memref_slice %arg2[%add3A_833, %dma_start3A_834, %dma_start3A_835] : memref<128x672x224xf32, #tpu.memory_space<hbm>> -> memref<1x168x128xf32, #tpu.memory_space<hbm>>
    %dma_start3A_837 = tpu.memref_squeeze %dma_start3A_836 : memref<1x168x128xf32, #tpu.memory_space<hbm>> -> memref<168x128xf32, #tpu.memory_space<hbm>>
    %dma_start3A_838 = arith.constant 504 : i32
    %dma_start3A_839 = arith.constant 0 : i32
    %dma_start3A_840 = tpu.memref_slice %arg2[%add3A_833, %dma_start3A_838, %dma_start3A_839] : memref<128x672x224xf32, #tpu.memory_space<hbm>> -> memref<1x168x128xf32, #tpu.memory_space<hbm>>
    %dma_start3A_841 = tpu.memref_squeeze %dma_start3A_840 : memref<1x168x128xf32, #tpu.memory_space<hbm>> -> memref<168x128xf32, #tpu.memory_space<hbm>>
    tpu.enqueue_dma source(%dma_start3A_841 : memref<168x128xf32, #tpu.memory_space<hbm>>) target(%arg7 : memref<168x128xf32, #tpu.memory_space<vmem>>) target_semaphore(%arg13 : memref<!tpu.dma_semaphore, #tpu.memory_space<semaphore_mem>>)
    %dma_start3A_842 = arith.constant 504 : i32
    %dma_start3A_843 = arith.constant 128 : i32
    %dma_start3A_844 = tpu.memref_slice %arg2[%add3A_833, %dma_start3A_842, %dma_start3A_843] : memref<128x672x224xf32, #tpu.memory_space<hbm>> -> memref<1x168x96xf32, #tpu.memory_space<hbm>>
    %dma_start3A_845 = tpu.memref_squeeze %dma_start3A_844 : memref<1x168x96xf32, #tpu.memory_space<hbm>> -> memref<168x96xf32, #tpu.memory_space<hbm>>
    %dma_start3A_846 = arith.constant 504 : i32
    %dma_start3A_847 = arith.constant 128 : i32
    %dma_start3A_848 = tpu.memref_slice %arg2[%add3A_833, %dma_start3A_846, %dma_start3A_847] : memref<128x672x224xf32, #tpu.memory_space<hbm>> -> memref<1x168x96xf32, #tpu.memory_space<hbm>>
    %dma_start3A_849 = tpu.memref_squeeze %dma_start3A_848 : memref<1x168x96xf32, #tpu.memory_space<hbm>> -> memref<168x96xf32, #tpu.memory_space<hbm>>
    tpu.enqueue_dma source(%dma_start3A_849 : memref<168x96xf32, #tpu.memory_space<hbm>>) target(%arg10 : memref<168x96xf32, #tpu.memory_space<vmem>>) target_semaphore(%arg13 : memref<!tpu.dma_semaphore, #tpu.memory_space<semaphore_mem>>)
    %add3A_850 = arith.constant 2 : i32
    %add3A_851 = arith.addi %mul3A_58, %add3A_850 : i32
    %dma_wait3A_852 = arith.constant 168 : i32
    %dma_wait3A_853 = arith.constant 0 : i32
    %dma_wait3A_854 = tpu.memref_slice %arg2[%add3A_851, %dma_wait3A_852, %dma_wait3A_853] : memref<128x672x224xf32, #tpu.memory_space<hbm>> -> memref<1x168x128xf32, #tpu.memory_space<hbm>>
    %dma_wait3A_855 = tpu.memref_squeeze %dma_wait3A_854 : memref<1x168x128xf32, #tpu.memory_space<hbm>> -> memref<168x128xf32, #tpu.memory_space<hbm>>
    %dma_wait3A_856 = arith.constant 168 : i32
    %dma_wait3A_857 = arith.constant 0 : i32
    %dma_wait3A_858 = tpu.memref_slice %arg2[%add3A_851, %dma_wait3A_856, %dma_wait3A_857] : memref<128x672x224xf32, #tpu.memory_space<hbm>> -> memref<1x168x128xf32, #tpu.memory_space<hbm>>
    %dma_wait3A_859 = tpu.memref_squeeze %dma_wait3A_858 : memref<1x168x128xf32, #tpu.memory_space<hbm>> -> memref<168x128xf32, #tpu.memory_space<hbm>>
    tpu.wait_dma2 semaphore(%arg11 : memref<!tpu.dma_semaphore, #tpu.memory_space<semaphore_mem>>) src(%dma_wait3A_859 : memref<168x128xf32, #tpu.memory_space<hbm>>) dst(%arg5 : memref<168x128xf32, #tpu.memory_space<vmem>>)
    %dma_wait3A_860 = arith.constant 168 : i32
    %dma_wait3A_861 = arith.constant 128 : i32
    %dma_wait3A_862 = tpu.memref_slice %arg2[%add3A_851, %dma_wait3A_860, %dma_wait3A_861] : memref<128x672x224xf32, #tpu.memory_space<hbm>> -> memref<1x168x96xf32, #tpu.memory_space<hbm>>
    %dma_wait3A_863 = tpu.memref_squeeze %dma_wait3A_862 : memref<1x168x96xf32, #tpu.memory_space<hbm>> -> memref<168x96xf32, #tpu.memory_space<hbm>>
    %dma_wait3A_864 = arith.constant 168 : i32
    %dma_wait3A_865 = arith.constant 128 : i32
    %dma_wait3A_866 = tpu.memref_slice %arg2[%add3A_851, %dma_wait3A_864, %dma_wait3A_865] : memref<128x672x224xf32, #tpu.memory_space<hbm>> -> memref<1x168x96xf32, #tpu.memory_space<hbm>>
    %dma_wait3A_867 = tpu.memref_squeeze %dma_wait3A_866 : memref<1x168x96xf32, #tpu.memory_space<hbm>> -> memref<168x96xf32, #tpu.memory_space<hbm>>
    tpu.wait_dma2 semaphore(%arg11 : memref<!tpu.dma_semaphore, #tpu.memory_space<semaphore_mem>>) src(%dma_wait3A_867 : memref<168x96xf32, #tpu.memory_space<hbm>>) dst(%arg8 : memref<168x96xf32, #tpu.memory_space<vmem>>)
    %add3A_868 = arith.constant 2 : i32
    %add3A_869 = arith.addi %mul3A_58, %add3A_868 : i32
    %dma_start3A_870 = arith.constant 168 : i32
    %dma_start3A_871 = arith.constant 0 : i32
    %dma_start3A_872 = tpu.memref_slice %arg3[%add3A_869, %dma_start3A_870, %dma_start3A_871] : memref<128x672x224xf32, #tpu.memory_space<hbm>> -> memref<1x168x128xf32, #tpu.memory_space<hbm>>
    %dma_start3A_873 = tpu.memref_squeeze %dma_start3A_872 : memref<1x168x128xf32, #tpu.memory_space<hbm>> -> memref<168x128xf32, #tpu.memory_space<hbm>>
    %dma_start3A_874 = arith.constant 168 : i32
    %dma_start3A_875 = arith.constant 0 : i32
    %dma_start3A_876 = tpu.memref_slice %arg3[%add3A_869, %dma_start3A_874, %dma_start3A_875] : memref<128x672x224xf32, #tpu.memory_space<hbm>> -> memref<1x168x128xf32, #tpu.memory_space<hbm>>
    %dma_start3A_877 = tpu.memref_squeeze %dma_start3A_876 : memref<1x168x128xf32, #tpu.memory_space<hbm>> -> memref<168x128xf32, #tpu.memory_space<hbm>>
    tpu.enqueue_dma source(%arg5 : memref<168x128xf32, #tpu.memory_space<vmem>>) target(%dma_start3A_877 : memref<168x128xf32, #tpu.memory_space<hbm>>) target_semaphore(%arg14 : memref<!tpu.dma_semaphore, #tpu.memory_space<semaphore_mem>>)
    %dma_start3A_878 = arith.constant 168 : i32
    %dma_start3A_879 = arith.constant 128 : i32
    %dma_start3A_880 = tpu.memref_slice %arg3[%add3A_869, %dma_start3A_878, %dma_start3A_879] : memref<128x672x224xf32, #tpu.memory_space<hbm>> -> memref<1x168x96xf32, #tpu.memory_space<hbm>>
    %dma_start3A_881 = tpu.memref_squeeze %dma_start3A_880 : memref<1x168x96xf32, #tpu.memory_space<hbm>> -> memref<168x96xf32, #tpu.memory_space<hbm>>
    %dma_start3A_882 = arith.constant 168 : i32
    %dma_start3A_883 = arith.constant 128 : i32
    %dma_start3A_884 = tpu.memref_slice %arg3[%add3A_869, %dma_start3A_882, %dma_start3A_883] : memref<128x672x224xf32, #tpu.memory_space<hbm>> -> memref<1x168x96xf32, #tpu.memory_space<hbm>>
    %dma_start3A_885 = tpu.memref_squeeze %dma_start3A_884 : memref<1x168x96xf32, #tpu.memory_space<hbm>> -> memref<168x96xf32, #tpu.memory_space<hbm>>
    tpu.enqueue_dma source(%arg8 : memref<168x96xf32, #tpu.memory_space<vmem>>) target(%dma_start3A_885 : memref<168x96xf32, #tpu.memory_space<hbm>>) target_semaphore(%arg14 : memref<!tpu.dma_semaphore, #tpu.memory_space<semaphore_mem>>)
    %eq3A_886 = arith.constant 2 : i32
    %eq3A_887 = arith.cmpi eq, %sub3A_61, %eq3A_886 : i32
    %convert_element_type3A_888 = arith.extui %eq3A_887 : i1 to i32
    %cond3A_889 = arith.constant 0 : i32
    %cond3A_890 = arith.cmpi ne, %convert_element_type3A_888, %cond3A_889 : i32
    scf.if %cond3A_890 {
      %dma_start3A_1370 = arith.constant 168 : i32
      %dma_start3A_1371 = arith.constant 0 : i32
      %dma_start3A_1372 = tpu.memref_slice %arg4[%add3A, %dma_start3A_1370, %dma_start3A_1371] : memref<32x672x224xf32, #tpu.memory_space<hbm>> -> memref<1x168x128xf32, #tpu.memory_space<hbm>>
      %dma_start3A_1373 = tpu.memref_squeeze %dma_start3A_1372 : memref<1x168x128xf32, #tpu.memory_space<hbm>> -> memref<168x128xf32, #tpu.memory_space<hbm>>
      %dma_start3A_1374 = arith.constant 168 : i32
      %dma_start3A_1375 = arith.constant 0 : i32
      %dma_start3A_1376 = tpu.memref_slice %arg4[%add3A, %dma_start3A_1374, %dma_start3A_1375] : memref<32x672x224xf32, #tpu.memory_space<hbm>> -> memref<1x168x128xf32, #tpu.memory_space<hbm>>
      %dma_start3A_1377 = tpu.memref_squeeze %dma_start3A_1376 : memref<1x168x128xf32, #tpu.memory_space<hbm>> -> memref<168x128xf32, #tpu.memory_space<hbm>>
      tpu.enqueue_dma source(%arg5 : memref<168x128xf32, #tpu.memory_space<vmem>>) target(%dma_start3A_1377 : memref<168x128xf32, #tpu.memory_space<hbm>>) target_semaphore(%arg17 : memref<!tpu.dma_semaphore, #tpu.memory_space<semaphore_mem>>)
      %dma_start3A_1378 = arith.constant 168 : i32
      %dma_start3A_1379 = arith.constant 128 : i32
      %dma_start3A_1380 = tpu.memref_slice %arg4[%add3A, %dma_start3A_1378, %dma_start3A_1379] : memref<32x672x224xf32, #tpu.memory_space<hbm>> -> memref<1x168x96xf32, #tpu.memory_space<hbm>>
      %dma_start3A_1381 = tpu.memref_squeeze %dma_start3A_1380 : memref<1x168x96xf32, #tpu.memory_space<hbm>> -> memref<168x96xf32, #tpu.memory_space<hbm>>
      %dma_start3A_1382 = arith.constant 168 : i32
      %dma_start3A_1383 = arith.constant 128 : i32
      %dma_start3A_1384 = tpu.memref_slice %arg4[%add3A, %dma_start3A_1382, %dma_start3A_1383] : memref<32x672x224xf32, #tpu.memory_space<hbm>> -> memref<1x168x96xf32, #tpu.memory_space<hbm>>
      %dma_start3A_1385 = tpu.memref_squeeze %dma_start3A_1384 : memref<1x168x96xf32, #tpu.memory_space<hbm>> -> memref<168x96xf32, #tpu.memory_space<hbm>>
      tpu.enqueue_dma source(%arg8 : memref<168x96xf32, #tpu.memory_space<vmem>>) target(%dma_start3A_1385 : memref<168x96xf32, #tpu.memory_space<hbm>>) target_semaphore(%arg17 : memref<!tpu.dma_semaphore, #tpu.memory_space<semaphore_mem>>)
    } else {
    }
    %add3A_891 = arith.constant 2 : i32
    %add3A_892 = arith.addi %mul3A_58, %add3A_891 : i32
    %dma_wait3A_893 = arith.constant 168 : i32
    %dma_wait3A_894 = arith.constant 0 : i32
    %dma_wait3A_895 = tpu.memref_slice %arg3[%add3A_892, %dma_wait3A_893, %dma_wait3A_894] : memref<128x672x224xf32, #tpu.memory_space<hbm>> -> memref<1x168x128xf32, #tpu.memory_space<hbm>>
    %dma_wait3A_896 = tpu.memref_squeeze %dma_wait3A_895 : memref<1x168x128xf32, #tpu.memory_space<hbm>> -> memref<168x128xf32, #tpu.memory_space<hbm>>
    %dma_wait3A_897 = arith.constant 168 : i32
    %dma_wait3A_898 = arith.constant 0 : i32
    %dma_wait3A_899 = tpu.memref_slice %arg3[%add3A_892, %dma_wait3A_897, %dma_wait3A_898] : memref<128x672x224xf32, #tpu.memory_space<hbm>> -> memref<1x168x128xf32, #tpu.memory_space<hbm>>
    %dma_wait3A_900 = tpu.memref_squeeze %dma_wait3A_899 : memref<1x168x128xf32, #tpu.memory_space<hbm>> -> memref<168x128xf32, #tpu.memory_space<hbm>>
    tpu.wait_dma2 semaphore(%arg14 : memref<!tpu.dma_semaphore, #tpu.memory_space<semaphore_mem>>) src(%arg5 : memref<168x128xf32, #tpu.memory_space<vmem>>) dst(%dma_wait3A_900 : memref<168x128xf32, #tpu.memory_space<hbm>>)
    %dma_wait3A_901 = arith.constant 168 : i32
    %dma_wait3A_902 = arith.constant 128 : i32
    %dma_wait3A_903 = tpu.memref_slice %arg3[%add3A_892, %dma_wait3A_901, %dma_wait3A_902] : memref<128x672x224xf32, #tpu.memory_space<hbm>> -> memref<1x168x96xf32, #tpu.memory_space<hbm>>
    %dma_wait3A_904 = tpu.memref_squeeze %dma_wait3A_903 : memref<1x168x96xf32, #tpu.memory_space<hbm>> -> memref<168x96xf32, #tpu.memory_space<hbm>>
    %dma_wait3A_905 = arith.constant 168 : i32
    %dma_wait3A_906 = arith.constant 128 : i32
    %dma_wait3A_907 = tpu.memref_slice %arg3[%add3A_892, %dma_wait3A_905, %dma_wait3A_906] : memref<128x672x224xf32, #tpu.memory_space<hbm>> -> memref<1x168x96xf32, #tpu.memory_space<hbm>>
    %dma_wait3A_908 = tpu.memref_squeeze %dma_wait3A_907 : memref<1x168x96xf32, #tpu.memory_space<hbm>> -> memref<168x96xf32, #tpu.memory_space<hbm>>
    tpu.wait_dma2 semaphore(%arg14 : memref<!tpu.dma_semaphore, #tpu.memory_space<semaphore_mem>>) src(%arg8 : memref<168x96xf32, #tpu.memory_space<vmem>>) dst(%dma_wait3A_908 : memref<168x96xf32, #tpu.memory_space<hbm>>)
    %eq3A_909 = arith.constant 2 : i32
    %eq3A_910 = arith.cmpi eq, %sub3A_61, %eq3A_909 : i32
    %convert_element_type3A_911 = arith.extui %eq3A_910 : i1 to i32
    %cond3A_912 = arith.constant 0 : i32
    %cond3A_913 = arith.cmpi ne, %convert_element_type3A_911, %cond3A_912 : i32
    scf.if %cond3A_913 {
      %dma_wait3A_1370 = arith.constant 168 : i32
      %dma_wait3A_1371 = arith.constant 0 : i32
      %dma_wait3A_1372 = tpu.memref_slice %arg4[%add3A, %dma_wait3A_1370, %dma_wait3A_1371] : memref<32x672x224xf32, #tpu.memory_space<hbm>> -> memref<1x168x128xf32, #tpu.memory_space<hbm>>
      %dma_wait3A_1373 = tpu.memref_squeeze %dma_wait3A_1372 : memref<1x168x128xf32, #tpu.memory_space<hbm>> -> memref<168x128xf32, #tpu.memory_space<hbm>>
      %dma_wait3A_1374 = arith.constant 168 : i32
      %dma_wait3A_1375 = arith.constant 0 : i32
      %dma_wait3A_1376 = tpu.memref_slice %arg4[%add3A, %dma_wait3A_1374, %dma_wait3A_1375] : memref<32x672x224xf32, #tpu.memory_space<hbm>> -> memref<1x168x128xf32, #tpu.memory_space<hbm>>
      %dma_wait3A_1377 = tpu.memref_squeeze %dma_wait3A_1376 : memref<1x168x128xf32, #tpu.memory_space<hbm>> -> memref<168x128xf32, #tpu.memory_space<hbm>>
      tpu.wait_dma2 semaphore(%arg17 : memref<!tpu.dma_semaphore, #tpu.memory_space<semaphore_mem>>) src(%arg5 : memref<168x128xf32, #tpu.memory_space<vmem>>) dst(%dma_wait3A_1377 : memref<168x128xf32, #tpu.memory_space<hbm>>)
      %dma_wait3A_1378 = arith.constant 168 : i32
      %dma_wait3A_1379 = arith.constant 128 : i32
      %dma_wait3A_1380 = tpu.memref_slice %arg4[%add3A, %dma_wait3A_1378, %dma_wait3A_1379] : memref<32x672x224xf32, #tpu.memory_space<hbm>> -> memref<1x168x96xf32, #tpu.memory_space<hbm>>
      %dma_wait3A_1381 = tpu.memref_squeeze %dma_wait3A_1380 : memref<1x168x96xf32, #tpu.memory_space<hbm>> -> memref<168x96xf32, #tpu.memory_space<hbm>>
      %dma_wait3A_1382 = arith.constant 168 : i32
      %dma_wait3A_1383 = arith.constant 128 : i32
      %dma_wait3A_1384 = tpu.memref_slice %arg4[%add3A, %dma_wait3A_1382, %dma_wait3A_1383] : memref<32x672x224xf32, #tpu.memory_space<hbm>> -> memref<1x168x96xf32, #tpu.memory_space<hbm>>
      %dma_wait3A_1385 = tpu.memref_squeeze %dma_wait3A_1384 : memref<1x168x96xf32, #tpu.memory_space<hbm>> -> memref<168x96xf32, #tpu.memory_space<hbm>>
      tpu.wait_dma2 semaphore(%arg17 : memref<!tpu.dma_semaphore, #tpu.memory_space<semaphore_mem>>) src(%arg8 : memref<168x96xf32, #tpu.memory_space<vmem>>) dst(%dma_wait3A_1385 : memref<168x96xf32, #tpu.memory_space<hbm>>)
    } else {
    }
    %add3A_914 = arith.constant 3 : i32
    %add3A_915 = arith.addi %mul3A_58, %add3A_914 : i32
    %dma_start3A_916 = arith.constant 0 : i32
    %dma_start3A_917 = arith.constant 0 : i32
    %dma_start3A_918 = tpu.memref_slice %arg2[%add3A_915, %dma_start3A_916, %dma_start3A_917] : memref<128x672x224xf32, #tpu.memory_space<hbm>> -> memref<1x168x128xf32, #tpu.memory_space<hbm>>
    %dma_start3A_919 = tpu.memref_squeeze %dma_start3A_918 : memref<1x168x128xf32, #tpu.memory_space<hbm>> -> memref<168x128xf32, #tpu.memory_space<hbm>>
    %dma_start3A_920 = arith.constant 0 : i32
    %dma_start3A_921 = arith.constant 0 : i32
    %dma_start3A_922 = tpu.memref_slice %arg2[%add3A_915, %dma_start3A_920, %dma_start3A_921] : memref<128x672x224xf32, #tpu.memory_space<hbm>> -> memref<1x168x128xf32, #tpu.memory_space<hbm>>
    %dma_start3A_923 = tpu.memref_squeeze %dma_start3A_922 : memref<1x168x128xf32, #tpu.memory_space<hbm>> -> memref<168x128xf32, #tpu.memory_space<hbm>>
    tpu.enqueue_dma source(%dma_start3A_923 : memref<168x128xf32, #tpu.memory_space<hbm>>) target(%arg5 : memref<168x128xf32, #tpu.memory_space<vmem>>) target_semaphore(%arg11 : memref<!tpu.dma_semaphore, #tpu.memory_space<semaphore_mem>>)
    %dma_start3A_924 = arith.constant 0 : i32
    %dma_start3A_925 = arith.constant 128 : i32
    %dma_start3A_926 = tpu.memref_slice %arg2[%add3A_915, %dma_start3A_924, %dma_start3A_925] : memref<128x672x224xf32, #tpu.memory_space<hbm>> -> memref<1x168x96xf32, #tpu.memory_space<hbm>>
    %dma_start3A_927 = tpu.memref_squeeze %dma_start3A_926 : memref<1x168x96xf32, #tpu.memory_space<hbm>> -> memref<168x96xf32, #tpu.memory_space<hbm>>
    %dma_start3A_928 = arith.constant 0 : i32
    %dma_start3A_929 = arith.constant 128 : i32
    %dma_start3A_930 = tpu.memref_slice %arg2[%add3A_915, %dma_start3A_928, %dma_start3A_929] : memref<128x672x224xf32, #tpu.memory_space<hbm>> -> memref<1x168x96xf32, #tpu.memory_space<hbm>>
    %dma_start3A_931 = tpu.memref_squeeze %dma_start3A_930 : memref<1x168x96xf32, #tpu.memory_space<hbm>> -> memref<168x96xf32, #tpu.memory_space<hbm>>
    tpu.enqueue_dma source(%dma_start3A_931 : memref<168x96xf32, #tpu.memory_space<hbm>>) target(%arg8 : memref<168x96xf32, #tpu.memory_space<vmem>>) target_semaphore(%arg11 : memref<!tpu.dma_semaphore, #tpu.memory_space<semaphore_mem>>)
    %add3A_932 = arith.constant 2 : i32
    %add3A_933 = arith.addi %mul3A_58, %add3A_932 : i32
    %dma_wait3A_934 = arith.constant 336 : i32
    %dma_wait3A_935 = arith.constant 0 : i32
    %dma_wait3A_936 = tpu.memref_slice %arg2[%add3A_933, %dma_wait3A_934, %dma_wait3A_935] : memref<128x672x224xf32, #tpu.memory_space<hbm>> -> memref<1x168x128xf32, #tpu.memory_space<hbm>>
    %dma_wait3A_937 = tpu.memref_squeeze %dma_wait3A_936 : memref<1x168x128xf32, #tpu.memory_space<hbm>> -> memref<168x128xf32, #tpu.memory_space<hbm>>
    %dma_wait3A_938 = arith.constant 336 : i32
    %dma_wait3A_939 = arith.constant 0 : i32
    %dma_wait3A_940 = tpu.memref_slice %arg2[%add3A_933, %dma_wait3A_938, %dma_wait3A_939] : memref<128x672x224xf32, #tpu.memory_space<hbm>> -> memref<1x168x128xf32, #tpu.memory_space<hbm>>
    %dma_wait3A_941 = tpu.memref_squeeze %dma_wait3A_940 : memref<1x168x128xf32, #tpu.memory_space<hbm>> -> memref<168x128xf32, #tpu.memory_space<hbm>>
    tpu.wait_dma2 semaphore(%arg12 : memref<!tpu.dma_semaphore, #tpu.memory_space<semaphore_mem>>) src(%dma_wait3A_941 : memref<168x128xf32, #tpu.memory_space<hbm>>) dst(%arg6 : memref<168x128xf32, #tpu.memory_space<vmem>>)
    %dma_wait3A_942 = arith.constant 336 : i32
    %dma_wait3A_943 = arith.constant 128 : i32
    %dma_wait3A_944 = tpu.memref_slice %arg2[%add3A_933, %dma_wait3A_942, %dma_wait3A_943] : memref<128x672x224xf32, #tpu.memory_space<hbm>> -> memref<1x168x96xf32, #tpu.memory_space<hbm>>
    %dma_wait3A_945 = tpu.memref_squeeze %dma_wait3A_944 : memref<1x168x96xf32, #tpu.memory_space<hbm>> -> memref<168x96xf32, #tpu.memory_space<hbm>>
    %dma_wait3A_946 = arith.constant 336 : i32
    %dma_wait3A_947 = arith.constant 128 : i32
    %dma_wait3A_948 = tpu.memref_slice %arg2[%add3A_933, %dma_wait3A_946, %dma_wait3A_947] : memref<128x672x224xf32, #tpu.memory_space<hbm>> -> memref<1x168x96xf32, #tpu.memory_space<hbm>>
    %dma_wait3A_949 = tpu.memref_squeeze %dma_wait3A_948 : memref<1x168x96xf32, #tpu.memory_space<hbm>> -> memref<168x96xf32, #tpu.memory_space<hbm>>
    tpu.wait_dma2 semaphore(%arg12 : memref<!tpu.dma_semaphore, #tpu.memory_space<semaphore_mem>>) src(%dma_wait3A_949 : memref<168x96xf32, #tpu.memory_space<hbm>>) dst(%arg9 : memref<168x96xf32, #tpu.memory_space<vmem>>)
    %add3A_950 = arith.constant 2 : i32
    %add3A_951 = arith.addi %mul3A_58, %add3A_950 : i32
    %dma_start3A_952 = arith.constant 336 : i32
    %dma_start3A_953 = arith.constant 0 : i32
    %dma_start3A_954 = tpu.memref_slice %arg3[%add3A_951, %dma_start3A_952, %dma_start3A_953] : memref<128x672x224xf32, #tpu.memory_space<hbm>> -> memref<1x168x128xf32, #tpu.memory_space<hbm>>
    %dma_start3A_955 = tpu.memref_squeeze %dma_start3A_954 : memref<1x168x128xf32, #tpu.memory_space<hbm>> -> memref<168x128xf32, #tpu.memory_space<hbm>>
    %dma_start3A_956 = arith.constant 336 : i32
    %dma_start3A_957 = arith.constant 0 : i32
    %dma_start3A_958 = tpu.memref_slice %arg3[%add3A_951, %dma_start3A_956, %dma_start3A_957] : memref<128x672x224xf32, #tpu.memory_space<hbm>> -> memref<1x168x128xf32, #tpu.memory_space<hbm>>
    %dma_start3A_959 = tpu.memref_squeeze %dma_start3A_958 : memref<1x168x128xf32, #tpu.memory_space<hbm>> -> memref<168x128xf32, #tpu.memory_space<hbm>>
    tpu.enqueue_dma source(%arg6 : memref<168x128xf32, #tpu.memory_space<vmem>>) target(%dma_start3A_959 : memref<168x128xf32, #tpu.memory_space<hbm>>) target_semaphore(%arg15 : memref<!tpu.dma_semaphore, #tpu.memory_space<semaphore_mem>>)
    %dma_start3A_960 = arith.constant 336 : i32
    %dma_start3A_961 = arith.constant 128 : i32
    %dma_start3A_962 = tpu.memref_slice %arg3[%add3A_951, %dma_start3A_960, %dma_start3A_961] : memref<128x672x224xf32, #tpu.memory_space<hbm>> -> memref<1x168x96xf32, #tpu.memory_space<hbm>>
    %dma_start3A_963 = tpu.memref_squeeze %dma_start3A_962 : memref<1x168x96xf32, #tpu.memory_space<hbm>> -> memref<168x96xf32, #tpu.memory_space<hbm>>
    %dma_start3A_964 = arith.constant 336 : i32
    %dma_start3A_965 = arith.constant 128 : i32
    %dma_start3A_966 = tpu.memref_slice %arg3[%add3A_951, %dma_start3A_964, %dma_start3A_965] : memref<128x672x224xf32, #tpu.memory_space<hbm>> -> memref<1x168x96xf32, #tpu.memory_space<hbm>>
    %dma_start3A_967 = tpu.memref_squeeze %dma_start3A_966 : memref<1x168x96xf32, #tpu.memory_space<hbm>> -> memref<168x96xf32, #tpu.memory_space<hbm>>
    tpu.enqueue_dma source(%arg9 : memref<168x96xf32, #tpu.memory_space<vmem>>) target(%dma_start3A_967 : memref<168x96xf32, #tpu.memory_space<hbm>>) target_semaphore(%arg15 : memref<!tpu.dma_semaphore, #tpu.memory_space<semaphore_mem>>)
    %eq3A_968 = arith.constant 2 : i32
    %eq3A_969 = arith.cmpi eq, %sub3A_61, %eq3A_968 : i32
    %convert_element_type3A_970 = arith.extui %eq3A_969 : i1 to i32
    %cond3A_971 = arith.constant 0 : i32
    %cond3A_972 = arith.cmpi ne, %convert_element_type3A_970, %cond3A_971 : i32
    scf.if %cond3A_972 {
      %dma_start3A_1370 = arith.constant 336 : i32
      %dma_start3A_1371 = arith.constant 0 : i32
      %dma_start3A_1372 = tpu.memref_slice %arg4[%add3A, %dma_start3A_1370, %dma_start3A_1371] : memref<32x672x224xf32, #tpu.memory_space<hbm>> -> memref<1x168x128xf32, #tpu.memory_space<hbm>>
      %dma_start3A_1373 = tpu.memref_squeeze %dma_start3A_1372 : memref<1x168x128xf32, #tpu.memory_space<hbm>> -> memref<168x128xf32, #tpu.memory_space<hbm>>
      %dma_start3A_1374 = arith.constant 336 : i32
      %dma_start3A_1375 = arith.constant 0 : i32
      %dma_start3A_1376 = tpu.memref_slice %arg4[%add3A, %dma_start3A_1374, %dma_start3A_1375] : memref<32x672x224xf32, #tpu.memory_space<hbm>> -> memref<1x168x128xf32, #tpu.memory_space<hbm>>
      %dma_start3A_1377 = tpu.memref_squeeze %dma_start3A_1376 : memref<1x168x128xf32, #tpu.memory_space<hbm>> -> memref<168x128xf32, #tpu.memory_space<hbm>>
      tpu.enqueue_dma source(%arg6 : memref<168x128xf32, #tpu.memory_space<vmem>>) target(%dma_start3A_1377 : memref<168x128xf32, #tpu.memory_space<hbm>>) target_semaphore(%arg18 : memref<!tpu.dma_semaphore, #tpu.memory_space<semaphore_mem>>)
      %dma_start3A_1378 = arith.constant 336 : i32
      %dma_start3A_1379 = arith.constant 128 : i32
      %dma_start3A_1380 = tpu.memref_slice %arg4[%add3A, %dma_start3A_1378, %dma_start3A_1379] : memref<32x672x224xf32, #tpu.memory_space<hbm>> -> memref<1x168x96xf32, #tpu.memory_space<hbm>>
      %dma_start3A_1381 = tpu.memref_squeeze %dma_start3A_1380 : memref<1x168x96xf32, #tpu.memory_space<hbm>> -> memref<168x96xf32, #tpu.memory_space<hbm>>
      %dma_start3A_1382 = arith.constant 336 : i32
      %dma_start3A_1383 = arith.constant 128 : i32
      %dma_start3A_1384 = tpu.memref_slice %arg4[%add3A, %dma_start3A_1382, %dma_start3A_1383] : memref<32x672x224xf32, #tpu.memory_space<hbm>> -> memref<1x168x96xf32, #tpu.memory_space<hbm>>
      %dma_start3A_1385 = tpu.memref_squeeze %dma_start3A_1384 : memref<1x168x96xf32, #tpu.memory_space<hbm>> -> memref<168x96xf32, #tpu.memory_space<hbm>>
      tpu.enqueue_dma source(%arg9 : memref<168x96xf32, #tpu.memory_space<vmem>>) target(%dma_start3A_1385 : memref<168x96xf32, #tpu.memory_space<hbm>>) target_semaphore(%arg18 : memref<!tpu.dma_semaphore, #tpu.memory_space<semaphore_mem>>)
    } else {
    }
    %add3A_973 = arith.constant 2 : i32
    %add3A_974 = arith.addi %mul3A_58, %add3A_973 : i32
    %dma_wait3A_975 = arith.constant 336 : i32
    %dma_wait3A_976 = arith.constant 0 : i32
    %dma_wait3A_977 = tpu.memref_slice %arg3[%add3A_974, %dma_wait3A_975, %dma_wait3A_976] : memref<128x672x224xf32, #tpu.memory_space<hbm>> -> memref<1x168x128xf32, #tpu.memory_space<hbm>>
    %dma_wait3A_978 = tpu.memref_squeeze %dma_wait3A_977 : memref<1x168x128xf32, #tpu.memory_space<hbm>> -> memref<168x128xf32, #tpu.memory_space<hbm>>
    %dma_wait3A_979 = arith.constant 336 : i32
    %dma_wait3A_980 = arith.constant 0 : i32
    %dma_wait3A_981 = tpu.memref_slice %arg3[%add3A_974, %dma_wait3A_979, %dma_wait3A_980] : memref<128x672x224xf32, #tpu.memory_space<hbm>> -> memref<1x168x128xf32, #tpu.memory_space<hbm>>
    %dma_wait3A_982 = tpu.memref_squeeze %dma_wait3A_981 : memref<1x168x128xf32, #tpu.memory_space<hbm>> -> memref<168x128xf32, #tpu.memory_space<hbm>>
    tpu.wait_dma2 semaphore(%arg15 : memref<!tpu.dma_semaphore, #tpu.memory_space<semaphore_mem>>) src(%arg6 : memref<168x128xf32, #tpu.memory_space<vmem>>) dst(%dma_wait3A_982 : memref<168x128xf32, #tpu.memory_space<hbm>>)
    %dma_wait3A_983 = arith.constant 336 : i32
    %dma_wait3A_984 = arith.constant 128 : i32
    %dma_wait3A_985 = tpu.memref_slice %arg3[%add3A_974, %dma_wait3A_983, %dma_wait3A_984] : memref<128x672x224xf32, #tpu.memory_space<hbm>> -> memref<1x168x96xf32, #tpu.memory_space<hbm>>
    %dma_wait3A_986 = tpu.memref_squeeze %dma_wait3A_985 : memref<1x168x96xf32, #tpu.memory_space<hbm>> -> memref<168x96xf32, #tpu.memory_space<hbm>>
    %dma_wait3A_987 = arith.constant 336 : i32
    %dma_wait3A_988 = arith.constant 128 : i32
    %dma_wait3A_989 = tpu.memref_slice %arg3[%add3A_974, %dma_wait3A_987, %dma_wait3A_988] : memref<128x672x224xf32, #tpu.memory_space<hbm>> -> memref<1x168x96xf32, #tpu.memory_space<hbm>>
    %dma_wait3A_990 = tpu.memref_squeeze %dma_wait3A_989 : memref<1x168x96xf32, #tpu.memory_space<hbm>> -> memref<168x96xf32, #tpu.memory_space<hbm>>
    tpu.wait_dma2 semaphore(%arg15 : memref<!tpu.dma_semaphore, #tpu.memory_space<semaphore_mem>>) src(%arg9 : memref<168x96xf32, #tpu.memory_space<vmem>>) dst(%dma_wait3A_990 : memref<168x96xf32, #tpu.memory_space<hbm>>)
    %eq3A_991 = arith.constant 2 : i32
    %eq3A_992 = arith.cmpi eq, %sub3A_61, %eq3A_991 : i32
    %convert_element_type3A_993 = arith.extui %eq3A_992 : i1 to i32
    %cond3A_994 = arith.constant 0 : i32
    %cond3A_995 = arith.cmpi ne, %convert_element_type3A_993, %cond3A_994 : i32
    scf.if %cond3A_995 {
      %dma_wait3A_1370 = arith.constant 336 : i32
      %dma_wait3A_1371 = arith.constant 0 : i32
      %dma_wait3A_1372 = tpu.memref_slice %arg4[%add3A, %dma_wait3A_1370, %dma_wait3A_1371] : memref<32x672x224xf32, #tpu.memory_space<hbm>> -> memref<1x168x128xf32, #tpu.memory_space<hbm>>
      %dma_wait3A_1373 = tpu.memref_squeeze %dma_wait3A_1372 : memref<1x168x128xf32, #tpu.memory_space<hbm>> -> memref<168x128xf32, #tpu.memory_space<hbm>>
      %dma_wait3A_1374 = arith.constant 336 : i32
      %dma_wait3A_1375 = arith.constant 0 : i32
      %dma_wait3A_1376 = tpu.memref_slice %arg4[%add3A, %dma_wait3A_1374, %dma_wait3A_1375] : memref<32x672x224xf32, #tpu.memory_space<hbm>> -> memref<1x168x128xf32, #tpu.memory_space<hbm>>
      %dma_wait3A_1377 = tpu.memref_squeeze %dma_wait3A_1376 : memref<1x168x128xf32, #tpu.memory_space<hbm>> -> memref<168x128xf32, #tpu.memory_space<hbm>>
      tpu.wait_dma2 semaphore(%arg18 : memref<!tpu.dma_semaphore, #tpu.memory_space<semaphore_mem>>) src(%arg6 : memref<168x128xf32, #tpu.memory_space<vmem>>) dst(%dma_wait3A_1377 : memref<168x128xf32, #tpu.memory_space<hbm>>)
      %dma_wait3A_1378 = arith.constant 336 : i32
      %dma_wait3A_1379 = arith.constant 128 : i32
      %dma_wait3A_1380 = tpu.memref_slice %arg4[%add3A, %dma_wait3A_1378, %dma_wait3A_1379] : memref<32x672x224xf32, #tpu.memory_space<hbm>> -> memref<1x168x96xf32, #tpu.memory_space<hbm>>
      %dma_wait3A_1381 = tpu.memref_squeeze %dma_wait3A_1380 : memref<1x168x96xf32, #tpu.memory_space<hbm>> -> memref<168x96xf32, #tpu.memory_space<hbm>>
      %dma_wait3A_1382 = arith.constant 336 : i32
      %dma_wait3A_1383 = arith.constant 128 : i32
      %dma_wait3A_1384 = tpu.memref_slice %arg4[%add3A, %dma_wait3A_1382, %dma_wait3A_1383] : memref<32x672x224xf32, #tpu.memory_space<hbm>> -> memref<1x168x96xf32, #tpu.memory_space<hbm>>
      %dma_wait3A_1385 = tpu.memref_squeeze %dma_wait3A_1384 : memref<1x168x96xf32, #tpu.memory_space<hbm>> -> memref<168x96xf32, #tpu.memory_space<hbm>>
      tpu.wait_dma2 semaphore(%arg18 : memref<!tpu.dma_semaphore, #tpu.memory_space<semaphore_mem>>) src(%arg9 : memref<168x96xf32, #tpu.memory_space<vmem>>) dst(%dma_wait3A_1385 : memref<168x96xf32, #tpu.memory_space<hbm>>)
    } else {
    }
    %add3A_996 = arith.constant 3 : i32
    %add3A_997 = arith.addi %mul3A_58, %add3A_996 : i32
    %dma_start3A_998 = arith.constant 168 : i32
    %dma_start3A_999 = arith.constant 0 : i32
    %dma_start3A_1000 = tpu.memref_slice %arg2[%add3A_997, %dma_start3A_998, %dma_start3A_999] : memref<128x672x224xf32, #tpu.memory_space<hbm>> -> memref<1x168x128xf32, #tpu.memory_space<hbm>>
    %dma_start3A_1001 = tpu.memref_squeeze %dma_start3A_1000 : memref<1x168x128xf32, #tpu.memory_space<hbm>> -> memref<168x128xf32, #tpu.memory_space<hbm>>
    %dma_start3A_1002 = arith.constant 168 : i32
    %dma_start3A_1003 = arith.constant 0 : i32
    %dma_start3A_1004 = tpu.memref_slice %arg2[%add3A_997, %dma_start3A_1002, %dma_start3A_1003] : memref<128x672x224xf32, #tpu.memory_space<hbm>> -> memref<1x168x128xf32, #tpu.memory_space<hbm>>
    %dma_start3A_1005 = tpu.memref_squeeze %dma_start3A_1004 : memref<1x168x128xf32, #tpu.memory_space<hbm>> -> memref<168x128xf32, #tpu.memory_space<hbm>>
    tpu.enqueue_dma source(%dma_start3A_1005 : memref<168x128xf32, #tpu.memory_space<hbm>>) target(%arg6 : memref<168x128xf32, #tpu.memory_space<vmem>>) target_semaphore(%arg12 : memref<!tpu.dma_semaphore, #tpu.memory_space<semaphore_mem>>)
    %dma_start3A_1006 = arith.constant 168 : i32
    %dma_start3A_1007 = arith.constant 128 : i32
    %dma_start3A_1008 = tpu.memref_slice %arg2[%add3A_997, %dma_start3A_1006, %dma_start3A_1007] : memref<128x672x224xf32, #tpu.memory_space<hbm>> -> memref<1x168x96xf32, #tpu.memory_space<hbm>>
    %dma_start3A_1009 = tpu.memref_squeeze %dma_start3A_1008 : memref<1x168x96xf32, #tpu.memory_space<hbm>> -> memref<168x96xf32, #tpu.memory_space<hbm>>
    %dma_start3A_1010 = arith.constant 168 : i32
    %dma_start3A_1011 = arith.constant 128 : i32
    %dma_start3A_1012 = tpu.memref_slice %arg2[%add3A_997, %dma_start3A_1010, %dma_start3A_1011] : memref<128x672x224xf32, #tpu.memory_space<hbm>> -> memref<1x168x96xf32, #tpu.memory_space<hbm>>
    %dma_start3A_1013 = tpu.memref_squeeze %dma_start3A_1012 : memref<1x168x96xf32, #tpu.memory_space<hbm>> -> memref<168x96xf32, #tpu.memory_space<hbm>>
    tpu.enqueue_dma source(%dma_start3A_1013 : memref<168x96xf32, #tpu.memory_space<hbm>>) target(%arg9 : memref<168x96xf32, #tpu.memory_space<vmem>>) target_semaphore(%arg12 : memref<!tpu.dma_semaphore, #tpu.memory_space<semaphore_mem>>)
    %add3A_1014 = arith.constant 2 : i32
    %add3A_1015 = arith.addi %mul3A_58, %add3A_1014 : i32
    %dma_wait3A_1016 = arith.constant 504 : i32
    %dma_wait3A_1017 = arith.constant 0 : i32
    %dma_wait3A_1018 = tpu.memref_slice %arg2[%add3A_1015, %dma_wait3A_1016, %dma_wait3A_1017] : memref<128x672x224xf32, #tpu.memory_space<hbm>> -> memref<1x168x128xf32, #tpu.memory_space<hbm>>
    %dma_wait3A_1019 = tpu.memref_squeeze %dma_wait3A_1018 : memref<1x168x128xf32, #tpu.memory_space<hbm>> -> memref<168x128xf32, #tpu.memory_space<hbm>>
    %dma_wait3A_1020 = arith.constant 504 : i32
    %dma_wait3A_1021 = arith.constant 0 : i32
    %dma_wait3A_1022 = tpu.memref_slice %arg2[%add3A_1015, %dma_wait3A_1020, %dma_wait3A_1021] : memref<128x672x224xf32, #tpu.memory_space<hbm>> -> memref<1x168x128xf32, #tpu.memory_space<hbm>>
    %dma_wait3A_1023 = tpu.memref_squeeze %dma_wait3A_1022 : memref<1x168x128xf32, #tpu.memory_space<hbm>> -> memref<168x128xf32, #tpu.memory_space<hbm>>
    tpu.wait_dma2 semaphore(%arg13 : memref<!tpu.dma_semaphore, #tpu.memory_space<semaphore_mem>>) src(%dma_wait3A_1023 : memref<168x128xf32, #tpu.memory_space<hbm>>) dst(%arg7 : memref<168x128xf32, #tpu.memory_space<vmem>>)
    %dma_wait3A_1024 = arith.constant 504 : i32
    %dma_wait3A_1025 = arith.constant 128 : i32
    %dma_wait3A_1026 = tpu.memref_slice %arg2[%add3A_1015, %dma_wait3A_1024, %dma_wait3A_1025] : memref<128x672x224xf32, #tpu.memory_space<hbm>> -> memref<1x168x96xf32, #tpu.memory_space<hbm>>
    %dma_wait3A_1027 = tpu.memref_squeeze %dma_wait3A_1026 : memref<1x168x96xf32, #tpu.memory_space<hbm>> -> memref<168x96xf32, #tpu.memory_space<hbm>>
    %dma_wait3A_1028 = arith.constant 504 : i32
    %dma_wait3A_1029 = arith.constant 128 : i32
    %dma_wait3A_1030 = tpu.memref_slice %arg2[%add3A_1015, %dma_wait3A_1028, %dma_wait3A_1029] : memref<128x672x224xf32, #tpu.memory_space<hbm>> -> memref<1x168x96xf32, #tpu.memory_space<hbm>>
    %dma_wait3A_1031 = tpu.memref_squeeze %dma_wait3A_1030 : memref<1x168x96xf32, #tpu.memory_space<hbm>> -> memref<168x96xf32, #tpu.memory_space<hbm>>
    tpu.wait_dma2 semaphore(%arg13 : memref<!tpu.dma_semaphore, #tpu.memory_space<semaphore_mem>>) src(%dma_wait3A_1031 : memref<168x96xf32, #tpu.memory_space<hbm>>) dst(%arg10 : memref<168x96xf32, #tpu.memory_space<vmem>>)
    %add3A_1032 = arith.constant 2 : i32
    %add3A_1033 = arith.addi %mul3A_58, %add3A_1032 : i32
    %dma_start3A_1034 = arith.constant 504 : i32
    %dma_start3A_1035 = arith.constant 0 : i32
    %dma_start3A_1036 = tpu.memref_slice %arg3[%add3A_1033, %dma_start3A_1034, %dma_start3A_1035] : memref<128x672x224xf32, #tpu.memory_space<hbm>> -> memref<1x168x128xf32, #tpu.memory_space<hbm>>
    %dma_start3A_1037 = tpu.memref_squeeze %dma_start3A_1036 : memref<1x168x128xf32, #tpu.memory_space<hbm>> -> memref<168x128xf32, #tpu.memory_space<hbm>>
    %dma_start3A_1038 = arith.constant 504 : i32
    %dma_start3A_1039 = arith.constant 0 : i32
    %dma_start3A_1040 = tpu.memref_slice %arg3[%add3A_1033, %dma_start3A_1038, %dma_start3A_1039] : memref<128x672x224xf32, #tpu.memory_space<hbm>> -> memref<1x168x128xf32, #tpu.memory_space<hbm>>
    %dma_start3A_1041 = tpu.memref_squeeze %dma_start3A_1040 : memref<1x168x128xf32, #tpu.memory_space<hbm>> -> memref<168x128xf32, #tpu.memory_space<hbm>>
    tpu.enqueue_dma source(%arg7 : memref<168x128xf32, #tpu.memory_space<vmem>>) target(%dma_start3A_1041 : memref<168x128xf32, #tpu.memory_space<hbm>>) target_semaphore(%arg16 : memref<!tpu.dma_semaphore, #tpu.memory_space<semaphore_mem>>)
    %dma_start3A_1042 = arith.constant 504 : i32
    %dma_start3A_1043 = arith.constant 128 : i32
    %dma_start3A_1044 = tpu.memref_slice %arg3[%add3A_1033, %dma_start3A_1042, %dma_start3A_1043] : memref<128x672x224xf32, #tpu.memory_space<hbm>> -> memref<1x168x96xf32, #tpu.memory_space<hbm>>
    %dma_start3A_1045 = tpu.memref_squeeze %dma_start3A_1044 : memref<1x168x96xf32, #tpu.memory_space<hbm>> -> memref<168x96xf32, #tpu.memory_space<hbm>>
    %dma_start3A_1046 = arith.constant 504 : i32
    %dma_start3A_1047 = arith.constant 128 : i32
    %dma_start3A_1048 = tpu.memref_slice %arg3[%add3A_1033, %dma_start3A_1046, %dma_start3A_1047] : memref<128x672x224xf32, #tpu.memory_space<hbm>> -> memref<1x168x96xf32, #tpu.memory_space<hbm>>
    %dma_start3A_1049 = tpu.memref_squeeze %dma_start3A_1048 : memref<1x168x96xf32, #tpu.memory_space<hbm>> -> memref<168x96xf32, #tpu.memory_space<hbm>>
    tpu.enqueue_dma source(%arg10 : memref<168x96xf32, #tpu.memory_space<vmem>>) target(%dma_start3A_1049 : memref<168x96xf32, #tpu.memory_space<hbm>>) target_semaphore(%arg16 : memref<!tpu.dma_semaphore, #tpu.memory_space<semaphore_mem>>)
    %eq3A_1050 = arith.constant 2 : i32
    %eq3A_1051 = arith.cmpi eq, %sub3A_61, %eq3A_1050 : i32
    %convert_element_type3A_1052 = arith.extui %eq3A_1051 : i1 to i32
    %cond3A_1053 = arith.constant 0 : i32
    %cond3A_1054 = arith.cmpi ne, %convert_element_type3A_1052, %cond3A_1053 : i32
    scf.if %cond3A_1054 {
      %dma_start3A_1370 = arith.constant 504 : i32
      %dma_start3A_1371 = arith.constant 0 : i32
      %dma_start3A_1372 = tpu.memref_slice %arg4[%add3A, %dma_start3A_1370, %dma_start3A_1371] : memref<32x672x224xf32, #tpu.memory_space<hbm>> -> memref<1x168x128xf32, #tpu.memory_space<hbm>>
      %dma_start3A_1373 = tpu.memref_squeeze %dma_start3A_1372 : memref<1x168x128xf32, #tpu.memory_space<hbm>> -> memref<168x128xf32, #tpu.memory_space<hbm>>
      %dma_start3A_1374 = arith.constant 504 : i32
      %dma_start3A_1375 = arith.constant 0 : i32
      %dma_start3A_1376 = tpu.memref_slice %arg4[%add3A, %dma_start3A_1374, %dma_start3A_1375] : memref<32x672x224xf32, #tpu.memory_space<hbm>> -> memref<1x168x128xf32, #tpu.memory_space<hbm>>
      %dma_start3A_1377 = tpu.memref_squeeze %dma_start3A_1376 : memref<1x168x128xf32, #tpu.memory_space<hbm>> -> memref<168x128xf32, #tpu.memory_space<hbm>>
      tpu.enqueue_dma source(%arg7 : memref<168x128xf32, #tpu.memory_space<vmem>>) target(%dma_start3A_1377 : memref<168x128xf32, #tpu.memory_space<hbm>>) target_semaphore(%arg19 : memref<!tpu.dma_semaphore, #tpu.memory_space<semaphore_mem>>)
      %dma_start3A_1378 = arith.constant 504 : i32
      %dma_start3A_1379 = arith.constant 128 : i32
      %dma_start3A_1380 = tpu.memref_slice %arg4[%add3A, %dma_start3A_1378, %dma_start3A_1379] : memref<32x672x224xf32, #tpu.memory_space<hbm>> -> memref<1x168x96xf32, #tpu.memory_space<hbm>>
      %dma_start3A_1381 = tpu.memref_squeeze %dma_start3A_1380 : memref<1x168x96xf32, #tpu.memory_space<hbm>> -> memref<168x96xf32, #tpu.memory_space<hbm>>
      %dma_start3A_1382 = arith.constant 504 : i32
      %dma_start3A_1383 = arith.constant 128 : i32
      %dma_start3A_1384 = tpu.memref_slice %arg4[%add3A, %dma_start3A_1382, %dma_start3A_1383] : memref<32x672x224xf32, #tpu.memory_space<hbm>> -> memref<1x168x96xf32, #tpu.memory_space<hbm>>
      %dma_start3A_1385 = tpu.memref_squeeze %dma_start3A_1384 : memref<1x168x96xf32, #tpu.memory_space<hbm>> -> memref<168x96xf32, #tpu.memory_space<hbm>>
      tpu.enqueue_dma source(%arg10 : memref<168x96xf32, #tpu.memory_space<vmem>>) target(%dma_start3A_1385 : memref<168x96xf32, #tpu.memory_space<hbm>>) target_semaphore(%arg19 : memref<!tpu.dma_semaphore, #tpu.memory_space<semaphore_mem>>)
    } else {
    }
    %add3A_1055 = arith.constant 2 : i32
    %add3A_1056 = arith.addi %mul3A_58, %add3A_1055 : i32
    %dma_wait3A_1057 = arith.constant 504 : i32
    %dma_wait3A_1058 = arith.constant 0 : i32
    %dma_wait3A_1059 = tpu.memref_slice %arg3[%add3A_1056, %dma_wait3A_1057, %dma_wait3A_1058] : memref<128x672x224xf32, #tpu.memory_space<hbm>> -> memref<1x168x128xf32, #tpu.memory_space<hbm>>
    %dma_wait3A_1060 = tpu.memref_squeeze %dma_wait3A_1059 : memref<1x168x128xf32, #tpu.memory_space<hbm>> -> memref<168x128xf32, #tpu.memory_space<hbm>>
    %dma_wait3A_1061 = arith.constant 504 : i32
    %dma_wait3A_1062 = arith.constant 0 : i32
    %dma_wait3A_1063 = tpu.memref_slice %arg3[%add3A_1056, %dma_wait3A_1061, %dma_wait3A_1062] : memref<128x672x224xf32, #tpu.memory_space<hbm>> -> memref<1x168x128xf32, #tpu.memory_space<hbm>>
    %dma_wait3A_1064 = tpu.memref_squeeze %dma_wait3A_1063 : memref<1x168x128xf32, #tpu.memory_space<hbm>> -> memref<168x128xf32, #tpu.memory_space<hbm>>
    tpu.wait_dma2 semaphore(%arg16 : memref<!tpu.dma_semaphore, #tpu.memory_space<semaphore_mem>>) src(%arg7 : memref<168x128xf32, #tpu.memory_space<vmem>>) dst(%dma_wait3A_1064 : memref<168x128xf32, #tpu.memory_space<hbm>>)
    %dma_wait3A_1065 = arith.constant 504 : i32
    %dma_wait3A_1066 = arith.constant 128 : i32
    %dma_wait3A_1067 = tpu.memref_slice %arg3[%add3A_1056, %dma_wait3A_1065, %dma_wait3A_1066] : memref<128x672x224xf32, #tpu.memory_space<hbm>> -> memref<1x168x96xf32, #tpu.memory_space<hbm>>
    %dma_wait3A_1068 = tpu.memref_squeeze %dma_wait3A_1067 : memref<1x168x96xf32, #tpu.memory_space<hbm>> -> memref<168x96xf32, #tpu.memory_space<hbm>>
    %dma_wait3A_1069 = arith.constant 504 : i32
    %dma_wait3A_1070 = arith.constant 128 : i32
    %dma_wait3A_1071 = tpu.memref_slice %arg3[%add3A_1056, %dma_wait3A_1069, %dma_wait3A_1070] : memref<128x672x224xf32, #tpu.memory_space<hbm>> -> memref<1x168x96xf32, #tpu.memory_space<hbm>>
    %dma_wait3A_1072 = tpu.memref_squeeze %dma_wait3A_1071 : memref<1x168x96xf32, #tpu.memory_space<hbm>> -> memref<168x96xf32, #tpu.memory_space<hbm>>
    tpu.wait_dma2 semaphore(%arg16 : memref<!tpu.dma_semaphore, #tpu.memory_space<semaphore_mem>>) src(%arg10 : memref<168x96xf32, #tpu.memory_space<vmem>>) dst(%dma_wait3A_1072 : memref<168x96xf32, #tpu.memory_space<hbm>>)
    %eq3A_1073 = arith.constant 2 : i32
    %eq3A_1074 = arith.cmpi eq, %sub3A_61, %eq3A_1073 : i32
    %convert_element_type3A_1075 = arith.extui %eq3A_1074 : i1 to i32
    %cond3A_1076 = arith.constant 0 : i32
    %cond3A_1077 = arith.cmpi ne, %convert_element_type3A_1075, %cond3A_1076 : i32
    scf.if %cond3A_1077 {
      %dma_wait3A_1370 = arith.constant 504 : i32
      %dma_wait3A_1371 = arith.constant 0 : i32
      %dma_wait3A_1372 = tpu.memref_slice %arg4[%add3A, %dma_wait3A_1370, %dma_wait3A_1371] : memref<32x672x224xf32, #tpu.memory_space<hbm>> -> memref<1x168x128xf32, #tpu.memory_space<hbm>>
      %dma_wait3A_1373 = tpu.memref_squeeze %dma_wait3A_1372 : memref<1x168x128xf32, #tpu.memory_space<hbm>> -> memref<168x128xf32, #tpu.memory_space<hbm>>
      %dma_wait3A_1374 = arith.constant 504 : i32
      %dma_wait3A_1375 = arith.constant 0 : i32
      %dma_wait3A_1376 = tpu.memref_slice %arg4[%add3A, %dma_wait3A_1374, %dma_wait3A_1375] : memref<32x672x224xf32, #tpu.memory_space<hbm>> -> memref<1x168x128xf32, #tpu.memory_space<hbm>>
      %dma_wait3A_1377 = tpu.memref_squeeze %dma_wait3A_1376 : memref<1x168x128xf32, #tpu.memory_space<hbm>> -> memref<168x128xf32, #tpu.memory_space<hbm>>
      tpu.wait_dma2 semaphore(%arg19 : memref<!tpu.dma_semaphore, #tpu.memory_space<semaphore_mem>>) src(%arg7 : memref<168x128xf32, #tpu.memory_space<vmem>>) dst(%dma_wait3A_1377 : memref<168x128xf32, #tpu.memory_space<hbm>>)
      %dma_wait3A_1378 = arith.constant 504 : i32
      %dma_wait3A_1379 = arith.constant 128 : i32
      %dma_wait3A_1380 = tpu.memref_slice %arg4[%add3A, %dma_wait3A_1378, %dma_wait3A_1379] : memref<32x672x224xf32, #tpu.memory_space<hbm>> -> memref<1x168x96xf32, #tpu.memory_space<hbm>>
      %dma_wait3A_1381 = tpu.memref_squeeze %dma_wait3A_1380 : memref<1x168x96xf32, #tpu.memory_space<hbm>> -> memref<168x96xf32, #tpu.memory_space<hbm>>
      %dma_wait3A_1382 = arith.constant 504 : i32
      %dma_wait3A_1383 = arith.constant 128 : i32
      %dma_wait3A_1384 = tpu.memref_slice %arg4[%add3A, %dma_wait3A_1382, %dma_wait3A_1383] : memref<32x672x224xf32, #tpu.memory_space<hbm>> -> memref<1x168x96xf32, #tpu.memory_space<hbm>>
      %dma_wait3A_1385 = tpu.memref_squeeze %dma_wait3A_1384 : memref<1x168x96xf32, #tpu.memory_space<hbm>> -> memref<168x96xf32, #tpu.memory_space<hbm>>
      tpu.wait_dma2 semaphore(%arg19 : memref<!tpu.dma_semaphore, #tpu.memory_space<semaphore_mem>>) src(%arg10 : memref<168x96xf32, #tpu.memory_space<vmem>>) dst(%dma_wait3A_1385 : memref<168x96xf32, #tpu.memory_space<hbm>>)
    } else {
    }
    %add3A_1078 = arith.constant 3 : i32
    %add3A_1079 = arith.addi %mul3A_58, %add3A_1078 : i32
    %dma_start3A_1080 = arith.constant 336 : i32
    %dma_start3A_1081 = arith.constant 0 : i32
    %dma_start3A_1082 = tpu.memref_slice %arg2[%add3A_1079, %dma_start3A_1080, %dma_start3A_1081] : memref<128x672x224xf32, #tpu.memory_space<hbm>> -> memref<1x168x128xf32, #tpu.memory_space<hbm>>
    %dma_start3A_1083 = tpu.memref_squeeze %dma_start3A_1082 : memref<1x168x128xf32, #tpu.memory_space<hbm>> -> memref<168x128xf32, #tpu.memory_space<hbm>>
    %dma_start3A_1084 = arith.constant 336 : i32
    %dma_start3A_1085 = arith.constant 0 : i32
    %dma_start3A_1086 = tpu.memref_slice %arg2[%add3A_1079, %dma_start3A_1084, %dma_start3A_1085] : memref<128x672x224xf32, #tpu.memory_space<hbm>> -> memref<1x168x128xf32, #tpu.memory_space<hbm>>
    %dma_start3A_1087 = tpu.memref_squeeze %dma_start3A_1086 : memref<1x168x128xf32, #tpu.memory_space<hbm>> -> memref<168x128xf32, #tpu.memory_space<hbm>>
    tpu.enqueue_dma source(%dma_start3A_1087 : memref<168x128xf32, #tpu.memory_space<hbm>>) target(%arg7 : memref<168x128xf32, #tpu.memory_space<vmem>>) target_semaphore(%arg13 : memref<!tpu.dma_semaphore, #tpu.memory_space<semaphore_mem>>)
    %dma_start3A_1088 = arith.constant 336 : i32
    %dma_start3A_1089 = arith.constant 128 : i32
    %dma_start3A_1090 = tpu.memref_slice %arg2[%add3A_1079, %dma_start3A_1088, %dma_start3A_1089] : memref<128x672x224xf32, #tpu.memory_space<hbm>> -> memref<1x168x96xf32, #tpu.memory_space<hbm>>
    %dma_start3A_1091 = tpu.memref_squeeze %dma_start3A_1090 : memref<1x168x96xf32, #tpu.memory_space<hbm>> -> memref<168x96xf32, #tpu.memory_space<hbm>>
    %dma_start3A_1092 = arith.constant 336 : i32
    %dma_start3A_1093 = arith.constant 128 : i32
    %dma_start3A_1094 = tpu.memref_slice %arg2[%add3A_1079, %dma_start3A_1092, %dma_start3A_1093] : memref<128x672x224xf32, #tpu.memory_space<hbm>> -> memref<1x168x96xf32, #tpu.memory_space<hbm>>
    %dma_start3A_1095 = tpu.memref_squeeze %dma_start3A_1094 : memref<1x168x96xf32, #tpu.memory_space<hbm>> -> memref<168x96xf32, #tpu.memory_space<hbm>>
    tpu.enqueue_dma source(%dma_start3A_1095 : memref<168x96xf32, #tpu.memory_space<hbm>>) target(%arg10 : memref<168x96xf32, #tpu.memory_space<vmem>>) target_semaphore(%arg13 : memref<!tpu.dma_semaphore, #tpu.memory_space<semaphore_mem>>)
    %add3A_1096 = arith.constant 3 : i32
    %add3A_1097 = arith.addi %mul3A_58, %add3A_1096 : i32
    %dma_wait3A_1098 = arith.constant 0 : i32
    %dma_wait3A_1099 = arith.constant 0 : i32
    %dma_wait3A_1100 = tpu.memref_slice %arg2[%add3A_1097, %dma_wait3A_1098, %dma_wait3A_1099] : memref<128x672x224xf32, #tpu.memory_space<hbm>> -> memref<1x168x128xf32, #tpu.memory_space<hbm>>
    %dma_wait3A_1101 = tpu.memref_squeeze %dma_wait3A_1100 : memref<1x168x128xf32, #tpu.memory_space<hbm>> -> memref<168x128xf32, #tpu.memory_space<hbm>>
    %dma_wait3A_1102 = arith.constant 0 : i32
    %dma_wait3A_1103 = arith.constant 0 : i32
    %dma_wait3A_1104 = tpu.memref_slice %arg2[%add3A_1097, %dma_wait3A_1102, %dma_wait3A_1103] : memref<128x672x224xf32, #tpu.memory_space<hbm>> -> memref<1x168x128xf32, #tpu.memory_space<hbm>>
    %dma_wait3A_1105 = tpu.memref_squeeze %dma_wait3A_1104 : memref<1x168x128xf32, #tpu.memory_space<hbm>> -> memref<168x128xf32, #tpu.memory_space<hbm>>
    tpu.wait_dma2 semaphore(%arg11 : memref<!tpu.dma_semaphore, #tpu.memory_space<semaphore_mem>>) src(%dma_wait3A_1105 : memref<168x128xf32, #tpu.memory_space<hbm>>) dst(%arg5 : memref<168x128xf32, #tpu.memory_space<vmem>>)
    %dma_wait3A_1106 = arith.constant 0 : i32
    %dma_wait3A_1107 = arith.constant 128 : i32
    %dma_wait3A_1108 = tpu.memref_slice %arg2[%add3A_1097, %dma_wait3A_1106, %dma_wait3A_1107] : memref<128x672x224xf32, #tpu.memory_space<hbm>> -> memref<1x168x96xf32, #tpu.memory_space<hbm>>
    %dma_wait3A_1109 = tpu.memref_squeeze %dma_wait3A_1108 : memref<1x168x96xf32, #tpu.memory_space<hbm>> -> memref<168x96xf32, #tpu.memory_space<hbm>>
    %dma_wait3A_1110 = arith.constant 0 : i32
    %dma_wait3A_1111 = arith.constant 128 : i32
    %dma_wait3A_1112 = tpu.memref_slice %arg2[%add3A_1097, %dma_wait3A_1110, %dma_wait3A_1111] : memref<128x672x224xf32, #tpu.memory_space<hbm>> -> memref<1x168x96xf32, #tpu.memory_space<hbm>>
    %dma_wait3A_1113 = tpu.memref_squeeze %dma_wait3A_1112 : memref<1x168x96xf32, #tpu.memory_space<hbm>> -> memref<168x96xf32, #tpu.memory_space<hbm>>
    tpu.wait_dma2 semaphore(%arg11 : memref<!tpu.dma_semaphore, #tpu.memory_space<semaphore_mem>>) src(%dma_wait3A_1113 : memref<168x96xf32, #tpu.memory_space<hbm>>) dst(%arg8 : memref<168x96xf32, #tpu.memory_space<vmem>>)
    %add3A_1114 = arith.constant 3 : i32
    %add3A_1115 = arith.addi %mul3A_58, %add3A_1114 : i32
    %dma_start3A_1116 = arith.constant 0 : i32
    %dma_start3A_1117 = arith.constant 0 : i32
    %dma_start3A_1118 = tpu.memref_slice %arg3[%add3A_1115, %dma_start3A_1116, %dma_start3A_1117] : memref<128x672x224xf32, #tpu.memory_space<hbm>> -> memref<1x168x128xf32, #tpu.memory_space<hbm>>
    %dma_start3A_1119 = tpu.memref_squeeze %dma_start3A_1118 : memref<1x168x128xf32, #tpu.memory_space<hbm>> -> memref<168x128xf32, #tpu.memory_space<hbm>>
    %dma_start3A_1120 = arith.constant 0 : i32
    %dma_start3A_1121 = arith.constant 0 : i32
    %dma_start3A_1122 = tpu.memref_slice %arg3[%add3A_1115, %dma_start3A_1120, %dma_start3A_1121] : memref<128x672x224xf32, #tpu.memory_space<hbm>> -> memref<1x168x128xf32, #tpu.memory_space<hbm>>
    %dma_start3A_1123 = tpu.memref_squeeze %dma_start3A_1122 : memref<1x168x128xf32, #tpu.memory_space<hbm>> -> memref<168x128xf32, #tpu.memory_space<hbm>>
    tpu.enqueue_dma source(%arg5 : memref<168x128xf32, #tpu.memory_space<vmem>>) target(%dma_start3A_1123 : memref<168x128xf32, #tpu.memory_space<hbm>>) target_semaphore(%arg14 : memref<!tpu.dma_semaphore, #tpu.memory_space<semaphore_mem>>)
    %dma_start3A_1124 = arith.constant 0 : i32
    %dma_start3A_1125 = arith.constant 128 : i32
    %dma_start3A_1126 = tpu.memref_slice %arg3[%add3A_1115, %dma_start3A_1124, %dma_start3A_1125] : memref<128x672x224xf32, #tpu.memory_space<hbm>> -> memref<1x168x96xf32, #tpu.memory_space<hbm>>
    %dma_start3A_1127 = tpu.memref_squeeze %dma_start3A_1126 : memref<1x168x96xf32, #tpu.memory_space<hbm>> -> memref<168x96xf32, #tpu.memory_space<hbm>>
    %dma_start3A_1128 = arith.constant 0 : i32
    %dma_start3A_1129 = arith.constant 128 : i32
    %dma_start3A_1130 = tpu.memref_slice %arg3[%add3A_1115, %dma_start3A_1128, %dma_start3A_1129] : memref<128x672x224xf32, #tpu.memory_space<hbm>> -> memref<1x168x96xf32, #tpu.memory_space<hbm>>
    %dma_start3A_1131 = tpu.memref_squeeze %dma_start3A_1130 : memref<1x168x96xf32, #tpu.memory_space<hbm>> -> memref<168x96xf32, #tpu.memory_space<hbm>>
    tpu.enqueue_dma source(%arg8 : memref<168x96xf32, #tpu.memory_space<vmem>>) target(%dma_start3A_1131 : memref<168x96xf32, #tpu.memory_space<hbm>>) target_semaphore(%arg14 : memref<!tpu.dma_semaphore, #tpu.memory_space<semaphore_mem>>)
    %eq3A_1132 = arith.constant 3 : i32
    %eq3A_1133 = arith.cmpi eq, %sub3A_61, %eq3A_1132 : i32
    %convert_element_type3A_1134 = arith.extui %eq3A_1133 : i1 to i32
    %cond3A_1135 = arith.constant 0 : i32
    %cond3A_1136 = arith.cmpi ne, %convert_element_type3A_1134, %cond3A_1135 : i32
    scf.if %cond3A_1136 {
      %dma_start3A_1370 = arith.constant 0 : i32
      %dma_start3A_1371 = arith.constant 0 : i32
      %dma_start3A_1372 = tpu.memref_slice %arg4[%add3A, %dma_start3A_1370, %dma_start3A_1371] : memref<32x672x224xf32, #tpu.memory_space<hbm>> -> memref<1x168x128xf32, #tpu.memory_space<hbm>>
      %dma_start3A_1373 = tpu.memref_squeeze %dma_start3A_1372 : memref<1x168x128xf32, #tpu.memory_space<hbm>> -> memref<168x128xf32, #tpu.memory_space<hbm>>
      %dma_start3A_1374 = arith.constant 0 : i32
      %dma_start3A_1375 = arith.constant 0 : i32
      %dma_start3A_1376 = tpu.memref_slice %arg4[%add3A, %dma_start3A_1374, %dma_start3A_1375] : memref<32x672x224xf32, #tpu.memory_space<hbm>> -> memref<1x168x128xf32, #tpu.memory_space<hbm>>
      %dma_start3A_1377 = tpu.memref_squeeze %dma_start3A_1376 : memref<1x168x128xf32, #tpu.memory_space<hbm>> -> memref<168x128xf32, #tpu.memory_space<hbm>>
      tpu.enqueue_dma source(%arg5 : memref<168x128xf32, #tpu.memory_space<vmem>>) target(%dma_start3A_1377 : memref<168x128xf32, #tpu.memory_space<hbm>>) target_semaphore(%arg17 : memref<!tpu.dma_semaphore, #tpu.memory_space<semaphore_mem>>)
      %dma_start3A_1378 = arith.constant 0 : i32
      %dma_start3A_1379 = arith.constant 128 : i32
      %dma_start3A_1380 = tpu.memref_slice %arg4[%add3A, %dma_start3A_1378, %dma_start3A_1379] : memref<32x672x224xf32, #tpu.memory_space<hbm>> -> memref<1x168x96xf32, #tpu.memory_space<hbm>>
      %dma_start3A_1381 = tpu.memref_squeeze %dma_start3A_1380 : memref<1x168x96xf32, #tpu.memory_space<hbm>> -> memref<168x96xf32, #tpu.memory_space<hbm>>
      %dma_start3A_1382 = arith.constant 0 : i32
      %dma_start3A_1383 = arith.constant 128 : i32
      %dma_start3A_1384 = tpu.memref_slice %arg4[%add3A, %dma_start3A_1382, %dma_start3A_1383] : memref<32x672x224xf32, #tpu.memory_space<hbm>> -> memref<1x168x96xf32, #tpu.memory_space<hbm>>
      %dma_start3A_1385 = tpu.memref_squeeze %dma_start3A_1384 : memref<1x168x96xf32, #tpu.memory_space<hbm>> -> memref<168x96xf32, #tpu.memory_space<hbm>>
      tpu.enqueue_dma source(%arg8 : memref<168x96xf32, #tpu.memory_space<vmem>>) target(%dma_start3A_1385 : memref<168x96xf32, #tpu.memory_space<hbm>>) target_semaphore(%arg17 : memref<!tpu.dma_semaphore, #tpu.memory_space<semaphore_mem>>)
    } else {
    }
    %add3A_1137 = arith.constant 3 : i32
    %add3A_1138 = arith.addi %mul3A_58, %add3A_1137 : i32
    %dma_wait3A_1139 = arith.constant 0 : i32
    %dma_wait3A_1140 = arith.constant 0 : i32
    %dma_wait3A_1141 = tpu.memref_slice %arg3[%add3A_1138, %dma_wait3A_1139, %dma_wait3A_1140] : memref<128x672x224xf32, #tpu.memory_space<hbm>> -> memref<1x168x128xf32, #tpu.memory_space<hbm>>
    %dma_wait3A_1142 = tpu.memref_squeeze %dma_wait3A_1141 : memref<1x168x128xf32, #tpu.memory_space<hbm>> -> memref<168x128xf32, #tpu.memory_space<hbm>>
    %dma_wait3A_1143 = arith.constant 0 : i32
    %dma_wait3A_1144 = arith.constant 0 : i32
    %dma_wait3A_1145 = tpu.memref_slice %arg3[%add3A_1138, %dma_wait3A_1143, %dma_wait3A_1144] : memref<128x672x224xf32, #tpu.memory_space<hbm>> -> memref<1x168x128xf32, #tpu.memory_space<hbm>>
    %dma_wait3A_1146 = tpu.memref_squeeze %dma_wait3A_1145 : memref<1x168x128xf32, #tpu.memory_space<hbm>> -> memref<168x128xf32, #tpu.memory_space<hbm>>
    tpu.wait_dma2 semaphore(%arg14 : memref<!tpu.dma_semaphore, #tpu.memory_space<semaphore_mem>>) src(%arg5 : memref<168x128xf32, #tpu.memory_space<vmem>>) dst(%dma_wait3A_1146 : memref<168x128xf32, #tpu.memory_space<hbm>>)
    %dma_wait3A_1147 = arith.constant 0 : i32
    %dma_wait3A_1148 = arith.constant 128 : i32
    %dma_wait3A_1149 = tpu.memref_slice %arg3[%add3A_1138, %dma_wait3A_1147, %dma_wait3A_1148] : memref<128x672x224xf32, #tpu.memory_space<hbm>> -> memref<1x168x96xf32, #tpu.memory_space<hbm>>
    %dma_wait3A_1150 = tpu.memref_squeeze %dma_wait3A_1149 : memref<1x168x96xf32, #tpu.memory_space<hbm>> -> memref<168x96xf32, #tpu.memory_space<hbm>>
    %dma_wait3A_1151 = arith.constant 0 : i32
    %dma_wait3A_1152 = arith.constant 128 : i32
    %dma_wait3A_1153 = tpu.memref_slice %arg3[%add3A_1138, %dma_wait3A_1151, %dma_wait3A_1152] : memref<128x672x224xf32, #tpu.memory_space<hbm>> -> memref<1x168x96xf32, #tpu.memory_space<hbm>>
    %dma_wait3A_1154 = tpu.memref_squeeze %dma_wait3A_1153 : memref<1x168x96xf32, #tpu.memory_space<hbm>> -> memref<168x96xf32, #tpu.memory_space<hbm>>
    tpu.wait_dma2 semaphore(%arg14 : memref<!tpu.dma_semaphore, #tpu.memory_space<semaphore_mem>>) src(%arg8 : memref<168x96xf32, #tpu.memory_space<vmem>>) dst(%dma_wait3A_1154 : memref<168x96xf32, #tpu.memory_space<hbm>>)
    %eq3A_1155 = arith.constant 3 : i32
    %eq3A_1156 = arith.cmpi eq, %sub3A_61, %eq3A_1155 : i32
    %convert_element_type3A_1157 = arith.extui %eq3A_1156 : i1 to i32
    %cond3A_1158 = arith.constant 0 : i32
    %cond3A_1159 = arith.cmpi ne, %convert_element_type3A_1157, %cond3A_1158 : i32
    scf.if %cond3A_1159 {
      %dma_wait3A_1370 = arith.constant 0 : i32
      %dma_wait3A_1371 = arith.constant 0 : i32
      %dma_wait3A_1372 = tpu.memref_slice %arg4[%add3A, %dma_wait3A_1370, %dma_wait3A_1371] : memref<32x672x224xf32, #tpu.memory_space<hbm>> -> memref<1x168x128xf32, #tpu.memory_space<hbm>>
      %dma_wait3A_1373 = tpu.memref_squeeze %dma_wait3A_1372 : memref<1x168x128xf32, #tpu.memory_space<hbm>> -> memref<168x128xf32, #tpu.memory_space<hbm>>
      %dma_wait3A_1374 = arith.constant 0 : i32
      %dma_wait3A_1375 = arith.constant 0 : i32
      %dma_wait3A_1376 = tpu.memref_slice %arg4[%add3A, %dma_wait3A_1374, %dma_wait3A_1375] : memref<32x672x224xf32, #tpu.memory_space<hbm>> -> memref<1x168x128xf32, #tpu.memory_space<hbm>>
      %dma_wait3A_1377 = tpu.memref_squeeze %dma_wait3A_1376 : memref<1x168x128xf32, #tpu.memory_space<hbm>> -> memref<168x128xf32, #tpu.memory_space<hbm>>
      tpu.wait_dma2 semaphore(%arg17 : memref<!tpu.dma_semaphore, #tpu.memory_space<semaphore_mem>>) src(%arg5 : memref<168x128xf32, #tpu.memory_space<vmem>>) dst(%dma_wait3A_1377 : memref<168x128xf32, #tpu.memory_space<hbm>>)
      %dma_wait3A_1378 = arith.constant 0 : i32
      %dma_wait3A_1379 = arith.constant 128 : i32
      %dma_wait3A_1380 = tpu.memref_slice %arg4[%add3A, %dma_wait3A_1378, %dma_wait3A_1379] : memref<32x672x224xf32, #tpu.memory_space<hbm>> -> memref<1x168x96xf32, #tpu.memory_space<hbm>>
      %dma_wait3A_1381 = tpu.memref_squeeze %dma_wait3A_1380 : memref<1x168x96xf32, #tpu.memory_space<hbm>> -> memref<168x96xf32, #tpu.memory_space<hbm>>
      %dma_wait3A_1382 = arith.constant 0 : i32
      %dma_wait3A_1383 = arith.constant 128 : i32
      %dma_wait3A_1384 = tpu.memref_slice %arg4[%add3A, %dma_wait3A_1382, %dma_wait3A_1383] : memref<32x672x224xf32, #tpu.memory_space<hbm>> -> memref<1x168x96xf32, #tpu.memory_space<hbm>>
      %dma_wait3A_1385 = tpu.memref_squeeze %dma_wait3A_1384 : memref<1x168x96xf32, #tpu.memory_space<hbm>> -> memref<168x96xf32, #tpu.memory_space<hbm>>
      tpu.wait_dma2 semaphore(%arg17 : memref<!tpu.dma_semaphore, #tpu.memory_space<semaphore_mem>>) src(%arg8 : memref<168x96xf32, #tpu.memory_space<vmem>>) dst(%dma_wait3A_1385 : memref<168x96xf32, #tpu.memory_space<hbm>>)
    } else {
    }
    %add3A_1160 = arith.constant 3 : i32
    %add3A_1161 = arith.addi %mul3A_58, %add3A_1160 : i32
    %dma_start3A_1162 = arith.constant 504 : i32
    %dma_start3A_1163 = arith.constant 0 : i32
    %dma_start3A_1164 = tpu.memref_slice %arg2[%add3A_1161, %dma_start3A_1162, %dma_start3A_1163] : memref<128x672x224xf32, #tpu.memory_space<hbm>> -> memref<1x168x128xf32, #tpu.memory_space<hbm>>
    %dma_start3A_1165 = tpu.memref_squeeze %dma_start3A_1164 : memref<1x168x128xf32, #tpu.memory_space<hbm>> -> memref<168x128xf32, #tpu.memory_space<hbm>>
    %dma_start3A_1166 = arith.constant 504 : i32
    %dma_start3A_1167 = arith.constant 0 : i32
    %dma_start3A_1168 = tpu.memref_slice %arg2[%add3A_1161, %dma_start3A_1166, %dma_start3A_1167] : memref<128x672x224xf32, #tpu.memory_space<hbm>> -> memref<1x168x128xf32, #tpu.memory_space<hbm>>
    %dma_start3A_1169 = tpu.memref_squeeze %dma_start3A_1168 : memref<1x168x128xf32, #tpu.memory_space<hbm>> -> memref<168x128xf32, #tpu.memory_space<hbm>>
    tpu.enqueue_dma source(%dma_start3A_1169 : memref<168x128xf32, #tpu.memory_space<hbm>>) target(%arg5 : memref<168x128xf32, #tpu.memory_space<vmem>>) target_semaphore(%arg11 : memref<!tpu.dma_semaphore, #tpu.memory_space<semaphore_mem>>)
    %dma_start3A_1170 = arith.constant 504 : i32
    %dma_start3A_1171 = arith.constant 128 : i32
    %dma_start3A_1172 = tpu.memref_slice %arg2[%add3A_1161, %dma_start3A_1170, %dma_start3A_1171] : memref<128x672x224xf32, #tpu.memory_space<hbm>> -> memref<1x168x96xf32, #tpu.memory_space<hbm>>
    %dma_start3A_1173 = tpu.memref_squeeze %dma_start3A_1172 : memref<1x168x96xf32, #tpu.memory_space<hbm>> -> memref<168x96xf32, #tpu.memory_space<hbm>>
    %dma_start3A_1174 = arith.constant 504 : i32
    %dma_start3A_1175 = arith.constant 128 : i32
    %dma_start3A_1176 = tpu.memref_slice %arg2[%add3A_1161, %dma_start3A_1174, %dma_start3A_1175] : memref<128x672x224xf32, #tpu.memory_space<hbm>> -> memref<1x168x96xf32, #tpu.memory_space<hbm>>
    %dma_start3A_1177 = tpu.memref_squeeze %dma_start3A_1176 : memref<1x168x96xf32, #tpu.memory_space<hbm>> -> memref<168x96xf32, #tpu.memory_space<hbm>>
    tpu.enqueue_dma source(%dma_start3A_1177 : memref<168x96xf32, #tpu.memory_space<hbm>>) target(%arg8 : memref<168x96xf32, #tpu.memory_space<vmem>>) target_semaphore(%arg11 : memref<!tpu.dma_semaphore, #tpu.memory_space<semaphore_mem>>)
    %add3A_1178 = arith.constant 3 : i32
    %add3A_1179 = arith.addi %mul3A_58, %add3A_1178 : i32
    %dma_wait3A_1180 = arith.constant 168 : i32
    %dma_wait3A_1181 = arith.constant 0 : i32
    %dma_wait3A_1182 = tpu.memref_slice %arg2[%add3A_1179, %dma_wait3A_1180, %dma_wait3A_1181] : memref<128x672x224xf32, #tpu.memory_space<hbm>> -> memref<1x168x128xf32, #tpu.memory_space<hbm>>
    %dma_wait3A_1183 = tpu.memref_squeeze %dma_wait3A_1182 : memref<1x168x128xf32, #tpu.memory_space<hbm>> -> memref<168x128xf32, #tpu.memory_space<hbm>>
    %dma_wait3A_1184 = arith.constant 168 : i32
    %dma_wait3A_1185 = arith.constant 0 : i32
    %dma_wait3A_1186 = tpu.memref_slice %arg2[%add3A_1179, %dma_wait3A_1184, %dma_wait3A_1185] : memref<128x672x224xf32, #tpu.memory_space<hbm>> -> memref<1x168x128xf32, #tpu.memory_space<hbm>>
    %dma_wait3A_1187 = tpu.memref_squeeze %dma_wait3A_1186 : memref<1x168x128xf32, #tpu.memory_space<hbm>> -> memref<168x128xf32, #tpu.memory_space<hbm>>
    tpu.wait_dma2 semaphore(%arg12 : memref<!tpu.dma_semaphore, #tpu.memory_space<semaphore_mem>>) src(%dma_wait3A_1187 : memref<168x128xf32, #tpu.memory_space<hbm>>) dst(%arg6 : memref<168x128xf32, #tpu.memory_space<vmem>>)
    %dma_wait3A_1188 = arith.constant 168 : i32
    %dma_wait3A_1189 = arith.constant 128 : i32
    %dma_wait3A_1190 = tpu.memref_slice %arg2[%add3A_1179, %dma_wait3A_1188, %dma_wait3A_1189] : memref<128x672x224xf32, #tpu.memory_space<hbm>> -> memref<1x168x96xf32, #tpu.memory_space<hbm>>
    %dma_wait3A_1191 = tpu.memref_squeeze %dma_wait3A_1190 : memref<1x168x96xf32, #tpu.memory_space<hbm>> -> memref<168x96xf32, #tpu.memory_space<hbm>>
    %dma_wait3A_1192 = arith.constant 168 : i32
    %dma_wait3A_1193 = arith.constant 128 : i32
    %dma_wait3A_1194 = tpu.memref_slice %arg2[%add3A_1179, %dma_wait3A_1192, %dma_wait3A_1193] : memref<128x672x224xf32, #tpu.memory_space<hbm>> -> memref<1x168x96xf32, #tpu.memory_space<hbm>>
    %dma_wait3A_1195 = tpu.memref_squeeze %dma_wait3A_1194 : memref<1x168x96xf32, #tpu.memory_space<hbm>> -> memref<168x96xf32, #tpu.memory_space<hbm>>
    tpu.wait_dma2 semaphore(%arg12 : memref<!tpu.dma_semaphore, #tpu.memory_space<semaphore_mem>>) src(%dma_wait3A_1195 : memref<168x96xf32, #tpu.memory_space<hbm>>) dst(%arg9 : memref<168x96xf32, #tpu.memory_space<vmem>>)
    %add3A_1196 = arith.constant 3 : i32
    %add3A_1197 = arith.addi %mul3A_58, %add3A_1196 : i32
    %dma_start3A_1198 = arith.constant 168 : i32
    %dma_start3A_1199 = arith.constant 0 : i32
    %dma_start3A_1200 = tpu.memref_slice %arg3[%add3A_1197, %dma_start3A_1198, %dma_start3A_1199] : memref<128x672x224xf32, #tpu.memory_space<hbm>> -> memref<1x168x128xf32, #tpu.memory_space<hbm>>
    %dma_start3A_1201 = tpu.memref_squeeze %dma_start3A_1200 : memref<1x168x128xf32, #tpu.memory_space<hbm>> -> memref<168x128xf32, #tpu.memory_space<hbm>>
    %dma_start3A_1202 = arith.constant 168 : i32
    %dma_start3A_1203 = arith.constant 0 : i32
    %dma_start3A_1204 = tpu.memref_slice %arg3[%add3A_1197, %dma_start3A_1202, %dma_start3A_1203] : memref<128x672x224xf32, #tpu.memory_space<hbm>> -> memref<1x168x128xf32, #tpu.memory_space<hbm>>
    %dma_start3A_1205 = tpu.memref_squeeze %dma_start3A_1204 : memref<1x168x128xf32, #tpu.memory_space<hbm>> -> memref<168x128xf32, #tpu.memory_space<hbm>>
    tpu.enqueue_dma source(%arg6 : memref<168x128xf32, #tpu.memory_space<vmem>>) target(%dma_start3A_1205 : memref<168x128xf32, #tpu.memory_space<hbm>>) target_semaphore(%arg15 : memref<!tpu.dma_semaphore, #tpu.memory_space<semaphore_mem>>)
    %dma_start3A_1206 = arith.constant 168 : i32
    %dma_start3A_1207 = arith.constant 128 : i32
    %dma_start3A_1208 = tpu.memref_slice %arg3[%add3A_1197, %dma_start3A_1206, %dma_start3A_1207] : memref<128x672x224xf32, #tpu.memory_space<hbm>> -> memref<1x168x96xf32, #tpu.memory_space<hbm>>
    %dma_start3A_1209 = tpu.memref_squeeze %dma_start3A_1208 : memref<1x168x96xf32, #tpu.memory_space<hbm>> -> memref<168x96xf32, #tpu.memory_space<hbm>>
    %dma_start3A_1210 = arith.constant 168 : i32
    %dma_start3A_1211 = arith.constant 128 : i32
    %dma_start3A_1212 = tpu.memref_slice %arg3[%add3A_1197, %dma_start3A_1210, %dma_start3A_1211] : memref<128x672x224xf32, #tpu.memory_space<hbm>> -> memref<1x168x96xf32, #tpu.memory_space<hbm>>
    %dma_start3A_1213 = tpu.memref_squeeze %dma_start3A_1212 : memref<1x168x96xf32, #tpu.memory_space<hbm>> -> memref<168x96xf32, #tpu.memory_space<hbm>>
    tpu.enqueue_dma source(%arg9 : memref<168x96xf32, #tpu.memory_space<vmem>>) target(%dma_start3A_1213 : memref<168x96xf32, #tpu.memory_space<hbm>>) target_semaphore(%arg15 : memref<!tpu.dma_semaphore, #tpu.memory_space<semaphore_mem>>)
    %eq3A_1214 = arith.constant 3 : i32
    %eq3A_1215 = arith.cmpi eq, %sub3A_61, %eq3A_1214 : i32
    %convert_element_type3A_1216 = arith.extui %eq3A_1215 : i1 to i32
    %cond3A_1217 = arith.constant 0 : i32
    %cond3A_1218 = arith.cmpi ne, %convert_element_type3A_1216, %cond3A_1217 : i32
    scf.if %cond3A_1218 {
      %dma_start3A_1370 = arith.constant 168 : i32
      %dma_start3A_1371 = arith.constant 0 : i32
      %dma_start3A_1372 = tpu.memref_slice %arg4[%add3A, %dma_start3A_1370, %dma_start3A_1371] : memref<32x672x224xf32, #tpu.memory_space<hbm>> -> memref<1x168x128xf32, #tpu.memory_space<hbm>>
      %dma_start3A_1373 = tpu.memref_squeeze %dma_start3A_1372 : memref<1x168x128xf32, #tpu.memory_space<hbm>> -> memref<168x128xf32, #tpu.memory_space<hbm>>
      %dma_start3A_1374 = arith.constant 168 : i32
      %dma_start3A_1375 = arith.constant 0 : i32
      %dma_start3A_1376 = tpu.memref_slice %arg4[%add3A, %dma_start3A_1374, %dma_start3A_1375] : memref<32x672x224xf32, #tpu.memory_space<hbm>> -> memref<1x168x128xf32, #tpu.memory_space<hbm>>
      %dma_start3A_1377 = tpu.memref_squeeze %dma_start3A_1376 : memref<1x168x128xf32, #tpu.memory_space<hbm>> -> memref<168x128xf32, #tpu.memory_space<hbm>>
      tpu.enqueue_dma source(%arg6 : memref<168x128xf32, #tpu.memory_space<vmem>>) target(%dma_start3A_1377 : memref<168x128xf32, #tpu.memory_space<hbm>>) target_semaphore(%arg18 : memref<!tpu.dma_semaphore, #tpu.memory_space<semaphore_mem>>)
      %dma_start3A_1378 = arith.constant 168 : i32
      %dma_start3A_1379 = arith.constant 128 : i32
      %dma_start3A_1380 = tpu.memref_slice %arg4[%add3A, %dma_start3A_1378, %dma_start3A_1379] : memref<32x672x224xf32, #tpu.memory_space<hbm>> -> memref<1x168x96xf32, #tpu.memory_space<hbm>>
      %dma_start3A_1381 = tpu.memref_squeeze %dma_start3A_1380 : memref<1x168x96xf32, #tpu.memory_space<hbm>> -> memref<168x96xf32, #tpu.memory_space<hbm>>
      %dma_start3A_1382 = arith.constant 168 : i32
      %dma_start3A_1383 = arith.constant 128 : i32
      %dma_start3A_1384 = tpu.memref_slice %arg4[%add3A, %dma_start3A_1382, %dma_start3A_1383] : memref<32x672x224xf32, #tpu.memory_space<hbm>> -> memref<1x168x96xf32, #tpu.memory_space<hbm>>
      %dma_start3A_1385 = tpu.memref_squeeze %dma_start3A_1384 : memref<1x168x96xf32, #tpu.memory_space<hbm>> -> memref<168x96xf32, #tpu.memory_space<hbm>>
      tpu.enqueue_dma source(%arg9 : memref<168x96xf32, #tpu.memory_space<vmem>>) target(%dma_start3A_1385 : memref<168x96xf32, #tpu.memory_space<hbm>>) target_semaphore(%arg18 : memref<!tpu.dma_semaphore, #tpu.memory_space<semaphore_mem>>)
    } else {
    }
    %add3A_1219 = arith.constant 3 : i32
    %add3A_1220 = arith.addi %mul3A_58, %add3A_1219 : i32
    %dma_wait3A_1221 = arith.constant 336 : i32
    %dma_wait3A_1222 = arith.constant 0 : i32
    %dma_wait3A_1223 = tpu.memref_slice %arg2[%add3A_1220, %dma_wait3A_1221, %dma_wait3A_1222] : memref<128x672x224xf32, #tpu.memory_space<hbm>> -> memref<1x168x128xf32, #tpu.memory_space<hbm>>
    %dma_wait3A_1224 = tpu.memref_squeeze %dma_wait3A_1223 : memref<1x168x128xf32, #tpu.memory_space<hbm>> -> memref<168x128xf32, #tpu.memory_space<hbm>>
    %dma_wait3A_1225 = arith.constant 336 : i32
    %dma_wait3A_1226 = arith.constant 0 : i32
    %dma_wait3A_1227 = tpu.memref_slice %arg2[%add3A_1220, %dma_wait3A_1225, %dma_wait3A_1226] : memref<128x672x224xf32, #tpu.memory_space<hbm>> -> memref<1x168x128xf32, #tpu.memory_space<hbm>>
    %dma_wait3A_1228 = tpu.memref_squeeze %dma_wait3A_1227 : memref<1x168x128xf32, #tpu.memory_space<hbm>> -> memref<168x128xf32, #tpu.memory_space<hbm>>
    tpu.wait_dma2 semaphore(%arg13 : memref<!tpu.dma_semaphore, #tpu.memory_space<semaphore_mem>>) src(%dma_wait3A_1228 : memref<168x128xf32, #tpu.memory_space<hbm>>) dst(%arg7 : memref<168x128xf32, #tpu.memory_space<vmem>>)
    %dma_wait3A_1229 = arith.constant 336 : i32
    %dma_wait3A_1230 = arith.constant 128 : i32
    %dma_wait3A_1231 = tpu.memref_slice %arg2[%add3A_1220, %dma_wait3A_1229, %dma_wait3A_1230] : memref<128x672x224xf32, #tpu.memory_space<hbm>> -> memref<1x168x96xf32, #tpu.memory_space<hbm>>
    %dma_wait3A_1232 = tpu.memref_squeeze %dma_wait3A_1231 : memref<1x168x96xf32, #tpu.memory_space<hbm>> -> memref<168x96xf32, #tpu.memory_space<hbm>>
    %dma_wait3A_1233 = arith.constant 336 : i32
    %dma_wait3A_1234 = arith.constant 128 : i32
    %dma_wait3A_1235 = tpu.memref_slice %arg2[%add3A_1220, %dma_wait3A_1233, %dma_wait3A_1234] : memref<128x672x224xf32, #tpu.memory_space<hbm>> -> memref<1x168x96xf32, #tpu.memory_space<hbm>>
    %dma_wait3A_1236 = tpu.memref_squeeze %dma_wait3A_1235 : memref<1x168x96xf32, #tpu.memory_space<hbm>> -> memref<168x96xf32, #tpu.memory_space<hbm>>
    tpu.wait_dma2 semaphore(%arg13 : memref<!tpu.dma_semaphore, #tpu.memory_space<semaphore_mem>>) src(%dma_wait3A_1236 : memref<168x96xf32, #tpu.memory_space<hbm>>) dst(%arg10 : memref<168x96xf32, #tpu.memory_space<vmem>>)
    %add3A_1237 = arith.constant 3 : i32
    %add3A_1238 = arith.addi %mul3A_58, %add3A_1237 : i32
    %dma_start3A_1239 = arith.constant 336 : i32
    %dma_start3A_1240 = arith.constant 0 : i32
    %dma_start3A_1241 = tpu.memref_slice %arg3[%add3A_1238, %dma_start3A_1239, %dma_start3A_1240] : memref<128x672x224xf32, #tpu.memory_space<hbm>> -> memref<1x168x128xf32, #tpu.memory_space<hbm>>
    %dma_start3A_1242 = tpu.memref_squeeze %dma_start3A_1241 : memref<1x168x128xf32, #tpu.memory_space<hbm>> -> memref<168x128xf32, #tpu.memory_space<hbm>>
    %dma_start3A_1243 = arith.constant 336 : i32
    %dma_start3A_1244 = arith.constant 0 : i32
    %dma_start3A_1245 = tpu.memref_slice %arg3[%add3A_1238, %dma_start3A_1243, %dma_start3A_1244] : memref<128x672x224xf32, #tpu.memory_space<hbm>> -> memref<1x168x128xf32, #tpu.memory_space<hbm>>
    %dma_start3A_1246 = tpu.memref_squeeze %dma_start3A_1245 : memref<1x168x128xf32, #tpu.memory_space<hbm>> -> memref<168x128xf32, #tpu.memory_space<hbm>>
    tpu.enqueue_dma source(%arg7 : memref<168x128xf32, #tpu.memory_space<vmem>>) target(%dma_start3A_1246 : memref<168x128xf32, #tpu.memory_space<hbm>>) target_semaphore(%arg16 : memref<!tpu.dma_semaphore, #tpu.memory_space<semaphore_mem>>)
    %dma_start3A_1247 = arith.constant 336 : i32
    %dma_start3A_1248 = arith.constant 128 : i32
    %dma_start3A_1249 = tpu.memref_slice %arg3[%add3A_1238, %dma_start3A_1247, %dma_start3A_1248] : memref<128x672x224xf32, #tpu.memory_space<hbm>> -> memref<1x168x96xf32, #tpu.memory_space<hbm>>
    %dma_start3A_1250 = tpu.memref_squeeze %dma_start3A_1249 : memref<1x168x96xf32, #tpu.memory_space<hbm>> -> memref<168x96xf32, #tpu.memory_space<hbm>>
    %dma_start3A_1251 = arith.constant 336 : i32
    %dma_start3A_1252 = arith.constant 128 : i32
    %dma_start3A_1253 = tpu.memref_slice %arg3[%add3A_1238, %dma_start3A_1251, %dma_start3A_1252] : memref<128x672x224xf32, #tpu.memory_space<hbm>> -> memref<1x168x96xf32, #tpu.memory_space<hbm>>
    %dma_start3A_1254 = tpu.memref_squeeze %dma_start3A_1253 : memref<1x168x96xf32, #tpu.memory_space<hbm>> -> memref<168x96xf32, #tpu.memory_space<hbm>>
    tpu.enqueue_dma source(%arg10 : memref<168x96xf32, #tpu.memory_space<vmem>>) target(%dma_start3A_1254 : memref<168x96xf32, #tpu.memory_space<hbm>>) target_semaphore(%arg16 : memref<!tpu.dma_semaphore, #tpu.memory_space<semaphore_mem>>)
    %eq3A_1255 = arith.constant 3 : i32
    %eq3A_1256 = arith.cmpi eq, %sub3A_61, %eq3A_1255 : i32
    %convert_element_type3A_1257 = arith.extui %eq3A_1256 : i1 to i32
    %cond3A_1258 = arith.constant 0 : i32
    %cond3A_1259 = arith.cmpi ne, %convert_element_type3A_1257, %cond3A_1258 : i32
    scf.if %cond3A_1259 {
      %dma_start3A_1370 = arith.constant 336 : i32
      %dma_start3A_1371 = arith.constant 0 : i32
      %dma_start3A_1372 = tpu.memref_slice %arg4[%add3A, %dma_start3A_1370, %dma_start3A_1371] : memref<32x672x224xf32, #tpu.memory_space<hbm>> -> memref<1x168x128xf32, #tpu.memory_space<hbm>>
      %dma_start3A_1373 = tpu.memref_squeeze %dma_start3A_1372 : memref<1x168x128xf32, #tpu.memory_space<hbm>> -> memref<168x128xf32, #tpu.memory_space<hbm>>
      %dma_start3A_1374 = arith.constant 336 : i32
      %dma_start3A_1375 = arith.constant 0 : i32
      %dma_start3A_1376 = tpu.memref_slice %arg4[%add3A, %dma_start3A_1374, %dma_start3A_1375] : memref<32x672x224xf32, #tpu.memory_space<hbm>> -> memref<1x168x128xf32, #tpu.memory_space<hbm>>
      %dma_start3A_1377 = tpu.memref_squeeze %dma_start3A_1376 : memref<1x168x128xf32, #tpu.memory_space<hbm>> -> memref<168x128xf32, #tpu.memory_space<hbm>>
      tpu.enqueue_dma source(%arg7 : memref<168x128xf32, #tpu.memory_space<vmem>>) target(%dma_start3A_1377 : memref<168x128xf32, #tpu.memory_space<hbm>>) target_semaphore(%arg19 : memref<!tpu.dma_semaphore, #tpu.memory_space<semaphore_mem>>)
      %dma_start3A_1378 = arith.constant 336 : i32
      %dma_start3A_1379 = arith.constant 128 : i32
      %dma_start3A_1380 = tpu.memref_slice %arg4[%add3A, %dma_start3A_1378, %dma_start3A_1379] : memref<32x672x224xf32, #tpu.memory_space<hbm>> -> memref<1x168x96xf32, #tpu.memory_space<hbm>>
      %dma_start3A_1381 = tpu.memref_squeeze %dma_start3A_1380 : memref<1x168x96xf32, #tpu.memory_space<hbm>> -> memref<168x96xf32, #tpu.memory_space<hbm>>
      %dma_start3A_1382 = arith.constant 336 : i32
      %dma_start3A_1383 = arith.constant 128 : i32
      %dma_start3A_1384 = tpu.memref_slice %arg4[%add3A, %dma_start3A_1382, %dma_start3A_1383] : memref<32x672x224xf32, #tpu.memory_space<hbm>> -> memref<1x168x96xf32, #tpu.memory_space<hbm>>
      %dma_start3A_1385 = tpu.memref_squeeze %dma_start3A_1384 : memref<1x168x96xf32, #tpu.memory_space<hbm>> -> memref<168x96xf32, #tpu.memory_space<hbm>>
      tpu.enqueue_dma source(%arg10 : memref<168x96xf32, #tpu.memory_space<vmem>>) target(%dma_start3A_1385 : memref<168x96xf32, #tpu.memory_space<hbm>>) target_semaphore(%arg19 : memref<!tpu.dma_semaphore, #tpu.memory_space<semaphore_mem>>)
    } else {
    }
    %add3A_1260 = arith.constant 3 : i32
    %add3A_1261 = arith.addi %mul3A_58, %add3A_1260 : i32
    %dma_wait3A_1262 = arith.constant 504 : i32
    %dma_wait3A_1263 = arith.constant 0 : i32
    %dma_wait3A_1264 = tpu.memref_slice %arg2[%add3A_1261, %dma_wait3A_1262, %dma_wait3A_1263] : memref<128x672x224xf32, #tpu.memory_space<hbm>> -> memref<1x168x128xf32, #tpu.memory_space<hbm>>
    %dma_wait3A_1265 = tpu.memref_squeeze %dma_wait3A_1264 : memref<1x168x128xf32, #tpu.memory_space<hbm>> -> memref<168x128xf32, #tpu.memory_space<hbm>>
    %dma_wait3A_1266 = arith.constant 504 : i32
    %dma_wait3A_1267 = arith.constant 0 : i32
    %dma_wait3A_1268 = tpu.memref_slice %arg2[%add3A_1261, %dma_wait3A_1266, %dma_wait3A_1267] : memref<128x672x224xf32, #tpu.memory_space<hbm>> -> memref<1x168x128xf32, #tpu.memory_space<hbm>>
    %dma_wait3A_1269 = tpu.memref_squeeze %dma_wait3A_1268 : memref<1x168x128xf32, #tpu.memory_space<hbm>> -> memref<168x128xf32, #tpu.memory_space<hbm>>
    tpu.wait_dma2 semaphore(%arg11 : memref<!tpu.dma_semaphore, #tpu.memory_space<semaphore_mem>>) src(%dma_wait3A_1269 : memref<168x128xf32, #tpu.memory_space<hbm>>) dst(%arg5 : memref<168x128xf32, #tpu.memory_space<vmem>>)
    %dma_wait3A_1270 = arith.constant 504 : i32
    %dma_wait3A_1271 = arith.constant 128 : i32
    %dma_wait3A_1272 = tpu.memref_slice %arg2[%add3A_1261, %dma_wait3A_1270, %dma_wait3A_1271] : memref<128x672x224xf32, #tpu.memory_space<hbm>> -> memref<1x168x96xf32, #tpu.memory_space<hbm>>
    %dma_wait3A_1273 = tpu.memref_squeeze %dma_wait3A_1272 : memref<1x168x96xf32, #tpu.memory_space<hbm>> -> memref<168x96xf32, #tpu.memory_space<hbm>>
    %dma_wait3A_1274 = arith.constant 504 : i32
    %dma_wait3A_1275 = arith.constant 128 : i32
    %dma_wait3A_1276 = tpu.memref_slice %arg2[%add3A_1261, %dma_wait3A_1274, %dma_wait3A_1275] : memref<128x672x224xf32, #tpu.memory_space<hbm>> -> memref<1x168x96xf32, #tpu.memory_space<hbm>>
    %dma_wait3A_1277 = tpu.memref_squeeze %dma_wait3A_1276 : memref<1x168x96xf32, #tpu.memory_space<hbm>> -> memref<168x96xf32, #tpu.memory_space<hbm>>
    tpu.wait_dma2 semaphore(%arg11 : memref<!tpu.dma_semaphore, #tpu.memory_space<semaphore_mem>>) src(%dma_wait3A_1277 : memref<168x96xf32, #tpu.memory_space<hbm>>) dst(%arg8 : memref<168x96xf32, #tpu.memory_space<vmem>>)
    %add3A_1278 = arith.constant 3 : i32
    %add3A_1279 = arith.addi %mul3A_58, %add3A_1278 : i32
    %dma_start3A_1280 = arith.constant 504 : i32
    %dma_start3A_1281 = arith.constant 0 : i32
    %dma_start3A_1282 = tpu.memref_slice %arg3[%add3A_1279, %dma_start3A_1280, %dma_start3A_1281] : memref<128x672x224xf32, #tpu.memory_space<hbm>> -> memref<1x168x128xf32, #tpu.memory_space<hbm>>
    %dma_start3A_1283 = tpu.memref_squeeze %dma_start3A_1282 : memref<1x168x128xf32, #tpu.memory_space<hbm>> -> memref<168x128xf32, #tpu.memory_space<hbm>>
    %dma_start3A_1284 = arith.constant 504 : i32
    %dma_start3A_1285 = arith.constant 0 : i32
    %dma_start3A_1286 = tpu.memref_slice %arg3[%add3A_1279, %dma_start3A_1284, %dma_start3A_1285] : memref<128x672x224xf32, #tpu.memory_space<hbm>> -> memref<1x168x128xf32, #tpu.memory_space<hbm>>
    %dma_start3A_1287 = tpu.memref_squeeze %dma_start3A_1286 : memref<1x168x128xf32, #tpu.memory_space<hbm>> -> memref<168x128xf32, #tpu.memory_space<hbm>>
    tpu.enqueue_dma source(%arg5 : memref<168x128xf32, #tpu.memory_space<vmem>>) target(%dma_start3A_1287 : memref<168x128xf32, #tpu.memory_space<hbm>>) target_semaphore(%arg14 : memref<!tpu.dma_semaphore, #tpu.memory_space<semaphore_mem>>)
    %dma_start3A_1288 = arith.constant 504 : i32
    %dma_start3A_1289 = arith.constant 128 : i32
    %dma_start3A_1290 = tpu.memref_slice %arg3[%add3A_1279, %dma_start3A_1288, %dma_start3A_1289] : memref<128x672x224xf32, #tpu.memory_space<hbm>> -> memref<1x168x96xf32, #tpu.memory_space<hbm>>
    %dma_start3A_1291 = tpu.memref_squeeze %dma_start3A_1290 : memref<1x168x96xf32, #tpu.memory_space<hbm>> -> memref<168x96xf32, #tpu.memory_space<hbm>>
    %dma_start3A_1292 = arith.constant 504 : i32
    %dma_start3A_1293 = arith.constant 128 : i32
    %dma_start3A_1294 = tpu.memref_slice %arg3[%add3A_1279, %dma_start3A_1292, %dma_start3A_1293] : memref<128x672x224xf32, #tpu.memory_space<hbm>> -> memref<1x168x96xf32, #tpu.memory_space<hbm>>
    %dma_start3A_1295 = tpu.memref_squeeze %dma_start3A_1294 : memref<1x168x96xf32, #tpu.memory_space<hbm>> -> memref<168x96xf32, #tpu.memory_space<hbm>>
    tpu.enqueue_dma source(%arg8 : memref<168x96xf32, #tpu.memory_space<vmem>>) target(%dma_start3A_1295 : memref<168x96xf32, #tpu.memory_space<hbm>>) target_semaphore(%arg14 : memref<!tpu.dma_semaphore, #tpu.memory_space<semaphore_mem>>)
    %eq3A_1296 = arith.constant 3 : i32
    %eq3A_1297 = arith.cmpi eq, %sub3A_61, %eq3A_1296 : i32
    %convert_element_type3A_1298 = arith.extui %eq3A_1297 : i1 to i32
    %cond3A_1299 = arith.constant 0 : i32
    %cond3A_1300 = arith.cmpi ne, %convert_element_type3A_1298, %cond3A_1299 : i32
    scf.if %cond3A_1300 {
      %dma_start3A_1370 = arith.constant 504 : i32
      %dma_start3A_1371 = arith.constant 0 : i32
      %dma_start3A_1372 = tpu.memref_slice %arg4[%add3A, %dma_start3A_1370, %dma_start3A_1371] : memref<32x672x224xf32, #tpu.memory_space<hbm>> -> memref<1x168x128xf32, #tpu.memory_space<hbm>>
      %dma_start3A_1373 = tpu.memref_squeeze %dma_start3A_1372 : memref<1x168x128xf32, #tpu.memory_space<hbm>> -> memref<168x128xf32, #tpu.memory_space<hbm>>
      %dma_start3A_1374 = arith.constant 504 : i32
      %dma_start3A_1375 = arith.constant 0 : i32
      %dma_start3A_1376 = tpu.memref_slice %arg4[%add3A, %dma_start3A_1374, %dma_start3A_1375] : memref<32x672x224xf32, #tpu.memory_space<hbm>> -> memref<1x168x128xf32, #tpu.memory_space<hbm>>
      %dma_start3A_1377 = tpu.memref_squeeze %dma_start3A_1376 : memref<1x168x128xf32, #tpu.memory_space<hbm>> -> memref<168x128xf32, #tpu.memory_space<hbm>>
      tpu.enqueue_dma source(%arg5 : memref<168x128xf32, #tpu.memory_space<vmem>>) target(%dma_start3A_1377 : memref<168x128xf32, #tpu.memory_space<hbm>>) target_semaphore(%arg17 : memref<!tpu.dma_semaphore, #tpu.memory_space<semaphore_mem>>)
      %dma_start3A_1378 = arith.constant 504 : i32
      %dma_start3A_1379 = arith.constant 128 : i32
      %dma_start3A_1380 = tpu.memref_slice %arg4[%add3A, %dma_start3A_1378, %dma_start3A_1379] : memref<32x672x224xf32, #tpu.memory_space<hbm>> -> memref<1x168x96xf32, #tpu.memory_space<hbm>>
      %dma_start3A_1381 = tpu.memref_squeeze %dma_start3A_1380 : memref<1x168x96xf32, #tpu.memory_space<hbm>> -> memref<168x96xf32, #tpu.memory_space<hbm>>
      %dma_start3A_1382 = arith.constant 504 : i32
      %dma_start3A_1383 = arith.constant 128 : i32
      %dma_start3A_1384 = tpu.memref_slice %arg4[%add3A, %dma_start3A_1382, %dma_start3A_1383] : memref<32x672x224xf32, #tpu.memory_space<hbm>> -> memref<1x168x96xf32, #tpu.memory_space<hbm>>
      %dma_start3A_1385 = tpu.memref_squeeze %dma_start3A_1384 : memref<1x168x96xf32, #tpu.memory_space<hbm>> -> memref<168x96xf32, #tpu.memory_space<hbm>>
      tpu.enqueue_dma source(%arg8 : memref<168x96xf32, #tpu.memory_space<vmem>>) target(%dma_start3A_1385 : memref<168x96xf32, #tpu.memory_space<hbm>>) target_semaphore(%arg17 : memref<!tpu.dma_semaphore, #tpu.memory_space<semaphore_mem>>)
    } else {
    }
    %add3A_1301 = arith.constant 3 : i32
    %add3A_1302 = arith.addi %mul3A_58, %add3A_1301 : i32
    %dma_wait3A_1303 = arith.constant 168 : i32
    %dma_wait3A_1304 = arith.constant 0 : i32
    %dma_wait3A_1305 = tpu.memref_slice %arg3[%add3A_1302, %dma_wait3A_1303, %dma_wait3A_1304] : memref<128x672x224xf32, #tpu.memory_space<hbm>> -> memref<1x168x128xf32, #tpu.memory_space<hbm>>
    %dma_wait3A_1306 = tpu.memref_squeeze %dma_wait3A_1305 : memref<1x168x128xf32, #tpu.memory_space<hbm>> -> memref<168x128xf32, #tpu.memory_space<hbm>>
    %dma_wait3A_1307 = arith.constant 168 : i32
    %dma_wait3A_1308 = arith.constant 0 : i32
    %dma_wait3A_1309 = tpu.memref_slice %arg3[%add3A_1302, %dma_wait3A_1307, %dma_wait3A_1308] : memref<128x672x224xf32, #tpu.memory_space<hbm>> -> memref<1x168x128xf32, #tpu.memory_space<hbm>>
    %dma_wait3A_1310 = tpu.memref_squeeze %dma_wait3A_1309 : memref<1x168x128xf32, #tpu.memory_space<hbm>> -> memref<168x128xf32, #tpu.memory_space<hbm>>
    tpu.wait_dma2 semaphore(%arg15 : memref<!tpu.dma_semaphore, #tpu.memory_space<semaphore_mem>>) src(%arg6 : memref<168x128xf32, #tpu.memory_space<vmem>>) dst(%dma_wait3A_1310 : memref<168x128xf32, #tpu.memory_space<hbm>>)
    %dma_wait3A_1311 = arith.constant 168 : i32
    %dma_wait3A_1312 = arith.constant 128 : i32
    %dma_wait3A_1313 = tpu.memref_slice %arg3[%add3A_1302, %dma_wait3A_1311, %dma_wait3A_1312] : memref<128x672x224xf32, #tpu.memory_space<hbm>> -> memref<1x168x96xf32, #tpu.memory_space<hbm>>
    %dma_wait3A_1314 = tpu.memref_squeeze %dma_wait3A_1313 : memref<1x168x96xf32, #tpu.memory_space<hbm>> -> memref<168x96xf32, #tpu.memory_space<hbm>>
    %dma_wait3A_1315 = arith.constant 168 : i32
    %dma_wait3A_1316 = arith.constant 128 : i32
    %dma_wait3A_1317 = tpu.memref_slice %arg3[%add3A_1302, %dma_wait3A_1315, %dma_wait3A_1316] : memref<128x672x224xf32, #tpu.memory_space<hbm>> -> memref<1x168x96xf32, #tpu.memory_space<hbm>>
    %dma_wait3A_1318 = tpu.memref_squeeze %dma_wait3A_1317 : memref<1x168x96xf32, #tpu.memory_space<hbm>> -> memref<168x96xf32, #tpu.memory_space<hbm>>
    tpu.wait_dma2 semaphore(%arg15 : memref<!tpu.dma_semaphore, #tpu.memory_space<semaphore_mem>>) src(%arg9 : memref<168x96xf32, #tpu.memory_space<vmem>>) dst(%dma_wait3A_1318 : memref<168x96xf32, #tpu.memory_space<hbm>>)
    %eq3A_1319 = arith.constant 3 : i32
    %eq3A_1320 = arith.cmpi eq, %sub3A_61, %eq3A_1319 : i32
    %convert_element_type3A_1321 = arith.extui %eq3A_1320 : i1 to i32
    %cond3A_1322 = arith.constant 0 : i32
    %cond3A_1323 = arith.cmpi ne, %convert_element_type3A_1321, %cond3A_1322 : i32
    scf.if %cond3A_1323 {
      %dma_wait3A_1370 = arith.constant 168 : i32
      %dma_wait3A_1371 = arith.constant 0 : i32
      %dma_wait3A_1372 = tpu.memref_slice %arg4[%add3A, %dma_wait3A_1370, %dma_wait3A_1371] : memref<32x672x224xf32, #tpu.memory_space<hbm>> -> memref<1x168x128xf32, #tpu.memory_space<hbm>>
      %dma_wait3A_1373 = tpu.memref_squeeze %dma_wait3A_1372 : memref<1x168x128xf32, #tpu.memory_space<hbm>> -> memref<168x128xf32, #tpu.memory_space<hbm>>
      %dma_wait3A_1374 = arith.constant 168 : i32
      %dma_wait3A_1375 = arith.constant 0 : i32
      %dma_wait3A_1376 = tpu.memref_slice %arg4[%add3A, %dma_wait3A_1374, %dma_wait3A_1375] : memref<32x672x224xf32, #tpu.memory_space<hbm>> -> memref<1x168x128xf32, #tpu.memory_space<hbm>>
      %dma_wait3A_1377 = tpu.memref_squeeze %dma_wait3A_1376 : memref<1x168x128xf32, #tpu.memory_space<hbm>> -> memref<168x128xf32, #tpu.memory_space<hbm>>
      tpu.wait_dma2 semaphore(%arg18 : memref<!tpu.dma_semaphore, #tpu.memory_space<semaphore_mem>>) src(%arg6 : memref<168x128xf32, #tpu.memory_space<vmem>>) dst(%dma_wait3A_1377 : memref<168x128xf32, #tpu.memory_space<hbm>>)
      %dma_wait3A_1378 = arith.constant 168 : i32
      %dma_wait3A_1379 = arith.constant 128 : i32
      %dma_wait3A_1380 = tpu.memref_slice %arg4[%add3A, %dma_wait3A_1378, %dma_wait3A_1379] : memref<32x672x224xf32, #tpu.memory_space<hbm>> -> memref<1x168x96xf32, #tpu.memory_space<hbm>>
      %dma_wait3A_1381 = tpu.memref_squeeze %dma_wait3A_1380 : memref<1x168x96xf32, #tpu.memory_space<hbm>> -> memref<168x96xf32, #tpu.memory_space<hbm>>
      %dma_wait3A_1382 = arith.constant 168 : i32
      %dma_wait3A_1383 = arith.constant 128 : i32
      %dma_wait3A_1384 = tpu.memref_slice %arg4[%add3A, %dma_wait3A_1382, %dma_wait3A_1383] : memref<32x672x224xf32, #tpu.memory_space<hbm>> -> memref<1x168x96xf32, #tpu.memory_space<hbm>>
      %dma_wait3A_1385 = tpu.memref_squeeze %dma_wait3A_1384 : memref<1x168x96xf32, #tpu.memory_space<hbm>> -> memref<168x96xf32, #tpu.memory_space<hbm>>
      tpu.wait_dma2 semaphore(%arg18 : memref<!tpu.dma_semaphore, #tpu.memory_space<semaphore_mem>>) src(%arg9 : memref<168x96xf32, #tpu.memory_space<vmem>>) dst(%dma_wait3A_1385 : memref<168x96xf32, #tpu.memory_space<hbm>>)
    } else {
    }
    %add3A_1324 = arith.constant 3 : i32
    %add3A_1325 = arith.addi %mul3A_58, %add3A_1324 : i32
    %dma_wait3A_1326 = arith.constant 336 : i32
    %dma_wait3A_1327 = arith.constant 0 : i32
    %dma_wait3A_1328 = tpu.memref_slice %arg3[%add3A_1325, %dma_wait3A_1326, %dma_wait3A_1327] : memref<128x672x224xf32, #tpu.memory_space<hbm>> -> memref<1x168x128xf32, #tpu.memory_space<hbm>>
    %dma_wait3A_1329 = tpu.memref_squeeze %dma_wait3A_1328 : memref<1x168x128xf32, #tpu.memory_space<hbm>> -> memref<168x128xf32, #tpu.memory_space<hbm>>
    %dma_wait3A_1330 = arith.constant 336 : i32
    %dma_wait3A_1331 = arith.constant 0 : i32
    %dma_wait3A_1332 = tpu.memref_slice %arg3[%add3A_1325, %dma_wait3A_1330, %dma_wait3A_1331] : memref<128x672x224xf32, #tpu.memory_space<hbm>> -> memref<1x168x128xf32, #tpu.memory_space<hbm>>
    %dma_wait3A_1333 = tpu.memref_squeeze %dma_wait3A_1332 : memref<1x168x128xf32, #tpu.memory_space<hbm>> -> memref<168x128xf32, #tpu.memory_space<hbm>>
    tpu.wait_dma2 semaphore(%arg16 : memref<!tpu.dma_semaphore, #tpu.memory_space<semaphore_mem>>) src(%arg7 : memref<168x128xf32, #tpu.memory_space<vmem>>) dst(%dma_wait3A_1333 : memref<168x128xf32, #tpu.memory_space<hbm>>)
    %dma_wait3A_1334 = arith.constant 336 : i32
    %dma_wait3A_1335 = arith.constant 128 : i32
    %dma_wait3A_1336 = tpu.memref_slice %arg3[%add3A_1325, %dma_wait3A_1334, %dma_wait3A_1335] : memref<128x672x224xf32, #tpu.memory_space<hbm>> -> memref<1x168x96xf32, #tpu.memory_space<hbm>>
    %dma_wait3A_1337 = tpu.memref_squeeze %dma_wait3A_1336 : memref<1x168x96xf32, #tpu.memory_space<hbm>> -> memref<168x96xf32, #tpu.memory_space<hbm>>
    %dma_wait3A_1338 = arith.constant 336 : i32
    %dma_wait3A_1339 = arith.constant 128 : i32
    %dma_wait3A_1340 = tpu.memref_slice %arg3[%add3A_1325, %dma_wait3A_1338, %dma_wait3A_1339] : memref<128x672x224xf32, #tpu.memory_space<hbm>> -> memref<1x168x96xf32, #tpu.memory_space<hbm>>
    %dma_wait3A_1341 = tpu.memref_squeeze %dma_wait3A_1340 : memref<1x168x96xf32, #tpu.memory_space<hbm>> -> memref<168x96xf32, #tpu.memory_space<hbm>>
    tpu.wait_dma2 semaphore(%arg16 : memref<!tpu.dma_semaphore, #tpu.memory_space<semaphore_mem>>) src(%arg10 : memref<168x96xf32, #tpu.memory_space<vmem>>) dst(%dma_wait3A_1341 : memref<168x96xf32, #tpu.memory_space<hbm>>)
    %eq3A_1342 = arith.constant 3 : i32
    %eq3A_1343 = arith.cmpi eq, %sub3A_61, %eq3A_1342 : i32
    %convert_element_type3A_1344 = arith.extui %eq3A_1343 : i1 to i32
    %cond3A_1345 = arith.constant 0 : i32
    %cond3A_1346 = arith.cmpi ne, %convert_element_type3A_1344, %cond3A_1345 : i32
    scf.if %cond3A_1346 {
      %dma_wait3A_1370 = arith.constant 336 : i32
      %dma_wait3A_1371 = arith.constant 0 : i32
      %dma_wait3A_1372 = tpu.memref_slice %arg4[%add3A, %dma_wait3A_1370, %dma_wait3A_1371] : memref<32x672x224xf32, #tpu.memory_space<hbm>> -> memref<1x168x128xf32, #tpu.memory_space<hbm>>
      %dma_wait3A_1373 = tpu.memref_squeeze %dma_wait3A_1372 : memref<1x168x128xf32, #tpu.memory_space<hbm>> -> memref<168x128xf32, #tpu.memory_space<hbm>>
      %dma_wait3A_1374 = arith.constant 336 : i32
      %dma_wait3A_1375 = arith.constant 0 : i32
      %dma_wait3A_1376 = tpu.memref_slice %arg4[%add3A, %dma_wait3A_1374, %dma_wait3A_1375] : memref<32x672x224xf32, #tpu.memory_space<hbm>> -> memref<1x168x128xf32, #tpu.memory_space<hbm>>
      %dma_wait3A_1377 = tpu.memref_squeeze %dma_wait3A_1376 : memref<1x168x128xf32, #tpu.memory_space<hbm>> -> memref<168x128xf32, #tpu.memory_space<hbm>>
      tpu.wait_dma2 semaphore(%arg19 : memref<!tpu.dma_semaphore, #tpu.memory_space<semaphore_mem>>) src(%arg7 : memref<168x128xf32, #tpu.memory_space<vmem>>) dst(%dma_wait3A_1377 : memref<168x128xf32, #tpu.memory_space<hbm>>)
      %dma_wait3A_1378 = arith.constant 336 : i32
      %dma_wait3A_1379 = arith.constant 128 : i32
      %dma_wait3A_1380 = tpu.memref_slice %arg4[%add3A, %dma_wait3A_1378, %dma_wait3A_1379] : memref<32x672x224xf32, #tpu.memory_space<hbm>> -> memref<1x168x96xf32, #tpu.memory_space<hbm>>
      %dma_wait3A_1381 = tpu.memref_squeeze %dma_wait3A_1380 : memref<1x168x96xf32, #tpu.memory_space<hbm>> -> memref<168x96xf32, #tpu.memory_space<hbm>>
      %dma_wait3A_1382 = arith.constant 336 : i32
      %dma_wait3A_1383 = arith.constant 128 : i32
      %dma_wait3A_1384 = tpu.memref_slice %arg4[%add3A, %dma_wait3A_1382, %dma_wait3A_1383] : memref<32x672x224xf32, #tpu.memory_space<hbm>> -> memref<1x168x96xf32, #tpu.memory_space<hbm>>
      %dma_wait3A_1385 = tpu.memref_squeeze %dma_wait3A_1384 : memref<1x168x96xf32, #tpu.memory_space<hbm>> -> memref<168x96xf32, #tpu.memory_space<hbm>>
      tpu.wait_dma2 semaphore(%arg19 : memref<!tpu.dma_semaphore, #tpu.memory_space<semaphore_mem>>) src(%arg10 : memref<168x96xf32, #tpu.memory_space<vmem>>) dst(%dma_wait3A_1385 : memref<168x96xf32, #tpu.memory_space<hbm>>)
    } else {
    }
    %add3A_1347 = arith.constant 3 : i32
    %add3A_1348 = arith.addi %mul3A_58, %add3A_1347 : i32
    %dma_wait3A_1349 = arith.constant 504 : i32
    %dma_wait3A_1350 = arith.constant 0 : i32
    %dma_wait3A_1351 = tpu.memref_slice %arg3[%add3A_1348, %dma_wait3A_1349, %dma_wait3A_1350] : memref<128x672x224xf32, #tpu.memory_space<hbm>> -> memref<1x168x128xf32, #tpu.memory_space<hbm>>
    %dma_wait3A_1352 = tpu.memref_squeeze %dma_wait3A_1351 : memref<1x168x128xf32, #tpu.memory_space<hbm>> -> memref<168x128xf32, #tpu.memory_space<hbm>>
    %dma_wait3A_1353 = arith.constant 504 : i32
    %dma_wait3A_1354 = arith.constant 0 : i32
    %dma_wait3A_1355 = tpu.memref_slice %arg3[%add3A_1348, %dma_wait3A_1353, %dma_wait3A_1354] : memref<128x672x224xf32, #tpu.memory_space<hbm>> -> memref<1x168x128xf32, #tpu.memory_space<hbm>>
    %dma_wait3A_1356 = tpu.memref_squeeze %dma_wait3A_1355 : memref<1x168x128xf32, #tpu.memory_space<hbm>> -> memref<168x128xf32, #tpu.memory_space<hbm>>
    tpu.wait_dma2 semaphore(%arg14 : memref<!tpu.dma_semaphore, #tpu.memory_space<semaphore_mem>>) src(%arg5 : memref<168x128xf32, #tpu.memory_space<vmem>>) dst(%dma_wait3A_1356 : memref<168x128xf32, #tpu.memory_space<hbm>>)
    %dma_wait3A_1357 = arith.constant 504 : i32
    %dma_wait3A_1358 = arith.constant 128 : i32
    %dma_wait3A_1359 = tpu.memref_slice %arg3[%add3A_1348, %dma_wait3A_1357, %dma_wait3A_1358] : memref<128x672x224xf32, #tpu.memory_space<hbm>> -> memref<1x168x96xf32, #tpu.memory_space<hbm>>
    %dma_wait3A_1360 = tpu.memref_squeeze %dma_wait3A_1359 : memref<1x168x96xf32, #tpu.memory_space<hbm>> -> memref<168x96xf32, #tpu.memory_space<hbm>>
    %dma_wait3A_1361 = arith.constant 504 : i32
    %dma_wait3A_1362 = arith.constant 128 : i32
    %dma_wait3A_1363 = tpu.memref_slice %arg3[%add3A_1348, %dma_wait3A_1361, %dma_wait3A_1362] : memref<128x672x224xf32, #tpu.memory_space<hbm>> -> memref<1x168x96xf32, #tpu.memory_space<hbm>>
    %dma_wait3A_1364 = tpu.memref_squeeze %dma_wait3A_1363 : memref<1x168x96xf32, #tpu.memory_space<hbm>> -> memref<168x96xf32, #tpu.memory_space<hbm>>
    tpu.wait_dma2 semaphore(%arg14 : memref<!tpu.dma_semaphore, #tpu.memory_space<semaphore_mem>>) src(%arg8 : memref<168x96xf32, #tpu.memory_space<vmem>>) dst(%dma_wait3A_1364 : memref<168x96xf32, #tpu.memory_space<hbm>>)
    %eq3A_1365 = arith.constant 3 : i32
    %eq3A_1366 = arith.cmpi eq, %sub3A_61, %eq3A_1365 : i32
    %convert_element_type3A_1367 = arith.extui %eq3A_1366 : i1 to i32
    %cond3A_1368 = arith.constant 0 : i32
    %cond3A_1369 = arith.cmpi ne, %convert_element_type3A_1367, %cond3A_1368 : i32
    scf.if %cond3A_1369 {
      %dma_wait3A_1370 = arith.constant 504 : i32
      %dma_wait3A_1371 = arith.constant 0 : i32
      %dma_wait3A_1372 = tpu.memref_slice %arg4[%add3A, %dma_wait3A_1370, %dma_wait3A_1371] : memref<32x672x224xf32, #tpu.memory_space<hbm>> -> memref<1x168x128xf32, #tpu.memory_space<hbm>>
      %dma_wait3A_1373 = tpu.memref_squeeze %dma_wait3A_1372 : memref<1x168x128xf32, #tpu.memory_space<hbm>> -> memref<168x128xf32, #tpu.memory_space<hbm>>
      %dma_wait3A_1374 = arith.constant 504 : i32
      %dma_wait3A_1375 = arith.constant 0 : i32
      %dma_wait3A_1376 = tpu.memref_slice %arg4[%add3A, %dma_wait3A_1374, %dma_wait3A_1375] : memref<32x672x224xf32, #tpu.memory_space<hbm>> -> memref<1x168x128xf32, #tpu.memory_space<hbm>>
      %dma_wait3A_1377 = tpu.memref_squeeze %dma_wait3A_1376 : memref<1x168x128xf32, #tpu.memory_space<hbm>> -> memref<168x128xf32, #tpu.memory_space<hbm>>
      tpu.wait_dma2 semaphore(%arg17 : memref<!tpu.dma_semaphore, #tpu.memory_space<semaphore_mem>>) src(%arg5 : memref<168x128xf32, #tpu.memory_space<vmem>>) dst(%dma_wait3A_1377 : memref<168x128xf32, #tpu.memory_space<hbm>>)
      %dma_wait3A_1378 = arith.constant 504 : i32
      %dma_wait3A_1379 = arith.constant 128 : i32
      %dma_wait3A_1380 = tpu.memref_slice %arg4[%add3A, %dma_wait3A_1378, %dma_wait3A_1379] : memref<32x672x224xf32, #tpu.memory_space<hbm>> -> memref<1x168x96xf32, #tpu.memory_space<hbm>>
      %dma_wait3A_1381 = tpu.memref_squeeze %dma_wait3A_1380 : memref<1x168x96xf32, #tpu.memory_space<hbm>> -> memref<168x96xf32, #tpu.memory_space<hbm>>
      %dma_wait3A_1382 = arith.constant 504 : i32
      %dma_wait3A_1383 = arith.constant 128 : i32
      %dma_wait3A_1384 = tpu.memref_slice %arg4[%add3A, %dma_wait3A_1382, %dma_wait3A_1383] : memref<32x672x224xf32, #tpu.memory_space<hbm>> -> memref<1x168x96xf32, #tpu.memory_space<hbm>>
      %dma_wait3A_1385 = tpu.memref_squeeze %dma_wait3A_1384 : memref<1x168x96xf32, #tpu.memory_space<hbm>> -> memref<168x96xf32, #tpu.memory_space<hbm>>
      tpu.wait_dma2 semaphore(%arg17 : memref<!tpu.dma_semaphore, #tpu.memory_space<semaphore_mem>>) src(%arg8 : memref<168x96xf32, #tpu.memory_space<vmem>>) dst(%dma_wait3A_1385 : memref<168x96xf32, #tpu.memory_space<hbm>>)
    } else {
    }
    return
  }
}

</mosaic_0001>

<sc_bundles>
// kernel: kernel.3.cloned.1.call-start
scs
__scs_entry_jumppad:
0x0: {  	(pc) =	sbr.rel $0x88, $3  }
0x1: {  	(tag) =	ssettag $0x0;
	lr =	simm.s32 $0x1  }
0x2: {  	[smem:$0x3FA0] =	sst lr;
	_ =	strace $0xD0000000  }
0x3: {  	_ = 	snop  }
0x4: {  	_ = 	snop  }
0x5: {  	_ = 	snop  }
0x6: {  	_ = 	snop  }
0x7: {  	_ = 	snop  }
__scs_overlays_trampoline_lowered:
0x8: {  	[smem:$0x3FAF] =	sst s0  }
0x9: {  	[smem:$0x3FB0] =	sst s1  }
0xa: {  	[smem:$0x3FB1] =	sst s2  }
0xb: {  	[smem:$0x3FB2] =	sst s3  }
0xc: {  	[smem:$0x3FB3] =	sst s4  }
0xd: {  	[smem:$0x3FB4] =	sst s5  }
0xe: {  	[smem:$0x3FB5] =	sst s6  }
0xf: {  	[smem:$0x3FB6] =	sst s7  }
0x10: {  	[smem:$0x3FB7] =	sst s8  }
0x11: {  	[smem:$0x3FB8] =	sst s9;
	s0 =	simm.s32 @!p0 $0x0  }
0x12: {  	s1 =	sld [smem:$0x3F9E];
	s0 =	simm.s32 @p0 $0x1  }
0x13: {  	[smem:$0x3FB9] =	sst s0;
	s0 =	simm.s32 @!p1 $0x0  }
0x14: {  	s2 =	sld [smem:$0x3F9D];
	s0 =	simm.s32 @p1 $0x1  }
0x15: {  	[smem:$0x3FBA] =	sst s0;
	s0 =	simm.s32 @!p2 $0x0  }
0x16: {  	s3 =	sld [smem:$0x3FDB];
	s0 =	simm.s32 @p2 $0x1  }
0x17: {  	s4 =	simm.s32 $0x1BF5;
	[smem:$0x3FBC] =	sst s0  }
0x18: {  	s0 =	sld [smem:$0x3F9F];
	_ =	swait.ge [sflag:s4], $0x0  }
0x19: {  	s7 =	sld [smem:$0x3FA0]  }
0x1a: {  	s8 =	sadd.s32 $0xFFFFE003, lr  }
0x1b: {  	s9 =	sadd.s32 $0xFFFFFEF7, lr;
	s5 =	simm.s32 $0xFFFFFFFF;
	p2 =	slt.u32 s8, $0xFFFFF086  }
0x1c: {  	p1 =	slt.u32 s9, $0xF7A;
	s5 =	simm.s32 @!p2 $0x0  }
0x1d: {  	s5 =	simm.s32 @p1 $0x1;
	p0 =	seq.s32 s7, s2  }
0x1e: {  	s7 =	smul.u32 @!p0 $0xF7A, s2;
	p2 =	seq.s32 @!p0 s5, $0x0  }
0x1f: {  	s9 =	smul.u32 $0xF7A, s1;
	s8 =	simm.s32 @!p0 $0x1BF5;
	p2 =	por !p2, p0  }
0x20: {  	[sflag:s8] =	ssyncset.s32 @!p0 $0xFFFFF086;
	s6 =	sadd.s32 @!p0 s3, s7;
	s7 =	simm.s32 @!p0 $0x108  }
0x21: {  	s3 =	sadd.s32 s3, s9;
	s6 =	sadd.s32 @!p0 $0x88, s6;
	s7 =	simm.s32 @p2 $0x1082  }
0x22: {  	[simem:s7], [sflag:s8] =	dma.local @!p0 [hbm:s6], $0xF7A  }
0x23: {  	s9 =	sor.u32 $0xD0000000, s2;
	s6 =	simm.s32 $0x108;
	_ =	swait.ge @!p0 [sflag:s8], $0x0  }
0x24: {  	s3 =	sadd.s32 $0x88, s3;
	s6 =	simm.s32 @!p1 $0x1082;
	[sflag:s4] =	ssyncset.s32 $0xFFFFF086  }
0x25: {  	[simem:s6], [sflag:s4] =	dma.local [hbm:s3], $0xF7A  }
0x26: {  	[smem:$0x3FA0] =	sst s1;
	(tag) =	ssettag s2;
	_ =	strace s9  }
0x27: {  	s1 =	sld [smem:$0x3FB0]  }
0x28: {  	s2 =	sld [smem:$0x3FB1]  }
0x29: {  	s4 =	sld [smem:$0x3FB3]  }
0x2a: {  	p0 =	seq.s32 s5, $0x0;
	s5 =	sld [smem:$0x3FB4]  }
0x2b: {  	s6 =	sld [smem:$0x3FB5]  }
0x2c: {  	s7 =	sld [smem:$0x3FB6]  }
0x2d: {  	s3 =	simm.s32 $0x108;
	s8 =	sld [smem:$0x3FB7]  }
0x2e: {  	s3 =	simm.s32 @!p0 $0x1082;
	s9 =	sld [smem:$0x3FB8]  }
0x2f: {  	lr =	sadd.s32 s0, s3;
	s0 =	sld [smem:$0x3FAF]  }
0x30: {  	s3 =	sld [smem:$0x3FB2]  }
0x31: {  	[smem:$0x3FBB] =	sst s10  }
0x32: {  	s10 =	sld [smem:$0x3FB9];
	_ =	sdelay $0x3  }
0x33: {  	p0 =	seq.s32 s10, $0x1;
	s10 =	sld [smem:$0x3FBB];
	_ =	sdelay $0x3  }
0x34: {  	[smem:$0x3FBB] =	sst s10  }
0x35: {  	s10 =	sld [smem:$0x3FBA];
	_ =	sdelay $0x3  }
0x36: {  	p1 =	seq.s32 s10, $0x1;
	s10 =	sld [smem:$0x3FBB];
	_ =	sdelay $0x3  }
0x37: {  	[smem:$0x3FBB] =	sst s10  }
0x38: {  	s10 =	sld [smem:$0x3FBC]  }
0x39: {  	_ = 	snop;
	(pc) =	sbr.ind lr, $3  }
0x3a: {  	_ = 	snop  }
0x3b: {  	_ = 	snop  }
0x3c: {  	p2 =	seq.s32 s10, $0x1;
	s10 =	sld [smem:$0x3FBB]  }
0x3d: {  	_ =	shalt  }
0x3e: {  	_ =	shalt  }
0x3f: {  	_ =	shalt  }
0x40: {  	_ =	shalt  }
0x41: {  	_ =	shalt  }
0x42: {  	_ =	shalt  }
0x43: {  	_ =	shalt  }
0x44: {  	_ =	shalt  }
0x45: {  	_ =	shalt  }
0x46: {  	_ =	shalt  }
0x47: {  	_ =	shalt  }
0x48: {  	_ =	shalt  }
0x49: {  	_ =	shalt  }
0x4a: {  	_ =	shalt  }
0x4b: {  	_ =	shalt  }
0x4c: {  	_ =	shalt  }
0x4d: {  	_ =	shalt  }
0x4e: {  	_ =	shalt  }
0x4f: {  	_ =	shalt  }
0x50: {  	_ =	shalt  }
0x51: {  	_ =	shalt  }
0x52: {  	_ =	shalt  }
0x53: {  	_ =	shalt  }
0x54: {  	_ =	shalt  }
0x55: {  	_ =	shalt  }
0x56: {  	_ =	shalt  }
0x57: {  	_ =	shalt  }
0x58: {  	_ =	shalt  }
0x59: {  	_ =	shalt  }
0x5a: {  	_ =	shalt  }
0x5b: {  	_ =	shalt  }
0x5c: {  	_ =	shalt  }
0x5d: {  	_ =	shalt  }
0x5e: {  	_ =	shalt  }
0x5f: {  	_ =	shalt  }
0x60: {  	_ =	shalt  }
0x61: {  	_ =	shalt  }
0x62: {  	_ =	shalt  }
0x63: {  	_ =	shalt  }
0x64: {  	_ =	shalt  }
0x65: {  	_ =	shalt  }
0x66: {  	_ =	shalt  }
0x67: {  	_ =	shalt  }
0x68: {  	_ =	shalt  }
0x69: {  	_ =	shalt  }
0x6a: {  	_ =	shalt  }
0x6b: {  	_ =	shalt  }
0x6c: {  	_ =	shalt  }
0x6d: {  	_ =	shalt  }
0x6e: {  	_ =	shalt  }
0x6f: {  	_ =	shalt  }
0x70: {  	_ =	shalt  }
0x71: {  	_ =	shalt  }
0x72: {  	_ =	shalt  }
0x73: {  	_ =	shalt  }
0x74: {  	_ =	shalt  }
0x75: {  	_ =	shalt  }
0x76: {  	_ =	shalt  }
0x77: {  	_ =	shalt  }
0x78: {  	_ =	shalt  }
0x79: {  	_ =	shalt  }
0x7a: {  	_ =	shalt  }
0x7b: {  	_ =	shalt  }
0x7c: {  	_ =	shalt  }
0x7d: {  	_ =	shalt  }
0x7e: {  	_ =	shalt  }
0x7f: {  	_ =	shalt  }
0x80: {  	_ =	shalt  }
0x81: {  	_ =	shalt  }
0x82: {  	_ =	shalt  }
0x83: {  	_ =	shalt  }
0x84: {  	_ =	shalt  }
0x85: {  	_ =	shalt  }
0x86: {  	_ =	shalt  }
0x87: {  	_ =	shalt  }
.Lfunc_end0:
.L_simem_size_0:
called_computation_lowered:
.L_overlay_start_0:
0x88: {  	s2 =	sld [smem:$0x3FD9]  }
0x89: {  	s3 =	sld [smem:$0x3FFE];
	_ =	sdelay $0x1  }
0x8a: {  	s1 =	srdreg.scid  }
0x8b: {  	s0 =	sand.u32 $0x1, s1  }
0x8c: {  	s15 =	sshll.u32 s0, $0xA;
	s2 =	sadd.s32 s3, s2  }
0x8d: {  	s2 =	sadd.s32 s2, s15  }
0x8e: {  	[smem:$0x3FC7] =	sst s2  }
0x8f: {  	_ = 	snop  }
0x90: {  	s2 =	sld [smem:$0x3FD0];
	_ =	sdelay $0x2  }
0x91: {  	s4 =	simm.s32 $0xA;
	s5 =	simm.s32 $0x10;
	s16 =	sld [smem:$0x3FC9]  }
0x92: {  	[smem:s5], [sflag:s4] =	dma.local [hbm:s2], $0x1  }
0x93: {  	_ =	swait.eq [sflag:s4], $0x1  }
0x94: {  	[sflag:s4] =	ssyncset.done $0x0  }
0x95: {  	s17 =	sld [smem:$0x10];
	[sflag:s4] =	ssyncadd.s32 $0xFFFFFFFF  }
0x96: {  	s18 =	sld [smem:$0x11];
	(tm) =	ssettm $0x1  }
0x97: {  	s19 =	sld [smem:$0x3FFB];
	_ =	sdelay $0x3  }
0x98: {  	_ =	strace s19  }
0x99: {  	s5 =	sld [smem:$0x3FFC];
	_ =	sdelay $0x3  }
0x9a: {  	_ =	strace s5  }
0x9b: {  	s5 =	sld [smem:$0x3FFD];
	_ =	sdelay $0x3  }
0x9c: {  	_ =	strace s5  }
0x9d: {  	_ =	strace $0x8FFFFFFF  }
0x9e: {  	s20 =	sld [smem:$0x3FDB];
	_ =	sdelay $0x1  }
0x9f: {  	s6 =	simm.s32 $_scs_section_size  }
0xa0: {  	s7 =	simm.s32 $_size__tile_overlayer_lowered;
	s8 =	simm.s32 $_tile_overlayer_lowered  }
0xa1: {  	s23 =	simm.s32 $0x1BFF;
	s22 =	sshll.u32 s8, $0x1;
	s5 =	sadd.s32 s6, s20  }
0xa2: {  	s9 =	simm.s32 $0x0;
	s21 =	sshll.u32 s7, $0x1;
	s7 =	sadd.s32 s22, s5  }
0xa3: {  	[timem:s9], [sflag:s23] =	dma.local [hbm:s7], s21  }
0xa4: {  	_ =	swait.ge [sflag:s23], s21  }
0xa5: {  	s6 =	ssub.s32 $0x0, s21;
	[sflag:s23] =	ssyncset.done $0x0  }
0xa6: {  	[sflag:s23] =	ssyncadd.s32 s6;
	_ =	sdelay $0x1  }
0xa7: {  	s24 =	simm.s32 $0x1B8B  }
0xa8: {  	_ =	swait.ge [sflag:s24], $0x1  }
0xa9: {  	[sflag:s24] =	ssyncset.done $0x0  }
0xaa: {  	s25 =	simm.s32 $0x1B8E;
	[sflag:s24] =	ssyncadd.s32 $0xFFFFFFFF  }
0xab: {  	s26 =	simm.s32 $execute0_lowered;
	[smem:$0x3FD2] =	sst s25  }
0xac: {  	s6 =	sshll.u32 s26, $0x1;
	_ =	strace $0x80000046;
	[dreg:$0x1] =	wrdreg $0xFFFFFFFF  }
0xad: {  	s28 =	simm.s32 $_size_execute0_lowered;
	s5 =	sadd.s32 s5, s6;
	[dreg:$0x0] =	wrdreg $0x0  }
0xae: {  	s6 =	sshll.u32 s28, $0x1;
	[dreg:$0x2] =	wrdreg s5  }
0xaf: {  	[dreg:$0x3] =	wrdreg s6  }
0xb0: {  	[dreg:$0x4] =	wrdreg $0xC0  }
0xb1: {  	_ =	task [dreg:s9], $0x5FFFF  }
0xb2: {  	[dreg:$0x1] =	wrdreg $0xFFFFFFFF  }
0xb3: {  	[dreg:$0x0] =	wrdreg $0x60  }
0xb4: {  	[dreg:$0x2] =	wrdreg s16  }
0xb5: {  	[dreg:$0x3] =	wrdreg s18  }
0xb6: {  	[dreg:$0x4] =	wrdreg s17  }
0xb7: {  	[dreg:$0x5] =	wrdreg $0x9  }
0xb8: {  	_ =	task.clear_ibuf [dreg:s9], $0x6FFFF;
	_ =	strace $0x90000046  }
0xb9: {  	s29 =	simm.s32 $0x9;
	_ =	strace $0x80000048  }
0xba: {  	_ =	swait.ge [sflag:s29], $0x1  }
0xbb: {  	[sflag:s29] =	ssyncadd.s32 $0xFFFFFFFF  }
0xbc: {  	_ =	strace $0x90000048  }
0xbd: {  	_ =	sfence  }
0xbe: {  	s30 =	sld [smem:$0x0];
	_ =	sdelay $0x2  }
0xbf: {  	s31 =	sshll.u32 s1, $0xD;
	s1 =	sshrl.u32 s1, $0x2  }
0xc0: {  	s3 =	sand.u32 $0x4000, s31;
	s1 =	sadd.s32 s1, s30  }
0xc1: {  	s0 =	sor.u32 s3, s0;
	s1 =	sshll.u32 s1, $0x11  }
0xc2: {  	s0 =	sor.u32 s1, s0  }
0xc3: {  	s0 =	sadd.s32 $0x8F2B, s0  }
0xc4: {  	[sflag:s0] =	ssyncadd.remote.s32 $0x1  }
0xc5: {  	_ =	sfence.sel $0xFFFF  }
0xc6: {  	[dreg:$0x0] =	wrdreg $0xFFFFFFFF;
	(pc) =	sbr.abs _section_cstart, $3  }
0xc7: {  	[dreg:$0x1] =	wrdreg $0xFFFFFFFF  }
0xc8: {  	_ =	task.clear_ibuf [dreg:s9], $0x2FFFF;
	_ =	strace $0x9FFFFFFF  }
0xc9: {  	(tm) =	ssettm $0x7FFFFFFF  }
tec
execute0_lowered:
.L_overlay_start_1:
0x0: {  	(tag) =	ssettag $0x1  }
0x1: {  	s0 =	srdreg.scid  }
0x2: {  	s2 =	sand.u32 $0x1, s0  }
0x3: {  	s19 =	stileid.u32;
	s3 =	sshll.u32 s2, $0x4  }
0x4: {  	s1 =	rddreg [dreg:$0x0];
	s5 =	sor.u32 s19, s3  }
0x5: {  	s22 =	rddreg [dreg:$0x3];
	s4 =	smul.u32 $0xA8000, s5  }
0x6: {  	s31 =	simm.s32 $0x0;
	s0 =	rddreg [dreg:$0x1]  }
0x7: {  	[smem:$0x7FF] =	sst s31;
	s4 =	sshrl.u32 s4, $0x3  }
0x8: {  	s3 =	rddreg [dreg:$0x2];
	_ =	strace $0x80000047;
	s6 =	sadd.s32 s1, s4  }
0x9: {  	s7 =	sor.u32 $0x80, s4;
	s14 =	sadd.s32 s0, s4;
	[dreg:$0x4] =	wrdreg s6  }
0xa: {  	s8 =	sadd.s32 $0x1500, s4;
	s9 =	sadd.s32 s1, s7;
	[dreg:$0xa] =	wrdreg s14  }
0xb: {  	s10 =	sadd.s32 s1, s8;
	[dreg:$0x5] =	wrdreg s9  }
0xc: {  	s16 =	sadd.s32 $0x3F00, s4;
	s15 =	sadd.s32 s0, s7;
	[dreg:$0x6] =	wrdreg s10  }
0xd: {  	s24 =	sadd.s32 s1, s16;
	[dreg:$0xb] =	wrdreg s15  }
0xe: {  	s18 =	sadd.s32 $0x5480, s4;
	s26 =	sadd.s32 s0, s8;
	[dreg:$0xc] =	wrdreg s24  }
0xf: {  	s20 =	sadd.s32 s1, s18;
	[dreg:$0xe] =	wrdreg s26  }
0x10: {  	s14 =	sadd.s32 s0, s16;
	[dreg:$0x11] =	wrdreg s20  }
0x11: {  	s7 =	sadd.s32 $0x7E00, s4;
	s18 =	sadd.s32 s0, s18;
	[dreg:$0x16] =	wrdreg s14  }
0x12: {  	s9 =	sadd.s32 $0x1580, s4;
	s16 =	sadd.s32 s1, s7;
	[dreg:$0x1b] =	wrdreg s18  }
0x13: {  	s10 =	sadd.s32 $0x2A00, s4;
	s11 =	sadd.s32 s1, s9;
	[dreg:$0x18] =	wrdreg s16  }
0x14: {  	s12 =	sadd.s32 s1, s10;
	[dreg:$0x7] =	wrdreg s11  }
0x15: {  	s8 =	sadd.s32 s0, s9;
	[dreg:$0x8] =	wrdreg s12  }
0x16: {  	s9 =	sadd.s32 $0x5400, s4;
	s21 =	sadd.s32 s0, s10;
	[dreg:$0xf] =	wrdreg s8  }
0x17: {  	s11 =	sadd.s32 $0x2A80, s4;
	s17 =	sadd.s32 s1, s9;
	[dreg:$0x12] =	wrdreg s21  }
0x18: {  	s12 =	sadd.s32 $0x3F80, s4;
	s13 =	sadd.s32 s1, s11;
	[dreg:$0x10] =	wrdreg s17  }
0x19: {  	s25 =	sadd.s32 s1, s12;
	[dreg:$0x9] =	wrdreg s13  }
0x1a: {  	s23 =	sadd.s32 s0, s11;
	[dreg:$0xd] =	wrdreg s25  }
0x1b: {  	s30 =	simm.s32 $0x15000;
	s15 =	sadd.s32 s0, s12;
	[dreg:$0x13] =	wrdreg s23  }
0x1c: {  	s8 =	sadd.s32 $0x9300, s4;
	s17 =	sadd.s32 s0, s9;
	[dreg:$0x17] =	wrdreg s15  }
0x1d: {  	s24 =	sadd.s32 $0x6900, s4;
	s20 =	sadd.s32 s1, s8;
	[dreg:$0x1a] =	wrdreg s17  }
0x1e: {  	s26 =	sadd.s32 $0x6980, s4;
	s25 =	sadd.s32 s1, s24;
	[dreg:$0x1c] =	wrdreg s20  }
0x1f: {  	s12 =	sadd.s32 $0x7E80, s4;
	s13 =	sadd.s32 s1, s26;
	[dreg:$0x14] =	wrdreg s25  }
0x20: {  	s9 =	sadd.s32 $0x9380, s4;
	s14 =	sadd.s32 s1, s12;
	[dreg:$0x15] =	wrdreg s13  }
0x21: {  	s29 =	simm.s32 $0x6;
	s21 =	sadd.s32 s1, s9;
	[dreg:$0x19] =	wrdreg s14  }
0x22: {  	s11 =	sadd.s32 $0xA880, s4;
	s24 =	sadd.s32 s0, s24;
	[dreg:$0x1d] =	wrdreg s21  }
0x23: {  	s2 =	ssub.s32 $0x2, s2;
	s16 =	sadd.s32 s1, s11;
	[dreg:$0x1e] =	wrdreg s24  }
0x24: {  	s10 =	sadd.s32 $0xA800, s4;
	s17 =	sadd.s32 s0, s7;
	[smem:$0x7DB] =	sst s16  }
0x25: {  	s18 =	sadd.s32 s0, s12;
	s7 =	sadd.s32 $0xBD00, s4;
	[smem:$0x7DC] =	sst s17  }
0x26: {  	s12 =	sadd.s32 $0xBD80, s4;
	s25 =	sadd.s32 s0, s26;
	[smem:$0x7DD] =	sst s18  }
0x27: {  	s13 =	sshrl.u32 s2, $0x1;
	s26 =	sadd.s32 s1, s10;
	[dreg:$0x1f] =	wrdreg s25  }
0x28: {  	s20 =	sadd.s32 s1, s7;
	s21 =	sadd.s32 s1, s12;
	[smem:$0x7DA] =	sst s26  }
0x29: {  	s24 =	sadd.s32 s0, s9;
	s16 =	sadd.s32 $0xD200, s4;
	[smem:$0x7DE] =	sst s20  }
0x2a: {  	s17 =	sadd.s32 $0xD280, s4;
	s6 =	ssub.s32 s2, s13;
	[smem:$0x7DF] =	sst s21  }
0x2b: {  	s13 =	sand.u32 $0x7, s19;
	[smem:$0x7E1] =	sst s24;
	s25 =	sadd.s32 s1, s16  }
0x2c: {  	s9 =	sadd.s32 s1, s17;
	s21 =	sadd.s32 s0, s7;
	[smem:$0x7E2] =	sst s25  }
0x2d: {  	s16 =	sadd.s32 s0, s16;
	s23 =	smul.u32 $0x47B, s13;
	[smem:$0x7E3] =	sst s9  }
0x2e: {  	s17 =	sadd.s32 s0, s17;
	s15 =	smul.u32 $0x1F, s13;
	[smem:$0x7E8] =	sst s21  }
0x2f: {  	s9 =	sshll.u32 s13, $0x2;
	s13 =	sadd.s32 $0xFC80, s4;
	[smem:$0x7EC] =	sst s16  }
0x30: {  	[smem:$0x7ED] =	sst s17;
	s16 =	sadd.s32 $0x11180, s4;
	s25 =	sadd.s32 s1, s13  }
0x31: {  	p4 =	por $0x0, $0x0;
	s21 =	sadd.s32 s1, s16;
	[smem:$0x7EB] =	sst s25  }
0x32: {  	s14 =	sshrl.u32 s23, $0x8;
	s23 =	sadd.s32 s0, s8;
	[smem:$0x7EF] =	sst s21  }
0x33: {  	s17 =	sadd.s32 $0x13B00, s4;
	s15 =	ssub.s32 s15, s14;
	[smem:$0x7E0] =	sst s23  }
0x34: {  	s23 =	sadd.s32 s0, s12;
	s12 =	sadd.s32 $0xFC00, s4;
	s15 =	sand.u32 $0xFE, s15  }
0x35: {  	[smem:$0x7E9] =	sst s23;
	s24 =	sadd.s32 s1, s12;
	s12 =	sadd.s32 s0, s12  }
0x36: {  	s26 =	sshrl.u32 s15, $0x1;
	s15 =	sadd.s32 s0, s11;
	[smem:$0x7EA] =	sst s24  }
0x37: {  	s11 =	sadd.s32 $0xE780, s4;
	[smem:$0x7F4] =	sst s12;
	s12 =	simm.s32 $0xFC00  }
0x38: {  	s8 =	sadd.s32 s14, s26;
	s14 =	sadd.s32 s0, s10;
	s10 =	sadd.s32 $0xE700, s4  }
0x39: {  	[smem:$0x7E5] =	sst s15;
	s20 =	sadd.s32 s1, s11;
	s26 =	smul.u32 $0x5400, s5  }
0x3a: {  	s15 =	sadd.s32 $0x11100, s4;
	s5 =	smul.u32 $0x2A000, s5;
	s24 =	sadd.s32 s0, s11  }
0x3b: {  	s11 =	sadd.s32 $0x12680, s4;
	[smem:$0x7E4] =	sst s14;
	s18 =	sadd.s32 s1, s10  }
0x3c: {  	s8 =	sshrl.u32 s8, $0x2;
	[smem:$0x7E7] =	sst s20;
	s23 =	sadd.s32 s0, s10  }
0x3d: {  	s10 =	sadd.s32 $0x12600, s4;
	[smem:$0x7F1] =	sst s24;
	s14 =	sadd.s32 s0, s13  }
0x3e: {  	s4 =	sadd.s32 $0x13B80, s4;
	s21 =	sadd.s32 s0, s15;
	[smem:$0x7E6] =	sst s18  }
0x3f: {  	s24 =	sadd.s32 s0, s16;
	s2 =	sadd.s32 s0, s11;
	[smem:$0x7F0] =	sst s23  }
0x40: {  	s16 =	simm.s32 $0xA800;
	s13 =	simm.s32 $0x1;
	[smem:$0x7F5] =	sst s14  }
0x41: {  	s7 =	ssub.s32 s8, s9;
	s18 =	sadd.s32 s1, s15;
	[smem:$0x7F8] =	sst s21  }
0x42: {  	s20 =	sadd.s32 s3, s26;
	s25 =	sadd.s32 s1, s10;
	[smem:$0x7F9] =	sst s24  }
0x43: {  	s26 =	sadd.s32 s1, s11;
	s5 =	sshrl.u32 s5, $0x3;
	[smem:$0x7FB] =	sst s2  }
0x44: {  	s11 =	smax.u32 s6, $0x1;
	p3 =	sne.s32 s8, s9;
	s2 =	rddreg [dreg:$0x4]  }
0x45: {  	s8 =	simm.s32 $0x400;
	s9 =	simm.s32 $0x800;
	[smem:$0x7EE] =	sst s18  }
0x46: {  	s21 =	simm.s32 $0x2;
	s28 =	sadd.s32 $0x80, s20;
	[smem:$0x7F2] =	sst s25  }
0x47: {  	[smem:$0x7F3] =	sst s26;
	s18 =	sadd.s32 s1, s17;
	s3 =	sadd.s32 s3, s5  }
0x48: {  	s26 =	sadd.s32 s0, s10;
	s5 =	sadd.s32 s0, s17;
	s0 =	sadd.s32 s0, s4  }
0x49: {  	s1 =	sadd.s32 s1, s4;
	[smem:$0x7FD] =	sst s0;
	s0 =	sadd.s32 $0xFFFFFFFF, s11  }
0x4a: {  	s17 =	simm.s32 $0x5400;
	p2 =	sne.s32 s7, $0x1;
	p5 =	sne.s32 s0, $0x0  }
.Ltmp0:
0x4b: {  	p1 =	sne.s32 s7, $0x2;
	[smem:$0x7F6] =	sst s18;
	(pc) =	sbr.rel @!p5 .LBB2_1-.Ltmp0, $4  }
0x4c: {  	p0 =	sne.s32 s7, $0x3;
	s23 =	sadd.s32 $0x1500, s3;
	[smem:$0x7F7] =	sst s1  }
0x4d: {  	s25 =	sadd.s32 $0x1580, s3;
	s14 =	sadd.s32 $0x2A00, s3;
	s15 =	sadd.s32 $0x2A80, s3  }
0x4e: {  	[smem:$0x7FA] =	sst s26;
	s10 =	sadd.s32 $0x3F00, s3;
	s24 =	sadd.s32 $0x3F80, s3  }
0x4f: {  	[smem:$0x7FC] =	sst s5;
	s26 =	simm.s32 $0x1A400;
	s18 =	simm.s32 $0x3  }
0x50: {  	[smem:$0x7D9] =	sst s0  }
0x51: {  	[tilespmem:s31], [sflag:$0x1] =	stream.strided.gather [hbm4b:s2+s8], $0x5400, s9, s8, $0x38;
	[tilespmem:$0x1F800] =	vst v63  }
0x52: {  	s7 =	rddreg [dreg:$0x5]  }
0x53: {  	[tilespmem:s12], [sflag:$0x1] =	stream.strided.gather [hbm4b:s7+s8], $0x5400, s9, s8, $0x38;
	[tilespmem:$0x1F800] =	vst v63  }
0x54: {  	s1 =	rddreg [dreg:$0x6]  }
0x55: {  	[tilespmem:s17], [sflag:$0x2] =	stream.strided.gather [hbm4b:s1+s8], $0x5400, s9, s8, $0x38;
	[tilespmem:$0x1F800] =	vst v63  }
0x56: {  	s11 =	rddreg [dreg:$0x7]  }
0x57: {  	[tilespmem:s30], [sflag:$0x2] =	stream.strided.gather [hbm4b:s11+s8], $0x5400, s9, s8, $0x38;
	[tilespmem:$0x1F800] =	vst v63  }
0x58: {  	s19 =	rddreg [dreg:$0x8]  }
0x59: {  	[tilespmem:s16], [sflag:$0x3] =	stream.strided.gather [hbm4b:s19+s8], $0x5400, s9, s8, $0x38;
	[tilespmem:$0x1F800] =	vst v63  }
0x5a: {  	s22 =	rddreg [dreg:$0x9]  }
0x5b: {  	[tilespmem:s26], [sflag:$0x3] =	stream.strided.gather [hbm4b:s22+s8], $0x5400, s9, s8, $0x38;
	[tilespmem:$0x1F800] =	vst v63  }
0x5c: {  	_ =	swait.ge [sflag:s13], $0x5400  }
0x5d: {  	[sflag:s13] =	ssyncset.done $0x0  }
0x5e: {  	[sflag:s13] =	ssyncadd.s32 $0xFFFFAC00  }
0x5f: {  	_ =	swait.ge [sflag:s13], $0x5400  }
0x60: {  	[sflag:s13] =	ssyncset.done $0x0  }
0x61: {  	s1 =	rddreg [dreg:$0xa];
	[sflag:s13] =	ssyncadd.s32 $0xFFFFAC00  }
0x62: {  	[hbm4b:s1+s8] =	stream.strided.scatter [tilespmem:s31], [sflag:$0x4], $0x5400, s9, s8, $0x38;
	[tilespmem:$0x1F800] =	vst v63  }
0x63: {  	s4 =	simm.s32 @!p3 $0x400;
	s2 =	rddreg [dreg:$0xb]  }
0x64: {  	[hbm4b:s2+s8] =	stream.strided.scatter [tilespmem:s12], [sflag:$0x4], $0x5400, s9, s8, $0x38;
	[tilespmem:$0x1F800] =	vst v63  }
0x65: {  	s5 =	simm.s32 @!p3 $0x800;
	s6 =	simm.s32 @!p3 $0x0;
	[smem:$0x7CA] =	sst s24  }
0x66: {  	[hbm4b:s20+s4] =	stream.strided.scatter @!p3 [tilespmem:s6], [sflag:$0x7], $0x5400, s5, s4, $0x38;
	[tilespmem:$0x1F800] =	vst v63  }
0x67: {  	s7 =	simm.s32 @!p3 $0xFC00;
	s11 =	simm.s32 @!p3 $0x4;
	[smem:$0x7CB] =	sst s10  }
0x68: {  	[hbm4b:s28+s4] =	stream.strided.scatter @!p3 [tilespmem:s7], [sflag:$0x7], $0x5400, s5, s4, $0x38;
	[tilespmem:$0x1F800] =	vst v63  }
0x69: {  	_ =	swait.ge @!p3 [sflag:s11], $0x5400  }
0x6a: {  	[sflag:s11] =	ssyncset.done @!p3 $0x0  }
0x6b: {  	[sflag:s11] =	ssyncadd.s32 @!p3 $0xFFFFAC00  }
0x6c: {  	_ =	swait.ge @!p3 [sflag:s11], $0x5400  }
0x6d: {  	s19 =	smov.u32 s28;
	s28 =	simm.s32 @!p3 $0x7;
	[sflag:s11] =	ssyncset.done @!p3 $0x0  }
0x6e: {  	s28 =	simm.s32 @p3 $0x4;
	[sflag:s11] =	ssyncadd.s32 @!p3 $0xFFFFAC00  }
0x6f: {  	_ =	swait.ge [sflag:s28], $0x5400  }
0x70: {  	[sflag:s28] =	ssyncset.done $0x0  }
0x71: {  	[sflag:s28] =	ssyncadd.s32 $0xFFFFAC00  }
0x72: {  	_ =	swait.ge [sflag:s28], $0x5400  }
0x73: {  	[sflag:s28] =	ssyncset.done $0x0  }
0x74: {  	s3 =	rddreg [dreg:$0xc];
	[sflag:s28] =	ssyncadd.s32 $0xFFFFAC00  }
0x75: {  	[tilespmem:s31], [sflag:$0x1] =	stream.strided.gather [hbm4b:s3+s8], $0x5400, s9, s8, $0x38;
	[tilespmem:$0x1F800] =	vst v63  }
0x76: {  	s22 =	rddreg [dreg:$0xd]  }
0x77: {  	[tilespmem:s12], [sflag:$0x1] =	stream.strided.gather [hbm4b:s22+s8], $0x5400, s9, s8, $0x38;
	[tilespmem:$0x1F800] =	vst v63  }
0x78: {  	_ =	swait.ge [sflag:s21], $0x5400  }
0x79: {  	[sflag:s21] =	ssyncset.done $0x0  }
0x7a: {  	[sflag:s21] =	ssyncadd.s32 $0xFFFFAC00  }
0x7b: {  	_ =	swait.ge [sflag:s21], $0x5400  }
0x7c: {  	[sflag:s21] =	ssyncset.done $0x0  }
0x7d: {  	s2 =	rddreg [dreg:$0xe];
	[sflag:s21] =	ssyncadd.s32 $0xFFFFAC00  }
0x7e: {  	[hbm4b:s2+s8] =	stream.strided.scatter [tilespmem:s17], [sflag:$0x5], $0x5400, s9, s8, $0x38;
	[tilespmem:$0x1F800] =	vst v63  }
0x7f: {  	s3 =	rddreg [dreg:$0xf]  }
0x80: {  	[hbm4b:s3+s8] =	stream.strided.scatter [tilespmem:s30], [sflag:$0x5], $0x5400, s9, s8, $0x38;
	[tilespmem:$0x1F800] =	vst v63  }
0x81: {  	s0 =	simm.s32 @!p3 $0x5400  }
0x82: {  	[hbm4b:s23+s4] =	stream.strided.scatter @!p3 [tilespmem:s0], [sflag:$0x8], $0x5400, s5, s4, $0x38;
	[tilespmem:$0x1F800] =	vst v63  }
0x83: {  	s1 =	simm.s32 @!p3 $0x5;
	s0 =	simm.s32 @!p3 $0x15000  }
0x84: {  	[hbm4b:s25+s4] =	stream.strided.scatter @!p3 [tilespmem:s0], [sflag:$0x8], $0x5400, s5, s4, $0x38;
	[tilespmem:$0x1F800] =	vst v63  }
0x85: {  	_ =	swait.ge @!p3 [sflag:s1], $0x5400  }
0x86: {  	[sflag:s1] =	ssyncset.done @!p3 $0x0  }
0x87: {  	[sflag:s1] =	ssyncadd.s32 @!p3 $0xFFFFAC00  }
0x88: {  	_ =	swait.ge @!p3 [sflag:s1], $0x5400  }
0x89: {  	s2 =	simm.s32 @!p3 $0x8;
	[sflag:s1] =	ssyncset.done @!p3 $0x0  }
0x8a: {  	s2 =	simm.s32 @p3 $0x5;
	[sflag:s1] =	ssyncadd.s32 @!p3 $0xFFFFAC00  }
0x8b: {  	_ =	swait.ge [sflag:s2], $0x5400  }
0x8c: {  	[sflag:s2] =	ssyncset.done $0x0  }
0x8d: {  	[sflag:s2] =	ssyncadd.s32 $0xFFFFAC00  }
0x8e: {  	_ =	swait.ge [sflag:s2], $0x5400  }
0x8f: {  	s22 =	rddreg [dreg:$0x10];
	[sflag:s2] =	ssyncset.done $0x0  }
0x90: {  	[smem:$0x7CC] =	sst s2;
	[sflag:s2] =	ssyncadd.s32 $0xFFFFAC00  }
0x91: {  	[tilespmem:s17], [sflag:$0x2] =	stream.strided.gather [hbm4b:s22+s8], $0x5400, s9, s8, $0x38;
	[tilespmem:$0x1F800] =	vst v63  }
0x92: {  	s1 =	rddreg [dreg:$0x11]  }
0x93: {  	[tilespmem:s30], [sflag:$0x2] =	stream.strided.gather [hbm4b:s1+s8], $0x5400, s9, s8, $0x38;
	[tilespmem:$0x1F800] =	vst v63  }
0x94: {  	_ =	swait.ge [sflag:s18], $0x5400  }
0x95: {  	[sflag:s18] =	ssyncset.done $0x0  }
0x96: {  	[sflag:s18] =	ssyncadd.s32 $0xFFFFAC00  }
0x97: {  	_ =	swait.ge [sflag:s18], $0x5400  }
0x98: {  	[sflag:s18] =	ssyncset.done $0x0  }
0x99: {  	s3 =	rddreg [dreg:$0x12];
	[sflag:s18] =	ssyncadd.s32 $0xFFFFAC00  }
0x9a: {  	[hbm4b:s3+s8] =	stream.strided.scatter [tilespmem:s16], [sflag:$0x6], $0x5400, s9, s8, $0x38;
	[tilespmem:$0x1F800] =	vst v63  }
0x9b: {  	s26 =	simm.s32 $0x1A400;
	s22 =	rddreg [dreg:$0x13]  }
0x9c: {  	[hbm4b:s22+s8] =	stream.strided.scatter [tilespmem:s26], [sflag:$0x6], $0x5400, s9, s8, $0x38;
	[tilespmem:$0x1F800] =	vst v63  }
0x9d: {  	s0 =	simm.s32 @!p3 $0xA800  }
0x9e: {  	[hbm4b:s14+s4] =	stream.strided.scatter @!p3 [tilespmem:s0], [sflag:$0x9], $0x5400, s5, s4, $0x38;
	[tilespmem:$0x1F800] =	vst v63  }
0x9f: {  	s1 =	simm.s32 @!p3 $0x6;
	s0 =	simm.s32 @!p3 $0x1A400  }
0xa0: {  	[hbm4b:s15+s4] =	stream.strided.scatter @!p3 [tilespmem:s0], [sflag:$0x9], $0x5400, s5, s4, $0x38;
	[tilespmem:$0x1F800] =	vst v63  }
0xa1: {  	_ =	swait.ge @!p3 [sflag:s1], $0x5400  }
0xa2: {  	[sflag:s1] =	ssyncset.done @!p3 $0x0  }
0xa3: {  	[sflag:s1] =	ssyncadd.s32 @!p3 $0xFFFFAC00  }
0xa4: {  	_ =	swait.ge @!p3 [sflag:s1], $0x5400  }
0xa5: {  	s0 =	simm.s32 @!p3 $0x9;
	[sflag:s1] =	ssyncset.done @!p3 $0x0  }
0xa6: {  	s0 =	simm.s32 @p3 $0x6;
	[sflag:s1] =	ssyncadd.s32 @!p3 $0xFFFFAC00  }
0xa7: {  	_ =	swait.ge [sflag:s0], $0x5400  }
0xa8: {  	[sflag:s0] =	ssyncset.done $0x0  }
0xa9: {  	[sflag:s0] =	ssyncadd.s32 $0xFFFFAC00  }
0xaa: {  	_ =	swait.ge [sflag:s0], $0x5400  }
0xab: {  	s1 =	rddreg [dreg:$0x14];
	[sflag:s0] =	ssyncset.done $0x0  }
0xac: {  	[smem:$0x7CD] =	sst s0;
	[sflag:s0] =	ssyncadd.s32 $0xFFFFAC00  }
0xad: {  	[tilespmem:s16], [sflag:$0x3] =	stream.strided.gather [hbm4b:s1+s8], $0x5400, s9, s8, $0x38;
	[tilespmem:$0x1F800] =	vst v63  }
0xae: {  	s3 =	rddreg [dreg:$0x15]  }
0xaf: {  	[tilespmem:s26], [sflag:$0x3] =	stream.strided.gather [hbm4b:s3+s8], $0x5400, s9, s8, $0x38;
	[tilespmem:$0x1F800] =	vst v63  }
0xb0: {  	_ =	swait.ge [sflag:s13], $0x5400  }
0xb1: {  	[sflag:s13] =	ssyncset.done $0x0  }
0xb2: {  	[sflag:s13] =	ssyncadd.s32 $0xFFFFAC00  }
0xb3: {  	_ =	swait.ge [sflag:s13], $0x5400  }
0xb4: {  	[sflag:s13] =	ssyncset.done $0x0  }
0xb5: {  	s3 =	rddreg [dreg:$0x16];
	[sflag:s13] =	ssyncadd.s32 $0xFFFFAC00  }
0xb6: {  	[hbm4b:s3+s8] =	stream.strided.scatter [tilespmem:s31], [sflag:$0x4], $0x5400, s9, s8, $0x38;
	[tilespmem:$0x1F800] =	vst v63  }
0xb7: {  	s22 =	rddreg [dreg:$0x17]  }
0xb8: {  	[hbm4b:s22+s8] =	stream.strided.scatter [tilespmem:s12], [sflag:$0x4], $0x5400, s9, s8, $0x38;
	[tilespmem:$0x1F800] =	vst v63  }
0xb9: {  	_ = 	snop  }
0xba: {  	[hbm4b:s10+s4] =	stream.strided.scatter @!p3 [tilespmem:s6], [sflag:$0x7], $0x5400, s5, s4, $0x38;
	[tilespmem:$0x1F800] =	vst v63  }
0xbb: {  	_ = 	snop  }
0xbc: {  	[hbm4b:s24+s4] =	stream.strided.scatter @!p3 [tilespmem:s7], [sflag:$0x7], $0x5400, s5, s4, $0x38;
	[tilespmem:$0x1F800] =	vst v63  }
0xbd: {  	_ =	swait.ge @!p3 [sflag:s11], $0x5400  }
0xbe: {  	[sflag:s11] =	ssyncset.done @!p3 $0x0  }
0xbf: {  	[sflag:s11] =	ssyncadd.s32 @!p3 $0xFFFFAC00  }
0xc0: {  	_ =	swait.ge @!p3 [sflag:s11], $0x5400  }
0xc1: {  	[sflag:s11] =	ssyncset.done @!p3 $0x0  }
0xc2: {  	[sflag:s11] =	ssyncadd.s32 @!p3 $0xFFFFAC00  }
0xc3: {  	_ =	swait.ge [sflag:s28], $0x5400  }
0xc4: {  	[sflag:s28] =	ssyncset.done $0x0  }
0xc5: {  	[sflag:s28] =	ssyncadd.s32 $0xFFFFAC00  }
0xc6: {  	_ =	swait.ge [sflag:s28], $0x5400  }
0xc7: {  	[sflag:s28] =	ssyncset.done $0x0  }
0xc8: {  	s0 =	rddreg [dreg:$0x18];
	[sflag:s28] =	ssyncadd.s32 $0xFFFFAC00  }
0xc9: {  	[tilespmem:s31], [sflag:$0x1] =	stream.strided.gather [hbm4b:s0+s8], $0x5400, s9, s8, $0x38;
	[tilespmem:$0x1F800] =	vst v63  }
0xca: {  	s1 =	rddreg [dreg:$0x19]  }
0xcb: {  	[tilespmem:s12], [sflag:$0x1] =	stream.strided.gather [hbm4b:s1+s8], $0x5400, s9, s8, $0x38;
	[tilespmem:$0x1F800] =	vst v63  }
0xcc: {  	_ =	swait.ge [sflag:s21], $0x5400  }
0xcd: {  	[sflag:s21] =	ssyncset.done $0x0  }
0xce: {  	[sflag:s21] =	ssyncadd.s32 $0xFFFFAC00  }
0xcf: {  	_ =	swait.ge [sflag:s21], $0x5400  }
0xd0: {  	[sflag:s21] =	ssyncset.done $0x0  }
0xd1: {  	s3 =	rddreg [dreg:$0x1a];
	[sflag:s21] =	ssyncadd.s32 $0xFFFFAC00  }
0xd2: {  	[hbm4b:s3+s8] =	stream.strided.scatter [tilespmem:s17], [sflag:$0x5], $0x5400, s9, s8, $0x38;
	[tilespmem:$0x1F800] =	vst v63  }
0xd3: {  	s4 =	rddreg [dreg:$0x1b]  }
0xd4: {  	[hbm4b:s4+s8] =	stream.strided.scatter [tilespmem:s30], [sflag:$0x5], $0x5400, s9, s8, $0x38;
	[tilespmem:$0x1F800] =	vst v63  }
0xd5: {  	s6 =	simm.s32 @!p2 $0x5400;
	s11 =	simm.s32 @!p2 $0x800;
	s1 =	simm.s32 @!p2 $0x400  }
0xd6: {  	[hbm4b:s20+s1] =	stream.strided.scatter @!p2 [tilespmem:s6], [sflag:$0x8], $0x5400, s11, s1, $0x38;
	[tilespmem:$0x1F800] =	vst v63  }
0xd7: {  	s22 =	simm.s32 @!p2 $0x15000;
	s0 =	smov.u32 s25;
	s25 =	simm.s32 @!p2 $0x5  }
0xd8: {  	[hbm4b:s19+s1] =	stream.strided.scatter @!p2 [tilespmem:s22], [sflag:$0x8], $0x5400, s11, s1, $0x38;
	[tilespmem:$0x1F800] =	vst v63  }
0xd9: {  	_ =	swait.ge @!p2 [sflag:s25], $0x5400  }
0xda: {  	[sflag:s25] =	ssyncset.done @!p2 $0x0  }
0xdb: {  	[sflag:s25] =	ssyncadd.s32 @!p2 $0xFFFFAC00  }
0xdc: {  	_ =	swait.ge @!p2 [sflag:s25], $0x5400  }
0xdd: {  	s3 =	simm.s32 @!p2 $0x8;
	[sflag:s25] =	ssyncset.done @!p2 $0x0  }
0xde: {  	s3 =	simm.s32 @p2 $0x5;
	[sflag:s25] =	ssyncadd.s32 @!p2 $0xFFFFAC00  }
0xdf: {  	_ =	swait.ge [sflag:s3], $0x5400  }
0xe0: {  	[sflag:s3] =	ssyncset.done $0x0  }
0xe1: {  	[sflag:s3] =	ssyncadd.s32 $0xFFFFAC00  }
0xe2: {  	_ =	swait.ge [sflag:s3], $0x5400  }
0xe3: {  	[sflag:s3] =	ssyncset.done $0x0  }
0xe4: {  	s5 =	rddreg [dreg:$0x1c];
	[sflag:s3] =	ssyncadd.s32 $0xFFFFAC00  }
0xe5: {  	[tilespmem:s17], [sflag:$0x2] =	stream.strided.gather [hbm4b:s5+s8], $0x5400, s9, s8, $0x38;
	[tilespmem:$0x1F800] =	vst v63  }
0xe6: {  	s7 =	rddreg [dreg:$0x1d]  }
0xe7: {  	[tilespmem:s30], [sflag:$0x2] =	stream.strided.gather [hbm4b:s7+s8], $0x5400, s9, s8, $0x38;
	[tilespmem:$0x1F800] =	vst v63  }
0xe8: {  	_ =	swait.ge [sflag:s18], $0x5400  }
0xe9: {  	[sflag:s18] =	ssyncset.done $0x0  }
0xea: {  	[sflag:s18] =	ssyncadd.s32 $0xFFFFAC00  }
0xeb: {  	_ =	swait.ge [sflag:s18], $0x5400  }
0xec: {  	[sflag:s18] =	ssyncset.done $0x0  }
0xed: {  	s5 =	rddreg [dreg:$0x1e];
	[sflag:s18] =	ssyncadd.s32 $0xFFFFAC00  }
0xee: {  	[hbm4b:s5+s8] =	stream.strided.scatter [tilespmem:s16], [sflag:$0x6], $0x5400, s9, s8, $0x38;
	[tilespmem:$0x1F800] =	vst v63  }
0xef: {  	s7 =	rddreg [dreg:$0x1f]  }
0xf0: {  	[hbm4b:s7+s8] =	stream.strided.scatter [tilespmem:s26], [sflag:$0x6], $0x5400, s9, s8, $0x38;
	[tilespmem:$0x1F800] =	vst v63  }
0xf1: {  	s2 =	simm.s32 @!p2 $0xA800  }
0xf2: {  	[hbm4b:s23+s1] =	stream.strided.scatter @!p2 [tilespmem:s2], [sflag:$0x9], $0x5400, s11, s1, $0x38;
	[tilespmem:$0x1F800] =	vst v63  }
0xf3: {  	s4 =	simm.s32 @!p2 $0x6;
	s2 =	simm.s32 @!p2 $0x1A400  }
0xf4: {  	[hbm4b:s0+s1] =	stream.strided.scatter @!p2 [tilespmem:s2], [sflag:$0x9], $0x5400, s11, s1, $0x38;
	[tilespmem:$0x1F800] =	vst v63  }
0xf5: {  	_ =	swait.ge @!p2 [sflag:s4], $0x5400  }
0xf6: {  	[sflag:s4] =	ssyncset.done @!p2 $0x0  }
0xf7: {  	[sflag:s4] =	ssyncadd.s32 @!p2 $0xFFFFAC00  }
0xf8: {  	_ =	swait.ge @!p2 [sflag:s4], $0x5400  }
0xf9: {  	s5 =	simm.s32 @!p2 $0x9;
	[sflag:s4] =	ssyncset.done @!p2 $0x0  }
0xfa: {  	s5 =	simm.s32 @p2 $0x6;
	[sflag:s4] =	ssyncadd.s32 @!p2 $0xFFFFAC00  }
0xfb: {  	_ =	swait.ge [sflag:s5], $0x5400  }
0xfc: {  	[sflag:s5] =	ssyncset.done $0x0  }
0xfd: {  	[sflag:s5] =	ssyncadd.s32 $0xFFFFAC00  }
0xfe: {  	_ =	swait.ge [sflag:s5], $0x5400  }
0xff: {  	s4 =	sld [smem:$0x7DA]  }
0x100: {  	[sflag:s5] =	ssyncset.done $0x0  }
0x101: {  	s7 =	sld [smem:$0x7DB];
	[sflag:s5] =	ssyncadd.s32 $0xFFFFAC00  }
0x102: {  	[tilespmem:s16], [sflag:$0x3] =	stream.strided.gather [hbm4b:s4+s8], $0x5400, s9, s8, $0x38;
	[tilespmem:$0x1F800] =	vst v63  }
0x103: {  	[smem:$0x7CE] =	sst s5  }
0x104: {  	[tilespmem:s26], [sflag:$0x3] =	stream.strided.gather [hbm4b:s7+s8], $0x5400, s9, s8, $0x38;
	[tilespmem:$0x1F800] =	vst v63  }
0x105: {  	_ =	swait.ge [sflag:s13], $0x5400  }
0x106: {  	[sflag:s13] =	ssyncset.done $0x0  }
0x107: {  	[sflag:s13] =	ssyncadd.s32 $0xFFFFAC00  }
0x108: {  	_ =	swait.ge [sflag:s13], $0x5400  }
0x109: {  	s5 =	sld [smem:$0x7DC]  }
0x10a: {  	[sflag:s13] =	ssyncset.done $0x0  }
0x10b: {  	s7 =	sld [smem:$0x7DD];
	[sflag:s13] =	ssyncadd.s32 $0xFFFFAC00  }
0x10c: {  	[hbm4b:s5+s8] =	stream.strided.scatter [tilespmem:s31], [sflag:$0x4], $0x5400, s9, s8, $0x38;
	[tilespmem:$0x1F800] =	vst v63  }
0x10d: {  	_ = 	snop  }
0x10e: {  	[hbm4b:s7+s8] =	stream.strided.scatter [tilespmem:s12], [sflag:$0x4], $0x5400, s9, s8, $0x38;
	[tilespmem:$0x1F800] =	vst v63  }
0x10f: {  	s2 =	simm.s32 @!p2 $0x0  }
0x110: {  	[hbm4b:s14+s1] =	stream.strided.scatter @!p2 [tilespmem:s2], [sflag:$0x7], $0x5400, s11, s1, $0x38;
	[tilespmem:$0x1F800] =	vst v63  }
0x111: {  	s2 =	simm.s32 @!p2 $0xFC00  }
0x112: {  	[hbm4b:s15+s1] =	stream.strided.scatter @!p2 [tilespmem:s2], [sflag:$0x7], $0x5400, s11, s1, $0x38;
	[tilespmem:$0x1F800] =	vst v63  }
0x113: {  	s2 =	simm.s32 @!p2 $0x4  }
0x114: {  	_ =	swait.ge @!p2 [sflag:s2], $0x5400  }
0x115: {  	[sflag:s2] =	ssyncset.done @!p2 $0x0  }
0x116: {  	[sflag:s2] =	ssyncadd.s32 @!p2 $0xFFFFAC00  }
0x117: {  	_ =	swait.ge @!p2 [sflag:s2], $0x5400  }
0x118: {  	s4 =	simm.s32 @!p2 $0x7;
	[sflag:s2] =	ssyncset.done @!p2 $0x0  }
0x119: {  	s4 =	simm.s32 @p2 $0x4;
	[sflag:s2] =	ssyncadd.s32 @!p2 $0xFFFFAC00  }
0x11a: {  	_ =	swait.ge [sflag:s4], $0x5400  }
0x11b: {  	[sflag:s4] =	ssyncset.done $0x0  }
0x11c: {  	[sflag:s4] =	ssyncadd.s32 $0xFFFFAC00  }
0x11d: {  	_ =	swait.ge [sflag:s4], $0x5400  }
0x11e: {  	s26 =	sld [smem:$0x7DE]  }
0x11f: {  	[sflag:s4] =	ssyncset.done $0x0  }
0x120: {  	s5 =	sld [smem:$0x7DF];
	[sflag:s4] =	ssyncadd.s32 $0xFFFFAC00  }
0x121: {  	[tilespmem:s31], [sflag:$0x1] =	stream.strided.gather [hbm4b:s26+s8], $0x5400, s9, s8, $0x38;
	[tilespmem:$0x1F800] =	vst v63  }
0x122: {  	[smem:$0x7CF] =	sst s4  }
0x123: {  	[tilespmem:s12], [sflag:$0x1] =	stream.strided.gather [hbm4b:s5+s8], $0x5400, s9, s8, $0x38;
	[tilespmem:$0x1F800] =	vst v63  }
0x124: {  	_ =	swait.ge [sflag:s21], $0x5400  }
0x125: {  	[sflag:s21] =	ssyncset.done $0x0  }
0x126: {  	[sflag:s21] =	ssyncadd.s32 $0xFFFFAC00  }
0x127: {  	_ =	swait.ge [sflag:s21], $0x5400  }
0x128: {  	s7 =	sld [smem:$0x7E0]  }
0x129: {  	[sflag:s21] =	ssyncset.done $0x0  }
0x12a: {  	s12 =	sld [smem:$0x7E1];
	[sflag:s21] =	ssyncadd.s32 $0xFFFFAC00  }
0x12b: {  	[hbm4b:s7+s8] =	stream.strided.scatter [tilespmem:s17], [sflag:$0x5], $0x5400, s9, s8, $0x38;
	[tilespmem:$0x1F800] =	vst v63  }
0x12c: {  	_ = 	snop  }
0x12d: {  	[hbm4b:s12+s8] =	stream.strided.scatter [tilespmem:s30], [sflag:$0x5], $0x5400, s9, s8, $0x38;
	[tilespmem:$0x1F800] =	vst v63  }
0x12e: {  	_ = 	snop  }
0x12f: {  	[hbm4b:s10+s1] =	stream.strided.scatter @!p2 [tilespmem:s6], [sflag:$0x8], $0x5400, s11, s1, $0x38;
	[tilespmem:$0x1F800] =	vst v63  }
0x130: {  	_ = 	snop  }
0x131: {  	[hbm4b:s24+s1] =	stream.strided.scatter @!p2 [tilespmem:s22], [sflag:$0x8], $0x5400, s11, s1, $0x38;
	[tilespmem:$0x1F800] =	vst v63  }
0x132: {  	_ =	swait.ge @!p2 [sflag:s25], $0x5400  }
0x133: {  	[sflag:s25] =	ssyncset.done @!p2 $0x0  }
0x134: {  	[sflag:s25] =	ssyncadd.s32 @!p2 $0xFFFFAC00  }
0x135: {  	_ =	swait.ge @!p2 [sflag:s25], $0x5400  }
0x136: {  	[sflag:s25] =	ssyncset.done @!p2 $0x0  }
0x137: {  	[sflag:s25] =	ssyncadd.s32 @!p2 $0xFFFFAC00  }
0x138: {  	_ =	swait.ge [sflag:s3], $0x5400  }
0x139: {  	[sflag:s3] =	ssyncset.done $0x0  }
0x13a: {  	[sflag:s3] =	ssyncadd.s32 $0xFFFFAC00  }
0x13b: {  	_ =	swait.ge [sflag:s3], $0x5400  }
0x13c: {  	s26 =	sld [smem:$0x7E2]  }
0x13d: {  	[sflag:s3] =	ssyncset.done $0x0  }
0x13e: {  	s1 =	sld [smem:$0x7E3];
	[sflag:s3] =	ssyncadd.s32 $0xFFFFAC00  }
0x13f: {  	[tilespmem:s17], [sflag:$0x2] =	stream.strided.gather [hbm4b:s26+s8], $0x5400, s9, s8, $0x38;
	[tilespmem:$0x1F800] =	vst v63  }
0x140: {  	_ = 	snop  }
0x141: {  	[tilespmem:s30], [sflag:$0x2] =	stream.strided.gather [hbm4b:s1+s8], $0x5400, s9, s8, $0x38;
	[tilespmem:$0x1F800] =	vst v63  }
0x142: {  	_ =	swait.ge [sflag:s18], $0x5400  }
0x143: {  	[sflag:s18] =	ssyncset.done $0x0  }
0x144: {  	[sflag:s18] =	ssyncadd.s32 $0xFFFFAC00  }
0x145: {  	_ =	swait.ge [sflag:s18], $0x5400  }
0x146: {  	s4 =	sld [smem:$0x7E4]  }
0x147: {  	[sflag:s18] =	ssyncset.done $0x0  }
0x148: {  	s5 =	sld [smem:$0x7E5];
	[sflag:s18] =	ssyncadd.s32 $0xFFFFAC00  }
0x149: {  	[hbm4b:s4+s8] =	stream.strided.scatter [tilespmem:s16], [sflag:$0x6], $0x5400, s9, s8, $0x38;
	[tilespmem:$0x1F800] =	vst v63  }
0x14a: {  	s6 =	simm.s32 $0x1A400  }
0x14b: {  	[hbm4b:s5+s8] =	stream.strided.scatter [tilespmem:s6], [sflag:$0x6], $0x5400, s9, s8, $0x38;
	[tilespmem:$0x1F800] =	vst v63  }
0x14c: {  	s12 =	simm.s32 @!p1 $0x400;
	s17 =	simm.s32 @!p1 $0x800;
	s1 =	simm.s32 @!p1 $0xA800  }
0x14d: {  	[hbm4b:s20+s12] =	stream.strided.scatter @!p1 [tilespmem:s1], [sflag:$0x9], $0x5400, s17, s12, $0x38;
	[tilespmem:$0x1F800] =	vst v63  }
0x14e: {  	s11 =	smov.u32 s14;
	s14 =	simm.s32 @!p1 $0x6;
	s25 =	simm.s32 @!p1 $0x1A400  }
0x14f: {  	[hbm4b:s19+s12] =	stream.strided.scatter @!p1 [tilespmem:s25], [sflag:$0x9], $0x5400, s17, s12, $0x38;
	[tilespmem:$0x1F800] =	vst v63  }
0x150: {  	_ =	swait.ge @!p1 [sflag:s14], $0x5400  }
0x151: {  	[sflag:s14] =	ssyncset.done @!p1 $0x0  }
0x152: {  	[sflag:s14] =	ssyncadd.s32 @!p1 $0xFFFFAC00  }
0x153: {  	_ =	swait.ge @!p1 [sflag:s14], $0x5400  }
0x154: {  	s26 =	smov.u32 s15;
	s15 =	simm.s32 @!p1 $0x9;
	[sflag:s14] =	ssyncset.done @!p1 $0x0  }
0x155: {  	s15 =	simm.s32 @p1 $0x6;
	[sflag:s14] =	ssyncadd.s32 @!p1 $0xFFFFAC00  }
0x156: {  	_ =	swait.ge [sflag:s15], $0x5400  }
0x157: {  	[sflag:s15] =	ssyncset.done $0x0  }
0x158: {  	[sflag:s15] =	ssyncadd.s32 $0xFFFFAC00  }
0x159: {  	_ =	swait.ge [sflag:s15], $0x5400  }
0x15a: {  	s7 =	sld [smem:$0x7E6]  }
0x15b: {  	[sflag:s15] =	ssyncset.done $0x0  }
0x15c: {  	s30 =	sld [smem:$0x7E7];
	[sflag:s15] =	ssyncadd.s32 $0xFFFFAC00  }
0x15d: {  	[tilespmem:s16], [sflag:$0x3] =	stream.strided.gather [hbm4b:s7+s8], $0x5400, s9, s8, $0x38;
	[tilespmem:$0x1F800] =	vst v63  }
0x15e: {  	_ = 	snop  }
0x15f: {  	[tilespmem:s6], [sflag:$0x3] =	stream.strided.gather [hbm4b:s30+s8], $0x5400, s9, s8, $0x38;
	[tilespmem:$0x1F800] =	vst v63  }
0x160: {  	_ =	swait.ge [sflag:s13], $0x5400  }
0x161: {  	[sflag:s13] =	ssyncset.done $0x0  }
0x162: {  	[sflag:s13] =	ssyncadd.s32 $0xFFFFAC00  }
0x163: {  	_ =	swait.ge [sflag:s13], $0x5400  }
0x164: {  	s4 =	sld [smem:$0x7E8]  }
0x165: {  	[sflag:s13] =	ssyncset.done $0x0  }
0x166: {  	s5 =	sld [smem:$0x7E9];
	[sflag:s13] =	ssyncadd.s32 $0xFFFFAC00  }
0x167: {  	[hbm4b:s4+s8] =	stream.strided.scatter [tilespmem:s31], [sflag:$0x4], $0x5400, s9, s8, $0x38;
	[tilespmem:$0x1F800] =	vst v63  }
0x168: {  	s22 =	simm.s32 $0xFC00  }
0x169: {  	[hbm4b:s5+s8] =	stream.strided.scatter [tilespmem:s22], [sflag:$0x4], $0x5400, s9, s8, $0x38;
	[tilespmem:$0x1F800] =	vst v63  }
0x16a: {  	s2 =	simm.s32 @!p1 $0x0  }
0x16b: {  	[hbm4b:s23+s12] =	stream.strided.scatter @!p1 [tilespmem:s2], [sflag:$0x7], $0x5400, s17, s12, $0x38;
	[tilespmem:$0x1F800] =	vst v63  }
0x16c: {  	s2 =	simm.s32 @!p1 $0xFC00  }
0x16d: {  	[hbm4b:s0+s12] =	stream.strided.scatter @!p1 [tilespmem:s2], [sflag:$0x7], $0x5400, s17, s12, $0x38;
	[tilespmem:$0x1F800] =	vst v63  }
0x16e: {  	s2 =	simm.s32 @!p1 $0x4  }
0x16f: {  	_ =	swait.ge @!p1 [sflag:s2], $0x5400  }
0x170: {  	[sflag:s2] =	ssyncset.done @!p1 $0x0  }
0x171: {  	[sflag:s2] =	ssyncadd.s32 @!p1 $0xFFFFAC00  }
0x172: {  	_ =	swait.ge @!p1 [sflag:s2], $0x5400  }
0x173: {  	s4 =	simm.s32 @!p1 $0x7;
	[sflag:s2] =	ssyncset.done @!p1 $0x0  }
0x174: {  	s4 =	simm.s32 @p1 $0x4;
	[sflag:s2] =	ssyncadd.s32 @!p1 $0xFFFFAC00  }
0x175: {  	_ =	swait.ge [sflag:s4], $0x5400  }
0x176: {  	[sflag:s4] =	ssyncset.done $0x0  }
0x177: {  	[sflag:s4] =	ssyncadd.s32 $0xFFFFAC00  }
0x178: {  	_ =	swait.ge [sflag:s4], $0x5400  }
0x179: {  	s2 =	sld [smem:$0x7EA]  }
0x17a: {  	[sflag:s4] =	ssyncset.done $0x0  }
0x17b: {  	s6 =	sld [smem:$0x7EB];
	[sflag:s4] =	ssyncadd.s32 $0xFFFFAC00  }
0x17c: {  	[tilespmem:s31], [sflag:$0x1] =	stream.strided.gather [hbm4b:s2+s8], $0x5400, s9, s8, $0x38;
	[tilespmem:$0x1F800] =	vst v63  }
0x17d: {  	[smem:$0x7D0] =	sst s4  }
0x17e: {  	[tilespmem:s22], [sflag:$0x1] =	stream.strided.gather [hbm4b:s6+s8], $0x5400, s9, s8, $0x38;
	[tilespmem:$0x1F800] =	vst v63  }
0x17f: {  	_ =	swait.ge [sflag:s21], $0x5400  }
0x180: {  	[sflag:s21] =	ssyncset.done $0x0  }
0x181: {  	[sflag:s21] =	ssyncadd.s32 $0xFFFFAC00  }
0x182: {  	_ =	swait.ge [sflag:s21], $0x5400  }
0x183: {  	s4 =	sld [smem:$0x7EC]  }
0x184: {  	[sflag:s21] =	ssyncset.done $0x0  }
0x185: {  	s5 =	simm.s32 $0x5400;
	s6 =	sld [smem:$0x7ED];
	[sflag:s21] =	ssyncadd.s32 $0xFFFFAC00  }
0x186: {  	[hbm4b:s4+s8] =	stream.strided.scatter [tilespmem:s5], [sflag:$0x5], $0x5400, s9, s8, $0x38;
	[tilespmem:$0x1F800] =	vst v63  }
0x187: {  	s7 =	simm.s32 $0x15000  }
0x188: {  	[hbm4b:s6+s8] =	stream.strided.scatter [tilespmem:s7], [sflag:$0x5], $0x5400, s9, s8, $0x38;
	[tilespmem:$0x1F800] =	vst v63  }
0x189: {  	s2 =	simm.s32 @!p1 $0x5400  }
0x18a: {  	[hbm4b:s11+s12] =	stream.strided.scatter @!p1 [tilespmem:s2], [sflag:$0x8], $0x5400, s17, s12, $0x38;
	[tilespmem:$0x1F800] =	vst v63  }
0x18b: {  	s2 =	simm.s32 @!p1 $0x15000  }
0x18c: {  	[hbm4b:s26+s12] =	stream.strided.scatter @!p1 [tilespmem:s2], [sflag:$0x8], $0x5400, s17, s12, $0x38;
	[tilespmem:$0x1F800] =	vst v63  }
0x18d: {  	s2 =	simm.s32 @!p1 $0x5  }
0x18e: {  	_ =	swait.ge @!p1 [sflag:s2], $0x5400  }
0x18f: {  	[sflag:s2] =	ssyncset.done @!p1 $0x0  }
0x190: {  	[sflag:s2] =	ssyncadd.s32 @!p1 $0xFFFFAC00  }
0x191: {  	_ =	swait.ge @!p1 [sflag:s2], $0x5400  }
0x192: {  	s4 =	simm.s32 @!p1 $0x8;
	[sflag:s2] =	ssyncset.done @!p1 $0x0  }
0x193: {  	s4 =	simm.s32 @p1 $0x5;
	[sflag:s2] =	ssyncadd.s32 @!p1 $0xFFFFAC00  }
0x194: {  	_ =	swait.ge [sflag:s4], $0x5400  }
0x195: {  	[sflag:s4] =	ssyncset.done $0x0  }
0x196: {  	[sflag:s4] =	ssyncadd.s32 $0xFFFFAC00  }
0x197: {  	_ =	swait.ge [sflag:s4], $0x5400  }
0x198: {  	s2 =	sld [smem:$0x7EE]  }
0x199: {  	[sflag:s4] =	ssyncset.done $0x0  }
0x19a: {  	s6 =	sld [smem:$0x7EF];
	[sflag:s4] =	ssyncadd.s32 $0xFFFFAC00  }
0x19b: {  	[tilespmem:s5], [sflag:$0x2] =	stream.strided.gather [hbm4b:s2+s8], $0x5400, s9, s8, $0x38;
	[tilespmem:$0x1F800] =	vst v63  }
0x19c: {  	[smem:$0x7D1] =	sst s4  }
0x19d: {  	[tilespmem:s7], [sflag:$0x2] =	stream.strided.gather [hbm4b:s6+s8], $0x5400, s9, s8, $0x38;
	[tilespmem:$0x1F800] =	vst v63  }
0x19e: {  	_ =	swait.ge [sflag:s18], $0x5400  }
0x19f: {  	[sflag:s18] =	ssyncset.done $0x0  }
0x1a0: {  	[sflag:s18] =	ssyncadd.s32 $0xFFFFAC00  }
0x1a1: {  	_ =	swait.ge [sflag:s18], $0x5400  }
0x1a2: {  	s4 =	sld [smem:$0x7F0]  }
0x1a3: {  	[sflag:s18] =	ssyncset.done $0x0  }
0x1a4: {  	s6 =	sld [smem:$0x7F1];
	[sflag:s18] =	ssyncadd.s32 $0xFFFFAC00  }
0x1a5: {  	[hbm4b:s4+s8] =	stream.strided.scatter [tilespmem:s16], [sflag:$0x6], $0x5400, s9, s8, $0x38;
	[tilespmem:$0x1F800] =	vst v63  }
0x1a6: {  	s30 =	simm.s32 $0x1A400  }
0x1a7: {  	[hbm4b:s6+s8] =	stream.strided.scatter [tilespmem:s30], [sflag:$0x6], $0x5400, s9, s8, $0x38;
	[tilespmem:$0x1F800] =	vst v63  }
0x1a8: {  	_ = 	snop  }
0x1a9: {  	[hbm4b:s10+s12] =	stream.strided.scatter @!p1 [tilespmem:s1], [sflag:$0x9], $0x5400, s17, s12, $0x38;
	[tilespmem:$0x1F800] =	vst v63  }
0x1aa: {  	_ = 	snop  }
0x1ab: {  	[hbm4b:s24+s12] =	stream.strided.scatter @!p1 [tilespmem:s25], [sflag:$0x9], $0x5400, s17, s12, $0x38;
	[tilespmem:$0x1F800] =	vst v63  }
0x1ac: {  	_ =	swait.ge @!p1 [sflag:s14], $0x5400  }
0x1ad: {  	[sflag:s14] =	ssyncset.done @!p1 $0x0  }
0x1ae: {  	[sflag:s14] =	ssyncadd.s32 @!p1 $0xFFFFAC00  }
0x1af: {  	_ =	swait.ge @!p1 [sflag:s14], $0x5400  }
0x1b0: {  	[sflag:s14] =	ssyncset.done @!p1 $0x0  }
0x1b1: {  	[sflag:s14] =	ssyncadd.s32 @!p1 $0xFFFFAC00  }
0x1b2: {  	_ =	swait.ge [sflag:s15], $0x5400  }
0x1b3: {  	[sflag:s15] =	ssyncset.done $0x0  }
0x1b4: {  	[sflag:s15] =	ssyncadd.s32 $0xFFFFAC00  }
0x1b5: {  	_ =	swait.ge [sflag:s15], $0x5400  }
0x1b6: {  	s12 =	sld [smem:$0x7F2]  }
0x1b7: {  	[sflag:s15] =	ssyncset.done $0x0  }
0x1b8: {  	s14 =	sld [smem:$0x7F3];
	[sflag:s15] =	ssyncadd.s32 $0xFFFFAC00  }
0x1b9: {  	[tilespmem:s16], [sflag:$0x3] =	stream.strided.gather [hbm4b:s12+s8], $0x5400, s9, s8, $0x38;
	[tilespmem:$0x1F800] =	vst v63  }
0x1ba: {  	_ = 	snop  }
0x1bb: {  	[tilespmem:s30], [sflag:$0x3] =	stream.strided.gather [hbm4b:s14+s8], $0x5400, s9, s8, $0x38;
	[tilespmem:$0x1F800] =	vst v63  }
0x1bc: {  	_ =	swait.ge [sflag:s13], $0x5400  }
0x1bd: {  	[sflag:s13] =	ssyncset.done $0x0  }
0x1be: {  	[sflag:s13] =	ssyncadd.s32 $0xFFFFAC00  }
0x1bf: {  	_ =	swait.ge [sflag:s13], $0x5400  }
0x1c0: {  	s16 =	sld [smem:$0x7F4]  }
0x1c1: {  	[sflag:s13] =	ssyncset.done $0x0  }
0x1c2: {  	s17 =	sld [smem:$0x7F5];
	[sflag:s13] =	ssyncadd.s32 $0xFFFFAC00  }
0x1c3: {  	[hbm4b:s16+s8] =	stream.strided.scatter [tilespmem:s31], [sflag:$0x4], $0x5400, s9, s8, $0x38;
	[tilespmem:$0x1F800] =	vst v63  }
0x1c4: {  	_ = 	snop  }
0x1c5: {  	[hbm4b:s17+s8] =	stream.strided.scatter [tilespmem:s22], [sflag:$0x4], $0x5400, s9, s8, $0x38;
	[tilespmem:$0x1F800] =	vst v63  }
0x1c6: {  	s1 =	simm.s32 @!p0 $0x0;
	s14 =	simm.s32 @!p0 $0x400;
	s17 =	simm.s32 @!p0 $0x800  }
0x1c7: {  	[hbm4b:s20+s14] =	stream.strided.scatter @!p0 [tilespmem:s1], [sflag:$0x7], $0x5400, s17, s14, $0x38;
	[tilespmem:$0x1F800] =	vst v63  }
0x1c8: {  	s6 =	simm.s32 @!p0 $0x4;
	s12 =	simm.s32 @!p0 $0xFC00;
	[smem:$0x7D2] =	sst s19  }
0x1c9: {  	[hbm4b:s19+s14] =	stream.strided.scatter @!p0 [tilespmem:s12], [sflag:$0x7], $0x5400, s17, s14, $0x38;
	[tilespmem:$0x1F800] =	vst v63  }
0x1ca: {  	_ =	swait.ge @!p0 [sflag:s6], $0x5400  }
0x1cb: {  	[sflag:s6] =	ssyncset.done @!p0 $0x0  }
0x1cc: {  	[sflag:s6] =	ssyncadd.s32 @!p0 $0xFFFFAC00  }
0x1cd: {  	_ =	swait.ge @!p0 [sflag:s6], $0x5400  }
0x1ce: {  	[sflag:s6] =	ssyncset.done @!p0 $0x0;
	[smem:$0x7D3] =	sst s20;
	s20 =	simm.s32 @!p0 $0x7  }
0x1cf: {  	[sflag:s6] =	ssyncadd.s32 @!p0 $0xFFFFAC00;
	s20 =	simm.s32 @p0 $0x4  }
0x1d0: {  	_ =	swait.ge [sflag:s20], $0x5400  }
0x1d1: {  	[sflag:s20] =	ssyncset.done $0x0  }
0x1d2: {  	[sflag:s20] =	ssyncadd.s32 $0xFFFFAC00  }
0x1d3: {  	_ =	swait.ge [sflag:s20], $0x5400  }
0x1d4: {  	s19 =	sld [smem:$0x7F6]  }
0x1d5: {  	[sflag:s20] =	ssyncset.done $0x0  }
0x1d6: {  	s25 =	sld [smem:$0x7F7];
	[sflag:s20] =	ssyncadd.s32 $0xFFFFAC00  }
0x1d7: {  	[tilespmem:s31], [sflag:$0x1] =	stream.strided.gather [hbm4b:s19+s8], $0x5400, s9, s8, $0x38;
	[tilespmem:$0x1F800] =	vst v63  }
0x1d8: {  	_ = 	snop  }
0x1d9: {  	[tilespmem:s22], [sflag:$0x1] =	stream.strided.gather [hbm4b:s25+s8], $0x5400, s9, s8, $0x38;
	[tilespmem:$0x1F800] =	vst v63  }
0x1da: {  	_ =	swait.ge [sflag:s21], $0x5400  }
0x1db: {  	[sflag:s21] =	ssyncset.done $0x0  }
0x1dc: {  	[sflag:s21] =	ssyncadd.s32 $0xFFFFAC00  }
0x1dd: {  	_ =	swait.ge [sflag:s21], $0x5400  }
0x1de: {  	s4 =	sld [smem:$0x7F8]  }
0x1df: {  	[sflag:s21] =	ssyncset.done $0x0  }
0x1e0: {  	s19 =	sld [smem:$0x7F9];
	[sflag:s21] =	ssyncadd.s32 $0xFFFFAC00  }
0x1e1: {  	[hbm4b:s4+s8] =	stream.strided.scatter [tilespmem:s5], [sflag:$0x5], $0x5400, s9, s8, $0x38;
	[tilespmem:$0x1F800] =	vst v63  }
0x1e2: {  	_ = 	snop  }
0x1e3: {  	[hbm4b:s19+s8] =	stream.strided.scatter [tilespmem:s7], [sflag:$0x5], $0x5400, s9, s8, $0x38;
	[tilespmem:$0x1F800] =	vst v63  }
0x1e4: {  	s2 =	simm.s32 @!p0 $0x5400;
	[smem:$0x7D4] =	sst s23  }
0x1e5: {  	[hbm4b:s23+s14] =	stream.strided.scatter @!p0 [tilespmem:s2], [sflag:$0x8], $0x5400, s17, s14, $0x38;
	[tilespmem:$0x1F800] =	vst v63  }
0x1e6: {  	[smem:$0x7D5] =	sst s0;
	s2 =	simm.s32 @!p0 $0x15000  }
0x1e7: {  	[hbm4b:s0+s14] =	stream.strided.scatter @!p0 [tilespmem:s2], [sflag:$0x8], $0x5400, s17, s14, $0x38;
	[tilespmem:$0x1F800] =	vst v63  }
0x1e8: {  	_ =	swait.ge [sflag:s18], $0x5400  }
0x1e9: {  	[sflag:s18] =	ssyncset.done $0x0  }
0x1ea: {  	[sflag:s18] =	ssyncadd.s32 $0xFFFFAC00  }
0x1eb: {  	_ =	swait.ge [sflag:s18], $0x5400  }
0x1ec: {  	s23 =	sld [smem:$0x7FA]  }
0x1ed: {  	[sflag:s18] =	ssyncset.done $0x0  }
0x1ee: {  	s16 =	simm.s32 $0xA800;
	s25 =	sld [smem:$0x7FB];
	[sflag:s18] =	ssyncadd.s32 $0xFFFFAC00  }
0x1ef: {  	[hbm4b:s23+s8] =	stream.strided.scatter [tilespmem:s16], [sflag:$0x6], $0x5400, s9, s8, $0x38;
	[tilespmem:$0x1F800] =	vst v63  }
0x1f0: {  	_ = 	snop  }
0x1f1: {  	[hbm4b:s25+s8] =	stream.strided.scatter [tilespmem:s30], [sflag:$0x6], $0x5400, s9, s8, $0x38;
	[tilespmem:$0x1F800] =	vst v63  }
0x1f2: {  	s0 =	simm.s32 @!p0 $0xA800;
	[smem:$0x7D6] =	sst s11  }
0x1f3: {  	[hbm4b:s11+s14] =	stream.strided.scatter @!p0 [tilespmem:s0], [sflag:$0x9], $0x5400, s17, s14, $0x38;
	[tilespmem:$0x1F800] =	vst v63  }
0x1f4: {  	[smem:$0x7D7] =	sst s26;
	s0 =	simm.s32 @!p0 $0x1A400  }
0x1f5: {  	[hbm4b:s26+s14] =	stream.strided.scatter @!p0 [tilespmem:s0], [sflag:$0x9], $0x5400, s17, s14, $0x38;
	[tilespmem:$0x1F800] =	vst v63  }
0x1f6: {  	_ =	swait.ge [sflag:s13], $0x5400  }
0x1f7: {  	[sflag:s13] =	ssyncset.done $0x0  }
0x1f8: {  	[sflag:s13] =	ssyncadd.s32 $0xFFFFAC00  }
0x1f9: {  	_ =	swait.ge [sflag:s13], $0x5400  }
0x1fa: {  	s26 =	sld [smem:$0x7FC]  }
0x1fb: {  	[sflag:s13] =	ssyncset.done $0x0  }
0x1fc: {  	s30 =	sld [smem:$0x7FD];
	[sflag:s13] =	ssyncadd.s32 $0xFFFFAC00  }
0x1fd: {  	[hbm4b:s26+s8] =	stream.strided.scatter [tilespmem:s31], [sflag:$0x4], $0x5400, s9, s8, $0x38;
	[tilespmem:$0x1F800] =	vst v63  }
0x1fe: {  	_ = 	snop  }
0x1ff: {  	[hbm4b:s30+s8] =	stream.strided.scatter [tilespmem:s22], [sflag:$0x4], $0x5400, s9, s8, $0x38;
	[tilespmem:$0x1F800] =	vst v63  }
0x200: {  	_ = 	snop  }
0x201: {  	[hbm4b:s10+s14] =	stream.strided.scatter @!p0 [tilespmem:s1], [sflag:$0x7], $0x5400, s17, s14, $0x38;
	[tilespmem:$0x1F800] =	vst v63  }
0x202: {  	s0 =	simm.s32 @!p0 $0x5  }
0x203: {  	[hbm4b:s24+s14] =	stream.strided.scatter @!p0 [tilespmem:s12], [sflag:$0x7], $0x5400, s17, s14, $0x38;
	[tilespmem:$0x1F800] =	vst v63  }
0x204: {  	_ =	swait.ge @!p0 [sflag:s0], $0x5400  }
0x205: {  	[sflag:s0] =	ssyncset.done @!p0 $0x0  }
0x206: {  	[sflag:s0] =	ssyncadd.s32 @!p0 $0xFFFFAC00  }
0x207: {  	_ =	swait.ge @!p0 [sflag:s0], $0x5400  }
0x208: {  	s1 =	simm.s32 @!p0 $0x8;
	[sflag:s0] =	ssyncset.done @!p0 $0x0  }
0x209: {  	s1 =	simm.s32 @p0 $0x5;
	[sflag:s0] =	ssyncadd.s32 @!p0 $0xFFFFAC00  }
0x20a: {  	_ =	swait.ge [sflag:s1], $0x5400  }
0x20b: {  	[sflag:s1] =	ssyncset.done $0x0  }
0x20c: {  	[sflag:s1] =	ssyncadd.s32 $0xFFFFAC00  }
0x20d: {  	_ =	swait.ge [sflag:s1], $0x5400  }
0x20e: {  	[sflag:s1] =	ssyncset.done $0x0  }
0x20f: {  	[smem:$0x7D8] =	sst s1;
	[sflag:s1] =	ssyncadd.s32 $0xFFFFAC00  }
0x210: {  	_ =	swait.ge [sflag:s29], $0x5400  }
0x211: {  	[sflag:s29] =	ssyncset.done $0x0  }
0x212: {  	[sflag:s29] =	ssyncadd.s32 $0xFFFFAC00  }
0x213: {  	_ =	swait.ge [sflag:s29], $0x5400  }
0x214: {  	[sflag:s29] =	ssyncset.done $0x0  }
0x215: {  	s0 =	simm.s32 @!p0 $0x9;
	[sflag:s29] =	ssyncadd.s32 $0xFFFFAC00  }
0x216: {  	_ =	swait.ge @!p0 [sflag:s0], $0x5400  }
0x217: {  	[sflag:s0] =	ssyncset.done @!p0 $0x0  }
0x218: {  	[sflag:s0] =	ssyncadd.s32 @!p0 $0xFFFFAC00  }
0x219: {  	_ =	swait.ge @!p0 [sflag:s0], $0x5400  }
0x21a: {  	[sflag:s0] =	ssyncset.done @!p0 $0x0  }
0x21b: {  	[sflag:s0] =	ssyncadd.s32 @!p0 $0xFFFFAC00  }
0x21c: {  	_ =	swait.ge @!p0 [sflag:s6], $0x5400  }
0x21d: {  	[sflag:s6] =	ssyncset.done @!p0 $0x0  }
0x21e: {  	[sflag:s6] =	ssyncadd.s32 @!p0 $0xFFFFAC00  }
0x21f: {  	_ =	swait.ge @!p0 [sflag:s6], $0x5400  }
0x220: {  	[sflag:s6] =	ssyncset.done @!p0 $0x0  }
0x221: {  	[sflag:s6] =	ssyncadd.s32 @!p0 $0xFFFFAC00  }
0x222: {  	_ =	swait.ge [sflag:s20], $0x5400  }
0x223: {  	s31 =	sld [smem:$0x7D9];
	_ =	sdelay $0x2  }
0x224: {  	s23 =	sadd.s32 $0xFFFFFFFF, s31  }
0x225: {  	p5 =	sne.s32 s23, $0x0  }
.Ltmp1:
0x226: {  	_ = 	snop;
	(pc) =	sbr.rel @!p5 .LBB2_7-.Ltmp1, $4  }
0x227: {  	[sflag:s20] =	ssyncset.done $0x0  }
0x228: {  	[sflag:s20] =	ssyncadd.s32 $0xFFFFAC00  }
0x229: {  	p4 =	por $0x1, $0x1;
	_ =	swait.ge [sflag:s20], $0x5400  }
0x22a: {  	s29 =	simm.s32 $0x0;
	[sflag:s20] =	ssyncset.done $0x0;
	s2 =	rddreg [dreg:$0x4]  }
0x22b: {  	s30 =	simm.s32 $0xFC00;
	s16 =	simm.s32 $0x5400  }
0x22c: {  	s7 =	simm.s32 $0x15000;
	s22 =	simm.s32 $0xA800;
	s17 =	simm.s32 $0x1A400  }
.LBB2_4:
0x22d: {  	[sflag:s20] =	ssyncadd.s32 $0xFFFFAC00  }
0x22e: {  	[tilespmem:s29], [sflag:$0x1] =	stream.strided.gather [hbm4b:s2+s8], $0x5400, s9, s8, $0x38;
	[tilespmem:$0x1F800] =	vst v63  }
0x22f: {  	s31 =	rddreg [dreg:$0x5]  }
0x230: {  	[tilespmem:s30], [sflag:$0x1] =	stream.strided.gather [hbm4b:s31+s8], $0x5400, s9, s8, $0x38;
	[tilespmem:$0x1F800] =	vst v63  }
0x231: {  	s0 =	rddreg [dreg:$0x6]  }
0x232: {  	[tilespmem:s16], [sflag:$0x2] =	stream.strided.gather [hbm4b:s0+s8], $0x5400, s9, s8, $0x38;
	[tilespmem:$0x1F800] =	vst v63  }
0x233: {  	s1 =	rddreg [dreg:$0x7]  }
0x234: {  	[tilespmem:s7], [sflag:$0x2] =	stream.strided.gather [hbm4b:s1+s8], $0x5400, s9, s8, $0x38;
	[tilespmem:$0x1F800] =	vst v63  }
0x235: {  	s4 =	rddreg [dreg:$0x8]  }
0x236: {  	[tilespmem:s22], [sflag:$0x3] =	stream.strided.gather [hbm4b:s4+s8], $0x5400, s9, s8, $0x38;
	[tilespmem:$0x1F800] =	vst v63  }
0x237: {  	s5 =	rddreg [dreg:$0x9]  }
0x238: {  	[tilespmem:s17], [sflag:$0x3] =	stream.strided.gather [hbm4b:s5+s8], $0x5400, s9, s8, $0x38;
	[tilespmem:$0x1F800] =	vst v63  }
0x239: {  	_ =	swait.ge [sflag:s13], $0x5400  }
0x23a: {  	[sflag:s13] =	ssyncset.done $0x0  }
0x23b: {  	[sflag:s13] =	ssyncadd.s32 $0xFFFFAC00  }
0x23c: {  	_ =	swait.ge [sflag:s13], $0x5400  }
0x23d: {  	s6 =	rddreg [dreg:$0xa];
	[sflag:s13] =	ssyncset.done $0x0  }
0x23e: {  	s10 =	rddreg [dreg:$0xb];
	[sflag:s13] =	ssyncadd.s32 $0xFFFFAC00  }
0x23f: {  	[hbm4b:s6+s8] =	stream.strided.scatter [tilespmem:s29], [sflag:$0x4], $0x5400, s9, s8, $0x38;
	[tilespmem:$0x1F800] =	vst v63  }
0x240: {  	s12 =	simm.s32 @!p3 $0x400;
	s6 =	sld [smem:$0x7D3]  }
0x241: {  	[hbm4b:s10+s8] =	stream.strided.scatter [tilespmem:s30], [sflag:$0x4], $0x5400, s9, s8, $0x38;
	[tilespmem:$0x1F800] =	vst v63  }
0x242: {  	s26 =	simm.s32 @!p3 $0x800;
	s1 =	simm.s32 @!p3 $0x0;
	s24 =	sld [smem:$0x7D2]  }
0x243: {  	[hbm4b:s6+s12] =	stream.strided.scatter @!p3 [tilespmem:s1], [sflag:$0x7], $0x5400, s26, s12, $0x38;
	[tilespmem:$0x1F800] =	vst v63  }
0x244: {  	s0 =	simm.s32 @!p3 $0x4;
	s10 =	simm.s32 @!p3 $0xFC00  }
0x245: {  	[hbm4b:s24+s12] =	stream.strided.scatter @!p3 [tilespmem:s10], [sflag:$0x7], $0x5400, s26, s12, $0x38;
	[tilespmem:$0x1F800] =	vst v63  }
0x246: {  	_ =	swait.ge @!p3 [sflag:s0], $0x5400  }
0x247: {  	[sflag:s0] =	ssyncset.done @!p3 $0x0  }
0x248: {  	[sflag:s0] =	ssyncadd.s32 @!p3 $0xFFFFAC00  }
0x249: {  	_ =	swait.ge @!p3 [sflag:s0], $0x5400  }
0x24a: {  	[sflag:s0] =	ssyncset.done @!p3 $0x0  }
0x24b: {  	[sflag:s0] =	ssyncadd.s32 @!p3 $0xFFFFAC00  }
0x24c: {  	_ =	swait.ge [sflag:s28], $0x5400  }
0x24d: {  	[sflag:s28] =	ssyncset.done $0x0  }
0x24e: {  	[sflag:s28] =	ssyncadd.s32 $0xFFFFAC00  }
0x24f: {  	_ =	swait.ge [sflag:s28], $0x5400  }
0x250: {  	[sflag:s28] =	ssyncset.done $0x0  }
0x251: {  	s11 =	rddreg [dreg:$0xc];
	[sflag:s28] =	ssyncadd.s32 $0xFFFFAC00  }
0x252: {  	[tilespmem:s29], [sflag:$0x1] =	stream.strided.gather [hbm4b:s11+s8], $0x5400, s9, s8, $0x38;
	[tilespmem:$0x1F800] =	vst v63  }
0x253: {  	s14 =	rddreg [dreg:$0xd]  }
0x254: {  	[tilespmem:s30], [sflag:$0x1] =	stream.strided.gather [hbm4b:s14+s8], $0x5400, s9, s8, $0x38;
	[tilespmem:$0x1F800] =	vst v63  }
0x255: {  	_ =	swait.ge [sflag:s21], $0x5400  }
0x256: {  	[sflag:s21] =	ssyncset.done $0x0  }
0x257: {  	[sflag:s21] =	ssyncadd.s32 $0xFFFFAC00  }
0x258: {  	_ =	swait.ge [sflag:s21], $0x5400  }
0x259: {  	s19 =	rddreg [dreg:$0xe];
	[sflag:s21] =	ssyncset.done $0x0  }
0x25a: {  	s25 =	rddreg [dreg:$0xf];
	[sflag:s21] =	ssyncadd.s32 $0xFFFFAC00  }
0x25b: {  	[hbm4b:s19+s8] =	stream.strided.scatter [tilespmem:s16], [sflag:$0x5], $0x5400, s9, s8, $0x38;
	[tilespmem:$0x1F800] =	vst v63  }
0x25c: {  	s14 =	sld [smem:$0x7D4]  }
0x25d: {  	[hbm4b:s25+s8] =	stream.strided.scatter [tilespmem:s7], [sflag:$0x5], $0x5400, s9, s8, $0x38;
	[tilespmem:$0x1F800] =	vst v63  }
0x25e: {  	s2 =	simm.s32 @!p3 $0x5400;
	s11 =	sld [smem:$0x7D5]  }
0x25f: {  	[hbm4b:s14+s12] =	stream.strided.scatter @!p3 [tilespmem:s2], [sflag:$0x8], $0x5400, s26, s12, $0x38;
	[tilespmem:$0x1F800] =	vst v63  }
0x260: {  	s2 =	simm.s32 @!p3 $0x15000  }
0x261: {  	[hbm4b:s11+s12] =	stream.strided.scatter @!p3 [tilespmem:s2], [sflag:$0x8], $0x5400, s26, s12, $0x38;
	[tilespmem:$0x1F800] =	vst v63  }
0x262: {  	s2 =	simm.s32 @!p3 $0x5  }
0x263: {  	_ =	swait.ge @!p3 [sflag:s2], $0x5400  }
0x264: {  	[sflag:s2] =	ssyncset.done @!p3 $0x0  }
0x265: {  	[sflag:s2] =	ssyncadd.s32 @!p3 $0xFFFFAC00  }
0x266: {  	_ =	swait.ge @!p3 [sflag:s2], $0x5400  }
0x267: {  	[sflag:s2] =	ssyncset.done @!p3 $0x0  }
0x268: {  	[sflag:s2] =	ssyncadd.s32 @!p3 $0xFFFFAC00;
	s2 =	sld [smem:$0x7CC];
	_ =	sdelay $0x2  }
0x269: {  	_ =	swait.ge [sflag:s2], $0x5400  }
0x26a: {  	[sflag:s2] =	ssyncset.done $0x0  }
0x26b: {  	[sflag:s2] =	ssyncadd.s32 $0xFFFFAC00  }
0x26c: {  	_ =	swait.ge [sflag:s2], $0x5400  }
0x26d: {  	[sflag:s2] =	ssyncset.done $0x0  }
0x26e: {  	s4 =	rddreg [dreg:$0x10];
	[sflag:s2] =	ssyncadd.s32 $0xFFFFAC00  }
0x26f: {  	[tilespmem:s16], [sflag:$0x2] =	stream.strided.gather [hbm4b:s4+s8], $0x5400, s9, s8, $0x38;
	[tilespmem:$0x1F800] =	vst v63  }
0x270: {  	s5 =	rddreg [dreg:$0x11]  }
0x271: {  	[tilespmem:s7], [sflag:$0x2] =	stream.strided.gather [hbm4b:s5+s8], $0x5400, s9, s8, $0x38;
	[tilespmem:$0x1F800] =	vst v63  }
0x272: {  	_ =	swait.ge [sflag:s18], $0x5400  }
0x273: {  	[sflag:s18] =	ssyncset.done $0x0  }
0x274: {  	[sflag:s18] =	ssyncadd.s32 $0xFFFFAC00  }
0x275: {  	_ =	swait.ge [sflag:s18], $0x5400  }
0x276: {  	[sflag:s18] =	ssyncset.done $0x0  }
0x277: {  	s19 =	rddreg [dreg:$0x12];
	[sflag:s18] =	ssyncadd.s32 $0xFFFFAC00  }
0x278: {  	[hbm4b:s19+s8] =	stream.strided.scatter [tilespmem:s22], [sflag:$0x6], $0x5400, s9, s8, $0x38;
	[tilespmem:$0x1F800] =	vst v63  }
0x279: {  	s25 =	rddreg [dreg:$0x13]  }
0x27a: {  	[hbm4b:s25+s8] =	stream.strided.scatter [tilespmem:s17], [sflag:$0x6], $0x5400, s9, s8, $0x38;
	[tilespmem:$0x1F800] =	vst v63  }
0x27b: {  	s25 =	sld [smem:$0x7D6];
	_ =	sdelay $0x1  }
0x27c: {  	s2 =	simm.s32 @!p3 $0xA800;
	s5 =	sld [smem:$0x7D7]  }
0x27d: {  	[hbm4b:s25+s12] =	stream.strided.scatter @!p3 [tilespmem:s2], [sflag:$0x9], $0x5400, s26, s12, $0x38;
	[tilespmem:$0x1F800] =	vst v63  }
0x27e: {  	s2 =	simm.s32 @!p3 $0x1A400  }
0x27f: {  	[hbm4b:s5+s12] =	stream.strided.scatter @!p3 [tilespmem:s2], [sflag:$0x9], $0x5400, s26, s12, $0x38;
	[tilespmem:$0x1F800] =	vst v63  }
0x280: {  	s2 =	simm.s32 @!p3 $0x6  }
0x281: {  	_ =	swait.ge @!p3 [sflag:s2], $0x5400  }
0x282: {  	[sflag:s2] =	ssyncset.done @!p3 $0x0  }
0x283: {  	[sflag:s2] =	ssyncadd.s32 @!p3 $0xFFFFAC00  }
0x284: {  	_ =	swait.ge @!p3 [sflag:s2], $0x5400  }
0x285: {  	s4 =	sld [smem:$0x7CD]  }
0x286: {  	[sflag:s2] =	ssyncset.done @!p3 $0x0  }
0x287: {  	[sflag:s2] =	ssyncadd.s32 @!p3 $0xFFFFAC00  }
0x288: {  	_ =	swait.ge [sflag:s4], $0x5400  }
0x289: {  	[sflag:s4] =	ssyncset.done $0x0  }
0x28a: {  	[sflag:s4] =	ssyncadd.s32 $0xFFFFAC00  }
0x28b: {  	_ =	swait.ge [sflag:s4], $0x5400  }
0x28c: {  	[sflag:s4] =	ssyncset.done $0x0  }
0x28d: {  	s19 =	rddreg [dreg:$0x14];
	[sflag:s4] =	ssyncadd.s32 $0xFFFFAC00  }
0x28e: {  	[tilespmem:s22], [sflag:$0x3] =	stream.strided.gather [hbm4b:s19+s8], $0x5400, s9, s8, $0x38;
	[tilespmem:$0x1F800] =	vst v63  }
0x28f: {  	s4 =	rddreg [dreg:$0x15]  }
0x290: {  	[tilespmem:s17], [sflag:$0x3] =	stream.strided.gather [hbm4b:s4+s8], $0x5400, s9, s8, $0x38;
	[tilespmem:$0x1F800] =	vst v63  }
0x291: {  	_ =	swait.ge [sflag:s13], $0x5400  }
0x292: {  	[sflag:s13] =	ssyncset.done $0x0  }
0x293: {  	[sflag:s13] =	ssyncadd.s32 $0xFFFFAC00  }
0x294: {  	_ =	swait.ge [sflag:s13], $0x5400  }
0x295: {  	[sflag:s13] =	ssyncset.done $0x0  }
0x296: {  	s19 =	rddreg [dreg:$0x16];
	[sflag:s13] =	ssyncadd.s32 $0xFFFFAC00  }
0x297: {  	[hbm4b:s19+s8] =	stream.strided.scatter [tilespmem:s29], [sflag:$0x4], $0x5400, s9, s8, $0x38;
	[tilespmem:$0x1F800] =	vst v63  }
0x298: {  	s4 =	rddreg [dreg:$0x17]  }
0x299: {  	[hbm4b:s4+s8] =	stream.strided.scatter [tilespmem:s30], [sflag:$0x4], $0x5400, s9, s8, $0x38;
	[tilespmem:$0x1F800] =	vst v63  }
0x29a: {  	s4 =	sld [smem:$0x7CB];
	_ =	sdelay $0x1  }
0x29b: {  	s19 =	sld [smem:$0x7CA]  }
0x29c: {  	[hbm4b:s4+s12] =	stream.strided.scatter @!p3 [tilespmem:s1], [sflag:$0x7], $0x5400, s26, s12, $0x38;
	[tilespmem:$0x1F800] =	vst v63  }
0x29d: {  	_ = 	snop  }
0x29e: {  	[hbm4b:s19+s12] =	stream.strided.scatter @!p3 [tilespmem:s10], [sflag:$0x7], $0x5400, s26, s12, $0x38;
	[tilespmem:$0x1F800] =	vst v63  }
0x29f: {  	_ =	swait.ge @!p3 [sflag:s0], $0x5400  }
0x2a0: {  	[sflag:s0] =	ssyncset.done @!p3 $0x0  }
0x2a1: {  	[sflag:s0] =	ssyncadd.s32 @!p3 $0xFFFFAC00  }
0x2a2: {  	_ =	swait.ge @!p3 [sflag:s0], $0x5400  }
0x2a3: {  	[sflag:s0] =	ssyncset.done @!p3 $0x0  }
0x2a4: {  	[sflag:s0] =	ssyncadd.s32 @!p3 $0xFFFFAC00  }
0x2a5: {  	_ =	swait.ge [sflag:s28], $0x5400  }
0x2a6: {  	[sflag:s28] =	ssyncset.done $0x0  }
0x2a7: {  	[sflag:s28] =	ssyncadd.s32 $0xFFFFAC00  }
0x2a8: {  	_ =	swait.ge [sflag:s28], $0x5400  }
0x2a9: {  	[sflag:s28] =	ssyncset.done $0x0  }
0x2aa: {  	s10 =	rddreg [dreg:$0x18];
	[sflag:s28] =	ssyncadd.s32 $0xFFFFAC00  }
0x2ab: {  	[tilespmem:s29], [sflag:$0x1] =	stream.strided.gather [hbm4b:s10+s8], $0x5400, s9, s8, $0x38;
	[tilespmem:$0x1F800] =	vst v63  }
0x2ac: {  	s12 =	rddreg [dreg:$0x19]  }
0x2ad: {  	[tilespmem:s30], [sflag:$0x1] =	stream.strided.gather [hbm4b:s12+s8], $0x5400, s9, s8, $0x38;
	[tilespmem:$0x1F800] =	vst v63  }
0x2ae: {  	_ =	swait.ge [sflag:s21], $0x5400  }
0x2af: {  	[sflag:s21] =	ssyncset.done $0x0  }
0x2b0: {  	[sflag:s21] =	ssyncadd.s32 $0xFFFFAC00  }
0x2b1: {  	_ =	swait.ge [sflag:s21], $0x5400  }
0x2b2: {  	[sflag:s21] =	ssyncset.done $0x0  }
0x2b3: {  	s26 =	rddreg [dreg:$0x1a];
	[sflag:s21] =	ssyncadd.s32 $0xFFFFAC00  }
0x2b4: {  	[hbm4b:s26+s8] =	stream.strided.scatter [tilespmem:s16], [sflag:$0x5], $0x5400, s9, s8, $0x38;
	[tilespmem:$0x1F800] =	vst v63  }
0x2b5: {  	s0 =	rddreg [dreg:$0x1b]  }
0x2b6: {  	[hbm4b:s0+s8] =	stream.strided.scatter [tilespmem:s7], [sflag:$0x5], $0x5400, s9, s8, $0x38;
	[tilespmem:$0x1F800] =	vst v63  }
0x2b7: {  	s1 =	simm.s32 @!p2 $0x5400;
	s10 =	simm.s32 @!p2 $0x800;
	s0 =	simm.s32 @!p2 $0x400  }
0x2b8: {  	[hbm4b:s6+s0] =	stream.strided.scatter @!p2 [tilespmem:s1], [sflag:$0x8], $0x5400, s10, s0, $0x38;
	[tilespmem:$0x1F800] =	vst v63  }
0x2b9: {  	s12 =	simm.s32 @!p2 $0x15000;
	s26 =	simm.s32 @!p2 $0x5  }
0x2ba: {  	[hbm4b:s24+s0] =	stream.strided.scatter @!p2 [tilespmem:s12], [sflag:$0x8], $0x5400, s10, s0, $0x38;
	[tilespmem:$0x1F800] =	vst v63  }
0x2bb: {  	_ =	swait.ge @!p2 [sflag:s26], $0x5400  }
0x2bc: {  	[sflag:s26] =	ssyncset.done @!p2 $0x0  }
0x2bd: {  	[sflag:s26] =	ssyncadd.s32 @!p2 $0xFFFFAC00  }
0x2be: {  	_ =	swait.ge @!p2 [sflag:s26], $0x5400  }
0x2bf: {  	[sflag:s26] =	ssyncset.done @!p2 $0x0  }
0x2c0: {  	[sflag:s26] =	ssyncadd.s32 @!p2 $0xFFFFAC00  }
0x2c1: {  	_ =	swait.ge [sflag:s3], $0x5400  }
0x2c2: {  	[sflag:s3] =	ssyncset.done $0x0  }
0x2c3: {  	[sflag:s3] =	ssyncadd.s32 $0xFFFFAC00  }
0x2c4: {  	_ =	swait.ge [sflag:s3], $0x5400  }
0x2c5: {  	[sflag:s3] =	ssyncset.done $0x0  }
0x2c6: {  	s2 =	rddreg [dreg:$0x1c];
	[sflag:s3] =	ssyncadd.s32 $0xFFFFAC00  }
0x2c7: {  	[tilespmem:s16], [sflag:$0x2] =	stream.strided.gather [hbm4b:s2+s8], $0x5400, s9, s8, $0x38;
	[tilespmem:$0x1F800] =	vst v63  }
0x2c8: {  	s31 =	rddreg [dreg:$0x1d]  }
0x2c9: {  	[tilespmem:s7], [sflag:$0x2] =	stream.strided.gather [hbm4b:s31+s8], $0x5400, s9, s8, $0x38;
	[tilespmem:$0x1F800] =	vst v63  }
0x2ca: {  	_ =	swait.ge [sflag:s18], $0x5400  }
0x2cb: {  	[sflag:s18] =	ssyncset.done $0x0  }
0x2cc: {  	[sflag:s18] =	ssyncadd.s32 $0xFFFFAC00  }
0x2cd: {  	_ =	swait.ge [sflag:s18], $0x5400  }
0x2ce: {  	[sflag:s18] =	ssyncset.done $0x0  }
0x2cf: {  	s2 =	rddreg [dreg:$0x1e];
	[sflag:s18] =	ssyncadd.s32 $0xFFFFAC00  }
0x2d0: {  	[hbm4b:s2+s8] =	stream.strided.scatter [tilespmem:s22], [sflag:$0x6], $0x5400, s9, s8, $0x38;
	[tilespmem:$0x1F800] =	vst v63  }
0x2d1: {  	s31 =	rddreg [dreg:$0x1f]  }
0x2d2: {  	[hbm4b:s31+s8] =	stream.strided.scatter [tilespmem:s17], [sflag:$0x6], $0x5400, s9, s8, $0x38;
	[tilespmem:$0x1F800] =	vst v63  }
0x2d3: {  	s2 =	simm.s32 @!p2 $0xA800  }
0x2d4: {  	[hbm4b:s14+s0] =	stream.strided.scatter @!p2 [tilespmem:s2], [sflag:$0x9], $0x5400, s10, s0, $0x38;
	[tilespmem:$0x1F800] =	vst v63  }
0x2d5: {  	s2 =	simm.s32 @!p2 $0x1A400  }
0x2d6: {  	[hbm4b:s11+s0] =	stream.strided.scatter @!p2 [tilespmem:s2], [sflag:$0x9], $0x5400, s10, s0, $0x38;
	[tilespmem:$0x1F800] =	vst v63  }
0x2d7: {  	s2 =	simm.s32 @!p2 $0x6  }
0x2d8: {  	_ =	swait.ge @!p2 [sflag:s2], $0x5400  }
0x2d9: {  	[sflag:s2] =	ssyncset.done @!p2 $0x0  }
0x2da: {  	[sflag:s2] =	ssyncadd.s32 @!p2 $0xFFFFAC00  }
0x2db: {  	_ =	swait.ge @!p2 [sflag:s2], $0x5400  }
0x2dc: {  	s31 =	sld [smem:$0x7CE]  }
0x2dd: {  	[sflag:s2] =	ssyncset.done @!p2 $0x0  }
0x2de: {  	[sflag:s2] =	ssyncadd.s32 @!p2 $0xFFFFAC00  }
0x2df: {  	_ =	swait.ge [sflag:s31], $0x5400  }
0x2e0: {  	[sflag:s31] =	ssyncset.done $0x0  }
0x2e1: {  	[sflag:s31] =	ssyncadd.s32 $0xFFFFAC00  }
0x2e2: {  	_ =	swait.ge [sflag:s31], $0x5400  }
0x2e3: {  	s2 =	sld [smem:$0x7DA]  }
0x2e4: {  	[sflag:s31] =	ssyncset.done $0x0  }
0x2e5: {  	[sflag:s31] =	ssyncadd.s32 $0xFFFFAC00;
	s31 =	sld [smem:$0x7DB]  }
0x2e6: {  	[tilespmem:s22], [sflag:$0x3] =	stream.strided.gather [hbm4b:s2+s8], $0x5400, s9, s8, $0x38;
	[tilespmem:$0x1F800] =	vst v63  }
0x2e7: {  	_ = 	snop  }
0x2e8: {  	[tilespmem:s17], [sflag:$0x3] =	stream.strided.gather [hbm4b:s31+s8], $0x5400, s9, s8, $0x38;
	[tilespmem:$0x1F800] =	vst v63  }
0x2e9: {  	_ =	swait.ge [sflag:s13], $0x5400  }
0x2ea: {  	[sflag:s13] =	ssyncset.done $0x0  }
0x2eb: {  	[sflag:s13] =	ssyncadd.s32 $0xFFFFAC00  }
0x2ec: {  	_ =	swait.ge [sflag:s13], $0x5400  }
0x2ed: {  	s2 =	sld [smem:$0x7DC]  }
0x2ee: {  	[sflag:s13] =	ssyncset.done $0x0  }
0x2ef: {  	s31 =	sld [smem:$0x7DD];
	[sflag:s13] =	ssyncadd.s32 $0xFFFFAC00  }
0x2f0: {  	[hbm4b:s2+s8] =	stream.strided.scatter [tilespmem:s29], [sflag:$0x4], $0x5400, s9, s8, $0x38;
	[tilespmem:$0x1F800] =	vst v63  }
0x2f1: {  	_ = 	snop  }
0x2f2: {  	[hbm4b:s31+s8] =	stream.strided.scatter [tilespmem:s30], [sflag:$0x4], $0x5400, s9, s8, $0x38;
	[tilespmem:$0x1F800] =	vst v63  }
0x2f3: {  	s2 =	simm.s32 @!p2 $0x0  }
0x2f4: {  	[hbm4b:s25+s0] =	stream.strided.scatter @!p2 [tilespmem:s2], [sflag:$0x7], $0x5400, s10, s0, $0x38;
	[tilespmem:$0x1F800] =	vst v63  }
0x2f5: {  	s2 =	simm.s32 @!p2 $0xFC00  }
0x2f6: {  	[hbm4b:s5+s0] =	stream.strided.scatter @!p2 [tilespmem:s2], [sflag:$0x7], $0x5400, s10, s0, $0x38;
	[tilespmem:$0x1F800] =	vst v63  }
0x2f7: {  	s2 =	simm.s32 @!p2 $0x4  }
0x2f8: {  	_ =	swait.ge @!p2 [sflag:s2], $0x5400  }
0x2f9: {  	[sflag:s2] =	ssyncset.done @!p2 $0x0  }
0x2fa: {  	[sflag:s2] =	ssyncadd.s32 @!p2 $0xFFFFAC00  }
0x2fb: {  	_ =	swait.ge @!p2 [sflag:s2], $0x5400  }
0x2fc: {  	s31 =	sld [smem:$0x7CF]  }
0x2fd: {  	[sflag:s2] =	ssyncset.done @!p2 $0x0  }
0x2fe: {  	[sflag:s2] =	ssyncadd.s32 @!p2 $0xFFFFAC00  }
0x2ff: {  	_ =	swait.ge [sflag:s31], $0x5400  }
0x300: {  	[sflag:s31] =	ssyncset.done $0x0  }
0x301: {  	[sflag:s31] =	ssyncadd.s32 $0xFFFFAC00  }
0x302: {  	_ =	swait.ge [sflag:s31], $0x5400  }
0x303: {  	s2 =	sld [smem:$0x7DE]  }
0x304: {  	[sflag:s31] =	ssyncset.done $0x0  }
0x305: {  	[sflag:s31] =	ssyncadd.s32 $0xFFFFAC00;
	s31 =	sld [smem:$0x7DF]  }
0x306: {  	[tilespmem:s29], [sflag:$0x1] =	stream.strided.gather [hbm4b:s2+s8], $0x5400, s9, s8, $0x38;
	[tilespmem:$0x1F800] =	vst v63  }
0x307: {  	_ = 	snop  }
0x308: {  	[tilespmem:s30], [sflag:$0x1] =	stream.strided.gather [hbm4b:s31+s8], $0x5400, s9, s8, $0x38;
	[tilespmem:$0x1F800] =	vst v63  }
0x309: {  	_ =	swait.ge [sflag:s21], $0x5400  }
0x30a: {  	[sflag:s21] =	ssyncset.done $0x0  }
0x30b: {  	[sflag:s21] =	ssyncadd.s32 $0xFFFFAC00  }
0x30c: {  	_ =	swait.ge [sflag:s21], $0x5400  }
0x30d: {  	s2 =	sld [smem:$0x7E0]  }
0x30e: {  	[sflag:s21] =	ssyncset.done $0x0  }
0x30f: {  	s31 =	sld [smem:$0x7E1];
	[sflag:s21] =	ssyncadd.s32 $0xFFFFAC00  }
0x310: {  	[hbm4b:s2+s8] =	stream.strided.scatter [tilespmem:s16], [sflag:$0x5], $0x5400, s9, s8, $0x38;
	[tilespmem:$0x1F800] =	vst v63  }
0x311: {  	_ = 	snop  }
0x312: {  	[hbm4b:s31+s8] =	stream.strided.scatter [tilespmem:s7], [sflag:$0x5], $0x5400, s9, s8, $0x38;
	[tilespmem:$0x1F800] =	vst v63  }
0x313: {  	_ = 	snop  }
0x314: {  	[hbm4b:s4+s0] =	stream.strided.scatter @!p2 [tilespmem:s1], [sflag:$0x8], $0x5400, s10, s0, $0x38;
	[tilespmem:$0x1F800] =	vst v63  }
0x315: {  	_ = 	snop  }
0x316: {  	[hbm4b:s19+s0] =	stream.strided.scatter @!p2 [tilespmem:s12], [sflag:$0x8], $0x5400, s10, s0, $0x38;
	[tilespmem:$0x1F800] =	vst v63  }
0x317: {  	_ =	swait.ge @!p2 [sflag:s26], $0x5400  }
0x318: {  	[sflag:s26] =	ssyncset.done @!p2 $0x0  }
0x319: {  	[sflag:s26] =	ssyncadd.s32 @!p2 $0xFFFFAC00  }
0x31a: {  	_ =	swait.ge @!p2 [sflag:s26], $0x5400  }
0x31b: {  	[sflag:s26] =	ssyncset.done @!p2 $0x0  }
0x31c: {  	[sflag:s26] =	ssyncadd.s32 @!p2 $0xFFFFAC00  }
0x31d: {  	_ =	swait.ge [sflag:s3], $0x5400  }
0x31e: {  	[sflag:s3] =	ssyncset.done $0x0  }
0x31f: {  	[sflag:s3] =	ssyncadd.s32 $0xFFFFAC00  }
0x320: {  	_ =	swait.ge [sflag:s3], $0x5400  }
0x321: {  	s1 =	sld [smem:$0x7E2]  }
0x322: {  	[sflag:s3] =	ssyncset.done $0x0  }
0x323: {  	s10 =	sld [smem:$0x7E3];
	[sflag:s3] =	ssyncadd.s32 $0xFFFFAC00  }
0x324: {  	[tilespmem:s16], [sflag:$0x2] =	stream.strided.gather [hbm4b:s1+s8], $0x5400, s9, s8, $0x38;
	[tilespmem:$0x1F800] =	vst v63  }
0x325: {  	_ = 	snop  }
0x326: {  	[tilespmem:s7], [sflag:$0x2] =	stream.strided.gather [hbm4b:s10+s8], $0x5400, s9, s8, $0x38;
	[tilespmem:$0x1F800] =	vst v63  }
0x327: {  	_ =	swait.ge [sflag:s18], $0x5400  }
0x328: {  	[sflag:s18] =	ssyncset.done $0x0  }
0x329: {  	[sflag:s18] =	ssyncadd.s32 $0xFFFFAC00  }
0x32a: {  	_ =	swait.ge [sflag:s18], $0x5400  }
0x32b: {  	s12 =	sld [smem:$0x7E4]  }
0x32c: {  	[sflag:s18] =	ssyncset.done $0x0  }
0x32d: {  	s26 =	sld [smem:$0x7E5];
	[sflag:s18] =	ssyncadd.s32 $0xFFFFAC00  }
0x32e: {  	[hbm4b:s12+s8] =	stream.strided.scatter [tilespmem:s22], [sflag:$0x6], $0x5400, s9, s8, $0x38;
	[tilespmem:$0x1F800] =	vst v63  }
0x32f: {  	_ = 	snop  }
0x330: {  	[hbm4b:s26+s8] =	stream.strided.scatter [tilespmem:s17], [sflag:$0x6], $0x5400, s9, s8, $0x38;
	[tilespmem:$0x1F800] =	vst v63  }
0x331: {  	s0 =	simm.s32 @!p1 $0xA800;
	s1 =	simm.s32 @!p1 $0x400;
	s10 =	simm.s32 @!p1 $0x800  }
0x332: {  	[hbm4b:s6+s1] =	stream.strided.scatter @!p1 [tilespmem:s0], [sflag:$0x9], $0x5400, s10, s1, $0x38;
	[tilespmem:$0x1F800] =	vst v63  }
0x333: {  	s12 =	simm.s32 @!p1 $0x1A400;
	s26 =	simm.s32 @!p1 $0x6  }
0x334: {  	[hbm4b:s24+s1] =	stream.strided.scatter @!p1 [tilespmem:s12], [sflag:$0x9], $0x5400, s10, s1, $0x38;
	[tilespmem:$0x1F800] =	vst v63  }
0x335: {  	_ =	swait.ge @!p1 [sflag:s26], $0x5400  }
0x336: {  	[sflag:s26] =	ssyncset.done @!p1 $0x0  }
0x337: {  	[sflag:s26] =	ssyncadd.s32 @!p1 $0xFFFFAC00  }
0x338: {  	_ =	swait.ge @!p1 [sflag:s26], $0x5400  }
0x339: {  	[sflag:s26] =	ssyncset.done @!p1 $0x0  }
0x33a: {  	[sflag:s26] =	ssyncadd.s32 @!p1 $0xFFFFAC00  }
0x33b: {  	_ =	swait.ge [sflag:s15], $0x5400  }
0x33c: {  	[sflag:s15] =	ssyncset.done $0x0  }
0x33d: {  	[sflag:s15] =	ssyncadd.s32 $0xFFFFAC00  }
0x33e: {  	_ =	swait.ge [sflag:s15], $0x5400  }
0x33f: {  	s2 =	sld [smem:$0x7E6]  }
0x340: {  	[sflag:s15] =	ssyncset.done $0x0  }
0x341: {  	s31 =	sld [smem:$0x7E7];
	[sflag:s15] =	ssyncadd.s32 $0xFFFFAC00  }
0x342: {  	[tilespmem:s22], [sflag:$0x3] =	stream.strided.gather [hbm4b:s2+s8], $0x5400, s9, s8, $0x38;
	[tilespmem:$0x1F800] =	vst v63  }
0x343: {  	_ = 	snop  }
0x344: {  	[tilespmem:s17], [sflag:$0x3] =	stream.strided.gather [hbm4b:s31+s8], $0x5400, s9, s8, $0x38;
	[tilespmem:$0x1F800] =	vst v63  }
0x345: {  	_ =	swait.ge [sflag:s13], $0x5400  }
0x346: {  	[sflag:s13] =	ssyncset.done $0x0  }
0x347: {  	[sflag:s13] =	ssyncadd.s32 $0xFFFFAC00  }
0x348: {  	_ =	swait.ge [sflag:s13], $0x5400  }
0x349: {  	s2 =	sld [smem:$0x7E8]  }
0x34a: {  	[sflag:s13] =	ssyncset.done $0x0  }
0x34b: {  	s31 =	sld [smem:$0x7E9];
	[sflag:s13] =	ssyncadd.s32 $0xFFFFAC00  }
0x34c: {  	[hbm4b:s2+s8] =	stream.strided.scatter [tilespmem:s29], [sflag:$0x4], $0x5400, s9, s8, $0x38;
	[tilespmem:$0x1F800] =	vst v63  }
0x34d: {  	_ = 	snop  }
0x34e: {  	[hbm4b:s31+s8] =	stream.strided.scatter [tilespmem:s30], [sflag:$0x4], $0x5400, s9, s8, $0x38;
	[tilespmem:$0x1F800] =	vst v63  }
0x34f: {  	s2 =	simm.s32 @!p1 $0x0  }
0x350: {  	[hbm4b:s14+s1] =	stream.strided.scatter @!p1 [tilespmem:s2], [sflag:$0x7], $0x5400, s10, s1, $0x38;
	[tilespmem:$0x1F800] =	vst v63  }
0x351: {  	s2 =	simm.s32 @!p1 $0xFC00  }
0x352: {  	[hbm4b:s11+s1] =	stream.strided.scatter @!p1 [tilespmem:s2], [sflag:$0x7], $0x5400, s10, s1, $0x38;
	[tilespmem:$0x1F800] =	vst v63  }
0x353: {  	s2 =	simm.s32 @!p1 $0x4  }
0x354: {  	_ =	swait.ge @!p1 [sflag:s2], $0x5400  }
0x355: {  	[sflag:s2] =	ssyncset.done @!p1 $0x0  }
0x356: {  	[sflag:s2] =	ssyncadd.s32 @!p1 $0xFFFFAC00  }
0x357: {  	_ =	swait.ge @!p1 [sflag:s2], $0x5400  }
0x358: {  	s31 =	sld [smem:$0x7D0]  }
0x359: {  	[sflag:s2] =	ssyncset.done @!p1 $0x0  }
0x35a: {  	[sflag:s2] =	ssyncadd.s32 @!p1 $0xFFFFAC00  }
0x35b: {  	_ =	swait.ge [sflag:s31], $0x5400  }
0x35c: {  	[sflag:s31] =	ssyncset.done $0x0  }
0x35d: {  	[sflag:s31] =	ssyncadd.s32 $0xFFFFAC00  }
0x35e: {  	_ =	swait.ge [sflag:s31], $0x5400  }
0x35f: {  	s2 =	sld [smem:$0x7EA]  }
0x360: {  	[sflag:s31] =	ssyncset.done $0x0  }
0x361: {  	[sflag:s31] =	ssyncadd.s32 $0xFFFFAC00;
	s31 =	sld [smem:$0x7EB]  }
0x362: {  	[tilespmem:s29], [sflag:$0x1] =	stream.strided.gather [hbm4b:s2+s8], $0x5400, s9, s8, $0x38;
	[tilespmem:$0x1F800] =	vst v63  }
0x363: {  	_ = 	snop  }
0x364: {  	[tilespmem:s30], [sflag:$0x1] =	stream.strided.gather [hbm4b:s31+s8], $0x5400, s9, s8, $0x38;
	[tilespmem:$0x1F800] =	vst v63  }
0x365: {  	_ =	swait.ge [sflag:s21], $0x5400  }
0x366: {  	[sflag:s21] =	ssyncset.done $0x0  }
0x367: {  	[sflag:s21] =	ssyncadd.s32 $0xFFFFAC00  }
0x368: {  	_ =	swait.ge [sflag:s21], $0x5400  }
0x369: {  	s2 =	sld [smem:$0x7EC]  }
0x36a: {  	[sflag:s21] =	ssyncset.done $0x0  }
0x36b: {  	s31 =	sld [smem:$0x7ED];
	[sflag:s21] =	ssyncadd.s32 $0xFFFFAC00  }
0x36c: {  	[hbm4b:s2+s8] =	stream.strided.scatter [tilespmem:s16], [sflag:$0x5], $0x5400, s9, s8, $0x38;
	[tilespmem:$0x1F800] =	vst v63  }
0x36d: {  	_ = 	snop  }
0x36e: {  	[hbm4b:s31+s8] =	stream.strided.scatter [tilespmem:s7], [sflag:$0x5], $0x5400, s9, s8, $0x38;
	[tilespmem:$0x1F800] =	vst v63  }
0x36f: {  	s2 =	simm.s32 @!p1 $0x5400  }
0x370: {  	[hbm4b:s25+s1] =	stream.strided.scatter @!p1 [tilespmem:s2], [sflag:$0x8], $0x5400, s10, s1, $0x38;
	[tilespmem:$0x1F800] =	vst v63  }
0x371: {  	s2 =	simm.s32 @!p1 $0x15000  }
0x372: {  	[hbm4b:s5+s1] =	stream.strided.scatter @!p1 [tilespmem:s2], [sflag:$0x8], $0x5400, s10, s1, $0x38;
	[tilespmem:$0x1F800] =	vst v63  }
0x373: {  	s2 =	simm.s32 @!p1 $0x5  }
0x374: {  	_ =	swait.ge @!p1 [sflag:s2], $0x5400  }
0x375: {  	[sflag:s2] =	ssyncset.done @!p1 $0x0  }
0x376: {  	[sflag:s2] =	ssyncadd.s32 @!p1 $0xFFFFAC00  }
0x377: {  	_ =	swait.ge @!p1 [sflag:s2], $0x5400  }
0x378: {  	s31 =	sld [smem:$0x7D1]  }
0x379: {  	[sflag:s2] =	ssyncset.done @!p1 $0x0  }
0x37a: {  	[sflag:s2] =	ssyncadd.s32 @!p1 $0xFFFFAC00  }
0x37b: {  	_ =	swait.ge [sflag:s31], $0x5400  }
0x37c: {  	[sflag:s31] =	ssyncset.done $0x0  }
0x37d: {  	[sflag:s31] =	ssyncadd.s32 $0xFFFFAC00  }
0x37e: {  	_ =	swait.ge [sflag:s31], $0x5400  }
0x37f: {  	s2 =	sld [smem:$0x7EE]  }
0x380: {  	[sflag:s31] =	ssyncset.done $0x0  }
0x381: {  	[sflag:s31] =	ssyncadd.s32 $0xFFFFAC00;
	s31 =	sld [smem:$0x7EF]  }
0x382: {  	[tilespmem:s16], [sflag:$0x2] =	stream.strided.gather [hbm4b:s2+s8], $0x5400, s9, s8, $0x38;
	[tilespmem:$0x1F800] =	vst v63  }
0x383: {  	_ = 	snop  }
0x384: {  	[tilespmem:s7], [sflag:$0x2] =	stream.strided.gather [hbm4b:s31+s8], $0x5400, s9, s8, $0x38;
	[tilespmem:$0x1F800] =	vst v63  }
0x385: {  	_ =	swait.ge [sflag:s18], $0x5400  }
0x386: {  	[sflag:s18] =	ssyncset.done $0x0  }
0x387: {  	[sflag:s18] =	ssyncadd.s32 $0xFFFFAC00  }
0x388: {  	_ =	swait.ge [sflag:s18], $0x5400  }
0x389: {  	s2 =	sld [smem:$0x7F0]  }
0x38a: {  	[sflag:s18] =	ssyncset.done $0x0  }
0x38b: {  	s31 =	sld [smem:$0x7F1];
	[sflag:s18] =	ssyncadd.s32 $0xFFFFAC00  }
0x38c: {  	[hbm4b:s2+s8] =	stream.strided.scatter [tilespmem:s22], [sflag:$0x6], $0x5400, s9, s8, $0x38;
	[tilespmem:$0x1F800] =	vst v63  }
0x38d: {  	_ = 	snop  }
0x38e: {  	[hbm4b:s31+s8] =	stream.strided.scatter [tilespmem:s17], [sflag:$0x6], $0x5400, s9, s8, $0x38;
	[tilespmem:$0x1F800] =	vst v63  }
0x38f: {  	_ = 	snop  }
0x390: {  	[hbm4b:s4+s1] =	stream.strided.scatter @!p1 [tilespmem:s0], [sflag:$0x9], $0x5400, s10, s1, $0x38;
	[tilespmem:$0x1F800] =	vst v63  }
0x391: {  	_ = 	snop  }
0x392: {  	[hbm4b:s19+s1] =	stream.strided.scatter @!p1 [tilespmem:s12], [sflag:$0x9], $0x5400, s10, s1, $0x38;
	[tilespmem:$0x1F800] =	vst v63  }
0x393: {  	_ =	swait.ge @!p1 [sflag:s26], $0x5400  }
0x394: {  	[sflag:s26] =	ssyncset.done @!p1 $0x0  }
0x395: {  	[sflag:s26] =	ssyncadd.s32 @!p1 $0xFFFFAC00  }
0x396: {  	_ =	swait.ge @!p1 [sflag:s26], $0x5400  }
0x397: {  	[sflag:s26] =	ssyncset.done @!p1 $0x0  }
0x398: {  	[sflag:s26] =	ssyncadd.s32 @!p1 $0xFFFFAC00  }
0x399: {  	_ =	swait.ge [sflag:s15], $0x5400  }
0x39a: {  	[sflag:s15] =	ssyncset.done $0x0  }
0x39b: {  	[sflag:s15] =	ssyncadd.s32 $0xFFFFAC00  }
0x39c: {  	_ =	swait.ge [sflag:s15], $0x5400  }
0x39d: {  	s0 =	sld [smem:$0x7F2]  }
0x39e: {  	[sflag:s15] =	ssyncset.done $0x0  }
0x39f: {  	s1 =	sld [smem:$0x7F3];
	[sflag:s15] =	ssyncadd.s32 $0xFFFFAC00  }
0x3a0: {  	[tilespmem:s22], [sflag:$0x3] =	stream.strided.gather [hbm4b:s0+s8], $0x5400, s9, s8, $0x38;
	[tilespmem:$0x1F800] =	vst v63  }
0x3a1: {  	_ = 	snop  }
0x3a2: {  	[tilespmem:s17], [sflag:$0x3] =	stream.strided.gather [hbm4b:s1+s8], $0x5400, s9, s8, $0x38;
	[tilespmem:$0x1F800] =	vst v63  }
0x3a3: {  	_ =	swait.ge [sflag:s13], $0x5400  }
0x3a4: {  	[sflag:s13] =	ssyncset.done $0x0  }
0x3a5: {  	[sflag:s13] =	ssyncadd.s32 $0xFFFFAC00  }
0x3a6: {  	_ =	swait.ge [sflag:s13], $0x5400  }
0x3a7: {  	s10 =	sld [smem:$0x7F4]  }
0x3a8: {  	[sflag:s13] =	ssyncset.done $0x0  }
0x3a9: {  	s12 =	sld [smem:$0x7F5];
	[sflag:s13] =	ssyncadd.s32 $0xFFFFAC00  }
0x3aa: {  	[hbm4b:s10+s8] =	stream.strided.scatter [tilespmem:s29], [sflag:$0x4], $0x5400, s9, s8, $0x38;
	[tilespmem:$0x1F800] =	vst v63  }
0x3ab: {  	_ = 	snop  }
0x3ac: {  	[hbm4b:s12+s8] =	stream.strided.scatter [tilespmem:s30], [sflag:$0x4], $0x5400, s9, s8, $0x38;
	[tilespmem:$0x1F800] =	vst v63  }
0x3ad: {  	s0 =	simm.s32 @!p0 $0x0;
	s10 =	simm.s32 @!p0 $0x400;
	s12 =	simm.s32 @!p0 $0x800  }
0x3ae: {  	[hbm4b:s6+s10] =	stream.strided.scatter @!p0 [tilespmem:s0], [sflag:$0x7], $0x5400, s12, s10, $0x38;
	[tilespmem:$0x1F800] =	vst v63  }
0x3af: {  	s1 =	simm.s32 @!p0 $0xFC00;
	s6 =	simm.s32 @!p0 $0x4  }
0x3b0: {  	[hbm4b:s24+s10] =	stream.strided.scatter @!p0 [tilespmem:s1], [sflag:$0x7], $0x5400, s12, s10, $0x38;
	[tilespmem:$0x1F800] =	vst v63  }
0x3b1: {  	_ =	swait.ge @!p0 [sflag:s6], $0x5400  }
0x3b2: {  	[sflag:s6] =	ssyncset.done @!p0 $0x0  }
0x3b3: {  	[sflag:s6] =	ssyncadd.s32 @!p0 $0xFFFFAC00  }
0x3b4: {  	_ =	swait.ge @!p0 [sflag:s6], $0x5400  }
0x3b5: {  	[sflag:s6] =	ssyncset.done @!p0 $0x0  }
0x3b6: {  	[sflag:s6] =	ssyncadd.s32 @!p0 $0xFFFFAC00  }
0x3b7: {  	_ =	swait.ge [sflag:s20], $0x5400  }
0x3b8: {  	[sflag:s20] =	ssyncset.done $0x0  }
0x3b9: {  	[sflag:s20] =	ssyncadd.s32 $0xFFFFAC00  }
0x3ba: {  	_ =	swait.ge [sflag:s20], $0x5400  }
0x3bb: {  	s24 =	sld [smem:$0x7F6]  }
0x3bc: {  	[sflag:s20] =	ssyncset.done $0x0  }
0x3bd: {  	s26 =	sld [smem:$0x7F7];
	[sflag:s20] =	ssyncadd.s32 $0xFFFFAC00  }
0x3be: {  	[tilespmem:s29], [sflag:$0x1] =	stream.strided.gather [hbm4b:s24+s8], $0x5400, s9, s8, $0x38;
	[tilespmem:$0x1F800] =	vst v63  }
0x3bf: {  	_ = 	snop  }
0x3c0: {  	[tilespmem:s30], [sflag:$0x1] =	stream.strided.gather [hbm4b:s26+s8], $0x5400, s9, s8, $0x38;
	[tilespmem:$0x1F800] =	vst v63  }
0x3c1: {  	_ =	swait.ge [sflag:s21], $0x5400  }
0x3c2: {  	[sflag:s21] =	ssyncset.done $0x0  }
0x3c3: {  	[sflag:s21] =	ssyncadd.s32 $0xFFFFAC00  }
0x3c4: {  	_ =	swait.ge [sflag:s21], $0x5400  }
0x3c5: {  	s24 =	sld [smem:$0x7F8]  }
0x3c6: {  	[sflag:s21] =	ssyncset.done $0x0  }
0x3c7: {  	s26 =	sld [smem:$0x7F9];
	[sflag:s21] =	ssyncadd.s32 $0xFFFFAC00  }
0x3c8: {  	[hbm4b:s24+s8] =	stream.strided.scatter [tilespmem:s16], [sflag:$0x5], $0x5400, s9, s8, $0x38;
	[tilespmem:$0x1F800] =	vst v63  }
0x3c9: {  	_ = 	snop  }
0x3ca: {  	[hbm4b:s26+s8] =	stream.strided.scatter [tilespmem:s7], [sflag:$0x5], $0x5400, s9, s8, $0x38;
	[tilespmem:$0x1F800] =	vst v63  }
0x3cb: {  	s2 =	simm.s32 @!p0 $0x5400  }
0x3cc: {  	[hbm4b:s14+s10] =	stream.strided.scatter @!p0 [tilespmem:s2], [sflag:$0x8], $0x5400, s12, s10, $0x38;
	[tilespmem:$0x1F800] =	vst v63  }
0x3cd: {  	s2 =	simm.s32 @!p0 $0x15000  }
0x3ce: {  	[hbm4b:s11+s10] =	stream.strided.scatter @!p0 [tilespmem:s2], [sflag:$0x8], $0x5400, s12, s10, $0x38;
	[tilespmem:$0x1F800] =	vst v63  }
0x3cf: {  	_ =	swait.ge [sflag:s18], $0x5400  }
0x3d0: {  	[sflag:s18] =	ssyncset.done $0x0  }
0x3d1: {  	[sflag:s18] =	ssyncadd.s32 $0xFFFFAC00  }
0x3d2: {  	_ =	swait.ge [sflag:s18], $0x5400  }
0x3d3: {  	s11 =	sld [smem:$0x7FA]  }
0x3d4: {  	[sflag:s18] =	ssyncset.done $0x0  }
0x3d5: {  	s14 =	sld [smem:$0x7FB];
	[sflag:s18] =	ssyncadd.s32 $0xFFFFAC00  }
0x3d6: {  	[hbm4b:s11+s8] =	stream.strided.scatter [tilespmem:s22], [sflag:$0x6], $0x5400, s9, s8, $0x38;
	[tilespmem:$0x1F800] =	vst v63  }
0x3d7: {  	_ = 	snop  }
0x3d8: {  	[hbm4b:s14+s8] =	stream.strided.scatter [tilespmem:s17], [sflag:$0x6], $0x5400, s9, s8, $0x38;
	[tilespmem:$0x1F800] =	vst v63  }
0x3d9: {  	s2 =	simm.s32 @!p0 $0xA800  }
0x3da: {  	[hbm4b:s25+s10] =	stream.strided.scatter @!p0 [tilespmem:s2], [sflag:$0x9], $0x5400, s12, s10, $0x38;
	[tilespmem:$0x1F800] =	vst v63  }
0x3db: {  	s2 =	simm.s32 @!p0 $0x1A400  }
0x3dc: {  	[hbm4b:s5+s10] =	stream.strided.scatter @!p0 [tilespmem:s2], [sflag:$0x9], $0x5400, s12, s10, $0x38;
	[tilespmem:$0x1F800] =	vst v63  }
0x3dd: {  	_ =	swait.ge [sflag:s13], $0x5400  }
0x3de: {  	[sflag:s13] =	ssyncset.done $0x0  }
0x3df: {  	[sflag:s13] =	ssyncadd.s32 $0xFFFFAC00  }
0x3e0: {  	_ =	swait.ge [sflag:s13], $0x5400  }
0x3e1: {  	s24 =	sld [smem:$0x7FC]  }
0x3e2: {  	[sflag:s13] =	ssyncset.done $0x0  }
0x3e3: {  	s25 =	sld [smem:$0x7FD];
	[sflag:s13] =	ssyncadd.s32 $0xFFFFAC00  }
0x3e4: {  	[hbm4b:s24+s8] =	stream.strided.scatter [tilespmem:s29], [sflag:$0x4], $0x5400, s9, s8, $0x38;
	[tilespmem:$0x1F800] =	vst v63  }
0x3e5: {  	_ = 	snop  }
0x3e6: {  	[hbm4b:s25+s8] =	stream.strided.scatter [tilespmem:s30], [sflag:$0x4], $0x5400, s9, s8, $0x38;
	[tilespmem:$0x1F800] =	vst v63  }
0x3e7: {  	_ = 	snop  }
0x3e8: {  	[hbm4b:s4+s10] =	stream.strided.scatter @!p0 [tilespmem:s0], [sflag:$0x7], $0x5400, s12, s10, $0x38;
	[tilespmem:$0x1F800] =	vst v63  }
0x3e9: {  	s0 =	simm.s32 @!p0 $0x5  }
0x3ea: {  	[hbm4b:s19+s10] =	stream.strided.scatter @!p0 [tilespmem:s1], [sflag:$0x7], $0x5400, s12, s10, $0x38;
	[tilespmem:$0x1F800] =	vst v63  }
0x3eb: {  	_ =	swait.ge @!p0 [sflag:s0], $0x5400  }
0x3ec: {  	[sflag:s0] =	ssyncset.done @!p0 $0x0  }
0x3ed: {  	[sflag:s0] =	ssyncadd.s32 @!p0 $0xFFFFAC00  }
0x3ee: {  	_ =	swait.ge @!p0 [sflag:s0], $0x5400  }
0x3ef: {  	s26 =	sld [smem:$0x7D8]  }
0x3f0: {  	[sflag:s0] =	ssyncset.done @!p0 $0x0  }
0x3f1: {  	[sflag:s0] =	ssyncadd.s32 @!p0 $0xFFFFAC00  }
0x3f2: {  	_ =	swait.ge [sflag:s26], $0x5400  }
0x3f3: {  	[sflag:s26] =	ssyncset.done $0x0  }
0x3f4: {  	[sflag:s26] =	ssyncadd.s32 $0xFFFFAC00  }
0x3f5: {  	_ =	swait.ge [sflag:s26], $0x5400  }
0x3f6: {  	[sflag:s26] =	ssyncset.done $0x0  }
0x3f7: {  	s31 =	simm.s32 $0x6;
	[sflag:s26] =	ssyncadd.s32 $0xFFFFAC00  }
0x3f8: {  	_ =	swait.ge [sflag:s31], $0x5400  }
0x3f9: {  	[sflag:s31] =	ssyncset.done $0x0  }
0x3fa: {  	[sflag:s31] =	ssyncadd.s32 $0xFFFFAC00  }
0x3fb: {  	_ =	swait.ge [sflag:s31], $0x5400  }
0x3fc: {  	[sflag:s31] =	ssyncset.done $0x0  }
0x3fd: {  	s0 =	simm.s32 @!p0 $0x9;
	[sflag:s31] =	ssyncadd.s32 $0xFFFFAC00  }
0x3fe: {  	_ =	swait.ge @!p0 [sflag:s0], $0x5400  }
0x3ff: {  	[sflag:s0] =	ssyncset.done @!p0 $0x0  }
0x400: {  	[sflag:s0] =	ssyncadd.s32 @!p0 $0xFFFFAC00  }
0x401: {  	_ =	swait.ge @!p0 [sflag:s0], $0x5400  }
0x402: {  	[sflag:s0] =	ssyncset.done @!p0 $0x0  }
0x403: {  	[sflag:s0] =	ssyncadd.s32 @!p0 $0xFFFFAC00  }
0x404: {  	_ =	swait.ge @!p0 [sflag:s6], $0x5400  }
0x405: {  	[sflag:s6] =	ssyncset.done @!p0 $0x0  }
0x406: {  	[sflag:s6] =	ssyncadd.s32 @!p0 $0xFFFFAC00  }
0x407: {  	_ =	swait.ge @!p0 [sflag:s6], $0x5400  }
0x408: {  	s23 =	sadd.s32 $0xFFFFFFFF, s23;
	[sflag:s6] =	ssyncset.done @!p0 $0x0  }
0x409: {  	p5 =	sne.s32 s23, $0x0;
	[sflag:s6] =	ssyncadd.s32 @!p0 $0xFFFFAC00  }
.Ltmp2:
0x40a: {  	_ =	swait.ge [sflag:s20], $0x5400;
	(pc) =	sbr.rel @p5 .LBB2_4-.Ltmp2, $4  }
0x40b: {  	[sflag:s20] =	ssyncset.done $0x0  }
0x40c: {  	[sflag:s20] =	ssyncadd.s32 $0xFFFFAC00  }
0x40d: {  	_ =	swait.ge [sflag:s20], $0x5400  }
0x40e: {  	s2 =	rddreg [dreg:$0x4];
	[sflag:s20] =	ssyncset.done $0x0  }
0x40f: {  	s3 =	sld [smem:$0x7D3]  }
0x410: {  	s22 =	rddreg [dreg:$0x3]  }
0x411: {  	s10 =	sld [smem:$0x7CB]  }
0x412: {  	s24 =	sld [smem:$0x7CA]  }
0x413: {  	s14 =	sld [smem:$0x7D6]  }
0x414: {  	s15 =	sld [smem:$0x7D7]  }
0x415: {  	s19 =	stileid.u32;
	s23 =	sld [smem:$0x7D4]  }
0x416: {  	s31 =	simm.s32 $0x0;
	s29 =	simm.s32 $0x6;
	s25 =	sld [smem:$0x7D5]  }
0x417: {  	s12 =	simm.s32 $0xFC00;
	s28 =	sld [smem:$0x7D2];
	s16 =	simm.s32 $0xA800  }
0x418: {  	s26 =	simm.s32 $0x1A400;
	s17 =	simm.s32 $0x5400;
	s30 =	simm.s32 $0x15000  }
.LBB2_6:
0x419: {  	[sflag:s20] =	ssyncadd.s32 @p4 $0xFFFFAC00  }
0x41a: {  	[tilespmem:s31], [sflag:$0x1] =	stream.strided.gather [hbm4b:s2+s8], $0x5400, s9, s8, $0x38;
	[tilespmem:$0x1F800] =	vst v63  }
0x41b: {  	s0 =	rddreg [dreg:$0x5]  }
0x41c: {  	[tilespmem:s12], [sflag:$0x1] =	stream.strided.gather [hbm4b:s0+s8], $0x5400, s9, s8, $0x38;
	[tilespmem:$0x1F800] =	vst v63  }
0x41d: {  	s1 =	rddreg [dreg:$0x6]  }
0x41e: {  	[tilespmem:s17], [sflag:$0x2] =	stream.strided.gather [hbm4b:s1+s8], $0x5400, s9, s8, $0x38;
	[tilespmem:$0x1F800] =	vst v63  }
0x41f: {  	s4 =	rddreg [dreg:$0x7]  }
0x420: {  	[tilespmem:s30], [sflag:$0x2] =	stream.strided.gather [hbm4b:s4+s8], $0x5400, s9, s8, $0x38;
	[tilespmem:$0x1F800] =	vst v63  }
0x421: {  	s5 =	rddreg [dreg:$0x8]  }
0x422: {  	[tilespmem:s16], [sflag:$0x3] =	stream.strided.gather [hbm4b:s5+s8], $0x5400, s9, s8, $0x38;
	[tilespmem:$0x1F800] =	vst v63  }
0x423: {  	s6 =	rddreg [dreg:$0x9]  }
0x424: {  	[tilespmem:s26], [sflag:$0x3] =	stream.strided.gather [hbm4b:s6+s8], $0x5400, s9, s8, $0x38;
	[tilespmem:$0x1F800] =	vst v63  }
0x425: {  	_ =	swait.ge [sflag:s13], $0x5400  }
0x426: {  	[sflag:s13] =	ssyncset.done $0x0  }
0x427: {  	[sflag:s13] =	ssyncadd.s32 $0xFFFFAC00  }
0x428: {  	_ =	swait.ge [sflag:s13], $0x5400  }
0x429: {  	[sflag:s13] =	ssyncset.done $0x0  }
0x42a: {  	s7 =	rddreg [dreg:$0xa];
	[sflag:s13] =	ssyncadd.s32 $0xFFFFAC00  }
0x42b: {  	[hbm4b:s7+s8] =	stream.strided.scatter [tilespmem:s31], [sflag:$0x4], $0x5400, s9, s8, $0x38;
	[tilespmem:$0x1F800] =	vst v63  }
0x42c: {  	s11 =	rddreg [dreg:$0xb]  }
0x42d: {  	[hbm4b:s11+s8] =	stream.strided.scatter [tilespmem:s12], [sflag:$0x4], $0x5400, s9, s8, $0x38;
	[tilespmem:$0x1F800] =	vst v63  }
0x42e: {  	s1 =	simm.s32 @!p3 $0x400;
	s4 =	simm.s32 @!p3 $0x800;
	s5 =	simm.s32 @!p3 $0x0  }
0x42f: {  	[hbm4b:s3+s1] =	stream.strided.scatter @!p3 [tilespmem:s5], [sflag:$0x7], $0x5400, s4, s1, $0x38;
	[tilespmem:$0x1F800] =	vst v63  }
0x430: {  	s6 =	simm.s32 @!p3 $0xFC00;
	s11 =	smov.u32 s3;
	s3 =	simm.s32 @!p3 $0x4  }
0x431: {  	[hbm4b:s28+s1] =	stream.strided.scatter @!p3 [tilespmem:s6], [sflag:$0x7], $0x5400, s4, s1, $0x38;
	[tilespmem:$0x1F800] =	vst v63  }
0x432: {  	_ =	swait.ge @!p3 [sflag:s3], $0x5400  }
0x433: {  	[sflag:s3] =	ssyncset.done @!p3 $0x0  }
0x434: {  	[sflag:s3] =	ssyncadd.s32 @!p3 $0xFFFFAC00  }
0x435: {  	_ =	swait.ge @!p3 [sflag:s3], $0x5400  }
0x436: {  	s0 =	simm.s32 @!p3 $0x7;
	[sflag:s3] =	ssyncset.done @!p3 $0x0  }
0x437: {  	s0 =	simm.s32 @p3 $0x4;
	[sflag:s3] =	ssyncadd.s32 @!p3 $0xFFFFAC00  }
0x438: {  	_ =	swait.ge [sflag:s0], $0x5400  }
0x439: {  	[sflag:s0] =	ssyncset.done $0x0  }
0x43a: {  	[sflag:s0] =	ssyncadd.s32 $0xFFFFAC00  }
0x43b: {  	_ =	swait.ge [sflag:s0], $0x5400  }
0x43c: {  	[sflag:s0] =	ssyncset.done $0x0  }
0x43d: {  	s20 =	rddreg [dreg:$0xc];
	[sflag:s0] =	ssyncadd.s32 $0xFFFFAC00  }
0x43e: {  	[tilespmem:s31], [sflag:$0x1] =	stream.strided.gather [hbm4b:s20+s8], $0x5400, s9, s8, $0x38;
	[tilespmem:$0x1F800] =	vst v63  }
0x43f: {  	s7 =	rddreg [dreg:$0xd]  }
0x440: {  	[tilespmem:s12], [sflag:$0x1] =	stream.strided.gather [hbm4b:s7+s8], $0x5400, s9, s8, $0x38;
	[tilespmem:$0x1F800] =	vst v63  }
0x441: {  	_ =	swait.ge [sflag:s21], $0x5400  }
0x442: {  	[sflag:s21] =	ssyncset.done $0x0  }
0x443: {  	[sflag:s21] =	ssyncadd.s32 $0xFFFFAC00  }
0x444: {  	_ =	swait.ge [sflag:s21], $0x5400  }
0x445: {  	[sflag:s21] =	ssyncset.done $0x0  }
0x446: {  	s7 =	rddreg [dreg:$0xe];
	[sflag:s21] =	ssyncadd.s32 $0xFFFFAC00  }
0x447: {  	[hbm4b:s7+s8] =	stream.strided.scatter [tilespmem:s17], [sflag:$0x5], $0x5400, s9, s8, $0x38;
	[tilespmem:$0x1F800] =	vst v63  }
0x448: {  	s20 =	rddreg [dreg:$0xf]  }
0x449: {  	[hbm4b:s20+s8] =	stream.strided.scatter [tilespmem:s30], [sflag:$0x5], $0x5400, s9, s8, $0x38;
	[tilespmem:$0x1F800] =	vst v63  }
0x44a: {  	s2 =	simm.s32 @!p3 $0x5400  }
0x44b: {  	[hbm4b:s23+s1] =	stream.strided.scatter @!p3 [tilespmem:s2], [sflag:$0x8], $0x5400, s4, s1, $0x38;
	[tilespmem:$0x1F800] =	vst v63  }
0x44c: {  	s2 =	simm.s32 @!p3 $0x15000  }
0x44d: {  	[hbm4b:s25+s1] =	stream.strided.scatter @!p3 [tilespmem:s2], [sflag:$0x8], $0x5400, s4, s1, $0x38;
	[tilespmem:$0x1F800] =	vst v63  }
0x44e: {  	s2 =	simm.s32 @!p3 $0x5  }
0x44f: {  	_ =	swait.ge @!p3 [sflag:s2], $0x5400  }
0x450: {  	[sflag:s2] =	ssyncset.done @!p3 $0x0  }
0x451: {  	[sflag:s2] =	ssyncadd.s32 @!p3 $0xFFFFAC00  }
0x452: {  	_ =	swait.ge @!p3 [sflag:s2], $0x5400  }
0x453: {  	s7 =	simm.s32 @!p3 $0x8;
	[sflag:s2] =	ssyncset.done @!p3 $0x0  }
0x454: {  	s7 =	simm.s32 @p3 $0x5;
	[sflag:s2] =	ssyncadd.s32 @!p3 $0xFFFFAC00  }
0x455: {  	_ =	swait.ge [sflag:s7], $0x5400  }
0x456: {  	[sflag:s7] =	ssyncset.done $0x0  }
0x457: {  	[sflag:s7] =	ssyncadd.s32 $0xFFFFAC00  }
0x458: {  	_ =	swait.ge [sflag:s7], $0x5400  }
0x459: {  	[sflag:s7] =	ssyncset.done $0x0  }
0x45a: {  	s2 =	rddreg [dreg:$0x10];
	[sflag:s7] =	ssyncadd.s32 $0xFFFFAC00  }
0x45b: {  	[tilespmem:s17], [sflag:$0x2] =	stream.strided.gather [hbm4b:s2+s8], $0x5400, s9, s8, $0x38;
	[tilespmem:$0x1F800] =	vst v63  }
0x45c: {  	s20 =	rddreg [dreg:$0x11]  }
0x45d: {  	[tilespmem:s30], [sflag:$0x2] =	stream.strided.gather [hbm4b:s20+s8], $0x5400, s9, s8, $0x38;
	[tilespmem:$0x1F800] =	vst v63  }
0x45e: {  	_ =	swait.ge [sflag:s18], $0x5400  }
0x45f: {  	[sflag:s18] =	ssyncset.done $0x0  }
0x460: {  	[sflag:s18] =	ssyncadd.s32 $0xFFFFAC00  }
0x461: {  	_ =	swait.ge [sflag:s18], $0x5400  }
0x462: {  	[sflag:s18] =	ssyncset.done $0x0  }
0x463: {  	s7 =	rddreg [dreg:$0x12];
	[sflag:s18] =	ssyncadd.s32 $0xFFFFAC00  }
0x464: {  	[hbm4b:s7+s8] =	stream.strided.scatter [tilespmem:s16], [sflag:$0x6], $0x5400, s9, s8, $0x38;
	[tilespmem:$0x1F800] =	vst v63  }
0x465: {  	s20 =	rddreg [dreg:$0x13]  }
0x466: {  	[hbm4b:s20+s8] =	stream.strided.scatter [tilespmem:s26], [sflag:$0x6], $0x5400, s9, s8, $0x38;
	[tilespmem:$0x1F800] =	vst v63  }
0x467: {  	s2 =	simm.s32 @!p3 $0xA800  }
0x468: {  	[hbm4b:s14+s1] =	stream.strided.scatter @!p3 [tilespmem:s2], [sflag:$0x9], $0x5400, s4, s1, $0x38;
	[tilespmem:$0x1F800] =	vst v63  }
0x469: {  	s2 =	simm.s32 @!p3 $0x1A400  }
0x46a: {  	[hbm4b:s15+s1] =	stream.strided.scatter @!p3 [tilespmem:s2], [sflag:$0x9], $0x5400, s4, s1, $0x38;
	[tilespmem:$0x1F800] =	vst v63  }
0x46b: {  	s2 =	simm.s32 @!p3 $0x6  }
0x46c: {  	_ =	swait.ge @!p3 [sflag:s2], $0x5400  }
0x46d: {  	[sflag:s2] =	ssyncset.done @!p3 $0x0  }
0x46e: {  	[sflag:s2] =	ssyncadd.s32 @!p3 $0xFFFFAC00  }
0x46f: {  	_ =	swait.ge @!p3 [sflag:s2], $0x5400  }
0x470: {  	s7 =	simm.s32 @!p3 $0x9;
	[sflag:s2] =	ssyncset.done @!p3 $0x0  }
0x471: {  	s7 =	simm.s32 @p3 $0x6;
	[sflag:s2] =	ssyncadd.s32 @!p3 $0xFFFFAC00  }
0x472: {  	_ =	swait.ge [sflag:s7], $0x5400  }
0x473: {  	[sflag:s7] =	ssyncset.done $0x0  }
0x474: {  	[sflag:s7] =	ssyncadd.s32 $0xFFFFAC00  }
0x475: {  	_ =	swait.ge [sflag:s7], $0x5400  }
0x476: {  	[sflag:s7] =	ssyncset.done $0x0  }
0x477: {  	s2 =	rddreg [dreg:$0x14];
	[sflag:s7] =	ssyncadd.s32 $0xFFFFAC00  }
0x478: {  	[tilespmem:s16], [sflag:$0x3] =	stream.strided.gather [hbm4b:s2+s8], $0x5400, s9, s8, $0x38;
	[tilespmem:$0x1F800] =	vst v63  }
0x479: {  	s20 =	rddreg [dreg:$0x15]  }
0x47a: {  	[tilespmem:s26], [sflag:$0x3] =	stream.strided.gather [hbm4b:s20+s8], $0x5400, s9, s8, $0x38;
	[tilespmem:$0x1F800] =	vst v63  }
0x47b: {  	_ =	swait.ge [sflag:s13], $0x5400  }
0x47c: {  	[sflag:s13] =	ssyncset.done $0x0  }
0x47d: {  	[sflag:s13] =	ssyncadd.s32 $0xFFFFAC00  }
0x47e: {  	_ =	swait.ge [sflag:s13], $0x5400  }
0x47f: {  	[sflag:s13] =	ssyncset.done $0x0  }
0x480: {  	s7 =	rddreg [dreg:$0x16];
	[sflag:s13] =	ssyncadd.s32 $0xFFFFAC00  }
0x481: {  	[hbm4b:s7+s8] =	stream.strided.scatter [tilespmem:s31], [sflag:$0x4], $0x5400, s9, s8, $0x38;
	[tilespmem:$0x1F800] =	vst v63  }
0x482: {  	s20 =	rddreg [dreg:$0x17]  }
0x483: {  	[hbm4b:s20+s8] =	stream.strided.scatter [tilespmem:s12], [sflag:$0x4], $0x5400, s9, s8, $0x38;
	[tilespmem:$0x1F800] =	vst v63  }
0x484: {  	_ = 	snop  }
0x485: {  	[hbm4b:s10+s1] =	stream.strided.scatter @!p3 [tilespmem:s5], [sflag:$0x7], $0x5400, s4, s1, $0x38;
	[tilespmem:$0x1F800] =	vst v63  }
0x486: {  	_ = 	snop  }
0x487: {  	[hbm4b:s24+s1] =	stream.strided.scatter @!p3 [tilespmem:s6], [sflag:$0x7], $0x5400, s4, s1, $0x38;
	[tilespmem:$0x1F800] =	vst v63  }
0x488: {  	_ =	swait.ge @!p3 [sflag:s3], $0x5400  }
0x489: {  	[sflag:s3] =	ssyncset.done @!p3 $0x0  }
0x48a: {  	[sflag:s3] =	ssyncadd.s32 @!p3 $0xFFFFAC00  }
0x48b: {  	_ =	swait.ge @!p3 [sflag:s3], $0x5400  }
0x48c: {  	[sflag:s3] =	ssyncset.done @!p3 $0x0  }
0x48d: {  	[sflag:s3] =	ssyncadd.s32 @!p3 $0xFFFFAC00  }
0x48e: {  	_ =	swait.ge [sflag:s0], $0x5400  }
0x48f: {  	[sflag:s0] =	ssyncset.done $0x0  }
0x490: {  	[sflag:s0] =	ssyncadd.s32 $0xFFFFAC00  }
0x491: {  	_ =	swait.ge [sflag:s0], $0x5400  }
0x492: {  	[sflag:s0] =	ssyncset.done $0x0  }
0x493: {  	s3 =	rddreg [dreg:$0x18];
	[sflag:s0] =	ssyncadd.s32 $0xFFFFAC00  }
0x494: {  	[tilespmem:s31], [sflag:$0x1] =	stream.strided.gather [hbm4b:s3+s8], $0x5400, s9, s8, $0x38;
	[tilespmem:$0x1F800] =	vst v63  }
0x495: {  	s4 =	rddreg [dreg:$0x19]  }
0x496: {  	[tilespmem:s12], [sflag:$0x1] =	stream.strided.gather [hbm4b:s4+s8], $0x5400, s9, s8, $0x38;
	[tilespmem:$0x1F800] =	vst v63  }
0x497: {  	_ =	swait.ge [sflag:s21], $0x5400  }
0x498: {  	[sflag:s21] =	ssyncset.done $0x0  }
0x499: {  	[sflag:s21] =	ssyncadd.s32 $0xFFFFAC00  }
0x49a: {  	_ =	swait.ge [sflag:s21], $0x5400  }
0x49b: {  	[sflag:s21] =	ssyncset.done $0x0  }
0x49c: {  	s5 =	rddreg [dreg:$0x1a];
	[sflag:s21] =	ssyncadd.s32 $0xFFFFAC00  }
0x49d: {  	[hbm4b:s5+s8] =	stream.strided.scatter [tilespmem:s17], [sflag:$0x5], $0x5400, s9, s8, $0x38;
	[tilespmem:$0x1F800] =	vst v63  }
0x49e: {  	s6 =	rddreg [dreg:$0x1b]  }
0x49f: {  	[hbm4b:s6+s8] =	stream.strided.scatter [tilespmem:s30], [sflag:$0x5], $0x5400, s9, s8, $0x38;
	[tilespmem:$0x1F800] =	vst v63  }
0x4a0: {  	s1 =	simm.s32 @!p2 $0x400;
	s4 =	simm.s32 @!p2 $0x800;
	s5 =	simm.s32 @!p2 $0x5400  }
0x4a1: {  	[hbm4b:s11+s1] =	stream.strided.scatter @!p2 [tilespmem:s5], [sflag:$0x8], $0x5400, s4, s1, $0x38;
	[tilespmem:$0x1F800] =	vst v63  }
0x4a2: {  	s3 =	simm.s32 @!p2 $0x5;
	s6 =	simm.s32 @!p2 $0x15000  }
0x4a3: {  	[hbm4b:s28+s1] =	stream.strided.scatter @!p2 [tilespmem:s6], [sflag:$0x8], $0x5400, s4, s1, $0x38;
	[tilespmem:$0x1F800] =	vst v63  }
0x4a4: {  	_ =	swait.ge @!p2 [sflag:s3], $0x5400  }
0x4a5: {  	[sflag:s3] =	ssyncset.done @!p2 $0x0  }
0x4a6: {  	[sflag:s3] =	ssyncadd.s32 @!p2 $0xFFFFAC00  }
0x4a7: {  	_ =	swait.ge @!p2 [sflag:s3], $0x5400  }
0x4a8: {  	s0 =	simm.s32 @!p2 $0x8;
	[sflag:s3] =	ssyncset.done @!p2 $0x0  }
0x4a9: {  	s0 =	simm.s32 @p2 $0x5;
	[sflag:s3] =	ssyncadd.s32 @!p2 $0xFFFFAC00  }
0x4aa: {  	_ =	swait.ge [sflag:s0], $0x5400  }
0x4ab: {  	[sflag:s0] =	ssyncset.done $0x0  }
0x4ac: {  	[sflag:s0] =	ssyncadd.s32 $0xFFFFAC00  }
0x4ad: {  	_ =	swait.ge [sflag:s0], $0x5400  }
0x4ae: {  	[sflag:s0] =	ssyncset.done $0x0  }
0x4af: {  	s7 =	rddreg [dreg:$0x1c];
	[sflag:s0] =	ssyncadd.s32 $0xFFFFAC00  }
0x4b0: {  	[tilespmem:s17], [sflag:$0x2] =	stream.strided.gather [hbm4b:s7+s8], $0x5400, s9, s8, $0x38;
	[tilespmem:$0x1F800] =	vst v63  }
0x4b1: {  	s20 =	rddreg [dreg:$0x1d]  }
0x4b2: {  	[tilespmem:s30], [sflag:$0x2] =	stream.strided.gather [hbm4b:s20+s8], $0x5400, s9, s8, $0x38;
	[tilespmem:$0x1F800] =	vst v63  }
0x4b3: {  	_ =	swait.ge [sflag:s18], $0x5400  }
0x4b4: {  	[sflag:s18] =	ssyncset.done $0x0  }
0x4b5: {  	[sflag:s18] =	ssyncadd.s32 $0xFFFFAC00  }
0x4b6: {  	_ =	swait.ge [sflag:s18], $0x5400  }
0x4b7: {  	[sflag:s18] =	ssyncset.done $0x0  }
0x4b8: {  	s7 =	rddreg [dreg:$0x1e];
	[sflag:s18] =	ssyncadd.s32 $0xFFFFAC00  }
0x4b9: {  	[hbm4b:s7+s8] =	stream.strided.scatter [tilespmem:s16], [sflag:$0x6], $0x5400, s9, s8, $0x38;
	[tilespmem:$0x1F800] =	vst v63  }
0x4ba: {  	s20 =	rddreg [dreg:$0x1f]  }
0x4bb: {  	[hbm4b:s20+s8] =	stream.strided.scatter [tilespmem:s26], [sflag:$0x6], $0x5400, s9, s8, $0x38;
	[tilespmem:$0x1F800] =	vst v63  }
0x4bc: {  	s2 =	simm.s32 @!p2 $0xA800  }
0x4bd: {  	[hbm4b:s23+s1] =	stream.strided.scatter @!p2 [tilespmem:s2], [sflag:$0x9], $0x5400, s4, s1, $0x38;
	[tilespmem:$0x1F800] =	vst v63  }
0x4be: {  	s2 =	simm.s32 @!p2 $0x1A400  }
0x4bf: {  	[hbm4b:s25+s1] =	stream.strided.scatter @!p2 [tilespmem:s2], [sflag:$0x9], $0x5400, s4, s1, $0x38;
	[tilespmem:$0x1F800] =	vst v63  }
0x4c0: {  	s2 =	simm.s32 @!p2 $0x6  }
0x4c1: {  	_ =	swait.ge @!p2 [sflag:s2], $0x5400  }
0x4c2: {  	[sflag:s2] =	ssyncset.done @!p2 $0x0  }
0x4c3: {  	[sflag:s2] =	ssyncadd.s32 @!p2 $0xFFFFAC00  }
0x4c4: {  	_ =	swait.ge @!p2 [sflag:s2], $0x5400  }
0x4c5: {  	s7 =	simm.s32 @!p2 $0x9;
	[sflag:s2] =	ssyncset.done @!p2 $0x0  }
0x4c6: {  	s7 =	simm.s32 @p2 $0x6;
	[sflag:s2] =	ssyncadd.s32 @!p2 $0xFFFFAC00  }
0x4c7: {  	_ =	swait.ge [sflag:s7], $0x5400  }
0x4c8: {  	[sflag:s7] =	ssyncset.done $0x0  }
0x4c9: {  	[sflag:s7] =	ssyncadd.s32 $0xFFFFAC00  }
0x4ca: {  	_ =	swait.ge [sflag:s7], $0x5400  }
0x4cb: {  	s2 =	sld [smem:$0x7DA]  }
0x4cc: {  	[sflag:s7] =	ssyncset.done $0x0  }
0x4cd: {  	s20 =	sld [smem:$0x7DB];
	[sflag:s7] =	ssyncadd.s32 $0xFFFFAC00  }
0x4ce: {  	[tilespmem:s16], [sflag:$0x3] =	stream.strided.gather [hbm4b:s2+s8], $0x5400, s9, s8, $0x38;
	[tilespmem:$0x1F800] =	vst v63  }
0x4cf: {  	_ = 	snop  }
0x4d0: {  	[tilespmem:s26], [sflag:$0x3] =	stream.strided.gather [hbm4b:s20+s8], $0x5400, s9, s8, $0x38;
	[tilespmem:$0x1F800] =	vst v63  }
0x4d1: {  	_ =	swait.ge [sflag:s13], $0x5400  }
0x4d2: {  	[sflag:s13] =	ssyncset.done $0x0  }
0x4d3: {  	[sflag:s13] =	ssyncadd.s32 $0xFFFFAC00  }
0x4d4: {  	_ =	swait.ge [sflag:s13], $0x5400  }
0x4d5: {  	s7 =	sld [smem:$0x7DC]  }
0x4d6: {  	[sflag:s13] =	ssyncset.done $0x0  }
0x4d7: {  	s20 =	sld [smem:$0x7DD];
	[sflag:s13] =	ssyncadd.s32 $0xFFFFAC00  }
0x4d8: {  	[hbm4b:s7+s8] =	stream.strided.scatter [tilespmem:s31], [sflag:$0x4], $0x5400, s9, s8, $0x38;
	[tilespmem:$0x1F800] =	vst v63  }
0x4d9: {  	_ = 	snop  }
0x4da: {  	[hbm4b:s20+s8] =	stream.strided.scatter [tilespmem:s12], [sflag:$0x4], $0x5400, s9, s8, $0x38;
	[tilespmem:$0x1F800] =	vst v63  }
0x4db: {  	s2 =	simm.s32 @!p2 $0x0  }
0x4dc: {  	[hbm4b:s14+s1] =	stream.strided.scatter @!p2 [tilespmem:s2], [sflag:$0x7], $0x5400, s4, s1, $0x38;
	[tilespmem:$0x1F800] =	vst v63  }
0x4dd: {  	s2 =	simm.s32 @!p2 $0xFC00  }
0x4de: {  	[hbm4b:s15+s1] =	stream.strided.scatter @!p2 [tilespmem:s2], [sflag:$0x7], $0x5400, s4, s1, $0x38;
	[tilespmem:$0x1F800] =	vst v63  }
0x4df: {  	s2 =	simm.s32 @!p2 $0x4  }
0x4e0: {  	_ =	swait.ge @!p2 [sflag:s2], $0x5400  }
0x4e1: {  	[sflag:s2] =	ssyncset.done @!p2 $0x0  }
0x4e2: {  	[sflag:s2] =	ssyncadd.s32 @!p2 $0xFFFFAC00  }
0x4e3: {  	_ =	swait.ge @!p2 [sflag:s2], $0x5400  }
0x4e4: {  	s7 =	simm.s32 @!p2 $0x7;
	[sflag:s2] =	ssyncset.done @!p2 $0x0  }
0x4e5: {  	s7 =	simm.s32 @p2 $0x4;
	[sflag:s2] =	ssyncadd.s32 @!p2 $0xFFFFAC00  }
0x4e6: {  	_ =	swait.ge [sflag:s7], $0x5400  }
0x4e7: {  	[sflag:s7] =	ssyncset.done $0x0  }
0x4e8: {  	[sflag:s7] =	ssyncadd.s32 $0xFFFFAC00  }
0x4e9: {  	_ =	swait.ge [sflag:s7], $0x5400  }
0x4ea: {  	s2 =	sld [smem:$0x7DE]  }
0x4eb: {  	[sflag:s7] =	ssyncset.done $0x0  }
0x4ec: {  	s20 =	sld [smem:$0x7DF];
	[sflag:s7] =	ssyncadd.s32 $0xFFFFAC00  }
0x4ed: {  	[tilespmem:s31], [sflag:$0x1] =	stream.strided.gather [hbm4b:s2+s8], $0x5400, s9, s8, $0x38;
	[tilespmem:$0x1F800] =	vst v63  }
0x4ee: {  	_ = 	snop  }
0x4ef: {  	[tilespmem:s12], [sflag:$0x1] =	stream.strided.gather [hbm4b:s20+s8], $0x5400, s9, s8, $0x38;
	[tilespmem:$0x1F800] =	vst v63  }
0x4f0: {  	_ =	swait.ge [sflag:s21], $0x5400  }
0x4f1: {  	[sflag:s21] =	ssyncset.done $0x0  }
0x4f2: {  	[sflag:s21] =	ssyncadd.s32 $0xFFFFAC00  }
0x4f3: {  	_ =	swait.ge [sflag:s21], $0x5400  }
0x4f4: {  	s7 =	sld [smem:$0x7E0]  }
0x4f5: {  	[sflag:s21] =	ssyncset.done $0x0  }
0x4f6: {  	s20 =	sld [smem:$0x7E1];
	[sflag:s21] =	ssyncadd.s32 $0xFFFFAC00  }
0x4f7: {  	[hbm4b:s7+s8] =	stream.strided.scatter [tilespmem:s17], [sflag:$0x5], $0x5400, s9, s8, $0x38;
	[tilespmem:$0x1F800] =	vst v63  }
0x4f8: {  	_ = 	snop  }
0x4f9: {  	[hbm4b:s20+s8] =	stream.strided.scatter [tilespmem:s30], [sflag:$0x5], $0x5400, s9, s8, $0x38;
	[tilespmem:$0x1F800] =	vst v63  }
0x4fa: {  	_ = 	snop  }
0x4fb: {  	[hbm4b:s10+s1] =	stream.strided.scatter @!p2 [tilespmem:s5], [sflag:$0x8], $0x5400, s4, s1, $0x38;
	[tilespmem:$0x1F800] =	vst v63  }
0x4fc: {  	_ = 	snop  }
0x4fd: {  	[hbm4b:s24+s1] =	stream.strided.scatter @!p2 [tilespmem:s6], [sflag:$0x8], $0x5400, s4, s1, $0x38;
	[tilespmem:$0x1F800] =	vst v63  }
0x4fe: {  	_ =	swait.ge @!p2 [sflag:s3], $0x5400  }
0x4ff: {  	[sflag:s3] =	ssyncset.done @!p2 $0x0  }
0x500: {  	[sflag:s3] =	ssyncadd.s32 @!p2 $0xFFFFAC00  }
0x501: {  	_ =	swait.ge @!p2 [sflag:s3], $0x5400  }
0x502: {  	[sflag:s3] =	ssyncset.done @!p2 $0x0  }
0x503: {  	[sflag:s3] =	ssyncadd.s32 @!p2 $0xFFFFAC00  }
0x504: {  	_ =	swait.ge [sflag:s0], $0x5400  }
0x505: {  	[sflag:s0] =	ssyncset.done $0x0  }
0x506: {  	[sflag:s0] =	ssyncadd.s32 $0xFFFFAC00  }
0x507: {  	_ =	swait.ge [sflag:s0], $0x5400  }
0x508: {  	s3 =	sld [smem:$0x7E2]  }
0x509: {  	[sflag:s0] =	ssyncset.done $0x0  }
0x50a: {  	s4 =	sld [smem:$0x7E3];
	[sflag:s0] =	ssyncadd.s32 $0xFFFFAC00  }
0x50b: {  	[tilespmem:s17], [sflag:$0x2] =	stream.strided.gather [hbm4b:s3+s8], $0x5400, s9, s8, $0x38;
	[tilespmem:$0x1F800] =	vst v63  }
0x50c: {  	_ = 	snop  }
0x50d: {  	[tilespmem:s30], [sflag:$0x2] =	stream.strided.gather [hbm4b:s4+s8], $0x5400, s9, s8, $0x38;
	[tilespmem:$0x1F800] =	vst v63  }
0x50e: {  	_ =	swait.ge [sflag:s18], $0x5400  }
0x50f: {  	[sflag:s18] =	ssyncset.done $0x0  }
0x510: {  	[sflag:s18] =	ssyncadd.s32 $0xFFFFAC00  }
0x511: {  	_ =	swait.ge [sflag:s18], $0x5400  }
0x512: {  	s5 =	sld [smem:$0x7E4]  }
0x513: {  	[sflag:s18] =	ssyncset.done $0x0  }
0x514: {  	s6 =	sld [smem:$0x7E5];
	[sflag:s18] =	ssyncadd.s32 $0xFFFFAC00  }
0x515: {  	[hbm4b:s5+s8] =	stream.strided.scatter [tilespmem:s16], [sflag:$0x6], $0x5400, s9, s8, $0x38;
	[tilespmem:$0x1F800] =	vst v63  }
0x516: {  	_ = 	snop  }
0x517: {  	[hbm4b:s6+s8] =	stream.strided.scatter [tilespmem:s26], [sflag:$0x6], $0x5400, s9, s8, $0x38;
	[tilespmem:$0x1F800] =	vst v63  }
0x518: {  	s1 =	simm.s32 @!p1 $0x400;
	s4 =	simm.s32 @!p1 $0x800;
	s5 =	simm.s32 @!p1 $0xA800  }
0x519: {  	[hbm4b:s11+s1] =	stream.strided.scatter @!p1 [tilespmem:s5], [sflag:$0x9], $0x5400, s4, s1, $0x38;
	[tilespmem:$0x1F800] =	vst v63  }
0x51a: {  	s3 =	simm.s32 @!p1 $0x6;
	s6 =	simm.s32 @!p1 $0x1A400  }
0x51b: {  	[hbm4b:s28+s1] =	stream.strided.scatter @!p1 [tilespmem:s6], [sflag:$0x9], $0x5400, s4, s1, $0x38;
	[tilespmem:$0x1F800] =	vst v63  }
0x51c: {  	_ =	swait.ge @!p1 [sflag:s3], $0x5400  }
0x51d: {  	[sflag:s3] =	ssyncset.done @!p1 $0x0  }
0x51e: {  	[sflag:s3] =	ssyncadd.s32 @!p1 $0xFFFFAC00  }
0x51f: {  	_ =	swait.ge @!p1 [sflag:s3], $0x5400  }
0x520: {  	s0 =	simm.s32 @!p1 $0x9;
	[sflag:s3] =	ssyncset.done @!p1 $0x0  }
0x521: {  	s0 =	simm.s32 @p1 $0x6;
	[sflag:s3] =	ssyncadd.s32 @!p1 $0xFFFFAC00  }
0x522: {  	_ =	swait.ge [sflag:s0], $0x5400  }
0x523: {  	[sflag:s0] =	ssyncset.done $0x0  }
0x524: {  	[sflag:s0] =	ssyncadd.s32 $0xFFFFAC00  }
0x525: {  	_ =	swait.ge [sflag:s0], $0x5400  }
0x526: {  	s7 =	sld [smem:$0x7E6]  }
0x527: {  	[sflag:s0] =	ssyncset.done $0x0  }
0x528: {  	s20 =	sld [smem:$0x7E7];
	[sflag:s0] =	ssyncadd.s32 $0xFFFFAC00  }
0x529: {  	[tilespmem:s16], [sflag:$0x3] =	stream.strided.gather [hbm4b:s7+s8], $0x5400, s9, s8, $0x38;
	[tilespmem:$0x1F800] =	vst v63  }
0x52a: {  	_ = 	snop  }
0x52b: {  	[tilespmem:s26], [sflag:$0x3] =	stream.strided.gather [hbm4b:s20+s8], $0x5400, s9, s8, $0x38;
	[tilespmem:$0x1F800] =	vst v63  }
0x52c: {  	_ =	swait.ge [sflag:s13], $0x5400  }
0x52d: {  	[sflag:s13] =	ssyncset.done $0x0  }
0x52e: {  	[sflag:s13] =	ssyncadd.s32 $0xFFFFAC00  }
0x52f: {  	_ =	swait.ge [sflag:s13], $0x5400  }
0x530: {  	s7 =	sld [smem:$0x7E8]  }
0x531: {  	[sflag:s13] =	ssyncset.done $0x0  }
0x532: {  	s20 =	sld [smem:$0x7E9];
	[sflag:s13] =	ssyncadd.s32 $0xFFFFAC00  }
0x533: {  	[hbm4b:s7+s8] =	stream.strided.scatter [tilespmem:s31], [sflag:$0x4], $0x5400, s9, s8, $0x38;
	[tilespmem:$0x1F800] =	vst v63  }
0x534: {  	_ = 	snop  }
0x535: {  	[hbm4b:s20+s8] =	stream.strided.scatter [tilespmem:s12], [sflag:$0x4], $0x5400, s9, s8, $0x38;
	[tilespmem:$0x1F800] =	vst v63  }
0x536: {  	s2 =	simm.s32 @!p1 $0x0  }
0x537: {  	[hbm4b:s23+s1] =	stream.strided.scatter @!p1 [tilespmem:s2], [sflag:$0x7], $0x5400, s4, s1, $0x38;
	[tilespmem:$0x1F800] =	vst v63  }
0x538: {  	s2 =	simm.s32 @!p1 $0xFC00  }
0x539: {  	[hbm4b:s25+s1] =	stream.strided.scatter @!p1 [tilespmem:s2], [sflag:$0x7], $0x5400, s4, s1, $0x38;
	[tilespmem:$0x1F800] =	vst v63  }
0x53a: {  	s2 =	simm.s32 @!p1 $0x4  }
0x53b: {  	_ =	swait.ge @!p1 [sflag:s2], $0x5400  }
0x53c: {  	[sflag:s2] =	ssyncset.done @!p1 $0x0  }
0x53d: {  	[sflag:s2] =	ssyncadd.s32 @!p1 $0xFFFFAC00  }
0x53e: {  	_ =	swait.ge @!p1 [sflag:s2], $0x5400  }
0x53f: {  	s7 =	simm.s32 @!p1 $0x7;
	[sflag:s2] =	ssyncset.done @!p1 $0x0  }
0x540: {  	s7 =	simm.s32 @p1 $0x4;
	[sflag:s2] =	ssyncadd.s32 @!p1 $0xFFFFAC00  }
0x541: {  	_ =	swait.ge [sflag:s7], $0x5400  }
0x542: {  	[sflag:s7] =	ssyncset.done $0x0  }
0x543: {  	[sflag:s7] =	ssyncadd.s32 $0xFFFFAC00  }
0x544: {  	_ =	swait.ge [sflag:s7], $0x5400  }
0x545: {  	s2 =	sld [smem:$0x7EA]  }
0x546: {  	[sflag:s7] =	ssyncset.done $0x0  }
0x547: {  	s20 =	sld [smem:$0x7EB];
	[sflag:s7] =	ssyncadd.s32 $0xFFFFAC00  }
0x548: {  	[tilespmem:s31], [sflag:$0x1] =	stream.strided.gather [hbm4b:s2+s8], $0x5400, s9, s8, $0x38;
	[tilespmem:$0x1F800] =	vst v63  }
0x549: {  	_ = 	snop  }
0x54a: {  	[tilespmem:s12], [sflag:$0x1] =	stream.strided.gather [hbm4b:s20+s8], $0x5400, s9, s8, $0x38;
	[tilespmem:$0x1F800] =	vst v63  }
0x54b: {  	_ =	swait.ge [sflag:s21], $0x5400  }
0x54c: {  	[sflag:s21] =	ssyncset.done $0x0  }
0x54d: {  	[sflag:s21] =	ssyncadd.s32 $0xFFFFAC00  }
0x54e: {  	_ =	swait.ge [sflag:s21], $0x5400  }
0x54f: {  	s7 =	sld [smem:$0x7EC]  }
0x550: {  	[sflag:s21] =	ssyncset.done $0x0  }
0x551: {  	s20 =	sld [smem:$0x7ED];
	[sflag:s21] =	ssyncadd.s32 $0xFFFFAC00  }
0x552: {  	[hbm4b:s7+s8] =	stream.strided.scatter [tilespmem:s17], [sflag:$0x5], $0x5400, s9, s8, $0x38;
	[tilespmem:$0x1F800] =	vst v63  }
0x553: {  	_ = 	snop  }
0x554: {  	[hbm4b:s20+s8] =	stream.strided.scatter [tilespmem:s30], [sflag:$0x5], $0x5400, s9, s8, $0x38;
	[tilespmem:$0x1F800] =	vst v63  }
0x555: {  	s2 =	simm.s32 @!p1 $0x5400  }
0x556: {  	[hbm4b:s14+s1] =	stream.strided.scatter @!p1 [tilespmem:s2], [sflag:$0x8], $0x5400, s4, s1, $0x38;
	[tilespmem:$0x1F800] =	vst v63  }
0x557: {  	s2 =	simm.s32 @!p1 $0x15000  }
0x558: {  	[hbm4b:s15+s1] =	stream.strided.scatter @!p1 [tilespmem:s2], [sflag:$0x8], $0x5400, s4, s1, $0x38;
	[tilespmem:$0x1F800] =	vst v63  }
0x559: {  	s2 =	simm.s32 @!p1 $0x5  }
0x55a: {  	_ =	swait.ge @!p1 [sflag:s2], $0x5400  }
0x55b: {  	[sflag:s2] =	ssyncset.done @!p1 $0x0  }
0x55c: {  	[sflag:s2] =	ssyncadd.s32 @!p1 $0xFFFFAC00  }
0x55d: {  	_ =	swait.ge @!p1 [sflag:s2], $0x5400  }
0x55e: {  	s7 =	simm.s32 @!p1 $0x8;
	[sflag:s2] =	ssyncset.done @!p1 $0x0  }
0x55f: {  	s7 =	simm.s32 @p1 $0x5;
	[sflag:s2] =	ssyncadd.s32 @!p1 $0xFFFFAC00  }
0x560: {  	_ =	swait.ge [sflag:s7], $0x5400  }
0x561: {  	[sflag:s7] =	ssyncset.done $0x0  }
0x562: {  	[sflag:s7] =	ssyncadd.s32 $0xFFFFAC00  }
0x563: {  	_ =	swait.ge [sflag:s7], $0x5400  }
0x564: {  	s2 =	sld [smem:$0x7EE]  }
0x565: {  	[sflag:s7] =	ssyncset.done $0x0  }
0x566: {  	s20 =	sld [smem:$0x7EF];
	[sflag:s7] =	ssyncadd.s32 $0xFFFFAC00  }
0x567: {  	[tilespmem:s17], [sflag:$0x2] =	stream.strided.gather [hbm4b:s2+s8], $0x5400, s9, s8, $0x38;
	[tilespmem:$0x1F800] =	vst v63  }
0x568: {  	_ = 	snop  }
0x569: {  	[tilespmem:s30], [sflag:$0x2] =	stream.strided.gather [hbm4b:s20+s8], $0x5400, s9, s8, $0x38;
	[tilespmem:$0x1F800] =	vst v63  }
0x56a: {  	_ =	swait.ge [sflag:s18], $0x5400  }
0x56b: {  	[sflag:s18] =	ssyncset.done $0x0  }
0x56c: {  	[sflag:s18] =	ssyncadd.s32 $0xFFFFAC00  }
0x56d: {  	_ =	swait.ge [sflag:s18], $0x5400  }
0x56e: {  	s7 =	sld [smem:$0x7F0]  }
0x56f: {  	[sflag:s18] =	ssyncset.done $0x0  }
0x570: {  	s20 =	sld [smem:$0x7F1];
	[sflag:s18] =	ssyncadd.s32 $0xFFFFAC00  }
0x571: {  	[hbm4b:s7+s8] =	stream.strided.scatter [tilespmem:s16], [sflag:$0x6], $0x5400, s9, s8, $0x38;
	[tilespmem:$0x1F800] =	vst v63  }
0x572: {  	_ = 	snop  }
0x573: {  	[hbm4b:s20+s8] =	stream.strided.scatter [tilespmem:s26], [sflag:$0x6], $0x5400, s9, s8, $0x38;
	[tilespmem:$0x1F800] =	vst v63  }
0x574: {  	_ = 	snop  }
0x575: {  	[hbm4b:s10+s1] =	stream.strided.scatter @!p1 [tilespmem:s5], [sflag:$0x9], $0x5400, s4, s1, $0x38;
	[tilespmem:$0x1F800] =	vst v63  }
0x576: {  	_ = 	snop  }
0x577: {  	[hbm4b:s24+s1] =	stream.strided.scatter @!p1 [tilespmem:s6], [sflag:$0x9], $0x5400, s4, s1, $0x38;
	[tilespmem:$0x1F800] =	vst v63  }
0x578: {  	_ =	swait.ge @!p1 [sflag:s3], $0x5400  }
0x579: {  	[sflag:s3] =	ssyncset.done @!p1 $0x0  }
0x57a: {  	[sflag:s3] =	ssyncadd.s32 @!p1 $0xFFFFAC00  }
0x57b: {  	_ =	swait.ge @!p1 [sflag:s3], $0x5400  }
0x57c: {  	[sflag:s3] =	ssyncset.done @!p1 $0x0  }
0x57d: {  	[sflag:s3] =	ssyncadd.s32 @!p1 $0xFFFFAC00  }
0x57e: {  	_ =	swait.ge [sflag:s0], $0x5400  }
0x57f: {  	[sflag:s0] =	ssyncset.done $0x0  }
0x580: {  	[sflag:s0] =	ssyncadd.s32 $0xFFFFAC00  }
0x581: {  	_ =	swait.ge [sflag:s0], $0x5400  }
0x582: {  	s3 =	sld [smem:$0x7F2]  }
0x583: {  	[sflag:s0] =	ssyncset.done $0x0  }
0x584: {  	s4 =	sld [smem:$0x7F3];
	[sflag:s0] =	ssyncadd.s32 $0xFFFFAC00  }
0x585: {  	[tilespmem:s16], [sflag:$0x3] =	stream.strided.gather [hbm4b:s3+s8], $0x5400, s9, s8, $0x38;
	[tilespmem:$0x1F800] =	vst v63  }
0x586: {  	_ = 	snop  }
0x587: {  	[tilespmem:s26], [sflag:$0x3] =	stream.strided.gather [hbm4b:s4+s8], $0x5400, s9, s8, $0x38;
	[tilespmem:$0x1F800] =	vst v63  }
0x588: {  	_ =	swait.ge [sflag:s13], $0x5400  }
0x589: {  	[sflag:s13] =	ssyncset.done $0x0  }
0x58a: {  	[sflag:s13] =	ssyncadd.s32 $0xFFFFAC00  }
0x58b: {  	_ =	swait.ge [sflag:s13], $0x5400  }
0x58c: {  	s5 =	sld [smem:$0x7F4]  }
0x58d: {  	[sflag:s13] =	ssyncset.done $0x0  }
0x58e: {  	s6 =	sld [smem:$0x7F5];
	[sflag:s13] =	ssyncadd.s32 $0xFFFFAC00  }
0x58f: {  	[hbm4b:s5+s8] =	stream.strided.scatter [tilespmem:s31], [sflag:$0x4], $0x5400, s9, s8, $0x38;
	[tilespmem:$0x1F800] =	vst v63  }
0x590: {  	_ = 	snop  }
0x591: {  	[hbm4b:s6+s8] =	stream.strided.scatter [tilespmem:s12], [sflag:$0x4], $0x5400, s9, s8, $0x38;
	[tilespmem:$0x1F800] =	vst v63  }
0x592: {  	s2 =	simm.s32 @!p0 $0x0;
	s3 =	simm.s32 @!p0 $0x400;
	s4 =	simm.s32 @!p0 $0x800  }
0x593: {  	[hbm4b:s11+s3] =	stream.strided.scatter @!p0 [tilespmem:s2], [sflag:$0x7], $0x5400, s4, s3, $0x38;
	[tilespmem:$0x1F800] =	vst v63  }
0x594: {  	s0 =	simm.s32 @!p0 $0x4;
	s5 =	simm.s32 @!p0 $0xFC00  }
0x595: {  	[hbm4b:s28+s3] =	stream.strided.scatter @!p0 [tilespmem:s5], [sflag:$0x7], $0x5400, s4, s3, $0x38;
	[tilespmem:$0x1F800] =	vst v63  }
0x596: {  	_ =	swait.ge @!p0 [sflag:s0], $0x5400  }
0x597: {  	[sflag:s0] =	ssyncset.done @!p0 $0x0  }
0x598: {  	[sflag:s0] =	ssyncadd.s32 @!p0 $0xFFFFAC00  }
0x599: {  	_ =	swait.ge @!p0 [sflag:s0], $0x5400  }
0x59a: {  	s1 =	simm.s32 @!p0 $0x7;
	[sflag:s0] =	ssyncset.done @!p0 $0x0  }
0x59b: {  	s1 =	simm.s32 @p0 $0x4;
	[sflag:s0] =	ssyncadd.s32 @!p0 $0xFFFFAC00  }
0x59c: {  	_ =	swait.ge [sflag:s1], $0x5400  }
0x59d: {  	[sflag:s1] =	ssyncset.done $0x0  }
0x59e: {  	[sflag:s1] =	ssyncadd.s32 $0xFFFFAC00  }
0x59f: {  	_ =	swait.ge [sflag:s1], $0x5400  }
0x5a0: {  	s7 =	sld [smem:$0x7F6]  }
0x5a1: {  	[sflag:s1] =	ssyncset.done $0x0  }
0x5a2: {  	s11 =	sld [smem:$0x7F7];
	[sflag:s1] =	ssyncadd.s32 $0xFFFFAC00  }
0x5a3: {  	[tilespmem:s31], [sflag:$0x1] =	stream.strided.gather [hbm4b:s7+s8], $0x5400, s9, s8, $0x38;
	[tilespmem:$0x1F800] =	vst v63  }
0x5a4: {  	_ = 	snop  }
0x5a5: {  	[tilespmem:s12], [sflag:$0x1] =	stream.strided.gather [hbm4b:s11+s8], $0x5400, s9, s8, $0x38;
	[tilespmem:$0x1F800] =	vst v63  }
0x5a6: {  	_ =	swait.ge [sflag:s21], $0x5400  }
0x5a7: {  	[sflag:s21] =	ssyncset.done $0x0  }
0x5a8: {  	[sflag:s21] =	ssyncadd.s32 $0xFFFFAC00  }
0x5a9: {  	_ =	swait.ge [sflag:s21], $0x5400  }
0x5aa: {  	s20 =	sld [smem:$0x7F8]  }
0x5ab: {  	[sflag:s21] =	ssyncset.done $0x0  }
0x5ac: {  	[sflag:s21] =	ssyncadd.s32 $0xFFFFAC00;
	s21 =	sld [smem:$0x7F9]  }
0x5ad: {  	[hbm4b:s20+s8] =	stream.strided.scatter [tilespmem:s17], [sflag:$0x5], $0x5400, s9, s8, $0x38;
	[tilespmem:$0x1F800] =	vst v63  }
0x5ae: {  	_ = 	snop  }
0x5af: {  	[hbm4b:s21+s8] =	stream.strided.scatter [tilespmem:s30], [sflag:$0x5], $0x5400, s9, s8, $0x38;
	[tilespmem:$0x1F800] =	vst v63  }
0x5b0: {  	s6 =	simm.s32 @!p0 $0x5400  }
0x5b1: {  	[hbm4b:s23+s3] =	stream.strided.scatter @!p0 [tilespmem:s6], [sflag:$0x8], $0x5400, s4, s3, $0x38;
	[tilespmem:$0x1F800] =	vst v63  }
0x5b2: {  	s6 =	simm.s32 @!p0 $0x15000  }
0x5b3: {  	[hbm4b:s25+s3] =	stream.strided.scatter @!p0 [tilespmem:s6], [sflag:$0x8], $0x5400, s4, s3, $0x38;
	[tilespmem:$0x1F800] =	vst v63  }
0x5b4: {  	_ =	swait.ge [sflag:s18], $0x5400  }
0x5b5: {  	[sflag:s18] =	ssyncset.done $0x0  }
0x5b6: {  	[sflag:s18] =	ssyncadd.s32 $0xFFFFAC00  }
0x5b7: {  	_ =	swait.ge [sflag:s18], $0x5400  }
0x5b8: {  	s23 =	sld [smem:$0x7FA]  }
0x5b9: {  	[sflag:s18] =	ssyncset.done $0x0  }
0x5ba: {  	s25 =	sld [smem:$0x7FB];
	[sflag:s18] =	ssyncadd.s32 $0xFFFFAC00  }
0x5bb: {  	[hbm4b:s23+s8] =	stream.strided.scatter [tilespmem:s16], [sflag:$0x6], $0x5400, s9, s8, $0x38;
	[tilespmem:$0x1F800] =	vst v63  }
0x5bc: {  	_ = 	snop  }
0x5bd: {  	[hbm4b:s25+s8] =	stream.strided.scatter [tilespmem:s26], [sflag:$0x6], $0x5400, s9, s8, $0x38;
	[tilespmem:$0x1F800] =	vst v63  }
0x5be: {  	s6 =	simm.s32 @!p0 $0xA800  }
0x5bf: {  	[hbm4b:s14+s3] =	stream.strided.scatter @!p0 [tilespmem:s6], [sflag:$0x9], $0x5400, s4, s3, $0x38;
	[tilespmem:$0x1F800] =	vst v63  }
0x5c0: {  	s6 =	simm.s32 @!p0 $0x1A400  }
0x5c1: {  	[hbm4b:s15+s3] =	stream.strided.scatter @!p0 [tilespmem:s6], [sflag:$0x9], $0x5400, s4, s3, $0x38;
	[tilespmem:$0x1F800] =	vst v63  }
0x5c2: {  	_ =	swait.ge [sflag:s13], $0x5400  }
0x5c3: {  	[sflag:s13] =	ssyncset.done $0x0  }
0x5c4: {  	[sflag:s13] =	ssyncadd.s32 $0xFFFFAC00  }
0x5c5: {  	_ =	swait.ge [sflag:s13], $0x5400  }
0x5c6: {  	s28 =	sld [smem:$0x7FC]  }
0x5c7: {  	[sflag:s13] =	ssyncset.done $0x0  }
0x5c8: {  	s30 =	sld [smem:$0x7FD];
	[sflag:s13] =	ssyncadd.s32 $0xFFFFAC00  }
0x5c9: {  	[hbm4b:s28+s8] =	stream.strided.scatter [tilespmem:s31], [sflag:$0x4], $0x5400, s9, s8, $0x38;
	[tilespmem:$0x1F800] =	vst v63  }
0x5ca: {  	_ = 	snop  }
0x5cb: {  	[hbm4b:s30+s8] =	stream.strided.scatter [tilespmem:s12], [sflag:$0x4], $0x5400, s9, s8, $0x38;
	[tilespmem:$0x1F800] =	vst v63  }
0x5cc: {  	_ = 	snop  }
0x5cd: {  	[hbm4b:s10+s3] =	stream.strided.scatter @!p0 [tilespmem:s2], [sflag:$0x7], $0x5400, s4, s3, $0x38;
	[tilespmem:$0x1F800] =	vst v63  }
0x5ce: {  	s2 =	simm.s32 @!p0 $0x5  }
0x5cf: {  	[hbm4b:s24+s3] =	stream.strided.scatter @!p0 [tilespmem:s5], [sflag:$0x7], $0x5400, s4, s3, $0x38;
	[tilespmem:$0x1F800] =	vst v63  }
0x5d0: {  	_ =	swait.ge @!p0 [sflag:s2], $0x5400  }
0x5d1: {  	[sflag:s2] =	ssyncset.done @!p0 $0x0  }
0x5d2: {  	[sflag:s2] =	ssyncadd.s32 @!p0 $0xFFFFAC00  }
0x5d3: {  	_ =	swait.ge @!p0 [sflag:s2], $0x5400  }
0x5d4: {  	s3 =	simm.s32 @!p0 $0x8;
	[sflag:s2] =	ssyncset.done @!p0 $0x0  }
0x5d5: {  	s3 =	simm.s32 @p0 $0x5;
	[sflag:s2] =	ssyncadd.s32 @!p0 $0xFFFFAC00  }
0x5d6: {  	_ =	swait.ge [sflag:s3], $0x5400  }
0x5d7: {  	[sflag:s3] =	ssyncset.done $0x0  }
0x5d8: {  	[sflag:s3] =	ssyncadd.s32 $0xFFFFAC00  }
0x5d9: {  	_ =	swait.ge [sflag:s3], $0x5400  }
0x5da: {  	[sflag:s3] =	ssyncset.done $0x0  }
0x5db: {  	[sflag:s3] =	ssyncadd.s32 $0xFFFFAC00  }
0x5dc: {  	_ =	swait.ge [sflag:s29], $0x5400  }
0x5dd: {  	[sflag:s29] =	ssyncset.done $0x0  }
0x5de: {  	[sflag:s29] =	ssyncadd.s32 $0xFFFFAC00  }
0x5df: {  	_ =	swait.ge [sflag:s29], $0x5400  }
0x5e0: {  	[sflag:s29] =	ssyncset.done $0x0  }
0x5e1: {  	s2 =	simm.s32 @!p0 $0x9;
	[sflag:s29] =	ssyncadd.s32 $0xFFFFAC00  }
0x5e2: {  	_ =	swait.ge @!p0 [sflag:s2], $0x5400  }
0x5e3: {  	[sflag:s2] =	ssyncset.done @!p0 $0x0  }
0x5e4: {  	[sflag:s2] =	ssyncadd.s32 @!p0 $0xFFFFAC00  }
0x5e5: {  	_ =	swait.ge @!p0 [sflag:s2], $0x5400  }
0x5e6: {  	[sflag:s2] =	ssyncset.done @!p0 $0x0  }
0x5e7: {  	[sflag:s2] =	ssyncadd.s32 @!p0 $0xFFFFAC00  }
0x5e8: {  	_ =	swait.ge @!p0 [sflag:s0], $0x5400  }
0x5e9: {  	[sflag:s0] =	ssyncset.done @!p0 $0x0  }
0x5ea: {  	[sflag:s0] =	ssyncadd.s32 @!p0 $0xFFFFAC00  }
0x5eb: {  	_ =	swait.ge @!p0 [sflag:s0], $0x5400  }
0x5ec: {  	[sflag:s0] =	ssyncset.done @!p0 $0x0  }
0x5ed: {  	[sflag:s0] =	ssyncadd.s32 @!p0 $0xFFFFAC00  }
0x5ee: {  	_ =	swait.ge [sflag:s1], $0x5400  }
0x5ef: {  	[sflag:s1] =	ssyncset.done $0x0  }
0x5f0: {  	[sflag:s1] =	ssyncadd.s32 $0xFFFFAC00  }
0x5f1: {  	_ =	swait.ge [sflag:s1], $0x5400  }
0x5f2: {  	[sflag:s1] =	ssyncset.done $0x0  }
0x5f3: {  	[sflag:s1] =	ssyncadd.s32 $0xFFFFAC00  }
0x5f4: {  	_ =	sfence.sel $0x180000  }
0x5f5: {  	[bflag:$0x0] =	sbarrier.arrive $0xFFFF  }
0x5f6: {  	p0 =	sne.s32 s19, $0x0;
	_ =	strace $0x90000047  }
0x5f7: {  	s0 =	sadd.s32 @!p0 $0x100000, s22;
	[bflag:$0x2] =	sbarrier.arrive $0xFFFF  }
0x5f8: {  	[sflag:s0] =	ssyncadd.tile.s32 @!p0 $0x1;
	_ =	shalt  }
.LBB2_1:
.Ltmp3:
0x5f9: {  	(pc) =	sbr.rel .LBB2_6-.Ltmp3, $2  }
0x5fa: {  	_ =	sdelay $0x2  }
0x5fb: {  	s3 =	smov.u32 s20  }
.LBB2_7:
0x5fc: {  	s3 =	sld [smem:$0x7D3]  }
0x5fd: {  	s22 =	rddreg [dreg:$0x3]  }
0x5fe: {  	s10 =	sld [smem:$0x7CB]  }
0x5ff: {  	s24 =	sld [smem:$0x7CA]  }
0x600: {  	s14 =	sld [smem:$0x7D6]  }
.Ltmp4:
0x601: {  	s15 =	sld [smem:$0x7D7];
	(pc) =	sbr.rel .LBB2_6-.Ltmp4, $4  }
0x602: {  	s19 =	stileid.u32;
	s23 =	sld [smem:$0x7D4]  }
0x603: {  	s31 =	simm.s32 $0x0;
	s29 =	simm.s32 $0x6;
	s25 =	sld [smem:$0x7D5]  }
0x604: {  	s12 =	simm.s32 $0xFC00;
	s28 =	sld [smem:$0x7D2];
	s16 =	simm.s32 $0xA800  }
0x605: {  	s26 =	simm.s32 $0x1A400;
	s17 =	simm.s32 $0x5400;
	s30 =	simm.s32 $0x15000  }
.Lfunc_end2:
_tile_overlayer_lowered:
.L_overlay_start_2:
0x606: {  	(tag) =	ssettag $0x2  }
0x607: {  	s0 =	rddreg [dreg:$0x0];
	s2 =	stileid.u32  }
0x608: {  	s1 =	rddreg [dreg:$0x1];
	p0 =	sne.s32 s2, $0x0  }
0x609: {  	s3 =	rddreg [dreg:$0x2];
	[bflag:$0x3] =	sbarrier.arrive $0xFFFF;
	s2 =	simm.s32 @!p0 $0x1C0A  }
0x60a: {  	[timem:s3], [sflag:s2] =	dma.local @!p0 [hbm:s0], s1  }
0x60b: {  	s0 =	simm.s32 @!p0 $0xA  }
0x60c: {  	_ =	swait.ge @!p0 [sflag:s0], s1  }
0x60d: {  	s1 =	ssub.s32 @!p0 $0x0, s1;
	[sflag:s0] =	ssyncset.done @!p0 $0x0  }
0x60e: {  	[sflag:s0] =	ssyncadd.s32 @!p0 s1  }
0x60f: {  	[bflag:$0x3] =	sbarrier.arrive $0xFFFF  }
0x610: {  	_ =	shalt  }

</sc_bundles>
